<compile_context>
chip_gen: v7x
topology: tpu7x:2x2x1
jax: 0.10.2.dev20260603
libtpu: 0.0.44.dev20260713+nightly
codegen_flags: <defaults>
</compile_context>

<pallas_src>
import functools

import jax
import jax.numpy as jnp
from jax import lax
from jax.experimental import pallas as pl
from jax.experimental.pallas import tpu as pltpu
from jax.experimental.pallas import tpu_sc as plsc

N = 10000
NP = 10240
E = 320000
NC = 2
NS = 16
NW = NC * NS
EPT = E // NW
K = 80
NCHUNK = EPT // K
RPT = NP // NS
ZR = 16
BLK = 256
GRID = NP // BLK

_mesh = plsc.VectorSubcoreMesh(core_axis_name="c", subcore_axis_name="s")


def _zero_vmem2(ref, rows, cols):
    def body(r, _):
        for j in range(cols // 16):
            ref[r, pl.ds(16 * j, 16)] = jnp.zeros((16,), jnp.float32)
        return 0

    lax.fori_loop(0, rows, body, 0)


@functools.partial(
    pl.kernel,
    out_type=jax.ShapeDtypeStruct((NC, NP), jnp.float32),
    mesh=_mesh,
    scratch_types=[
        pltpu.VMEM((NCHUNK, K), jnp.int32),
        pltpu.VMEM((K,), jnp.float32),
        pltpu.VMEM((RPT,), jnp.float32),
        pltpu.VMEM_SHARED((NP,), jnp.float32),
        pltpu.SemaphoreType.DMA,
    ],
)
def _deg_kernel(dst_hbm, out_hbm, idx_v, ones_v, zer_v, deg_sp, dsem):
    c = lax.axis_index("c")
    s = lax.axis_index("s")

    pltpu.sync_copy(dst_hbm.at[c, s], idx_v)
    for j in range(K // 16):
        ones_v[pl.ds(16 * j, 16)] = jnp.ones((16,), jnp.float32)

    def zbody(r, _):
        zer_v[pl.ds(16 * r, 16)] = jnp.zeros((16,), jnp.float32)
        return 0

    lax.fori_loop(0, RPT // 16, zbody, 0)
    pltpu.sync_copy(zer_v, deg_sp.at[pl.ds(RPT * s, RPT)])
    plsc.subcore_barrier()

    GR = 25

    def body(g, _):
        for t in range(GR):
            pltpu.async_copy(ones_v, deg_sp.at[idx_v.at[g * GR + t]], dsem,
                             add=True)
        for t in range(GR):
            pltpu.make_async_copy(ones_v, deg_sp.at[idx_v.at[g * GR + t]],
                                  dsem).wait()
        return 0

    lax.fori_loop(0, NCHUNK // GR, body, 0)
    plsc.subcore_barrier()
    pltpu.sync_copy(deg_sp.at[pl.ds(RPT * s, RPT)],
                    out_hbm.at[c, pl.ds(RPT * s, RPT)])


NBUF = 2


def _make_scatter_kernel(F):
    @functools.partial(
        pl.kernel,
        out_type=jax.ShapeDtypeStruct((NC, NP, F), jnp.float32),
        mesh=_mesh,
        scratch_types=[
            pltpu.VMEM((4, K), jnp.int32),
            pltpu.VMEM((4, K), jnp.int32),
        ] + [pltpu.VMEM((K, F), jnp.float32) for _ in range(NBUF)] + [
            pltpu.VMEM((ZR, F), jnp.float32),
            pltpu.VMEM_SHARED((NP, F), jnp.float32),
            pltpu.SemaphoreType.DMA((4,)),
            pltpu.SemaphoreType.DMA((NBUF,)),
            pltpu.SemaphoreType.DMA,
        ],
    )
    def _scatter_kernel(hs_hbm, src_hbm, dst_hbm, out_hbm,
                        src_v, dst_v, b0, b1,
                        zbuf, acc_sp, isem, gsem, ssem):
        c = lax.axis_index("c")
        s = lax.axis_index("s")
        bufs = [b0, b1]

        def fire_idx(j):
            sl = lax.rem(j, 4)
            pltpu.async_copy(src_hbm.at[c, s, j], src_v.at[sl], isem.at[sl])
            pltpu.async_copy(dst_hbm.at[c, s, j], dst_v.at[sl], isem.at[sl])

        def wait_idx(j):
            sl = lax.rem(j, 4)
            pltpu.make_async_copy(src_hbm.at[c, s, j], src_v.at[sl],
                                  isem.at[sl]).wait()
            pltpu.make_async_copy(dst_hbm.at[c, s, j], dst_v.at[sl],
                                  isem.at[sl]).wait()

        for j in range(4):
            fire_idx(j)
        for b in range(NBUF):
            wait_idx(b)
            pltpu.async_copy(hs_hbm.at[src_v.at[b]], bufs[b], gsem.at[b])

        _zero_vmem2(zbuf, ZR, F)

        def zcopy(j, _):
            pltpu.sync_copy(zbuf, acc_sp.at[pl.ds(RPT * s + ZR * j, ZR)])
            return 0

        lax.fori_loop(0, RPT // ZR, zcopy, 0)
        plsc.subcore_barrier()

        def step(j, b):
            sl = lax.rem(j, 4)
            pltpu.make_async_copy(hs_hbm.at[src_v.at[sl]], bufs[b],
                                  gsem.at[b]).wait()
            pltpu.async_copy(bufs[b], acc_sp.at[dst_v.at[sl]], ssem,
                             add=True).wait()

            @pl.when(j + 4 < NCHUNK)
            def _():
                fire_idx(j + 4)

            @pl.when(j + NBUF < NCHUNK)
            def _():
                wait_idx(j + NBUF)
                pltpu.async_copy(hs_hbm.at[src_v.at[lax.rem(j + NBUF, 4)]],
                                 bufs[b], gsem.at[b])

        def body(jj, _):
            for b in range(NBUF):
                step(jj * NBUF + b, b)
            return 0

        lax.fori_loop(0, NCHUNK // NBUF, body, 0)
        step(NCHUNK - 1, 0)
        plsc.subcore_barrier()
        pltpu.sync_copy(acc_sp.at[pl.ds(RPT * s, RPT)],
                        out_hbm.at[c, pl.ds(RPT * s, RPT)])

    return _scatter_kernel


_scatter128 = _make_scatter_kernel(128)


def _tc1_body(x_ref, w_ref, degp_ref, hs_ref, dinv_ref):
    i = pl.program_id(0)
    deg = degp_ref[0, pl.ds(i * BLK, BLK)] + degp_ref[1, pl.ds(i * BLK, BLK)] + 1.0
    dinv = lax.rsqrt(deg)
    h = jnp.dot(x_ref[...], w_ref[...], preferred_element_type=jnp.float32)
    hs_ref[...] = h * dinv[:, None]
    dinv_ref[0, pl.ds(i * BLK, BLK)] = dinv


def _tc1(x_pad, W, degp):
    return pl.pallas_call(
        _tc1_body,
        grid=(GRID,),
        in_specs=[
            pl.BlockSpec((BLK, 128), lambda i: (i, 0)),
            pl.BlockSpec((128, 128), lambda i: (0, 0)),
            pl.BlockSpec((NC, NP), lambda i: (0, 0)),
        ],
        out_specs=[
            pl.BlockSpec((BLK, 128), lambda i: (i, 0)),
            pl.BlockSpec((1, NP), lambda i: (0, 0)),
        ],
        out_shape=[
            jax.ShapeDtypeStruct((NP, 128), jnp.float32),
            jax.ShapeDtypeStruct((1, NP), jnp.float32),
        ],
    )(x_pad, W, degp)


def _make_tc_mid(F_in, F_out):
    def body(accp_ref, hs_ref, dinv_ref, b_ref, w_ref, out_ref):
        i = pl.program_id(0)
        dv = dinv_ref[0, pl.ds(i * BLK, BLK)]
        tot = accp_ref[0] + accp_ref[1] + hs_ref[...]
        o = jnp.maximum(dv[:, None] * tot + b_ref[0][None, :], 0.0)
        out_ref[...] = jnp.dot(o, w_ref[...],
                               preferred_element_type=jnp.float32) * dv[:, None]

    def run(accp, hs, dinv, b, W):
        return pl.pallas_call(
            body,
            grid=(GRID,),
            in_specs=[
                pl.BlockSpec((NC, BLK, F_in), lambda i: (0, i, 0)),
                pl.BlockSpec((BLK, F_in), lambda i: (i, 0)),
                pl.BlockSpec((1, NP), lambda i: (0, 0)),
                pl.BlockSpec((1, F_in), lambda i: (0, 0)),
                pl.BlockSpec((F_in, F_out), lambda i: (0, 0)),
            ],
            out_specs=pl.BlockSpec((BLK, F_out), lambda i: (i, 0)),
            out_shape=jax.ShapeDtypeStruct((NP, F_out), jnp.float32),
        )(accp, hs, dinv, b, W)

    return run


_tc_mid_128 = _make_tc_mid(128, 128)


def _tc_fin_body(accp_ref, hs_ref, dinv_ref, b_ref, out_ref):
    i = pl.program_id(0)
    dv = dinv_ref[0, pl.ds(i * BLK, BLK)]
    tot = accp_ref[0] + accp_ref[1] + hs_ref[...]
    o = dv[:, None] * tot + b_ref[0][None, :]
    col = lax.broadcasted_iota(jnp.int32, (BLK, 128), 1)
    valid = col < 40
    xm = jnp.where(valid, o, -jnp.inf)
    m = jnp.max(xm, axis=1)
    e = jnp.exp(xm - m[:, None])
    ssum = jnp.sum(e, axis=1)
    out_ref[...] = o - m[:, None] - jnp.log(ssum)[:, None]


def _tc_fin(accp, hs, dinv, b):
    return pl.pallas_call(
        _tc_fin_body,
        grid=(GRID,),
        in_specs=[
            pl.BlockSpec((NC, BLK, 128), lambda i: (0, i, 0)),
            pl.BlockSpec((BLK, 128), lambda i: (i, 0)),
            pl.BlockSpec((1, NP), lambda i: (0, 0)),
            pl.BlockSpec((1, 128), lambda i: (0, 0)),
        ],
        out_specs=pl.BlockSpec((BLK, 128), lambda i: (i, 0)),
        out_shape=jax.ShapeDtypeStruct((NP, 128), jnp.float32),
    )(accp, hs, dinv, b)


def kernel(x, edge_idx, W1, b1, W2, b2, W3, b3):
    src = edge_idx[0].reshape(NC, NS, NCHUNK, K)
    dst = edge_idx[1].reshape(NC, NS, NCHUNK, K)
    x_pad = jnp.pad(x, ((0, NP - N), (0, 0)))
    W3p = jnp.pad(W3, ((0, 0), (0, 128 - 40)))
    b1r = b1[None, :]
    b2r = b2[None, :]
    b3r = jnp.pad(b3, (0, 128 - 40))[None, :]

    degp = _deg_kernel(dst)

    hs1, dinv = _tc1(x_pad, W1, degp)
    acc1 = _scatter128(hs1, src, dst)
    hs2 = _tc_mid_128(acc1, hs1, dinv, b1r, W2)
    acc2 = _scatter128(hs2, src, dst)
    hs3 = _tc_mid_128(acc2, hs2, dinv, b2r, W3p)
    acc3 = _scatter128(hs3, src, dst)
    out = _tc_fin(acc3, hs3, dinv, b3r)
    return out[:N, :40]

# --- scband reference (transcript-rebuilt; emitter-appended) ---
"""Pipeline reference for scband-gcn-model-10067403342284 (READ-ONLY COPY).

The authoritative reference and input builder live on the scoring server;
editing this copy changes nothing except your own understanding.
"""

import jax, jax.numpy as jnp
import numpy as np

N = 10000
E = 320000
F_IN = 128
H = 128
C = 40


def setup_inputs(seed: int = 0) -> dict:
    key = jax.random.key(seed)
    ks = jax.random.split(key, 8)
    x = jax.random.normal(ks[0], (N, F_IN), dtype=jnp.float32)
    edge_idx = jax.random.randint(ks[1], (2, E), 0, N, dtype=jnp.int32)
    W1 = jax.random.normal(ks[2], (F_IN, H), dtype=jnp.float32) * (1.0 / np.sqrt(F_IN))
    b1 = jnp.zeros((H,), dtype=jnp.float32)
    W2 = jax.random.normal(ks[3], (H, H), dtype=jnp.float32) * (1.0 / np.sqrt(H))
    b2 = jnp.zeros((H,), dtype=jnp.float32)
    W3 = jax.random.normal(ks[4], (H, C), dtype=jnp.float32) * (1.0 / np.sqrt(H))
    b3 = jnp.zeros((C,), dtype=jnp.float32)
    return {"x": x, "edge_idx": edge_idx, "W1": W1, "b1": b1, "W2": W2, "b2": b2, "W3": W3, "b3": b3}


def _gcn_conv(x, edge_idx, W, b):
    # GCNConv: x' = D^{-1/2} (A + I) D^{-1/2} (x W) + b
    n = x.shape[0]
    src = edge_idx[0]
    dst = edge_idx[1]
    loop = jnp.arange(n, dtype=src.dtype)
    src2 = jnp.concatenate([src, loop])
    dst2 = jnp.concatenate([dst, loop])
    deg = jnp.zeros((n,), dtype=jnp.float32).at[dst2].add(1.0)
    dinv = jnp.where(deg > 0, deg ** -0.5, 0.0)
    norm = dinv[src2] * dinv[dst2]
    h = x @ W
    msg = h[src2] * norm[:, None]
    out = jnp.zeros((n, W.shape[1]), dtype=jnp.float32).at[dst2].add(msg)
    return out + b


def reference(x, edge_idx, W1, b1, W2, b2, W3, b3):
    h = _gcn_conv(x, edge_idx, W1, b1)
    h = jax.nn.relu(h)
    h = _gcn_conv(h, edge_idx, W2, b2)
    h = jax.nn.relu(h)
    h = _gcn_conv(h, edge_idx, W3, b3)
    return jax.nn.log_softmax(h, axis=1)

if __name__ == "__main__":
    import jax
    _d = setup_inputs()
    print(jax.jit(kernel)(*tuple(_d.values())))

</pallas_src>

<mosaic_0001>
#map = affine_map<(d0, d1) -> (0, 0)>
#map1 = affine_map<(d0, d1) -> (0, 0, 0, 0)>
#map2 = affine_map<(d0, d1) -> (0, 0, 0)>
module attributes {stable_mosaic.version = 14 : i64} {
  func.func @_scatter_kernel(%arg0: i32, %arg1: i32, %arg2: memref<10240x128xf32, #tpu.memory_space<hbm>>, %arg3: memref<2x16x125x80xi32, #tpu.memory_space<hbm>>, %arg4: memref<2x16x125x80xi32, #tpu.memory_space<hbm>>, %arg5: memref<2x10240x128xf32, #tpu.memory_space<hbm>>, %arg6: memref<4x80xi32, #tpu.memory_space<vmem>>, %arg7: memref<4x80xi32, #tpu.memory_space<vmem>>, %arg8: memref<80x128xf32, #tpu.memory_space<vmem>>, %arg9: memref<80x128xf32, #tpu.memory_space<vmem>>, %arg10: memref<16x128xf32, #tpu.memory_space<vmem>>, %arg11: memref<10240x128xf32, #tpu.memory_space<vmem_shared>>, %arg12: memref<4x!tpu.dma_semaphore, #tpu.memory_space<semaphore_mem>>, %arg13: memref<2x!tpu.dma_semaphore, #tpu.memory_space<semaphore_mem>>, %arg14: memref<!tpu.dma_semaphore, #tpu.memory_space<semaphore_mem>>) attributes {dimension_semantics = [#tpu.dimension_semantics<core_parallel>, #tpu.dimension_semantics<subcore_parallel>], iteration_bounds = array<i64: 2, 16>, scalar_prefetch = 0 : i64, scratch_operands = 9 : i64, tpu.core_type = #tpu.core_type<sc_vector_subcore>, window_params = [{transform_indices = #map}, {transform_indices = #map1}, {transform_indices = #map1}, {transform_indices = #map2}]} {
    %rem3A = arith.constant 0 : i32
    %rem3A_0 = arith.constant 4 : i32
    %rem3A_1 = arith.remsi %rem3A, %rem3A_0 : i32
    %dma_start3A = arith.constant 0 : i32
    %dma_start3A_2 = arith.constant 0 : i32
    %dma_start3A_3 = tpu.memref_slice %arg6[%rem3A_1, %dma_start3A_2] : memref<4x80xi32, #tpu.memory_space<vmem>> -> memref<1x80xi32, #tpu.memory_space<vmem>>
    %dma_start3A_4 = tpu.memref_squeeze %dma_start3A_3 : memref<1x80xi32, #tpu.memory_space<vmem>> -> memref<80xi32, #tpu.memory_space<vmem>>
    %dma_start3A_5 = arith.constant 0 : i32
    %dma_start3A_6 = tpu.memref_slice %arg3[%arg0, %arg1, %dma_start3A, %dma_start3A_5] : memref<2x16x125x80xi32, #tpu.memory_space<hbm>> -> memref<1x1x1x80xi32, #tpu.memory_space<hbm>>
    %dma_start3A_7 = tpu.memref_squeeze %dma_start3A_6 : memref<1x1x1x80xi32, #tpu.memory_space<hbm>> -> memref<80xi32, #tpu.memory_space<hbm>>
    %dma_start3A_8 = tpu.memref_slice %arg12[%rem3A_1] : memref<4x!tpu.dma_semaphore, #tpu.memory_space<semaphore_mem>> -> memref<1x!tpu.dma_semaphore, #tpu.memory_space<semaphore_mem>>
    %dma_start3A_9 = tpu.memref_squeeze %dma_start3A_8 : memref<1x!tpu.dma_semaphore, #tpu.memory_space<semaphore_mem>> -> memref<!tpu.dma_semaphore, #tpu.memory_space<semaphore_mem>>
    %dma_start3A_10 = arith.constant 0 : i32
    %dma_start3A_11 = tpu.memref_slice %arg6[%rem3A_1, %dma_start3A_10] : memref<4x80xi32, #tpu.memory_space<vmem>> -> memref<1x80xi32, #tpu.memory_space<vmem>>
    %dma_start3A_12 = tpu.memref_squeeze %dma_start3A_11 : memref<1x80xi32, #tpu.memory_space<vmem>> -> memref<80xi32, #tpu.memory_space<vmem>>
    %dma_start3A_13 = arith.constant 0 : i32
    %dma_start3A_14 = tpu.memref_slice %arg3[%arg0, %arg1, %dma_start3A, %dma_start3A_13] : memref<2x16x125x80xi32, #tpu.memory_space<hbm>> -> memref<1x1x1x80xi32, #tpu.memory_space<hbm>>
    %dma_start3A_15 = tpu.memref_squeeze %dma_start3A_14 : memref<1x1x1x80xi32, #tpu.memory_space<hbm>> -> memref<80xi32, #tpu.memory_space<hbm>>
    tpu.enqueue_dma source(%dma_start3A_15 : memref<80xi32, #tpu.memory_space<hbm>>) target(%dma_start3A_12 : memref<80xi32, #tpu.memory_space<vmem>>) target_semaphore(%dma_start3A_9 : memref<!tpu.dma_semaphore, #tpu.memory_space<semaphore_mem>>)
    %dma_start3A_16 = arith.constant 0 : i32
    %dma_start3A_17 = arith.constant 0 : i32
    %dma_start3A_18 = tpu.memref_slice %arg7[%rem3A_1, %dma_start3A_17] : memref<4x80xi32, #tpu.memory_space<vmem>> -> memref<1x80xi32, #tpu.memory_space<vmem>>
    %dma_start3A_19 = tpu.memref_squeeze %dma_start3A_18 : memref<1x80xi32, #tpu.memory_space<vmem>> -> memref<80xi32, #tpu.memory_space<vmem>>
    %dma_start3A_20 = arith.constant 0 : i32
    %dma_start3A_21 = tpu.memref_slice %arg4[%arg0, %arg1, %dma_start3A_16, %dma_start3A_20] : memref<2x16x125x80xi32, #tpu.memory_space<hbm>> -> memref<1x1x1x80xi32, #tpu.memory_space<hbm>>
    %dma_start3A_22 = tpu.memref_squeeze %dma_start3A_21 : memref<1x1x1x80xi32, #tpu.memory_space<hbm>> -> memref<80xi32, #tpu.memory_space<hbm>>
    %dma_start3A_23 = tpu.memref_slice %arg12[%rem3A_1] : memref<4x!tpu.dma_semaphore, #tpu.memory_space<semaphore_mem>> -> memref<1x!tpu.dma_semaphore, #tpu.memory_space<semaphore_mem>>
    %dma_start3A_24 = tpu.memref_squeeze %dma_start3A_23 : memref<1x!tpu.dma_semaphore, #tpu.memory_space<semaphore_mem>> -> memref<!tpu.dma_semaphore, #tpu.memory_space<semaphore_mem>>
    %dma_start3A_25 = arith.constant 0 : i32
    %dma_start3A_26 = tpu.memref_slice %arg7[%rem3A_1, %dma_start3A_25] : memref<4x80xi32, #tpu.memory_space<vmem>> -> memref<1x80xi32, #tpu.memory_space<vmem>>
    %dma_start3A_27 = tpu.memref_squeeze %dma_start3A_26 : memref<1x80xi32, #tpu.memory_space<vmem>> -> memref<80xi32, #tpu.memory_space<vmem>>
    %dma_start3A_28 = arith.constant 0 : i32
    %dma_start3A_29 = tpu.memref_slice %arg4[%arg0, %arg1, %dma_start3A_16, %dma_start3A_28] : memref<2x16x125x80xi32, #tpu.memory_space<hbm>> -> memref<1x1x1x80xi32, #tpu.memory_space<hbm>>
    %dma_start3A_30 = tpu.memref_squeeze %dma_start3A_29 : memref<1x1x1x80xi32, #tpu.memory_space<hbm>> -> memref<80xi32, #tpu.memory_space<hbm>>
    tpu.enqueue_dma source(%dma_start3A_30 : memref<80xi32, #tpu.memory_space<hbm>>) target(%dma_start3A_27 : memref<80xi32, #tpu.memory_space<vmem>>) target_semaphore(%dma_start3A_24 : memref<!tpu.dma_semaphore, #tpu.memory_space<semaphore_mem>>)
    %rem3A_31 = arith.constant 1 : i32
    %rem3A_32 = arith.constant 4 : i32
    %rem3A_33 = arith.remsi %rem3A_31, %rem3A_32 : i32
    %dma_start3A_34 = arith.constant 1 : i32
    %dma_start3A_35 = arith.constant 0 : i32
    %dma_start3A_36 = tpu.memref_slice %arg6[%rem3A_33, %dma_start3A_35] : memref<4x80xi32, #tpu.memory_space<vmem>> -> memref<1x80xi32, #tpu.memory_space<vmem>>
    %dma_start3A_37 = tpu.memref_squeeze %dma_start3A_36 : memref<1x80xi32, #tpu.memory_space<vmem>> -> memref<80xi32, #tpu.memory_space<vmem>>
    %dma_start3A_38 = arith.constant 0 : i32
    %dma_start3A_39 = tpu.memref_slice %arg3[%arg0, %arg1, %dma_start3A_34, %dma_start3A_38] : memref<2x16x125x80xi32, #tpu.memory_space<hbm>> -> memref<1x1x1x80xi32, #tpu.memory_space<hbm>>
    %dma_start3A_40 = tpu.memref_squeeze %dma_start3A_39 : memref<1x1x1x80xi32, #tpu.memory_space<hbm>> -> memref<80xi32, #tpu.memory_space<hbm>>
    %dma_start3A_41 = tpu.memref_slice %arg12[%rem3A_33] : memref<4x!tpu.dma_semaphore, #tpu.memory_space<semaphore_mem>> -> memref<1x!tpu.dma_semaphore, #tpu.memory_space<semaphore_mem>>
    %dma_start3A_42 = tpu.memref_squeeze %dma_start3A_41 : memref<1x!tpu.dma_semaphore, #tpu.memory_space<semaphore_mem>> -> memref<!tpu.dma_semaphore, #tpu.memory_space<semaphore_mem>>
    %dma_start3A_43 = arith.constant 0 : i32
    %dma_start3A_44 = tpu.memref_slice %arg6[%rem3A_33, %dma_start3A_43] : memref<4x80xi32, #tpu.memory_space<vmem>> -> memref<1x80xi32, #tpu.memory_space<vmem>>
    %dma_start3A_45 = tpu.memref_squeeze %dma_start3A_44 : memref<1x80xi32, #tpu.memory_space<vmem>> -> memref<80xi32, #tpu.memory_space<vmem>>
    %dma_start3A_46 = arith.constant 0 : i32
    %dma_start3A_47 = tpu.memref_slice %arg3[%arg0, %arg1, %dma_start3A_34, %dma_start3A_46] : memref<2x16x125x80xi32, #tpu.memory_space<hbm>> -> memref<1x1x1x80xi32, #tpu.memory_space<hbm>>
    %dma_start3A_48 = tpu.memref_squeeze %dma_start3A_47 : memref<1x1x1x80xi32, #tpu.memory_space<hbm>> -> memref<80xi32, #tpu.memory_space<hbm>>
    tpu.enqueue_dma source(%dma_start3A_48 : memref<80xi32, #tpu.memory_space<hbm>>) target(%dma_start3A_45 : memref<80xi32, #tpu.memory_space<vmem>>) target_semaphore(%dma_start3A_42 : memref<!tpu.dma_semaphore, #tpu.memory_space<semaphore_mem>>)
    %dma_start3A_49 = arith.constant 1 : i32
    %dma_start3A_50 = arith.constant 0 : i32
    %dma_start3A_51 = tpu.memref_slice %arg7[%rem3A_33, %dma_start3A_50] : memref<4x80xi32, #tpu.memory_space<vmem>> -> memref<1x80xi32, #tpu.memory_space<vmem>>
    %dma_start3A_52 = tpu.memref_squeeze %dma_start3A_51 : memref<1x80xi32, #tpu.memory_space<vmem>> -> memref<80xi32, #tpu.memory_space<vmem>>
    %dma_start3A_53 = arith.constant 0 : i32
    %dma_start3A_54 = tpu.memref_slice %arg4[%arg0, %arg1, %dma_start3A_49, %dma_start3A_53] : memref<2x16x125x80xi32, #tpu.memory_space<hbm>> -> memref<1x1x1x80xi32, #tpu.memory_space<hbm>>
    %dma_start3A_55 = tpu.memref_squeeze %dma_start3A_54 : memref<1x1x1x80xi32, #tpu.memory_space<hbm>> -> memref<80xi32, #tpu.memory_space<hbm>>
    %dma_start3A_56 = tpu.memref_slice %arg12[%rem3A_33] : memref<4x!tpu.dma_semaphore, #tpu.memory_space<semaphore_mem>> -> memref<1x!tpu.dma_semaphore, #tpu.memory_space<semaphore_mem>>
    %dma_start3A_57 = tpu.memref_squeeze %dma_start3A_56 : memref<1x!tpu.dma_semaphore, #tpu.memory_space<semaphore_mem>> -> memref<!tpu.dma_semaphore, #tpu.memory_space<semaphore_mem>>
    %dma_start3A_58 = arith.constant 0 : i32
    %dma_start3A_59 = tpu.memref_slice %arg7[%rem3A_33, %dma_start3A_58] : memref<4x80xi32, #tpu.memory_space<vmem>> -> memref<1x80xi32, #tpu.memory_space<vmem>>
    %dma_start3A_60 = tpu.memref_squeeze %dma_start3A_59 : memref<1x80xi32, #tpu.memory_space<vmem>> -> memref<80xi32, #tpu.memory_space<vmem>>
    %dma_start3A_61 = arith.constant 0 : i32
    %dma_start3A_62 = tpu.memref_slice %arg4[%arg0, %arg1, %dma_start3A_49, %dma_start3A_61] : memref<2x16x125x80xi32, #tpu.memory_space<hbm>> -> memref<1x1x1x80xi32, #tpu.memory_space<hbm>>
    %dma_start3A_63 = tpu.memref_squeeze %dma_start3A_62 : memref<1x1x1x80xi32, #tpu.memory_space<hbm>> -> memref<80xi32, #tpu.memory_space<hbm>>
    tpu.enqueue_dma source(%dma_start3A_63 : memref<80xi32, #tpu.memory_space<hbm>>) target(%dma_start3A_60 : memref<80xi32, #tpu.memory_space<vmem>>) target_semaphore(%dma_start3A_57 : memref<!tpu.dma_semaphore, #tpu.memory_space<semaphore_mem>>)
    %rem3A_64 = arith.constant 2 : i32
    %rem3A_65 = arith.constant 4 : i32
    %rem3A_66 = arith.remsi %rem3A_64, %rem3A_65 : i32
    %dma_start3A_67 = arith.constant 2 : i32
    %dma_start3A_68 = arith.constant 0 : i32
    %dma_start3A_69 = tpu.memref_slice %arg6[%rem3A_66, %dma_start3A_68] : memref<4x80xi32, #tpu.memory_space<vmem>> -> memref<1x80xi32, #tpu.memory_space<vmem>>
    %dma_start3A_70 = tpu.memref_squeeze %dma_start3A_69 : memref<1x80xi32, #tpu.memory_space<vmem>> -> memref<80xi32, #tpu.memory_space<vmem>>
    %dma_start3A_71 = arith.constant 0 : i32
    %dma_start3A_72 = tpu.memref_slice %arg3[%arg0, %arg1, %dma_start3A_67, %dma_start3A_71] : memref<2x16x125x80xi32, #tpu.memory_space<hbm>> -> memref<1x1x1x80xi32, #tpu.memory_space<hbm>>
    %dma_start3A_73 = tpu.memref_squeeze %dma_start3A_72 : memref<1x1x1x80xi32, #tpu.memory_space<hbm>> -> memref<80xi32, #tpu.memory_space<hbm>>
    %dma_start3A_74 = tpu.memref_slice %arg12[%rem3A_66] : memref<4x!tpu.dma_semaphore, #tpu.memory_space<semaphore_mem>> -> memref<1x!tpu.dma_semaphore, #tpu.memory_space<semaphore_mem>>
    %dma_start3A_75 = tpu.memref_squeeze %dma_start3A_74 : memref<1x!tpu.dma_semaphore, #tpu.memory_space<semaphore_mem>> -> memref<!tpu.dma_semaphore, #tpu.memory_space<semaphore_mem>>
    %dma_start3A_76 = arith.constant 0 : i32
    %dma_start3A_77 = tpu.memref_slice %arg6[%rem3A_66, %dma_start3A_76] : memref<4x80xi32, #tpu.memory_space<vmem>> -> memref<1x80xi32, #tpu.memory_space<vmem>>
    %dma_start3A_78 = tpu.memref_squeeze %dma_start3A_77 : memref<1x80xi32, #tpu.memory_space<vmem>> -> memref<80xi32, #tpu.memory_space<vmem>>
    %dma_start3A_79 = arith.constant 0 : i32
    %dma_start3A_80 = tpu.memref_slice %arg3[%arg0, %arg1, %dma_start3A_67, %dma_start3A_79] : memref<2x16x125x80xi32, #tpu.memory_space<hbm>> -> memref<1x1x1x80xi32, #tpu.memory_space<hbm>>
    %dma_start3A_81 = tpu.memref_squeeze %dma_start3A_80 : memref<1x1x1x80xi32, #tpu.memory_space<hbm>> -> memref<80xi32, #tpu.memory_space<hbm>>
    tpu.enqueue_dma source(%dma_start3A_81 : memref<80xi32, #tpu.memory_space<hbm>>) target(%dma_start3A_78 : memref<80xi32, #tpu.memory_space<vmem>>) target_semaphore(%dma_start3A_75 : memref<!tpu.dma_semaphore, #tpu.memory_space<semaphore_mem>>)
    %dma_start3A_82 = arith.constant 2 : i32
    %dma_start3A_83 = arith.constant 0 : i32
    %dma_start3A_84 = tpu.memref_slice %arg7[%rem3A_66, %dma_start3A_83] : memref<4x80xi32, #tpu.memory_space<vmem>> -> memref<1x80xi32, #tpu.memory_space<vmem>>
    %dma_start3A_85 = tpu.memref_squeeze %dma_start3A_84 : memref<1x80xi32, #tpu.memory_space<vmem>> -> memref<80xi32, #tpu.memory_space<vmem>>
    %dma_start3A_86 = arith.constant 0 : i32
    %dma_start3A_87 = tpu.memref_slice %arg4[%arg0, %arg1, %dma_start3A_82, %dma_start3A_86] : memref<2x16x125x80xi32, #tpu.memory_space<hbm>> -> memref<1x1x1x80xi32, #tpu.memory_space<hbm>>
    %dma_start3A_88 = tpu.memref_squeeze %dma_start3A_87 : memref<1x1x1x80xi32, #tpu.memory_space<hbm>> -> memref<80xi32, #tpu.memory_space<hbm>>
    %dma_start3A_89 = tpu.memref_slice %arg12[%rem3A_66] : memref<4x!tpu.dma_semaphore, #tpu.memory_space<semaphore_mem>> -> memref<1x!tpu.dma_semaphore, #tpu.memory_space<semaphore_mem>>
    %dma_start3A_90 = tpu.memref_squeeze %dma_start3A_89 : memref<1x!tpu.dma_semaphore, #tpu.memory_space<semaphore_mem>> -> memref<!tpu.dma_semaphore, #tpu.memory_space<semaphore_mem>>
    %dma_start3A_91 = arith.constant 0 : i32
    %dma_start3A_92 = tpu.memref_slice %arg7[%rem3A_66, %dma_start3A_91] : memref<4x80xi32, #tpu.memory_space<vmem>> -> memref<1x80xi32, #tpu.memory_space<vmem>>
    %dma_start3A_93 = tpu.memref_squeeze %dma_start3A_92 : memref<1x80xi32, #tpu.memory_space<vmem>> -> memref<80xi32, #tpu.memory_space<vmem>>
    %dma_start3A_94 = arith.constant 0 : i32
    %dma_start3A_95 = tpu.memref_slice %arg4[%arg0, %arg1, %dma_start3A_82, %dma_start3A_94] : memref<2x16x125x80xi32, #tpu.memory_space<hbm>> -> memref<1x1x1x80xi32, #tpu.memory_space<hbm>>
    %dma_start3A_96 = tpu.memref_squeeze %dma_start3A_95 : memref<1x1x1x80xi32, #tpu.memory_space<hbm>> -> memref<80xi32, #tpu.memory_space<hbm>>
    tpu.enqueue_dma source(%dma_start3A_96 : memref<80xi32, #tpu.memory_space<hbm>>) target(%dma_start3A_93 : memref<80xi32, #tpu.memory_space<vmem>>) target_semaphore(%dma_start3A_90 : memref<!tpu.dma_semaphore, #tpu.memory_space<semaphore_mem>>)
    %rem3A_97 = arith.constant 3 : i32
    %rem3A_98 = arith.constant 4 : i32
    %rem3A_99 = arith.remsi %rem3A_97, %rem3A_98 : i32
    %dma_start3A_100 = arith.constant 3 : i32
    %dma_start3A_101 = arith.constant 0 : i32
    %dma_start3A_102 = tpu.memref_slice %arg6[%rem3A_99, %dma_start3A_101] : memref<4x80xi32, #tpu.memory_space<vmem>> -> memref<1x80xi32, #tpu.memory_space<vmem>>
    %dma_start3A_103 = tpu.memref_squeeze %dma_start3A_102 : memref<1x80xi32, #tpu.memory_space<vmem>> -> memref<80xi32, #tpu.memory_space<vmem>>
    %dma_start3A_104 = arith.constant 0 : i32
    %dma_start3A_105 = tpu.memref_slice %arg3[%arg0, %arg1, %dma_start3A_100, %dma_start3A_104] : memref<2x16x125x80xi32, #tpu.memory_space<hbm>> -> memref<1x1x1x80xi32, #tpu.memory_space<hbm>>
    %dma_start3A_106 = tpu.memref_squeeze %dma_start3A_105 : memref<1x1x1x80xi32, #tpu.memory_space<hbm>> -> memref<80xi32, #tpu.memory_space<hbm>>
    %dma_start3A_107 = tpu.memref_slice %arg12[%rem3A_99] : memref<4x!tpu.dma_semaphore, #tpu.memory_space<semaphore_mem>> -> memref<1x!tpu.dma_semaphore, #tpu.memory_space<semaphore_mem>>
    %dma_start3A_108 = tpu.memref_squeeze %dma_start3A_107 : memref<1x!tpu.dma_semaphore, #tpu.memory_space<semaphore_mem>> -> memref<!tpu.dma_semaphore, #tpu.memory_space<semaphore_mem>>
    %dma_start3A_109 = arith.constant 0 : i32
    %dma_start3A_110 = tpu.memref_slice %arg6[%rem3A_99, %dma_start3A_109] : memref<4x80xi32, #tpu.memory_space<vmem>> -> memref<1x80xi32, #tpu.memory_space<vmem>>
    %dma_start3A_111 = tpu.memref_squeeze %dma_start3A_110 : memref<1x80xi32, #tpu.memory_space<vmem>> -> memref<80xi32, #tpu.memory_space<vmem>>
    %dma_start3A_112 = arith.constant 0 : i32
    %dma_start3A_113 = tpu.memref_slice %arg3[%arg0, %arg1, %dma_start3A_100, %dma_start3A_112] : memref<2x16x125x80xi32, #tpu.memory_space<hbm>> -> memref<1x1x1x80xi32, #tpu.memory_space<hbm>>
    %dma_start3A_114 = tpu.memref_squeeze %dma_start3A_113 : memref<1x1x1x80xi32, #tpu.memory_space<hbm>> -> memref<80xi32, #tpu.memory_space<hbm>>
    tpu.enqueue_dma source(%dma_start3A_114 : memref<80xi32, #tpu.memory_space<hbm>>) target(%dma_start3A_111 : memref<80xi32, #tpu.memory_space<vmem>>) target_semaphore(%dma_start3A_108 : memref<!tpu.dma_semaphore, #tpu.memory_space<semaphore_mem>>)
    %dma_start3A_115 = arith.constant 3 : i32
    %dma_start3A_116 = arith.constant 0 : i32
    %dma_start3A_117 = tpu.memref_slice %arg7[%rem3A_99, %dma_start3A_116] : memref<4x80xi32, #tpu.memory_space<vmem>> -> memref<1x80xi32, #tpu.memory_space<vmem>>
    %dma_start3A_118 = tpu.memref_squeeze %dma_start3A_117 : memref<1x80xi32, #tpu.memory_space<vmem>> -> memref<80xi32, #tpu.memory_space<vmem>>
    %dma_start3A_119 = arith.constant 0 : i32
    %dma_start3A_120 = tpu.memref_slice %arg4[%arg0, %arg1, %dma_start3A_115, %dma_start3A_119] : memref<2x16x125x80xi32, #tpu.memory_space<hbm>> -> memref<1x1x1x80xi32, #tpu.memory_space<hbm>>
    %dma_start3A_121 = tpu.memref_squeeze %dma_start3A_120 : memref<1x1x1x80xi32, #tpu.memory_space<hbm>> -> memref<80xi32, #tpu.memory_space<hbm>>
    %dma_start3A_122 = tpu.memref_slice %arg12[%rem3A_99] : memref<4x!tpu.dma_semaphore, #tpu.memory_space<semaphore_mem>> -> memref<1x!tpu.dma_semaphore, #tpu.memory_space<semaphore_mem>>
    %dma_start3A_123 = tpu.memref_squeeze %dma_start3A_122 : memref<1x!tpu.dma_semaphore, #tpu.memory_space<semaphore_mem>> -> memref<!tpu.dma_semaphore, #tpu.memory_space<semaphore_mem>>
    %dma_start3A_124 = arith.constant 0 : i32
    %dma_start3A_125 = tpu.memref_slice %arg7[%rem3A_99, %dma_start3A_124] : memref<4x80xi32, #tpu.memory_space<vmem>> -> memref<1x80xi32, #tpu.memory_space<vmem>>
    %dma_start3A_126 = tpu.memref_squeeze %dma_start3A_125 : memref<1x80xi32, #tpu.memory_space<vmem>> -> memref<80xi32, #tpu.memory_space<vmem>>
    %dma_start3A_127 = arith.constant 0 : i32
    %dma_start3A_128 = tpu.memref_slice %arg4[%arg0, %arg1, %dma_start3A_115, %dma_start3A_127] : memref<2x16x125x80xi32, #tpu.memory_space<hbm>> -> memref<1x1x1x80xi32, #tpu.memory_space<hbm>>
    %dma_start3A_129 = tpu.memref_squeeze %dma_start3A_128 : memref<1x1x1x80xi32, #tpu.memory_space<hbm>> -> memref<80xi32, #tpu.memory_space<hbm>>
    tpu.enqueue_dma source(%dma_start3A_129 : memref<80xi32, #tpu.memory_space<hbm>>) target(%dma_start3A_126 : memref<80xi32, #tpu.memory_space<vmem>>) target_semaphore(%dma_start3A_123 : memref<!tpu.dma_semaphore, #tpu.memory_space<semaphore_mem>>)
    %rem3A_130 = arith.constant 0 : i32
    %rem3A_131 = arith.constant 4 : i32
    %rem3A_132 = arith.remsi %rem3A_130, %rem3A_131 : i32
    %dma_wait3A = arith.constant 0 : i32
    %dma_wait3A_133 = arith.constant 0 : i32
    %dma_wait3A_134 = tpu.memref_slice %arg6[%rem3A_132, %dma_wait3A_133] : memref<4x80xi32, #tpu.memory_space<vmem>> -> memref<1x80xi32, #tpu.memory_space<vmem>>
    %dma_wait3A_135 = tpu.memref_squeeze %dma_wait3A_134 : memref<1x80xi32, #tpu.memory_space<vmem>> -> memref<80xi32, #tpu.memory_space<vmem>>
    %dma_wait3A_136 = arith.constant 0 : i32
    %dma_wait3A_137 = tpu.memref_slice %arg3[%arg0, %arg1, %dma_wait3A, %dma_wait3A_136] : memref<2x16x125x80xi32, #tpu.memory_space<hbm>> -> memref<1x1x1x80xi32, #tpu.memory_space<hbm>>
    %dma_wait3A_138 = tpu.memref_squeeze %dma_wait3A_137 : memref<1x1x1x80xi32, #tpu.memory_space<hbm>> -> memref<80xi32, #tpu.memory_space<hbm>>
    %dma_wait3A_139 = tpu.memref_slice %arg12[%rem3A_132] : memref<4x!tpu.dma_semaphore, #tpu.memory_space<semaphore_mem>> -> memref<1x!tpu.dma_semaphore, #tpu.memory_space<semaphore_mem>>
    %dma_wait3A_140 = tpu.memref_squeeze %dma_wait3A_139 : memref<1x!tpu.dma_semaphore, #tpu.memory_space<semaphore_mem>> -> memref<!tpu.dma_semaphore, #tpu.memory_space<semaphore_mem>>
    %dma_wait3A_141 = arith.constant 0 : i32
    %dma_wait3A_142 = tpu.memref_slice %arg6[%rem3A_132, %dma_wait3A_141] : memref<4x80xi32, #tpu.memory_space<vmem>> -> memref<1x80xi32, #tpu.memory_space<vmem>>
    %dma_wait3A_143 = tpu.memref_squeeze %dma_wait3A_142 : memref<1x80xi32, #tpu.memory_space<vmem>> -> memref<80xi32, #tpu.memory_space<vmem>>
    %dma_wait3A_144 = arith.constant 0 : i32
    %dma_wait3A_145 = tpu.memref_slice %arg3[%arg0, %arg1, %dma_wait3A, %dma_wait3A_144] : memref<2x16x125x80xi32, #tpu.memory_space<hbm>> -> memref<1x1x1x80xi32, #tpu.memory_space<hbm>>
    %dma_wait3A_146 = tpu.memref_squeeze %dma_wait3A_145 : memref<1x1x1x80xi32, #tpu.memory_space<hbm>> -> memref<80xi32, #tpu.memory_space<hbm>>
    tpu.wait_dma2 semaphore(%dma_wait3A_140 : memref<!tpu.dma_semaphore, #tpu.memory_space<semaphore_mem>>) src(%dma_wait3A_146 : memref<80xi32, #tpu.memory_space<hbm>>) dst(%dma_wait3A_143 : memref<80xi32, #tpu.memory_space<vmem>>)
    %dma_wait3A_147 = arith.constant 0 : i32
    %dma_wait3A_148 = arith.constant 0 : i32
    %dma_wait3A_149 = tpu.memref_slice %arg7[%rem3A_132, %dma_wait3A_148] : memref<4x80xi32, #tpu.memory_space<vmem>> -> memref<1x80xi32, #tpu.memory_space<vmem>>
    %dma_wait3A_150 = tpu.memref_squeeze %dma_wait3A_149 : memref<1x80xi32, #tpu.memory_space<vmem>> -> memref<80xi32, #tpu.memory_space<vmem>>
    %dma_wait3A_151 = arith.constant 0 : i32
    %dma_wait3A_152 = tpu.memref_slice %arg4[%arg0, %arg1, %dma_wait3A_147, %dma_wait3A_151] : memref<2x16x125x80xi32, #tpu.memory_space<hbm>> -> memref<1x1x1x80xi32, #tpu.memory_space<hbm>>
    %dma_wait3A_153 = tpu.memref_squeeze %dma_wait3A_152 : memref<1x1x1x80xi32, #tpu.memory_space<hbm>> -> memref<80xi32, #tpu.memory_space<hbm>>
    %dma_wait3A_154 = tpu.memref_slice %arg12[%rem3A_132] : memref<4x!tpu.dma_semaphore, #tpu.memory_space<semaphore_mem>> -> memref<1x!tpu.dma_semaphore, #tpu.memory_space<semaphore_mem>>
    %dma_wait3A_155 = tpu.memref_squeeze %dma_wait3A_154 : memref<1x!tpu.dma_semaphore, #tpu.memory_space<semaphore_mem>> -> memref<!tpu.dma_semaphore, #tpu.memory_space<semaphore_mem>>
    %dma_wait3A_156 = arith.constant 0 : i32
    %dma_wait3A_157 = tpu.memref_slice %arg7[%rem3A_132, %dma_wait3A_156] : memref<4x80xi32, #tpu.memory_space<vmem>> -> memref<1x80xi32, #tpu.memory_space<vmem>>
    %dma_wait3A_158 = tpu.memref_squeeze %dma_wait3A_157 : memref<1x80xi32, #tpu.memory_space<vmem>> -> memref<80xi32, #tpu.memory_space<vmem>>
    %dma_wait3A_159 = arith.constant 0 : i32
    %dma_wait3A_160 = tpu.memref_slice %arg4[%arg0, %arg1, %dma_wait3A_147, %dma_wait3A_159] : memref<2x16x125x80xi32, #tpu.memory_space<hbm>> -> memref<1x1x1x80xi32, #tpu.memory_space<hbm>>
    %dma_wait3A_161 = tpu.memref_squeeze %dma_wait3A_160 : memref<1x1x1x80xi32, #tpu.memory_space<hbm>> -> memref<80xi32, #tpu.memory_space<hbm>>
    tpu.wait_dma2 semaphore(%dma_wait3A_155 : memref<!tpu.dma_semaphore, #tpu.memory_space<semaphore_mem>>) src(%dma_wait3A_161 : memref<80xi32, #tpu.memory_space<hbm>>) dst(%dma_wait3A_158 : memref<80xi32, #tpu.memory_space<vmem>>)
    %dma_start3A_162 = arith.constant 0 : i32
    %dma_start3A_163 = arith.constant 0 : i32
    %dma_start3A_164 = arith.constant 0 : i32
    %dma_start3A_165 = tpu.memref_slice %arg6[%dma_start3A_162, %dma_start3A_164] : memref<4x80xi32, #tpu.memory_space<vmem>> -> memref<1x80xi32, #tpu.memory_space<vmem>>
    %dma_start3A_166 = tpu.memref_squeeze %dma_start3A_165 : memref<1x80xi32, #tpu.memory_space<vmem>> -> memref<80xi32, #tpu.memory_space<vmem>>
    %dma_start3A_167 = arith.constant 0 : i32
    %dma_start3A_168 = arith.constant 0 : i32
    %dma_start3A_169 = tpu.memref_slice %arg2[%dma_start3A_167, %dma_start3A_168] : memref<10240x128xf32, #tpu.memory_space<hbm>> -> memref<10240x128xf32, #tpu.memory_space<hbm>>
    %dma_start3A_170 = tpu.memref_slice %arg13[%dma_start3A_163] : memref<2x!tpu.dma_semaphore, #tpu.memory_space<semaphore_mem>> -> memref<1x!tpu.dma_semaphore, #tpu.memory_space<semaphore_mem>>
    %dma_start3A_171 = tpu.memref_squeeze %dma_start3A_170 : memref<1x!tpu.dma_semaphore, #tpu.memory_space<semaphore_mem>> -> memref<!tpu.dma_semaphore, #tpu.memory_space<semaphore_mem>>
    tpu.enqueue_indirect_dma source(%dma_start3A_169 : memref<10240x128xf32, #tpu.memory_space<hbm>>) target(%arg8 : memref<80x128xf32, #tpu.memory_space<vmem>>) offsets(%dma_start3A_166 : memref<80xi32, #tpu.memory_space<vmem>>) semaphore(%dma_start3A_171 : memref<!tpu.dma_semaphore, #tpu.memory_space<semaphore_mem>>)
    %rem3A_172 = arith.constant 1 : i32
    %rem3A_173 = arith.constant 4 : i32
    %rem3A_174 = arith.remsi %rem3A_172, %rem3A_173 : i32
    %dma_wait3A_175 = arith.constant 1 : i32
    %dma_wait3A_176 = arith.constant 0 : i32
    %dma_wait3A_177 = tpu.memref_slice %arg6[%rem3A_174, %dma_wait3A_176] : memref<4x80xi32, #tpu.memory_space<vmem>> -> memref<1x80xi32, #tpu.memory_space<vmem>>
    %dma_wait3A_178 = tpu.memref_squeeze %dma_wait3A_177 : memref<1x80xi32, #tpu.memory_space<vmem>> -> memref<80xi32, #tpu.memory_space<vmem>>
    %dma_wait3A_179 = arith.constant 0 : i32
    %dma_wait3A_180 = tpu.memref_slice %arg3[%arg0, %arg1, %dma_wait3A_175, %dma_wait3A_179] : memref<2x16x125x80xi32, #tpu.memory_space<hbm>> -> memref<1x1x1x80xi32, #tpu.memory_space<hbm>>
    %dma_wait3A_181 = tpu.memref_squeeze %dma_wait3A_180 : memref<1x1x1x80xi32, #tpu.memory_space<hbm>> -> memref<80xi32, #tpu.memory_space<hbm>>
    %dma_wait3A_182 = tpu.memref_slice %arg12[%rem3A_174] : memref<4x!tpu.dma_semaphore, #tpu.memory_space<semaphore_mem>> -> memref<1x!tpu.dma_semaphore, #tpu.memory_space<semaphore_mem>>
    %dma_wait3A_183 = tpu.memref_squeeze %dma_wait3A_182 : memref<1x!tpu.dma_semaphore, #tpu.memory_space<semaphore_mem>> -> memref<!tpu.dma_semaphore, #tpu.memory_space<semaphore_mem>>
    %dma_wait3A_184 = arith.constant 0 : i32
    %dma_wait3A_185 = tpu.memref_slice %arg6[%rem3A_174, %dma_wait3A_184] : memref<4x80xi32, #tpu.memory_space<vmem>> -> memref<1x80xi32, #tpu.memory_space<vmem>>
    %dma_wait3A_186 = tpu.memref_squeeze %dma_wait3A_185 : memref<1x80xi32, #tpu.memory_space<vmem>> -> memref<80xi32, #tpu.memory_space<vmem>>
    %dma_wait3A_187 = arith.constant 0 : i32
    %dma_wait3A_188 = tpu.memref_slice %arg3[%arg0, %arg1, %dma_wait3A_175, %dma_wait3A_187] : memref<2x16x125x80xi32, #tpu.memory_space<hbm>> -> memref<1x1x1x80xi32, #tpu.memory_space<hbm>>
    %dma_wait3A_189 = tpu.memref_squeeze %dma_wait3A_188 : memref<1x1x1x80xi32, #tpu.memory_space<hbm>> -> memref<80xi32, #tpu.memory_space<hbm>>
    tpu.wait_dma2 semaphore(%dma_wait3A_183 : memref<!tpu.dma_semaphore, #tpu.memory_space<semaphore_mem>>) src(%dma_wait3A_189 : memref<80xi32, #tpu.memory_space<hbm>>) dst(%dma_wait3A_186 : memref<80xi32, #tpu.memory_space<vmem>>)
    %dma_wait3A_190 = arith.constant 1 : i32
    %dma_wait3A_191 = arith.constant 0 : i32
    %dma_wait3A_192 = tpu.memref_slice %arg7[%rem3A_174, %dma_wait3A_191] : memref<4x80xi32, #tpu.memory_space<vmem>> -> memref<1x80xi32, #tpu.memory_space<vmem>>
    %dma_wait3A_193 = tpu.memref_squeeze %dma_wait3A_192 : memref<1x80xi32, #tpu.memory_space<vmem>> -> memref<80xi32, #tpu.memory_space<vmem>>
    %dma_wait3A_194 = arith.constant 0 : i32
    %dma_wait3A_195 = tpu.memref_slice %arg4[%arg0, %arg1, %dma_wait3A_190, %dma_wait3A_194] : memref<2x16x125x80xi32, #tpu.memory_space<hbm>> -> memref<1x1x1x80xi32, #tpu.memory_space<hbm>>
    %dma_wait3A_196 = tpu.memref_squeeze %dma_wait3A_195 : memref<1x1x1x80xi32, #tpu.memory_space<hbm>> -> memref<80xi32, #tpu.memory_space<hbm>>
    %dma_wait3A_197 = tpu.memref_slice %arg12[%rem3A_174] : memref<4x!tpu.dma_semaphore, #tpu.memory_space<semaphore_mem>> -> memref<1x!tpu.dma_semaphore, #tpu.memory_space<semaphore_mem>>
    %dma_wait3A_198 = tpu.memref_squeeze %dma_wait3A_197 : memref<1x!tpu.dma_semaphore, #tpu.memory_space<semaphore_mem>> -> memref<!tpu.dma_semaphore, #tpu.memory_space<semaphore_mem>>
    %dma_wait3A_199 = arith.constant 0 : i32
    %dma_wait3A_200 = tpu.memref_slice %arg7[%rem3A_174, %dma_wait3A_199] : memref<4x80xi32, #tpu.memory_space<vmem>> -> memref<1x80xi32, #tpu.memory_space<vmem>>
    %dma_wait3A_201 = tpu.memref_squeeze %dma_wait3A_200 : memref<1x80xi32, #tpu.memory_space<vmem>> -> memref<80xi32, #tpu.memory_space<vmem>>
    %dma_wait3A_202 = arith.constant 0 : i32
    %dma_wait3A_203 = tpu.memref_slice %arg4[%arg0, %arg1, %dma_wait3A_190, %dma_wait3A_202] : memref<2x16x125x80xi32, #tpu.memory_space<hbm>> -> memref<1x1x1x80xi32, #tpu.memory_space<hbm>>
    %dma_wait3A_204 = tpu.memref_squeeze %dma_wait3A_203 : memref<1x1x1x80xi32, #tpu.memory_space<hbm>> -> memref<80xi32, #tpu.memory_space<hbm>>
    tpu.wait_dma2 semaphore(%dma_wait3A_198 : memref<!tpu.dma_semaphore, #tpu.memory_space<semaphore_mem>>) src(%dma_wait3A_204 : memref<80xi32, #tpu.memory_space<hbm>>) dst(%dma_wait3A_201 : memref<80xi32, #tpu.memory_space<vmem>>)
    %dma_start3A_205 = arith.constant 1 : i32
    %dma_start3A_206 = arith.constant 1 : i32
    %dma_start3A_207 = arith.constant 0 : i32
    %dma_start3A_208 = tpu.memref_slice %arg6[%dma_start3A_205, %dma_start3A_207] : memref<4x80xi32, #tpu.memory_space<vmem>> -> memref<1x80xi32, #tpu.memory_space<vmem>>
    %dma_start3A_209 = tpu.memref_squeeze %dma_start3A_208 : memref<1x80xi32, #tpu.memory_space<vmem>> -> memref<80xi32, #tpu.memory_space<vmem>>
    %dma_start3A_210 = arith.constant 0 : i32
    %dma_start3A_211 = arith.constant 0 : i32
    %dma_start3A_212 = tpu.memref_slice %arg2[%dma_start3A_210, %dma_start3A_211] : memref<10240x128xf32, #tpu.memory_space<hbm>> -> memref<10240x128xf32, #tpu.memory_space<hbm>>
    %dma_start3A_213 = tpu.memref_slice %arg13[%dma_start3A_206] : memref<2x!tpu.dma_semaphore, #tpu.memory_space<semaphore_mem>> -> memref<1x!tpu.dma_semaphore, #tpu.memory_space<semaphore_mem>>
    %dma_start3A_214 = tpu.memref_squeeze %dma_start3A_213 : memref<1x!tpu.dma_semaphore, #tpu.memory_space<semaphore_mem>> -> memref<!tpu.dma_semaphore, #tpu.memory_space<semaphore_mem>>
    tpu.enqueue_indirect_dma source(%dma_start3A_212 : memref<10240x128xf32, #tpu.memory_space<hbm>>) target(%arg9 : memref<80x128xf32, #tpu.memory_space<vmem>>) offsets(%dma_start3A_209 : memref<80xi32, #tpu.memory_space<vmem>>) semaphore(%dma_start3A_214 : memref<!tpu.dma_semaphore, #tpu.memory_space<semaphore_mem>>)
    %scan3A = arith.constant 0 : i32
    %scan3A_215 = arith.constant 0 : i32
    %scan3A_216 = arith.constant 16 : i32
    %scan3A_217 = arith.addi %scan3A_215, %scan3A_216 : i32
    %scan3A_218 = arith.constant 1 : i32
    %scan3A_219 = scf.for %scan3A_263 = %scan3A_215 to %scan3A_217 step %scan3A_218 iter_args(%scan3A_264 = %scan3A) -> (i32)  : i32 {
      %broadcast_in_dim3A = arith.constant 0.000000e+00 : f32
      %broadcast_in_dim3A_265 = vector.broadcast %broadcast_in_dim3A : f32 to vector<16xf32>
      %swap3A = arith.index_cast %scan3A_263 : i32 to index
      %swap3A_266 = arith.constant 0 : index
      %swap3A_267 = tpu.vector_load %arg10[%swap3A, %swap3A_266] {strides = array<i32>} : memref<16x128xf32, #tpu.memory_space<vmem>>, vector<1x16xf32>,
      %swap3A_268 = vector.shape_cast %swap3A_267 : vector<1x16xf32> to vector<16xf32>
      %swap3A_269 = vector.shape_cast %broadcast_in_dim3A_265 : vector<16xf32> to vector<1x16xf32>
      tpu.vector_store %arg10[%swap3A, %swap3A_266], %swap3A_269 {strides = array<i32>} : memref<16x128xf32, #tpu.memory_space<vmem>>, vector<1x16xf32>,
      %broadcast_in_dim3A_270 = arith.constant 0.000000e+00 : f32
      %broadcast_in_dim3A_271 = vector.broadcast %broadcast_in_dim3A_270 : f32 to vector<16xf32>
      %swap3A_272 = arith.index_cast %scan3A_263 : i32 to index
      %swap3A_273 = arith.constant 16 : index
      %swap3A_274 = tpu.vector_load %arg10[%swap3A_272, %swap3A_273] {strides = array<i32>} : memref<16x128xf32, #tpu.memory_space<vmem>>, vector<1x16xf32>,
      %swap3A_275 = vector.shape_cast %swap3A_274 : vector<1x16xf32> to vector<16xf32>
      %swap3A_276 = vector.shape_cast %broadcast_in_dim3A_271 : vector<16xf32> to vector<1x16xf32>
      tpu.vector_store %arg10[%swap3A_272, %swap3A_273], %swap3A_276 {strides = array<i32>} : memref<16x128xf32, #tpu.memory_space<vmem>>, vector<1x16xf32>,
      %broadcast_in_dim3A_277 = arith.constant 0.000000e+00 : f32
      %broadcast_in_dim3A_278 = vector.broadcast %broadcast_in_dim3A_277 : f32 to vector<16xf32>
      %swap3A_279 = arith.index_cast %scan3A_263 : i32 to index
      %swap3A_280 = arith.constant 32 : index
      %swap3A_281 = tpu.vector_load %arg10[%swap3A_279, %swap3A_280] {strides = array<i32>} : memref<16x128xf32, #tpu.memory_space<vmem>>, vector<1x16xf32>,
      %swap3A_282 = vector.shape_cast %swap3A_281 : vector<1x16xf32> to vector<16xf32>
      %swap3A_283 = vector.shape_cast %broadcast_in_dim3A_278 : vector<16xf32> to vector<1x16xf32>
      tpu.vector_store %arg10[%swap3A_279, %swap3A_280], %swap3A_283 {strides = array<i32>} : memref<16x128xf32, #tpu.memory_space<vmem>>, vector<1x16xf32>,
      %broadcast_in_dim3A_284 = arith.constant 0.000000e+00 : f32
      %broadcast_in_dim3A_285 = vector.broadcast %broadcast_in_dim3A_284 : f32 to vector<16xf32>
      %swap3A_286 = arith.index_cast %scan3A_263 : i32 to index
      %swap3A_287 = arith.constant 48 : index
      %swap3A_288 = tpu.vector_load %arg10[%swap3A_286, %swap3A_287] {strides = array<i32>} : memref<16x128xf32, #tpu.memory_space<vmem>>, vector<1x16xf32>,
      %swap3A_289 = vector.shape_cast %swap3A_288 : vector<1x16xf32> to vector<16xf32>
      %swap3A_290 = vector.shape_cast %broadcast_in_dim3A_285 : vector<16xf32> to vector<1x16xf32>
      tpu.vector_store %arg10[%swap3A_286, %swap3A_287], %swap3A_290 {strides = array<i32>} : memref<16x128xf32, #tpu.memory_space<vmem>>, vector<1x16xf32>,
      %broadcast_in_dim3A_291 = arith.constant 0.000000e+00 : f32
      %broadcast_in_dim3A_292 = vector.broadcast %broadcast_in_dim3A_291 : f32 to vector<16xf32>
      %swap3A_293 = arith.index_cast %scan3A_263 : i32 to index
      %swap3A_294 = arith.constant 64 : index
      %swap3A_295 = tpu.vector_load %arg10[%swap3A_293, %swap3A_294] {strides = array<i32>} : memref<16x128xf32, #tpu.memory_space<vmem>>, vector<1x16xf32>,
      %swap3A_296 = vector.shape_cast %swap3A_295 : vector<1x16xf32> to vector<16xf32>
      %swap3A_297 = vector.shape_cast %broadcast_in_dim3A_292 : vector<16xf32> to vector<1x16xf32>
      tpu.vector_store %arg10[%swap3A_293, %swap3A_294], %swap3A_297 {strides = array<i32>} : memref<16x128xf32, #tpu.memory_space<vmem>>, vector<1x16xf32>,
      %broadcast_in_dim3A_298 = arith.constant 0.000000e+00 : f32
      %broadcast_in_dim3A_299 = vector.broadcast %broadcast_in_dim3A_298 : f32 to vector<16xf32>
      %swap3A_300 = arith.index_cast %scan3A_263 : i32 to index
      %swap3A_301 = arith.constant 80 : index
      %swap3A_302 = tpu.vector_load %arg10[%swap3A_300, %swap3A_301] {strides = array<i32>} : memref<16x128xf32, #tpu.memory_space<vmem>>, vector<1x16xf32>,
      %swap3A_303 = vector.shape_cast %swap3A_302 : vector<1x16xf32> to vector<16xf32>
      %swap3A_304 = vector.shape_cast %broadcast_in_dim3A_299 : vector<16xf32> to vector<1x16xf32>
      tpu.vector_store %arg10[%swap3A_300, %swap3A_301], %swap3A_304 {strides = array<i32>} : memref<16x128xf32, #tpu.memory_space<vmem>>, vector<1x16xf32>,
      %broadcast_in_dim3A_305 = arith.constant 0.000000e+00 : f32
      %broadcast_in_dim3A_306 = vector.broadcast %broadcast_in_dim3A_305 : f32 to vector<16xf32>
      %swap3A_307 = arith.index_cast %scan3A_263 : i32 to index
      %swap3A_308 = arith.constant 96 : index
      %swap3A_309 = tpu.vector_load %arg10[%swap3A_307, %swap3A_308] {strides = array<i32>} : memref<16x128xf32, #tpu.memory_space<vmem>>, vector<1x16xf32>,
      %swap3A_310 = vector.shape_cast %swap3A_309 : vector<1x16xf32> to vector<16xf32>
      %swap3A_311 = vector.shape_cast %broadcast_in_dim3A_306 : vector<16xf32> to vector<1x16xf32>
      tpu.vector_store %arg10[%swap3A_307, %swap3A_308], %swap3A_311 {strides = array<i32>} : memref<16x128xf32, #tpu.memory_space<vmem>>, vector<1x16xf32>,
      %broadcast_in_dim3A_312 = arith.constant 0.000000e+00 : f32
      %broadcast_in_dim3A_313 = vector.broadcast %broadcast_in_dim3A_312 : f32 to vector<16xf32>
      %swap3A_314 = arith.index_cast %scan3A_263 : i32 to index
      %swap3A_315 = arith.constant 112 : index
      %swap3A_316 = tpu.vector_load %arg10[%swap3A_314, %swap3A_315] {strides = array<i32>} : memref<16x128xf32, #tpu.memory_space<vmem>>, vector<1x16xf32>,
      %swap3A_317 = vector.shape_cast %swap3A_316 : vector<1x16xf32> to vector<16xf32>
      %swap3A_318 = vector.shape_cast %broadcast_in_dim3A_313 : vector<16xf32> to vector<1x16xf32>
      tpu.vector_store %arg10[%swap3A_314, %swap3A_315], %swap3A_318 {strides = array<i32>} : memref<16x128xf32, #tpu.memory_space<vmem>>, vector<1x16xf32>,
      %scan3A_319 = arith.constant 0 : i32
      scf.yield %scan3A_319 : i32
    }
    %scan3A_220 = arith.constant 16 : i32
    %scan3A_221 = arith.constant 0 : i32
    %scan3A_222 = arith.constant 0 : i32
    %scan3A_223 = arith.constant 40 : i32
    %scan3A_224 = arith.addi %scan3A_222, %scan3A_223 : i32
    %scan3A_225 = arith.constant 1 : i32
    %scan3A_226 = scf.for %scan3A_263 = %scan3A_222 to %scan3A_224 step %scan3A_225 iter_args(%scan3A_264 = %scan3A_221) -> (i32)  : i32 {
      %mul3A_265 = arith.constant 640 : i32
      %mul3A_266 = arith.muli %mul3A_265, %arg1 : i32
      %mul3A_267 = arith.constant 16 : i32
      %mul3A_268 = arith.muli %mul3A_267, %scan3A_263 : i32
      %add3A = arith.addi %mul3A_266, %mul3A_268 : i32
      "tpu.region"() ({
        %run_scoped3A = tpu.sem_alloc : memref<!tpu.dma_semaphore, #tpu.memory_space<semaphore_mem>>
        %dma_start3A_270 = arith.constant 0 : i32
        %dma_start3A_271 = tpu.memref_slice %arg11[%add3A, %dma_start3A_270] : memref<10240x128xf32, #tpu.memory_space<vmem_shared>> -> memref<16x128xf32, #tpu.memory_space<vmem_shared>>
        %dma_start3A_272 = arith.constant 0 : i32
        %dma_start3A_273 = tpu.memref_slice %arg11[%add3A, %dma_start3A_272] : memref<10240x128xf32, #tpu.memory_space<vmem_shared>> -> memref<16x128xf32, #tpu.memory_space<vmem_shared>>
        tpu.enqueue_dma source(%arg10 : memref<16x128xf32, #tpu.memory_space<vmem>>) target(%dma_start3A_273 : memref<16x128xf32, #tpu.memory_space<vmem_shared>>) target_semaphore(%run_scoped3A : memref<!tpu.dma_semaphore, #tpu.memory_space<semaphore_mem>>)
        %dma_wait3A_274 = arith.constant 0 : i32
        %dma_wait3A_275 = tpu.memref_slice %arg11[%add3A, %dma_wait3A_274] : memref<10240x128xf32, #tpu.memory_space<vmem_shared>> -> memref<16x128xf32, #tpu.memory_space<vmem_shared>>
        %dma_wait3A_276 = arith.constant 0 : i32
        %dma_wait3A_277 = tpu.memref_slice %arg11[%add3A, %dma_wait3A_276] : memref<10240x128xf32, #tpu.memory_space<vmem_shared>> -> memref<16x128xf32, #tpu.memory_space<vmem_shared>>
        tpu.wait_dma2 semaphore(%run_scoped3A : memref<!tpu.dma_semaphore, #tpu.memory_space<semaphore_mem>>) src(%arg10 : memref<16x128xf32, #tpu.memory_space<vmem>>) dst(%dma_wait3A_277 : memref<16x128xf32, #tpu.memory_space<vmem_shared>>)
        tpu.yield
      }) : () -> ()
      %scan3A_269 = arith.constant 0 : i32
      scf.yield %scan3A_269 : i32
    }
    %scan3A_227 = arith.constant 40 : i32
    %barrier3A = arith.constant 0 : index
    tpu.barrier barrier_id(%barrier3A)
    %scan3A_228 = arith.constant 0 : i32
    %scan3A_229 = arith.constant 0 : i32
    %scan3A_230 = arith.constant 62 : i32
    %scan3A_231 = arith.addi %scan3A_229, %scan3A_230 : i32
    %scan3A_232 = arith.constant 1 : i32
    %scan3A_233 = scf.for %scan3A_263 = %scan3A_229 to %scan3A_231 step %scan3A_232 iter_args(%scan3A_264 = %scan3A_228) -> (i32)  : i32 {
      %mul3A_265 = arith.constant 2 : i32
      %mul3A_266 = arith.muli %scan3A_263, %mul3A_265 : i32
      %add3A = arith.constant 0 : i32
      %add3A_267 = arith.addi %mul3A_266, %add3A : i32
      %rem3A_268 = arith.constant 4 : i32
      %rem3A_269 = arith.remsi %add3A_267, %rem3A_268 : i32
      %dma_wait3A_270 = arith.constant 0 : i32
      %dma_wait3A_271 = arith.constant 0 : i32
      %dma_wait3A_272 = tpu.memref_slice %arg6[%rem3A_269, %dma_wait3A_271] : memref<4x80xi32, #tpu.memory_space<vmem>> -> memref<1x80xi32, #tpu.memory_space<vmem>>
      %dma_wait3A_273 = tpu.memref_squeeze %dma_wait3A_272 : memref<1x80xi32, #tpu.memory_space<vmem>> -> memref<80xi32, #tpu.memory_space<vmem>>
      %dma_wait3A_274 = arith.constant 0 : i32
      %dma_wait3A_275 = arith.constant 0 : i32
      %dma_wait3A_276 = tpu.memref_slice %arg2[%dma_wait3A_274, %dma_wait3A_275] : memref<10240x128xf32, #tpu.memory_space<hbm>> -> memref<10240x128xf32, #tpu.memory_space<hbm>>
      %dma_wait3A_277 = tpu.memref_slice %arg13[%dma_wait3A_270] : memref<2x!tpu.dma_semaphore, #tpu.memory_space<semaphore_mem>> -> memref<1x!tpu.dma_semaphore, #tpu.memory_space<semaphore_mem>>
      %dma_wait3A_278 = tpu.memref_squeeze %dma_wait3A_277 : memref<1x!tpu.dma_semaphore, #tpu.memory_space<semaphore_mem>> -> memref<!tpu.dma_semaphore, #tpu.memory_space<semaphore_mem>>
      tpu.wait_indirect_dma semaphore(%dma_wait3A_278 : memref<!tpu.dma_semaphore, #tpu.memory_space<semaphore_mem>>) src(%dma_wait3A_276 : memref<10240x128xf32, #tpu.memory_space<hbm>>) dst(%arg8 : memref<80x128xf32, #tpu.memory_space<vmem>>)
      %dma_start3A_279 = arith.constant 0 : i32
      %dma_start3A_280 = tpu.memref_slice %arg7[%rem3A_269, %dma_start3A_279] : memref<4x80xi32, #tpu.memory_space<vmem>> -> memref<1x80xi32, #tpu.memory_space<vmem>>
      %dma_start3A_281 = tpu.memref_squeeze %dma_start3A_280 : memref<1x80xi32, #tpu.memory_space<vmem>> -> memref<80xi32, #tpu.memory_space<vmem>>
      %dma_start3A_282 = arith.constant 0 : i32
      %dma_start3A_283 = arith.constant 0 : i32
      %dma_start3A_284 = tpu.memref_slice %arg11[%dma_start3A_282, %dma_start3A_283] : memref<10240x128xf32, #tpu.memory_space<vmem_shared>> -> memref<10240x128xf32, #tpu.memory_space<vmem_shared>>
      tpu.enqueue_indirect_dma source(%arg8 : memref<80x128xf32, #tpu.memory_space<vmem>>) target(%dma_start3A_284 : memref<10240x128xf32, #tpu.memory_space<vmem_shared>>) offsets(%dma_start3A_281 : memref<80xi32, #tpu.memory_space<vmem>>) semaphore(%arg14 : memref<!tpu.dma_semaphore, #tpu.memory_space<semaphore_mem>>) {add = true}
      %dma_wait3A_285 = arith.constant 0 : i32
      %dma_wait3A_286 = tpu.memref_slice %arg7[%rem3A_269, %dma_wait3A_285] : memref<4x80xi32, #tpu.memory_space<vmem>> -> memref<1x80xi32, #tpu.memory_space<vmem>>
      %dma_wait3A_287 = tpu.memref_squeeze %dma_wait3A_286 : memref<1x80xi32, #tpu.memory_space<vmem>> -> memref<80xi32, #tpu.memory_space<vmem>>
      %dma_wait3A_288 = arith.constant 0 : i32
      %dma_wait3A_289 = arith.constant 0 : i32
      %dma_wait3A_290 = tpu.memref_slice %arg11[%dma_wait3A_288, %dma_wait3A_289] : memref<10240x128xf32, #tpu.memory_space<vmem_shared>> -> memref<10240x128xf32, #tpu.memory_space<vmem_shared>>
      tpu.wait_indirect_dma semaphore(%arg14 : memref<!tpu.dma_semaphore, #tpu.memory_space<semaphore_mem>>) src(%arg8 : memref<80x128xf32, #tpu.memory_space<vmem>>) dst(%dma_wait3A_290 : memref<10240x128xf32, #tpu.memory_space<vmem_shared>>)
      %add3A_291 = arith.constant 4 : i32
      %add3A_292 = arith.addi %add3A_267, %add3A_291 : i32
      %lt3A = arith.constant 125 : i32
      %lt3A_293 = arith.cmpi slt, %add3A_292, %lt3A : i32
      %convert_element_type3A = arith.extui %lt3A_293 : i1 to i32
      %cond3A = arith.constant 0 : i32
      %cond3A_294 = arith.cmpi ne, %convert_element_type3A, %cond3A : i32
      scf.if %cond3A_294 {
        %add3A_344 = arith.constant 4 : i32
        %add3A_345 = arith.addi %add3A_267, %add3A_344 : i32
        %rem3A_346 = arith.constant 4 : i32
        %rem3A_347 = arith.remsi %add3A_345, %rem3A_346 : i32
        %dma_start3A_348 = arith.constant 0 : i32
        %dma_start3A_349 = tpu.memref_slice %arg6[%rem3A_347, %dma_start3A_348] : memref<4x80xi32, #tpu.memory_space<vmem>> -> memref<1x80xi32, #tpu.memory_space<vmem>>
        %dma_start3A_350 = tpu.memref_squeeze %dma_start3A_349 : memref<1x80xi32, #tpu.memory_space<vmem>> -> memref<80xi32, #tpu.memory_space<vmem>>
        %dma_start3A_351 = arith.constant 0 : i32
        %dma_start3A_352 = tpu.memref_slice %arg3[%arg0, %arg1, %add3A_345, %dma_start3A_351] : memref<2x16x125x80xi32, #tpu.memory_space<hbm>> -> memref<1x1x1x80xi32, #tpu.memory_space<hbm>>
        %dma_start3A_353 = tpu.memref_squeeze %dma_start3A_352 : memref<1x1x1x80xi32, #tpu.memory_space<hbm>> -> memref<80xi32, #tpu.memory_space<hbm>>
        %dma_start3A_354 = tpu.memref_slice %arg12[%rem3A_347] : memref<4x!tpu.dma_semaphore, #tpu.memory_space<semaphore_mem>> -> memref<1x!tpu.dma_semaphore, #tpu.memory_space<semaphore_mem>>
        %dma_start3A_355 = tpu.memref_squeeze %dma_start3A_354 : memref<1x!tpu.dma_semaphore, #tpu.memory_space<semaphore_mem>> -> memref<!tpu.dma_semaphore, #tpu.memory_space<semaphore_mem>>
        %dma_start3A_356 = arith.constant 0 : i32
        %dma_start3A_357 = tpu.memref_slice %arg6[%rem3A_347, %dma_start3A_356] : memref<4x80xi32, #tpu.memory_space<vmem>> -> memref<1x80xi32, #tpu.memory_space<vmem>>
        %dma_start3A_358 = tpu.memref_squeeze %dma_start3A_357 : memref<1x80xi32, #tpu.memory_space<vmem>> -> memref<80xi32, #tpu.memory_space<vmem>>
        %dma_start3A_359 = arith.constant 0 : i32
        %dma_start3A_360 = tpu.memref_slice %arg3[%arg0, %arg1, %add3A_345, %dma_start3A_359] : memref<2x16x125x80xi32, #tpu.memory_space<hbm>> -> memref<1x1x1x80xi32, #tpu.memory_space<hbm>>
        %dma_start3A_361 = tpu.memref_squeeze %dma_start3A_360 : memref<1x1x1x80xi32, #tpu.memory_space<hbm>> -> memref<80xi32, #tpu.memory_space<hbm>>
        tpu.enqueue_dma source(%dma_start3A_361 : memref<80xi32, #tpu.memory_space<hbm>>) target(%dma_start3A_358 : memref<80xi32, #tpu.memory_space<vmem>>) target_semaphore(%dma_start3A_355 : memref<!tpu.dma_semaphore, #tpu.memory_space<semaphore_mem>>)
        %dma_start3A_362 = arith.constant 0 : i32
        %dma_start3A_363 = tpu.memref_slice %arg7[%rem3A_347, %dma_start3A_362] : memref<4x80xi32, #tpu.memory_space<vmem>> -> memref<1x80xi32, #tpu.memory_space<vmem>>
        %dma_start3A_364 = tpu.memref_squeeze %dma_start3A_363 : memref<1x80xi32, #tpu.memory_space<vmem>> -> memref<80xi32, #tpu.memory_space<vmem>>
        %dma_start3A_365 = arith.constant 0 : i32
        %dma_start3A_366 = tpu.memref_slice %arg4[%arg0, %arg1, %add3A_345, %dma_start3A_365] : memref<2x16x125x80xi32, #tpu.memory_space<hbm>> -> memref<1x1x1x80xi32, #tpu.memory_space<hbm>>
        %dma_start3A_367 = tpu.memref_squeeze %dma_start3A_366 : memref<1x1x1x80xi32, #tpu.memory_space<hbm>> -> memref<80xi32, #tpu.memory_space<hbm>>
        %dma_start3A_368 = tpu.memref_slice %arg12[%rem3A_347] : memref<4x!tpu.dma_semaphore, #tpu.memory_space<semaphore_mem>> -> memref<1x!tpu.dma_semaphore, #tpu.memory_space<semaphore_mem>>
        %dma_start3A_369 = tpu.memref_squeeze %dma_start3A_368 : memref<1x!tpu.dma_semaphore, #tpu.memory_space<semaphore_mem>> -> memref<!tpu.dma_semaphore, #tpu.memory_space<semaphore_mem>>
        %dma_start3A_370 = arith.constant 0 : i32
        %dma_start3A_371 = tpu.memref_slice %arg7[%rem3A_347, %dma_start3A_370] : memref<4x80xi32, #tpu.memory_space<vmem>> -> memref<1x80xi32, #tpu.memory_space<vmem>>
        %dma_start3A_372 = tpu.memref_squeeze %dma_start3A_371 : memref<1x80xi32, #tpu.memory_space<vmem>> -> memref<80xi32, #tpu.memory_space<vmem>>
        %dma_start3A_373 = arith.constant 0 : i32
        %dma_start3A_374 = tpu.memref_slice %arg4[%arg0, %arg1, %add3A_345, %dma_start3A_373] : memref<2x16x125x80xi32, #tpu.memory_space<hbm>> -> memref<1x1x1x80xi32, #tpu.memory_space<hbm>>
        %dma_start3A_375 = tpu.memref_squeeze %dma_start3A_374 : memref<1x1x1x80xi32, #tpu.memory_space<hbm>> -> memref<80xi32, #tpu.memory_space<hbm>>
        tpu.enqueue_dma source(%dma_start3A_375 : memref<80xi32, #tpu.memory_space<hbm>>) target(%dma_start3A_372 : memref<80xi32, #tpu.memory_space<vmem>>) target_semaphore(%dma_start3A_369 : memref<!tpu.dma_semaphore, #tpu.memory_space<semaphore_mem>>)
      } else {
      }
      %add3A_295 = arith.constant 2 : i32
      %add3A_296 = arith.addi %add3A_267, %add3A_295 : i32
      %lt3A_297 = arith.constant 125 : i32
      %lt3A_298 = arith.cmpi slt, %add3A_296, %lt3A_297 : i32
      %convert_element_type3A_299 = arith.extui %lt3A_298 : i1 to i32
      %cond3A_300 = arith.constant 0 : i32
      %cond3A_301 = arith.cmpi ne, %convert_element_type3A_299, %cond3A_300 : i32
      scf.if %cond3A_301 {
        %add3A_344 = arith.constant 2 : i32
        %add3A_345 = arith.addi %add3A_267, %add3A_344 : i32
        %rem3A_346 = arith.constant 4 : i32
        %rem3A_347 = arith.remsi %add3A_345, %rem3A_346 : i32
        %dma_wait3A_348 = arith.constant 0 : i32
        %dma_wait3A_349 = tpu.memref_slice %arg6[%rem3A_347, %dma_wait3A_348] : memref<4x80xi32, #tpu.memory_space<vmem>> -> memref<1x80xi32, #tpu.memory_space<vmem>>
        %dma_wait3A_350 = tpu.memref_squeeze %dma_wait3A_349 : memref<1x80xi32, #tpu.memory_space<vmem>> -> memref<80xi32, #tpu.memory_space<vmem>>
        %dma_wait3A_351 = arith.constant 0 : i32
        %dma_wait3A_352 = tpu.memref_slice %arg3[%arg0, %arg1, %add3A_345, %dma_wait3A_351] : memref<2x16x125x80xi32, #tpu.memory_space<hbm>> -> memref<1x1x1x80xi32, #tpu.memory_space<hbm>>
        %dma_wait3A_353 = tpu.memref_squeeze %dma_wait3A_352 : memref<1x1x1x80xi32, #tpu.memory_space<hbm>> -> memref<80xi32, #tpu.memory_space<hbm>>
        %dma_wait3A_354 = tpu.memref_slice %arg12[%rem3A_347] : memref<4x!tpu.dma_semaphore, #tpu.memory_space<semaphore_mem>> -> memref<1x!tpu.dma_semaphore, #tpu.memory_space<semaphore_mem>>
        %dma_wait3A_355 = tpu.memref_squeeze %dma_wait3A_354 : memref<1x!tpu.dma_semaphore, #tpu.memory_space<semaphore_mem>> -> memref<!tpu.dma_semaphore, #tpu.memory_space<semaphore_mem>>
        %dma_wait3A_356 = arith.constant 0 : i32
        %dma_wait3A_357 = tpu.memref_slice %arg6[%rem3A_347, %dma_wait3A_356] : memref<4x80xi32, #tpu.memory_space<vmem>> -> memref<1x80xi32, #tpu.memory_space<vmem>>
        %dma_wait3A_358 = tpu.memref_squeeze %dma_wait3A_357 : memref<1x80xi32, #tpu.memory_space<vmem>> -> memref<80xi32, #tpu.memory_space<vmem>>
        %dma_wait3A_359 = arith.constant 0 : i32
        %dma_wait3A_360 = tpu.memref_slice %arg3[%arg0, %arg1, %add3A_345, %dma_wait3A_359] : memref<2x16x125x80xi32, #tpu.memory_space<hbm>> -> memref<1x1x1x80xi32, #tpu.memory_space<hbm>>
        %dma_wait3A_361 = tpu.memref_squeeze %dma_wait3A_360 : memref<1x1x1x80xi32, #tpu.memory_space<hbm>> -> memref<80xi32, #tpu.memory_space<hbm>>
        tpu.wait_dma2 semaphore(%dma_wait3A_355 : memref<!tpu.dma_semaphore, #tpu.memory_space<semaphore_mem>>) src(%dma_wait3A_361 : memref<80xi32, #tpu.memory_space<hbm>>) dst(%dma_wait3A_358 : memref<80xi32, #tpu.memory_space<vmem>>)
        %dma_wait3A_362 = arith.constant 0 : i32
        %dma_wait3A_363 = tpu.memref_slice %arg7[%rem3A_347, %dma_wait3A_362] : memref<4x80xi32, #tpu.memory_space<vmem>> -> memref<1x80xi32, #tpu.memory_space<vmem>>
        %dma_wait3A_364 = tpu.memref_squeeze %dma_wait3A_363 : memref<1x80xi32, #tpu.memory_space<vmem>> -> memref<80xi32, #tpu.memory_space<vmem>>
        %dma_wait3A_365 = arith.constant 0 : i32
        %dma_wait3A_366 = tpu.memref_slice %arg4[%arg0, %arg1, %add3A_345, %dma_wait3A_365] : memref<2x16x125x80xi32, #tpu.memory_space<hbm>> -> memref<1x1x1x80xi32, #tpu.memory_space<hbm>>
        %dma_wait3A_367 = tpu.memref_squeeze %dma_wait3A_366 : memref<1x1x1x80xi32, #tpu.memory_space<hbm>> -> memref<80xi32, #tpu.memory_space<hbm>>
        %dma_wait3A_368 = tpu.memref_slice %arg12[%rem3A_347] : memref<4x!tpu.dma_semaphore, #tpu.memory_space<semaphore_mem>> -> memref<1x!tpu.dma_semaphore, #tpu.memory_space<semaphore_mem>>
        %dma_wait3A_369 = tpu.memref_squeeze %dma_wait3A_368 : memref<1x!tpu.dma_semaphore, #tpu.memory_space<semaphore_mem>> -> memref<!tpu.dma_semaphore, #tpu.memory_space<semaphore_mem>>
        %dma_wait3A_370 = arith.constant 0 : i32
        %dma_wait3A_371 = tpu.memref_slice %arg7[%rem3A_347, %dma_wait3A_370] : memref<4x80xi32, #tpu.memory_space<vmem>> -> memref<1x80xi32, #tpu.memory_space<vmem>>
        %dma_wait3A_372 = tpu.memref_squeeze %dma_wait3A_371 : memref<1x80xi32, #tpu.memory_space<vmem>> -> memref<80xi32, #tpu.memory_space<vmem>>
        %dma_wait3A_373 = arith.constant 0 : i32
        %dma_wait3A_374 = tpu.memref_slice %arg4[%arg0, %arg1, %add3A_345, %dma_wait3A_373] : memref<2x16x125x80xi32, #tpu.memory_space<hbm>> -> memref<1x1x1x80xi32, #tpu.memory_space<hbm>>
        %dma_wait3A_375 = tpu.memref_squeeze %dma_wait3A_374 : memref<1x1x1x80xi32, #tpu.memory_space<hbm>> -> memref<80xi32, #tpu.memory_space<hbm>>
        tpu.wait_dma2 semaphore(%dma_wait3A_369 : memref<!tpu.dma_semaphore, #tpu.memory_space<semaphore_mem>>) src(%dma_wait3A_375 : memref<80xi32, #tpu.memory_space<hbm>>) dst(%dma_wait3A_372 : memref<80xi32, #tpu.memory_space<vmem>>)
        %add3A_376 = arith.constant 2 : i32
        %add3A_377 = arith.addi %add3A_267, %add3A_376 : i32
        %rem3A_378 = arith.constant 4 : i32
        %rem3A_379 = arith.remsi %add3A_377, %rem3A_378 : i32
        %dma_start3A_380 = arith.constant 0 : i32
        %dma_start3A_381 = arith.constant 0 : i32
        %dma_start3A_382 = tpu.memref_slice %arg6[%rem3A_379, %dma_start3A_381] : memref<4x80xi32, #tpu.memory_space<vmem>> -> memref<1x80xi32, #tpu.memory_space<vmem>>
        %dma_start3A_383 = tpu.memref_squeeze %dma_start3A_382 : memref<1x80xi32, #tpu.memory_space<vmem>> -> memref<80xi32, #tpu.memory_space<vmem>>
        %dma_start3A_384 = arith.constant 0 : i32
        %dma_start3A_385 = arith.constant 0 : i32
        %dma_start3A_386 = tpu.memref_slice %arg2[%dma_start3A_384, %dma_start3A_385] : memref<10240x128xf32, #tpu.memory_space<hbm>> -> memref<10240x128xf32, #tpu.memory_space<hbm>>
        %dma_start3A_387 = tpu.memref_slice %arg13[%dma_start3A_380] : memref<2x!tpu.dma_semaphore, #tpu.memory_space<semaphore_mem>> -> memref<1x!tpu.dma_semaphore, #tpu.memory_space<semaphore_mem>>
        %dma_start3A_388 = tpu.memref_squeeze %dma_start3A_387 : memref<1x!tpu.dma_semaphore, #tpu.memory_space<semaphore_mem>> -> memref<!tpu.dma_semaphore, #tpu.memory_space<semaphore_mem>>
        tpu.enqueue_indirect_dma source(%dma_start3A_386 : memref<10240x128xf32, #tpu.memory_space<hbm>>) target(%arg8 : memref<80x128xf32, #tpu.memory_space<vmem>>) offsets(%dma_start3A_383 : memref<80xi32, #tpu.memory_space<vmem>>) semaphore(%dma_start3A_388 : memref<!tpu.dma_semaphore, #tpu.memory_space<semaphore_mem>>)
      } else {
      }
      %mul3A_302 = arith.constant 2 : i32
      %mul3A_303 = arith.muli %scan3A_263, %mul3A_302 : i32
      %add3A_304 = arith.constant 1 : i32
      %add3A_305 = arith.addi %mul3A_303, %add3A_304 : i32
      %rem3A_306 = arith.constant 4 : i32
      %rem3A_307 = arith.remsi %add3A_305, %rem3A_306 : i32
      %dma_wait3A_308 = arith.constant 1 : i32
      %dma_wait3A_309 = arith.constant 0 : i32
      %dma_wait3A_310 = tpu.memref_slice %arg6[%rem3A_307, %dma_wait3A_309] : memref<4x80xi32, #tpu.memory_space<vmem>> -> memref<1x80xi32, #tpu.memory_space<vmem>>
      %dma_wait3A_311 = tpu.memref_squeeze %dma_wait3A_310 : memref<1x80xi32, #tpu.memory_space<vmem>> -> memref<80xi32, #tpu.memory_space<vmem>>
      %dma_wait3A_312 = arith.constant 0 : i32
      %dma_wait3A_313 = arith.constant 0 : i32
      %dma_wait3A_314 = tpu.memref_slice %arg2[%dma_wait3A_312, %dma_wait3A_313] : memref<10240x128xf32, #tpu.memory_space<hbm>> -> memref<10240x128xf32, #tpu.memory_space<hbm>>
      %dma_wait3A_315 = tpu.memref_slice %arg13[%dma_wait3A_308] : memref<2x!tpu.dma_semaphore, #tpu.memory_space<semaphore_mem>> -> memref<1x!tpu.dma_semaphore, #tpu.memory_space<semaphore_mem>>
      %dma_wait3A_316 = tpu.memref_squeeze %dma_wait3A_315 : memref<1x!tpu.dma_semaphore, #tpu.memory_space<semaphore_mem>> -> memref<!tpu.dma_semaphore, #tpu.memory_space<semaphore_mem>>
      tpu.wait_indirect_dma semaphore(%dma_wait3A_316 : memref<!tpu.dma_semaphore, #tpu.memory_space<semaphore_mem>>) src(%dma_wait3A_314 : memref<10240x128xf32, #tpu.memory_space<hbm>>) dst(%arg9 : memref<80x128xf32, #tpu.memory_space<vmem>>)
      %dma_start3A_317 = arith.constant 0 : i32
      %dma_start3A_318 = tpu.memref_slice %arg7[%rem3A_307, %dma_start3A_317] : memref<4x80xi32, #tpu.memory_space<vmem>> -> memref<1x80xi32, #tpu.memory_space<vmem>>
      %dma_start3A_319 = tpu.memref_squeeze %dma_start3A_318 : memref<1x80xi32, #tpu.memory_space<vmem>> -> memref<80xi32, #tpu.memory_space<vmem>>
      %dma_start3A_320 = arith.constant 0 : i32
      %dma_start3A_321 = arith.constant 0 : i32
      %dma_start3A_322 = tpu.memref_slice %arg11[%dma_start3A_320, %dma_start3A_321] : memref<10240x128xf32, #tpu.memory_space<vmem_shared>> -> memref<10240x128xf32, #tpu.memory_space<vmem_shared>>
      tpu.enqueue_indirect_dma source(%arg9 : memref<80x128xf32, #tpu.memory_space<vmem>>) target(%dma_start3A_322 : memref<10240x128xf32, #tpu.memory_space<vmem_shared>>) offsets(%dma_start3A_319 : memref<80xi32, #tpu.memory_space<vmem>>) semaphore(%arg14 : memref<!tpu.dma_semaphore, #tpu.memory_space<semaphore_mem>>) {add = true}
      %dma_wait3A_323 = arith.constant 0 : i32
      %dma_wait3A_324 = tpu.memref_slice %arg7[%rem3A_307, %dma_wait3A_323] : memref<4x80xi32, #tpu.memory_space<vmem>> -> memref<1x80xi32, #tpu.memory_space<vmem>>
      %dma_wait3A_325 = tpu.memref_squeeze %dma_wait3A_324 : memref<1x80xi32, #tpu.memory_space<vmem>> -> memref<80xi32, #tpu.memory_space<vmem>>
      %dma_wait3A_326 = arith.constant 0 : i32
      %dma_wait3A_327 = arith.constant 0 : i32
      %dma_wait3A_328 = tpu.memref_slice %arg11[%dma_wait3A_326, %dma_wait3A_327] : memref<10240x128xf32, #tpu.memory_space<vmem_shared>> -> memref<10240x128xf32, #tpu.memory_space<vmem_shared>>
      tpu.wait_indirect_dma semaphore(%arg14 : memref<!tpu.dma_semaphore, #tpu.memory_space<semaphore_mem>>) src(%arg9 : memref<80x128xf32, #tpu.memory_space<vmem>>) dst(%dma_wait3A_328 : memref<10240x128xf32, #tpu.memory_space<vmem_shared>>)
      %add3A_329 = arith.constant 4 : i32
      %add3A_330 = arith.addi %add3A_305, %add3A_329 : i32
      %lt3A_331 = arith.constant 125 : i32
      %lt3A_332 = arith.cmpi slt, %add3A_330, %lt3A_331 : i32
      %convert_element_type3A_333 = arith.extui %lt3A_332 : i1 to i32
      %cond3A_334 = arith.constant 0 : i32
      %cond3A_335 = arith.cmpi ne, %convert_element_type3A_333, %cond3A_334 : i32
      scf.if %cond3A_335 {
        %add3A_344 = arith.constant 4 : i32
        %add3A_345 = arith.addi %add3A_305, %add3A_344 : i32
        %rem3A_346 = arith.constant 4 : i32
        %rem3A_347 = arith.remsi %add3A_345, %rem3A_346 : i32
        %dma_start3A_348 = arith.constant 0 : i32
        %dma_start3A_349 = tpu.memref_slice %arg6[%rem3A_347, %dma_start3A_348] : memref<4x80xi32, #tpu.memory_space<vmem>> -> memref<1x80xi32, #tpu.memory_space<vmem>>
        %dma_start3A_350 = tpu.memref_squeeze %dma_start3A_349 : memref<1x80xi32, #tpu.memory_space<vmem>> -> memref<80xi32, #tpu.memory_space<vmem>>
        %dma_start3A_351 = arith.constant 0 : i32
        %dma_start3A_352 = tpu.memref_slice %arg3[%arg0, %arg1, %add3A_345, %dma_start3A_351] : memref<2x16x125x80xi32, #tpu.memory_space<hbm>> -> memref<1x1x1x80xi32, #tpu.memory_space<hbm>>
        %dma_start3A_353 = tpu.memref_squeeze %dma_start3A_352 : memref<1x1x1x80xi32, #tpu.memory_space<hbm>> -> memref<80xi32, #tpu.memory_space<hbm>>
        %dma_start3A_354 = tpu.memref_slice %arg12[%rem3A_347] : memref<4x!tpu.dma_semaphore, #tpu.memory_space<semaphore_mem>> -> memref<1x!tpu.dma_semaphore, #tpu.memory_space<semaphore_mem>>
        %dma_start3A_355 = tpu.memref_squeeze %dma_start3A_354 : memref<1x!tpu.dma_semaphore, #tpu.memory_space<semaphore_mem>> -> memref<!tpu.dma_semaphore, #tpu.memory_space<semaphore_mem>>
        %dma_start3A_356 = arith.constant 0 : i32
        %dma_start3A_357 = tpu.memref_slice %arg6[%rem3A_347, %dma_start3A_356] : memref<4x80xi32, #tpu.memory_space<vmem>> -> memref<1x80xi32, #tpu.memory_space<vmem>>
        %dma_start3A_358 = tpu.memref_squeeze %dma_start3A_357 : memref<1x80xi32, #tpu.memory_space<vmem>> -> memref<80xi32, #tpu.memory_space<vmem>>
        %dma_start3A_359 = arith.constant 0 : i32
        %dma_start3A_360 = tpu.memref_slice %arg3[%arg0, %arg1, %add3A_345, %dma_start3A_359] : memref<2x16x125x80xi32, #tpu.memory_space<hbm>> -> memref<1x1x1x80xi32, #tpu.memory_space<hbm>>
        %dma_start3A_361 = tpu.memref_squeeze %dma_start3A_360 : memref<1x1x1x80xi32, #tpu.memory_space<hbm>> -> memref<80xi32, #tpu.memory_space<hbm>>
        tpu.enqueue_dma source(%dma_start3A_361 : memref<80xi32, #tpu.memory_space<hbm>>) target(%dma_start3A_358 : memref<80xi32, #tpu.memory_space<vmem>>) target_semaphore(%dma_start3A_355 : memref<!tpu.dma_semaphore, #tpu.memory_space<semaphore_mem>>)
        %dma_start3A_362 = arith.constant 0 : i32
        %dma_start3A_363 = tpu.memref_slice %arg7[%rem3A_347, %dma_start3A_362] : memref<4x80xi32, #tpu.memory_space<vmem>> -> memref<1x80xi32, #tpu.memory_space<vmem>>
        %dma_start3A_364 = tpu.memref_squeeze %dma_start3A_363 : memref<1x80xi32, #tpu.memory_space<vmem>> -> memref<80xi32, #tpu.memory_space<vmem>>
        %dma_start3A_365 = arith.constant 0 : i32
        %dma_start3A_366 = tpu.memref_slice %arg4[%arg0, %arg1, %add3A_345, %dma_start3A_365] : memref<2x16x125x80xi32, #tpu.memory_space<hbm>> -> memref<1x1x1x80xi32, #tpu.memory_space<hbm>>
        %dma_start3A_367 = tpu.memref_squeeze %dma_start3A_366 : memref<1x1x1x80xi32, #tpu.memory_space<hbm>> -> memref<80xi32, #tpu.memory_space<hbm>>
        %dma_start3A_368 = tpu.memref_slice %arg12[%rem3A_347] : memref<4x!tpu.dma_semaphore, #tpu.memory_space<semaphore_mem>> -> memref<1x!tpu.dma_semaphore, #tpu.memory_space<semaphore_mem>>
        %dma_start3A_369 = tpu.memref_squeeze %dma_start3A_368 : memref<1x!tpu.dma_semaphore, #tpu.memory_space<semaphore_mem>> -> memref<!tpu.dma_semaphore, #tpu.memory_space<semaphore_mem>>
        %dma_start3A_370 = arith.constant 0 : i32
        %dma_start3A_371 = tpu.memref_slice %arg7[%rem3A_347, %dma_start3A_370] : memref<4x80xi32, #tpu.memory_space<vmem>> -> memref<1x80xi32, #tpu.memory_space<vmem>>
        %dma_start3A_372 = tpu.memref_squeeze %dma_start3A_371 : memref<1x80xi32, #tpu.memory_space<vmem>> -> memref<80xi32, #tpu.memory_space<vmem>>
        %dma_start3A_373 = arith.constant 0 : i32
        %dma_start3A_374 = tpu.memref_slice %arg4[%arg0, %arg1, %add3A_345, %dma_start3A_373] : memref<2x16x125x80xi32, #tpu.memory_space<hbm>> -> memref<1x1x1x80xi32, #tpu.memory_space<hbm>>
        %dma_start3A_375 = tpu.memref_squeeze %dma_start3A_374 : memref<1x1x1x80xi32, #tpu.memory_space<hbm>> -> memref<80xi32, #tpu.memory_space<hbm>>
        tpu.enqueue_dma source(%dma_start3A_375 : memref<80xi32, #tpu.memory_space<hbm>>) target(%dma_start3A_372 : memref<80xi32, #tpu.memory_space<vmem>>) target_semaphore(%dma_start3A_369 : memref<!tpu.dma_semaphore, #tpu.memory_space<semaphore_mem>>)
      } else {
      }
      %add3A_336 = arith.constant 2 : i32
      %add3A_337 = arith.addi %add3A_305, %add3A_336 : i32
      %lt3A_338 = arith.constant 125 : i32
      %lt3A_339 = arith.cmpi slt, %add3A_337, %lt3A_338 : i32
      %convert_element_type3A_340 = arith.extui %lt3A_339 : i1 to i32
      %cond3A_341 = arith.constant 0 : i32
      %cond3A_342 = arith.cmpi ne, %convert_element_type3A_340, %cond3A_341 : i32
      scf.if %cond3A_342 {
        %add3A_344 = arith.constant 2 : i32
        %add3A_345 = arith.addi %add3A_305, %add3A_344 : i32
        %rem3A_346 = arith.constant 4 : i32
        %rem3A_347 = arith.remsi %add3A_345, %rem3A_346 : i32
        %dma_wait3A_348 = arith.constant 0 : i32
        %dma_wait3A_349 = tpu.memref_slice %arg6[%rem3A_347, %dma_wait3A_348] : memref<4x80xi32, #tpu.memory_space<vmem>> -> memref<1x80xi32, #tpu.memory_space<vmem>>
        %dma_wait3A_350 = tpu.memref_squeeze %dma_wait3A_349 : memref<1x80xi32, #tpu.memory_space<vmem>> -> memref<80xi32, #tpu.memory_space<vmem>>
        %dma_wait3A_351 = arith.constant 0 : i32
        %dma_wait3A_352 = tpu.memref_slice %arg3[%arg0, %arg1, %add3A_345, %dma_wait3A_351] : memref<2x16x125x80xi32, #tpu.memory_space<hbm>> -> memref<1x1x1x80xi32, #tpu.memory_space<hbm>>
        %dma_wait3A_353 = tpu.memref_squeeze %dma_wait3A_352 : memref<1x1x1x80xi32, #tpu.memory_space<hbm>> -> memref<80xi32, #tpu.memory_space<hbm>>
        %dma_wait3A_354 = tpu.memref_slice %arg12[%rem3A_347] : memref<4x!tpu.dma_semaphore, #tpu.memory_space<semaphore_mem>> -> memref<1x!tpu.dma_semaphore, #tpu.memory_space<semaphore_mem>>
        %dma_wait3A_355 = tpu.memref_squeeze %dma_wait3A_354 : memref<1x!tpu.dma_semaphore, #tpu.memory_space<semaphore_mem>> -> memref<!tpu.dma_semaphore, #tpu.memory_space<semaphore_mem>>
        %dma_wait3A_356 = arith.constant 0 : i32
        %dma_wait3A_357 = tpu.memref_slice %arg6[%rem3A_347, %dma_wait3A_356] : memref<4x80xi32, #tpu.memory_space<vmem>> -> memref<1x80xi32, #tpu.memory_space<vmem>>
        %dma_wait3A_358 = tpu.memref_squeeze %dma_wait3A_357 : memref<1x80xi32, #tpu.memory_space<vmem>> -> memref<80xi32, #tpu.memory_space<vmem>>
        %dma_wait3A_359 = arith.constant 0 : i32
        %dma_wait3A_360 = tpu.memref_slice %arg3[%arg0, %arg1, %add3A_345, %dma_wait3A_359] : memref<2x16x125x80xi32, #tpu.memory_space<hbm>> -> memref<1x1x1x80xi32, #tpu.memory_space<hbm>>
        %dma_wait3A_361 = tpu.memref_squeeze %dma_wait3A_360 : memref<1x1x1x80xi32, #tpu.memory_space<hbm>> -> memref<80xi32, #tpu.memory_space<hbm>>
        tpu.wait_dma2 semaphore(%dma_wait3A_355 : memref<!tpu.dma_semaphore, #tpu.memory_space<semaphore_mem>>) src(%dma_wait3A_361 : memref<80xi32, #tpu.memory_space<hbm>>) dst(%dma_wait3A_358 : memref<80xi32, #tpu.memory_space<vmem>>)
        %dma_wait3A_362 = arith.constant 0 : i32
        %dma_wait3A_363 = tpu.memref_slice %arg7[%rem3A_347, %dma_wait3A_362] : memref<4x80xi32, #tpu.memory_space<vmem>> -> memref<1x80xi32, #tpu.memory_space<vmem>>
        %dma_wait3A_364 = tpu.memref_squeeze %dma_wait3A_363 : memref<1x80xi32, #tpu.memory_space<vmem>> -> memref<80xi32, #tpu.memory_space<vmem>>
        %dma_wait3A_365 = arith.constant 0 : i32
        %dma_wait3A_366 = tpu.memref_slice %arg4[%arg0, %arg1, %add3A_345, %dma_wait3A_365] : memref<2x16x125x80xi32, #tpu.memory_space<hbm>> -> memref<1x1x1x80xi32, #tpu.memory_space<hbm>>
        %dma_wait3A_367 = tpu.memref_squeeze %dma_wait3A_366 : memref<1x1x1x80xi32, #tpu.memory_space<hbm>> -> memref<80xi32, #tpu.memory_space<hbm>>
        %dma_wait3A_368 = tpu.memref_slice %arg12[%rem3A_347] : memref<4x!tpu.dma_semaphore, #tpu.memory_space<semaphore_mem>> -> memref<1x!tpu.dma_semaphore, #tpu.memory_space<semaphore_mem>>
        %dma_wait3A_369 = tpu.memref_squeeze %dma_wait3A_368 : memref<1x!tpu.dma_semaphore, #tpu.memory_space<semaphore_mem>> -> memref<!tpu.dma_semaphore, #tpu.memory_space<semaphore_mem>>
        %dma_wait3A_370 = arith.constant 0 : i32
        %dma_wait3A_371 = tpu.memref_slice %arg7[%rem3A_347, %dma_wait3A_370] : memref<4x80xi32, #tpu.memory_space<vmem>> -> memref<1x80xi32, #tpu.memory_space<vmem>>
        %dma_wait3A_372 = tpu.memref_squeeze %dma_wait3A_371 : memref<1x80xi32, #tpu.memory_space<vmem>> -> memref<80xi32, #tpu.memory_space<vmem>>
        %dma_wait3A_373 = arith.constant 0 : i32
        %dma_wait3A_374 = tpu.memref_slice %arg4[%arg0, %arg1, %add3A_345, %dma_wait3A_373] : memref<2x16x125x80xi32, #tpu.memory_space<hbm>> -> memref<1x1x1x80xi32, #tpu.memory_space<hbm>>
        %dma_wait3A_375 = tpu.memref_squeeze %dma_wait3A_374 : memref<1x1x1x80xi32, #tpu.memory_space<hbm>> -> memref<80xi32, #tpu.memory_space<hbm>>
        tpu.wait_dma2 semaphore(%dma_wait3A_369 : memref<!tpu.dma_semaphore, #tpu.memory_space<semaphore_mem>>) src(%dma_wait3A_375 : memref<80xi32, #tpu.memory_space<hbm>>) dst(%dma_wait3A_372 : memref<80xi32, #tpu.memory_space<vmem>>)
        %add3A_376 = arith.constant 2 : i32
        %add3A_377 = arith.addi %add3A_305, %add3A_376 : i32
        %rem3A_378 = arith.constant 4 : i32
        %rem3A_379 = arith.remsi %add3A_377, %rem3A_378 : i32
        %dma_start3A_380 = arith.constant 1 : i32
        %dma_start3A_381 = arith.constant 0 : i32
        %dma_start3A_382 = tpu.memref_slice %arg6[%rem3A_379, %dma_start3A_381] : memref<4x80xi32, #tpu.memory_space<vmem>> -> memref<1x80xi32, #tpu.memory_space<vmem>>
        %dma_start3A_383 = tpu.memref_squeeze %dma_start3A_382 : memref<1x80xi32, #tpu.memory_space<vmem>> -> memref<80xi32, #tpu.memory_space<vmem>>
        %dma_start3A_384 = arith.constant 0 : i32
        %dma_start3A_385 = arith.constant 0 : i32
        %dma_start3A_386 = tpu.memref_slice %arg2[%dma_start3A_384, %dma_start3A_385] : memref<10240x128xf32, #tpu.memory_space<hbm>> -> memref<10240x128xf32, #tpu.memory_space<hbm>>
        %dma_start3A_387 = tpu.memref_slice %arg13[%dma_start3A_380] : memref<2x!tpu.dma_semaphore, #tpu.memory_space<semaphore_mem>> -> memref<1x!tpu.dma_semaphore, #tpu.memory_space<semaphore_mem>>
        %dma_start3A_388 = tpu.memref_squeeze %dma_start3A_387 : memref<1x!tpu.dma_semaphore, #tpu.memory_space<semaphore_mem>> -> memref<!tpu.dma_semaphore, #tpu.memory_space<semaphore_mem>>
        tpu.enqueue_indirect_dma source(%dma_start3A_386 : memref<10240x128xf32, #tpu.memory_space<hbm>>) target(%arg9 : memref<80x128xf32, #tpu.memory_space<vmem>>) offsets(%dma_start3A_383 : memref<80xi32, #tpu.memory_space<vmem>>) semaphore(%dma_start3A_388 : memref<!tpu.dma_semaphore, #tpu.memory_space<semaphore_mem>>)
      } else {
      }
      %scan3A_343 = arith.constant 0 : i32
      scf.yield %scan3A_343 : i32
    }
    %scan3A_234 = arith.constant 62 : i32
    %rem3A_235 = arith.constant 124 : i32
    %rem3A_236 = arith.constant 4 : i32
    %rem3A_237 = arith.remsi %rem3A_235, %rem3A_236 : i32
    %dma_wait3A_238 = arith.constant 0 : i32
    %dma_wait3A_239 = arith.constant 0 : i32
    %dma_wait3A_240 = tpu.memref_slice %arg6[%rem3A_237, %dma_wait3A_239] : memref<4x80xi32, #tpu.memory_space<vmem>> -> memref<1x80xi32, #tpu.memory_space<vmem>>
    %dma_wait3A_241 = tpu.memref_squeeze %dma_wait3A_240 : memref<1x80xi32, #tpu.memory_space<vmem>> -> memref<80xi32, #tpu.memory_space<vmem>>
    %dma_wait3A_242 = arith.constant 0 : i32
    %dma_wait3A_243 = arith.constant 0 : i32
    %dma_wait3A_244 = tpu.memref_slice %arg2[%dma_wait3A_242, %dma_wait3A_243] : memref<10240x128xf32, #tpu.memory_space<hbm>> -> memref<10240x128xf32, #tpu.memory_space<hbm>>
    %dma_wait3A_245 = tpu.memref_slice %arg13[%dma_wait3A_238] : memref<2x!tpu.dma_semaphore, #tpu.memory_space<semaphore_mem>> -> memref<1x!tpu.dma_semaphore, #tpu.memory_space<semaphore_mem>>
    %dma_wait3A_246 = tpu.memref_squeeze %dma_wait3A_245 : memref<1x!tpu.dma_semaphore, #tpu.memory_space<semaphore_mem>> -> memref<!tpu.dma_semaphore, #tpu.memory_space<semaphore_mem>>
    tpu.wait_indirect_dma semaphore(%dma_wait3A_246 : memref<!tpu.dma_semaphore, #tpu.memory_space<semaphore_mem>>) src(%dma_wait3A_244 : memref<10240x128xf32, #tpu.memory_space<hbm>>) dst(%arg8 : memref<80x128xf32, #tpu.memory_space<vmem>>)
    %dma_start3A_247 = arith.constant 0 : i32
    %dma_start3A_248 = tpu.memref_slice %arg7[%rem3A_237, %dma_start3A_247] : memref<4x80xi32, #tpu.memory_space<vmem>> -> memref<1x80xi32, #tpu.memory_space<vmem>>
    %dma_start3A_249 = tpu.memref_squeeze %dma_start3A_248 : memref<1x80xi32, #tpu.memory_space<vmem>> -> memref<80xi32, #tpu.memory_space<vmem>>
    %dma_start3A_250 = arith.constant 0 : i32
    %dma_start3A_251 = arith.constant 0 : i32
    %dma_start3A_252 = tpu.memref_slice %arg11[%dma_start3A_250, %dma_start3A_251] : memref<10240x128xf32, #tpu.memory_space<vmem_shared>> -> memref<10240x128xf32, #tpu.memory_space<vmem_shared>>
    tpu.enqueue_indirect_dma source(%arg8 : memref<80x128xf32, #tpu.memory_space<vmem>>) target(%dma_start3A_252 : memref<10240x128xf32, #tpu.memory_space<vmem_shared>>) offsets(%dma_start3A_249 : memref<80xi32, #tpu.memory_space<vmem>>) semaphore(%arg14 : memref<!tpu.dma_semaphore, #tpu.memory_space<semaphore_mem>>) {add = true}
    %dma_wait3A_253 = arith.constant 0 : i32
    %dma_wait3A_254 = tpu.memref_slice %arg7[%rem3A_237, %dma_wait3A_253] : memref<4x80xi32, #tpu.memory_space<vmem>> -> memref<1x80xi32, #tpu.memory_space<vmem>>
    %dma_wait3A_255 = tpu.memref_squeeze %dma_wait3A_254 : memref<1x80xi32, #tpu.memory_space<vmem>> -> memref<80xi32, #tpu.memory_space<vmem>>
    %dma_wait3A_256 = arith.constant 0 : i32
    %dma_wait3A_257 = arith.constant 0 : i32
    %dma_wait3A_258 = tpu.memref_slice %arg11[%dma_wait3A_256, %dma_wait3A_257] : memref<10240x128xf32, #tpu.memory_space<vmem_shared>> -> memref<10240x128xf32, #tpu.memory_space<vmem_shared>>
    tpu.wait_indirect_dma semaphore(%arg14 : memref<!tpu.dma_semaphore, #tpu.memory_space<semaphore_mem>>) src(%arg8 : memref<80x128xf32, #tpu.memory_space<vmem>>) dst(%dma_wait3A_258 : memref<10240x128xf32, #tpu.memory_space<vmem_shared>>)
    %barrier3A_259 = arith.constant 0 : index
    tpu.barrier barrier_id(%barrier3A_259)
    %mul3A = arith.constant 640 : i32
    %mul3A_260 = arith.muli %mul3A, %arg1 : i32
    %mul3A_261 = arith.constant 640 : i32
    %mul3A_262 = arith.muli %mul3A_261, %arg1 : i32
    "tpu.region"() ({
      %run_scoped3A = tpu.sem_alloc : memref<!tpu.dma_semaphore, #tpu.memory_space<semaphore_mem>>
      %dma_start3A_263 = arith.constant 0 : i32
      %dma_start3A_264 = tpu.memref_slice %arg5[%arg0, %mul3A_262, %dma_start3A_263] : memref<2x10240x128xf32, #tpu.memory_space<hbm>> -> memref<1x640x128xf32, #tpu.memory_space<hbm>>
      %dma_start3A_265 = tpu.memref_squeeze %dma_start3A_264 : memref<1x640x128xf32, #tpu.memory_space<hbm>> -> memref<640x128xf32, #tpu.memory_space<hbm>>
      %dma_start3A_266 = arith.constant 0 : i32
      %dma_start3A_267 = tpu.memref_slice %arg11[%mul3A_260, %dma_start3A_266] : memref<10240x128xf32, #tpu.memory_space<vmem_shared>> -> memref<640x128xf32, #tpu.memory_space<vmem_shared>>
      tpu.enqueue_dma source(%dma_start3A_267 : memref<640x128xf32, #tpu.memory_space<vmem_shared>>) target(%dma_start3A_265 : memref<640x128xf32, #tpu.memory_space<hbm>>) target_semaphore(%run_scoped3A : memref<!tpu.dma_semaphore, #tpu.memory_space<semaphore_mem>>)
      %dma_wait3A_268 = arith.constant 0 : i32
      %dma_wait3A_269 = tpu.memref_slice %arg5[%arg0, %mul3A_262, %dma_wait3A_268] : memref<2x10240x128xf32, #tpu.memory_space<hbm>> -> memref<1x640x128xf32, #tpu.memory_space<hbm>>
      %dma_wait3A_270 = tpu.memref_squeeze %dma_wait3A_269 : memref<1x640x128xf32, #tpu.memory_space<hbm>> -> memref<640x128xf32, #tpu.memory_space<hbm>>
      %dma_wait3A_271 = arith.constant 0 : i32
      %dma_wait3A_272 = tpu.memref_slice %arg11[%mul3A_260, %dma_wait3A_271] : memref<10240x128xf32, #tpu.memory_space<vmem_shared>> -> memref<640x128xf32, #tpu.memory_space<vmem_shared>>
      tpu.wait_dma2 semaphore(%run_scoped3A : memref<!tpu.dma_semaphore, #tpu.memory_space<semaphore_mem>>) src(%dma_wait3A_272 : memref<640x128xf32, #tpu.memory_space<vmem_shared>>) dst(%dma_wait3A_270 : memref<640x128xf32, #tpu.memory_space<hbm>>)
      tpu.yield
    }) : () -> ()
    return
  }
}

#map = affine_map<(d0, d1) -> (0, 0, 0, 0)>
#map1 = affine_map<(d0, d1) -> (0, 0)>
module attributes {stable_mosaic.version = 14 : i64} {
  func.func @_deg_kernel(%arg0: i32, %arg1: i32, %arg2: memref<2x16x125x80xi32, #tpu.memory_space<hbm>>, %arg3: memref<2x10240xf32, #tpu.memory_space<hbm>>, %arg4: memref<125x80xi32, #tpu.memory_space<vmem>>, %arg5: memref<80xf32, #tpu.memory_space<vmem>>, %arg6: memref<640xf32, #tpu.memory_space<vmem>>, %arg7: memref<10240xf32, #tpu.memory_space<vmem_shared>>, %arg8: memref<!tpu.dma_semaphore, #tpu.memory_space<semaphore_mem>>) attributes {dimension_semantics = [#tpu.dimension_semantics<core_parallel>, #tpu.dimension_semantics<subcore_parallel>], iteration_bounds = array<i64: 2, 16>, scalar_prefetch = 0 : i64, scratch_operands = 5 : i64, tpu.core_type = #tpu.core_type<sc_vector_subcore>, window_params = [{transform_indices = #map}, {transform_indices = #map1}]} {
    "tpu.region"() ({
      %run_scoped3A = tpu.sem_alloc : memref<!tpu.dma_semaphore, #tpu.memory_space<semaphore_mem>>
      %dma_start3A = arith.constant 0 : i32
      %dma_start3A_47 = arith.constant 0 : i32
      %dma_start3A_48 = tpu.memref_slice %arg2[%arg0, %arg1, %dma_start3A, %dma_start3A_47] : memref<2x16x125x80xi32, #tpu.memory_space<hbm>> -> memref<1x1x125x80xi32, #tpu.memory_space<hbm>>
      %dma_start3A_49 = tpu.memref_squeeze %dma_start3A_48 : memref<1x1x125x80xi32, #tpu.memory_space<hbm>> -> memref<125x80xi32, #tpu.memory_space<hbm>>
      %dma_start3A_50 = arith.constant 0 : i32
      %dma_start3A_51 = arith.constant 0 : i32
      %dma_start3A_52 = tpu.memref_slice %arg2[%arg0, %arg1, %dma_start3A_50, %dma_start3A_51] : memref<2x16x125x80xi32, #tpu.memory_space<hbm>> -> memref<1x1x125x80xi32, #tpu.memory_space<hbm>>
      %dma_start3A_53 = tpu.memref_squeeze %dma_start3A_52 : memref<1x1x125x80xi32, #tpu.memory_space<hbm>> -> memref<125x80xi32, #tpu.memory_space<hbm>>
      tpu.enqueue_dma source(%dma_start3A_53 : memref<125x80xi32, #tpu.memory_space<hbm>>) target(%arg4 : memref<125x80xi32, #tpu.memory_space<vmem>>) target_semaphore(%run_scoped3A : memref<!tpu.dma_semaphore, #tpu.memory_space<semaphore_mem>>)
      %dma_wait3A = arith.constant 0 : i32
      %dma_wait3A_54 = arith.constant 0 : i32
      %dma_wait3A_55 = tpu.memref_slice %arg2[%arg0, %arg1, %dma_wait3A, %dma_wait3A_54] : memref<2x16x125x80xi32, #tpu.memory_space<hbm>> -> memref<1x1x125x80xi32, #tpu.memory_space<hbm>>
      %dma_wait3A_56 = tpu.memref_squeeze %dma_wait3A_55 : memref<1x1x125x80xi32, #tpu.memory_space<hbm>> -> memref<125x80xi32, #tpu.memory_space<hbm>>
      %dma_wait3A_57 = arith.constant 0 : i32
      %dma_wait3A_58 = arith.constant 0 : i32
      %dma_wait3A_59 = tpu.memref_slice %arg2[%arg0, %arg1, %dma_wait3A_57, %dma_wait3A_58] : memref<2x16x125x80xi32, #tpu.memory_space<hbm>> -> memref<1x1x125x80xi32, #tpu.memory_space<hbm>>
      %dma_wait3A_60 = tpu.memref_squeeze %dma_wait3A_59 : memref<1x1x125x80xi32, #tpu.memory_space<hbm>> -> memref<125x80xi32, #tpu.memory_space<hbm>>
      tpu.wait_dma2 semaphore(%run_scoped3A : memref<!tpu.dma_semaphore, #tpu.memory_space<semaphore_mem>>) src(%dma_wait3A_60 : memref<125x80xi32, #tpu.memory_space<hbm>>) dst(%arg4 : memref<125x80xi32, #tpu.memory_space<vmem>>)
      tpu.yield
    }) : () -> ()
    %broadcast_in_dim3A = arith.constant 1.000000e+00 : f32
    %broadcast_in_dim3A_0 = vector.broadcast %broadcast_in_dim3A : f32 to vector<16xf32>
    %swap3A = arith.constant 0 : index
    %swap3A_1 = tpu.vector_load %arg5[%swap3A] {strides = array<i32>} : memref<80xf32, #tpu.memory_space<vmem>>, vector<16xf32>,
    %swap3A_2 = vector.shape_cast %swap3A_1 : vector<16xf32> to vector<16xf32>
    %swap3A_3 = vector.shape_cast %broadcast_in_dim3A_0 : vector<16xf32> to vector<16xf32>
    tpu.vector_store %arg5[%swap3A], %swap3A_3 {strides = array<i32>} : memref<80xf32, #tpu.memory_space<vmem>>, vector<16xf32>,
    %broadcast_in_dim3A_4 = arith.constant 1.000000e+00 : f32
    %broadcast_in_dim3A_5 = vector.broadcast %broadcast_in_dim3A_4 : f32 to vector<16xf32>
    %swap3A_6 = arith.constant 16 : index
    %swap3A_7 = tpu.vector_load %arg5[%swap3A_6] {strides = array<i32>} : memref<80xf32, #tpu.memory_space<vmem>>, vector<16xf32>,
    %swap3A_8 = vector.shape_cast %swap3A_7 : vector<16xf32> to vector<16xf32>
    %swap3A_9 = vector.shape_cast %broadcast_in_dim3A_5 : vector<16xf32> to vector<16xf32>
    tpu.vector_store %arg5[%swap3A_6], %swap3A_9 {strides = array<i32>} : memref<80xf32, #tpu.memory_space<vmem>>, vector<16xf32>,
    %broadcast_in_dim3A_10 = arith.constant 1.000000e+00 : f32
    %broadcast_in_dim3A_11 = vector.broadcast %broadcast_in_dim3A_10 : f32 to vector<16xf32>
    %swap3A_12 = arith.constant 32 : index
    %swap3A_13 = tpu.vector_load %arg5[%swap3A_12] {strides = array<i32>} : memref<80xf32, #tpu.memory_space<vmem>>, vector<16xf32>,
    %swap3A_14 = vector.shape_cast %swap3A_13 : vector<16xf32> to vector<16xf32>
    %swap3A_15 = vector.shape_cast %broadcast_in_dim3A_11 : vector<16xf32> to vector<16xf32>
    tpu.vector_store %arg5[%swap3A_12], %swap3A_15 {strides = array<i32>} : memref<80xf32, #tpu.memory_space<vmem>>, vector<16xf32>,
    %broadcast_in_dim3A_16 = arith.constant 1.000000e+00 : f32
    %broadcast_in_dim3A_17 = vector.broadcast %broadcast_in_dim3A_16 : f32 to vector<16xf32>
    %swap3A_18 = arith.constant 48 : index
    %swap3A_19 = tpu.vector_load %arg5[%swap3A_18] {strides = array<i32>} : memref<80xf32, #tpu.memory_space<vmem>>, vector<16xf32>,
    %swap3A_20 = vector.shape_cast %swap3A_19 : vector<16xf32> to vector<16xf32>
    %swap3A_21 = vector.shape_cast %broadcast_in_dim3A_17 : vector<16xf32> to vector<16xf32>
    tpu.vector_store %arg5[%swap3A_18], %swap3A_21 {strides = array<i32>} : memref<80xf32, #tpu.memory_space<vmem>>, vector<16xf32>,
    %broadcast_in_dim3A_22 = arith.constant 1.000000e+00 : f32
    %broadcast_in_dim3A_23 = vector.broadcast %broadcast_in_dim3A_22 : f32 to vector<16xf32>
    %swap3A_24 = arith.constant 64 : index
    %swap3A_25 = tpu.vector_load %arg5[%swap3A_24] {strides = array<i32>} : memref<80xf32, #tpu.memory_space<vmem>>, vector<16xf32>,
    %swap3A_26 = vector.shape_cast %swap3A_25 : vector<16xf32> to vector<16xf32>
    %swap3A_27 = vector.shape_cast %broadcast_in_dim3A_23 : vector<16xf32> to vector<16xf32>
    tpu.vector_store %arg5[%swap3A_24], %swap3A_27 {strides = array<i32>} : memref<80xf32, #tpu.memory_space<vmem>>, vector<16xf32>,
    %scan3A = arith.constant 0 : i32
    %scan3A_28 = arith.constant 0 : i32
    %scan3A_29 = arith.constant 40 : i32
    %scan3A_30 = arith.addi %scan3A_28, %scan3A_29 : i32
    %scan3A_31 = arith.constant 1 : i32
    %scan3A_32 = scf.for %scan3A_47 = %scan3A_28 to %scan3A_30 step %scan3A_31 iter_args(%scan3A_48 = %scan3A) -> (i32)  : i32 {
      %broadcast_in_dim3A_49 = arith.constant 0.000000e+00 : f32
      %broadcast_in_dim3A_50 = vector.broadcast %broadcast_in_dim3A_49 : f32 to vector<16xf32>
      %mul3A_51 = arith.constant 16 : i32
      %mul3A_52 = arith.muli %mul3A_51, %scan3A_47 : i32
      %swap3A_53 = arith.index_cast %mul3A_52 : i32 to index
      %swap3A_54 = tpu.vector_load %arg6[%swap3A_53] {strides = array<i32>} : memref<640xf32, #tpu.memory_space<vmem>>, vector<16xf32>,
      %swap3A_55 = vector.shape_cast %swap3A_54 : vector<16xf32> to vector<16xf32>
      %swap3A_56 = vector.shape_cast %broadcast_in_dim3A_50 : vector<16xf32> to vector<16xf32>
      tpu.vector_store %arg6[%swap3A_53], %swap3A_56 {strides = array<i32>} : memref<640xf32, #tpu.memory_space<vmem>>, vector<16xf32>,
      %scan3A_57 = arith.constant 0 : i32
      scf.yield %scan3A_57 : i32
    }
    %scan3A_33 = arith.constant 40 : i32
    %mul3A = arith.constant 640 : i32
    %mul3A_34 = arith.muli %mul3A, %arg1 : i32
    "tpu.region"() ({
      %run_scoped3A = tpu.sem_alloc : memref<!tpu.dma_semaphore, #tpu.memory_space<semaphore_mem>>
      %dma_start3A = tpu.memref_slice %arg7[%mul3A_34] : memref<10240xf32, #tpu.memory_space<vmem_shared>> -> memref<640xf32, #tpu.memory_space<vmem_shared>>
      %dma_start3A_47 = tpu.memref_slice %arg7[%mul3A_34] : memref<10240xf32, #tpu.memory_space<vmem_shared>> -> memref<640xf32, #tpu.memory_space<vmem_shared>>
      tpu.enqueue_dma source(%arg6 : memref<640xf32, #tpu.memory_space<vmem>>) target(%dma_start3A_47 : memref<640xf32, #tpu.memory_space<vmem_shared>>) target_semaphore(%run_scoped3A : memref<!tpu.dma_semaphore, #tpu.memory_space<semaphore_mem>>)
      %dma_wait3A = tpu.memref_slice %arg7[%mul3A_34] : memref<10240xf32, #tpu.memory_space<vmem_shared>> -> memref<640xf32, #tpu.memory_space<vmem_shared>>
      %dma_wait3A_48 = tpu.memref_slice %arg7[%mul3A_34] : memref<10240xf32, #tpu.memory_space<vmem_shared>> -> memref<640xf32, #tpu.memory_space<vmem_shared>>
      tpu.wait_dma2 semaphore(%run_scoped3A : memref<!tpu.dma_semaphore, #tpu.memory_space<semaphore_mem>>) src(%arg6 : memref<640xf32, #tpu.memory_space<vmem>>) dst(%dma_wait3A_48 : memref<640xf32, #tpu.memory_space<vmem_shared>>)
      tpu.yield
    }) : () -> ()
    %barrier3A = arith.constant 0 : index
    tpu.barrier barrier_id(%barrier3A)
    %scan3A_35 = arith.constant 0 : i32
    %scan3A_36 = arith.constant 0 : i32
    %scan3A_37 = arith.constant 5 : i32
    %scan3A_38 = arith.addi %scan3A_36, %scan3A_37 : i32
    %scan3A_39 = arith.constant 1 : i32
    %scan3A_40 = scf.for %scan3A_47 = %scan3A_36 to %scan3A_38 step %scan3A_39 iter_args(%scan3A_48 = %scan3A_35) -> (i32)  : i32 {
      %mul3A_49 = arith.constant 25 : i32
      %mul3A_50 = arith.muli %scan3A_47, %mul3A_49 : i32
      %add3A = arith.constant 0 : i32
      %add3A_51 = arith.addi %mul3A_50, %add3A : i32
      %dma_start3A = arith.constant 0 : i32
      %dma_start3A_52 = tpu.memref_slice %arg4[%add3A_51, %dma_start3A] : memref<125x80xi32, #tpu.memory_space<vmem>> -> memref<1x80xi32, #tpu.memory_space<vmem>>
      %dma_start3A_53 = tpu.memref_squeeze %dma_start3A_52 : memref<1x80xi32, #tpu.memory_space<vmem>> -> memref<80xi32, #tpu.memory_space<vmem>>
      %dma_start3A_54 = arith.constant 0 : i32
      %dma_start3A_55 = tpu.memref_slice %arg7[%dma_start3A_54] : memref<10240xf32, #tpu.memory_space<vmem_shared>> -> memref<10240xf32, #tpu.memory_space<vmem_shared>>
      tpu.enqueue_indirect_dma source(%arg5 : memref<80xf32, #tpu.memory_space<vmem>>) target(%dma_start3A_55 : memref<10240xf32, #tpu.memory_space<vmem_shared>>) offsets(%dma_start3A_53 : memref<80xi32, #tpu.memory_space<vmem>>) semaphore(%arg8 : memref<!tpu.dma_semaphore, #tpu.memory_space<semaphore_mem>>) {add = true}
      %mul3A_56 = arith.constant 25 : i32
      %mul3A_57 = arith.muli %scan3A_47, %mul3A_56 : i32
      %add3A_58 = arith.constant 1 : i32
      %add3A_59 = arith.addi %mul3A_57, %add3A_58 : i32
      %dma_start3A_60 = arith.constant 0 : i32
      %dma_start3A_61 = tpu.memref_slice %arg4[%add3A_59, %dma_start3A_60] : memref<125x80xi32, #tpu.memory_space<vmem>> -> memref<1x80xi32, #tpu.memory_space<vmem>>
      %dma_start3A_62 = tpu.memref_squeeze %dma_start3A_61 : memref<1x80xi32, #tpu.memory_space<vmem>> -> memref<80xi32, #tpu.memory_space<vmem>>
      %dma_start3A_63 = arith.constant 0 : i32
      %dma_start3A_64 = tpu.memref_slice %arg7[%dma_start3A_63] : memref<10240xf32, #tpu.memory_space<vmem_shared>> -> memref<10240xf32, #tpu.memory_space<vmem_shared>>
      tpu.enqueue_indirect_dma source(%arg5 : memref<80xf32, #tpu.memory_space<vmem>>) target(%dma_start3A_64 : memref<10240xf32, #tpu.memory_space<vmem_shared>>) offsets(%dma_start3A_62 : memref<80xi32, #tpu.memory_space<vmem>>) semaphore(%arg8 : memref<!tpu.dma_semaphore, #tpu.memory_space<semaphore_mem>>) {add = true}
      %mul3A_65 = arith.constant 25 : i32
      %mul3A_66 = arith.muli %scan3A_47, %mul3A_65 : i32
      %add3A_67 = arith.constant 2 : i32
      %add3A_68 = arith.addi %mul3A_66, %add3A_67 : i32
      %dma_start3A_69 = arith.constant 0 : i32
      %dma_start3A_70 = tpu.memref_slice %arg4[%add3A_68, %dma_start3A_69] : memref<125x80xi32, #tpu.memory_space<vmem>> -> memref<1x80xi32, #tpu.memory_space<vmem>>
      %dma_start3A_71 = tpu.memref_squeeze %dma_start3A_70 : memref<1x80xi32, #tpu.memory_space<vmem>> -> memref<80xi32, #tpu.memory_space<vmem>>
      %dma_start3A_72 = arith.constant 0 : i32
      %dma_start3A_73 = tpu.memref_slice %arg7[%dma_start3A_72] : memref<10240xf32, #tpu.memory_space<vmem_shared>> -> memref<10240xf32, #tpu.memory_space<vmem_shared>>
      tpu.enqueue_indirect_dma source(%arg5 : memref<80xf32, #tpu.memory_space<vmem>>) target(%dma_start3A_73 : memref<10240xf32, #tpu.memory_space<vmem_shared>>) offsets(%dma_start3A_71 : memref<80xi32, #tpu.memory_space<vmem>>) semaphore(%arg8 : memref<!tpu.dma_semaphore, #tpu.memory_space<semaphore_mem>>) {add = true}
      %mul3A_74 = arith.constant 25 : i32
      %mul3A_75 = arith.muli %scan3A_47, %mul3A_74 : i32
      %add3A_76 = arith.constant 3 : i32
      %add3A_77 = arith.addi %mul3A_75, %add3A_76 : i32
      %dma_start3A_78 = arith.constant 0 : i32
      %dma_start3A_79 = tpu.memref_slice %arg4[%add3A_77, %dma_start3A_78] : memref<125x80xi32, #tpu.memory_space<vmem>> -> memref<1x80xi32, #tpu.memory_space<vmem>>
      %dma_start3A_80 = tpu.memref_squeeze %dma_start3A_79 : memref<1x80xi32, #tpu.memory_space<vmem>> -> memref<80xi32, #tpu.memory_space<vmem>>
      %dma_start3A_81 = arith.constant 0 : i32
      %dma_start3A_82 = tpu.memref_slice %arg7[%dma_start3A_81] : memref<10240xf32, #tpu.memory_space<vmem_shared>> -> memref<10240xf32, #tpu.memory_space<vmem_shared>>
      tpu.enqueue_indirect_dma source(%arg5 : memref<80xf32, #tpu.memory_space<vmem>>) target(%dma_start3A_82 : memref<10240xf32, #tpu.memory_space<vmem_shared>>) offsets(%dma_start3A_80 : memref<80xi32, #tpu.memory_space<vmem>>) semaphore(%arg8 : memref<!tpu.dma_semaphore, #tpu.memory_space<semaphore_mem>>) {add = true}
      %mul3A_83 = arith.constant 25 : i32
      %mul3A_84 = arith.muli %scan3A_47, %mul3A_83 : i32
      %add3A_85 = arith.constant 4 : i32
      %add3A_86 = arith.addi %mul3A_84, %add3A_85 : i32
      %dma_start3A_87 = arith.constant 0 : i32
      %dma_start3A_88 = tpu.memref_slice %arg4[%add3A_86, %dma_start3A_87] : memref<125x80xi32, #tpu.memory_space<vmem>> -> memref<1x80xi32, #tpu.memory_space<vmem>>
      %dma_start3A_89 = tpu.memref_squeeze %dma_start3A_88 : memref<1x80xi32, #tpu.memory_space<vmem>> -> memref<80xi32, #tpu.memory_space<vmem>>
      %dma_start3A_90 = arith.constant 0 : i32
      %dma_start3A_91 = tpu.memref_slice %arg7[%dma_start3A_90] : memref<10240xf32, #tpu.memory_space<vmem_shared>> -> memref<10240xf32, #tpu.memory_space<vmem_shared>>
      tpu.enqueue_indirect_dma source(%arg5 : memref<80xf32, #tpu.memory_space<vmem>>) target(%dma_start3A_91 : memref<10240xf32, #tpu.memory_space<vmem_shared>>) offsets(%dma_start3A_89 : memref<80xi32, #tpu.memory_space<vmem>>) semaphore(%arg8 : memref<!tpu.dma_semaphore, #tpu.memory_space<semaphore_mem>>) {add = true}
      %mul3A_92 = arith.constant 25 : i32
      %mul3A_93 = arith.muli %scan3A_47, %mul3A_92 : i32
      %add3A_94 = arith.constant 5 : i32
      %add3A_95 = arith.addi %mul3A_93, %add3A_94 : i32
      %dma_start3A_96 = arith.constant 0 : i32
      %dma_start3A_97 = tpu.memref_slice %arg4[%add3A_95, %dma_start3A_96] : memref<125x80xi32, #tpu.memory_space<vmem>> -> memref<1x80xi32, #tpu.memory_space<vmem>>
      %dma_start3A_98 = tpu.memref_squeeze %dma_start3A_97 : memref<1x80xi32, #tpu.memory_space<vmem>> -> memref<80xi32, #tpu.memory_space<vmem>>
      %dma_start3A_99 = arith.constant 0 : i32
      %dma_start3A_100 = tpu.memref_slice %arg7[%dma_start3A_99] : memref<10240xf32, #tpu.memory_space<vmem_shared>> -> memref<10240xf32, #tpu.memory_space<vmem_shared>>
      tpu.enqueue_indirect_dma source(%arg5 : memref<80xf32, #tpu.memory_space<vmem>>) target(%dma_start3A_100 : memref<10240xf32, #tpu.memory_space<vmem_shared>>) offsets(%dma_start3A_98 : memref<80xi32, #tpu.memory_space<vmem>>) semaphore(%arg8 : memref<!tpu.dma_semaphore, #tpu.memory_space<semaphore_mem>>) {add = true}
      %mul3A_101 = arith.constant 25 : i32
      %mul3A_102 = arith.muli %scan3A_47, %mul3A_101 : i32
      %add3A_103 = arith.constant 6 : i32
      %add3A_104 = arith.addi %mul3A_102, %add3A_103 : i32
      %dma_start3A_105 = arith.constant 0 : i32
      %dma_start3A_106 = tpu.memref_slice %arg4[%add3A_104, %dma_start3A_105] : memref<125x80xi32, #tpu.memory_space<vmem>> -> memref<1x80xi32, #tpu.memory_space<vmem>>
      %dma_start3A_107 = tpu.memref_squeeze %dma_start3A_106 : memref<1x80xi32, #tpu.memory_space<vmem>> -> memref<80xi32, #tpu.memory_space<vmem>>
      %dma_start3A_108 = arith.constant 0 : i32
      %dma_start3A_109 = tpu.memref_slice %arg7[%dma_start3A_108] : memref<10240xf32, #tpu.memory_space<vmem_shared>> -> memref<10240xf32, #tpu.memory_space<vmem_shared>>
      tpu.enqueue_indirect_dma source(%arg5 : memref<80xf32, #tpu.memory_space<vmem>>) target(%dma_start3A_109 : memref<10240xf32, #tpu.memory_space<vmem_shared>>) offsets(%dma_start3A_107 : memref<80xi32, #tpu.memory_space<vmem>>) semaphore(%arg8 : memref<!tpu.dma_semaphore, #tpu.memory_space<semaphore_mem>>) {add = true}
      %mul3A_110 = arith.constant 25 : i32
      %mul3A_111 = arith.muli %scan3A_47, %mul3A_110 : i32
      %add3A_112 = arith.constant 7 : i32
      %add3A_113 = arith.addi %mul3A_111, %add3A_112 : i32
      %dma_start3A_114 = arith.constant 0 : i32
      %dma_start3A_115 = tpu.memref_slice %arg4[%add3A_113, %dma_start3A_114] : memref<125x80xi32, #tpu.memory_space<vmem>> -> memref<1x80xi32, #tpu.memory_space<vmem>>
      %dma_start3A_116 = tpu.memref_squeeze %dma_start3A_115 : memref<1x80xi32, #tpu.memory_space<vmem>> -> memref<80xi32, #tpu.memory_space<vmem>>
      %dma_start3A_117 = arith.constant 0 : i32
      %dma_start3A_118 = tpu.memref_slice %arg7[%dma_start3A_117] : memref<10240xf32, #tpu.memory_space<vmem_shared>> -> memref<10240xf32, #tpu.memory_space<vmem_shared>>
      tpu.enqueue_indirect_dma source(%arg5 : memref<80xf32, #tpu.memory_space<vmem>>) target(%dma_start3A_118 : memref<10240xf32, #tpu.memory_space<vmem_shared>>) offsets(%dma_start3A_116 : memref<80xi32, #tpu.memory_space<vmem>>) semaphore(%arg8 : memref<!tpu.dma_semaphore, #tpu.memory_space<semaphore_mem>>) {add = true}
      %mul3A_119 = arith.constant 25 : i32
      %mul3A_120 = arith.muli %scan3A_47, %mul3A_119 : i32
      %add3A_121 = arith.constant 8 : i32
      %add3A_122 = arith.addi %mul3A_120, %add3A_121 : i32
      %dma_start3A_123 = arith.constant 0 : i32
      %dma_start3A_124 = tpu.memref_slice %arg4[%add3A_122, %dma_start3A_123] : memref<125x80xi32, #tpu.memory_space<vmem>> -> memref<1x80xi32, #tpu.memory_space<vmem>>
      %dma_start3A_125 = tpu.memref_squeeze %dma_start3A_124 : memref<1x80xi32, #tpu.memory_space<vmem>> -> memref<80xi32, #tpu.memory_space<vmem>>
      %dma_start3A_126 = arith.constant 0 : i32
      %dma_start3A_127 = tpu.memref_slice %arg7[%dma_start3A_126] : memref<10240xf32, #tpu.memory_space<vmem_shared>> -> memref<10240xf32, #tpu.memory_space<vmem_shared>>
      tpu.enqueue_indirect_dma source(%arg5 : memref<80xf32, #tpu.memory_space<vmem>>) target(%dma_start3A_127 : memref<10240xf32, #tpu.memory_space<vmem_shared>>) offsets(%dma_start3A_125 : memref<80xi32, #tpu.memory_space<vmem>>) semaphore(%arg8 : memref<!tpu.dma_semaphore, #tpu.memory_space<semaphore_mem>>) {add = true}
      %mul3A_128 = arith.constant 25 : i32
      %mul3A_129 = arith.muli %scan3A_47, %mul3A_128 : i32
      %add3A_130 = arith.constant 9 : i32
      %add3A_131 = arith.addi %mul3A_129, %add3A_130 : i32
      %dma_start3A_132 = arith.constant 0 : i32
      %dma_start3A_133 = tpu.memref_slice %arg4[%add3A_131, %dma_start3A_132] : memref<125x80xi32, #tpu.memory_space<vmem>> -> memref<1x80xi32, #tpu.memory_space<vmem>>
      %dma_start3A_134 = tpu.memref_squeeze %dma_start3A_133 : memref<1x80xi32, #tpu.memory_space<vmem>> -> memref<80xi32, #tpu.memory_space<vmem>>
      %dma_start3A_135 = arith.constant 0 : i32
      %dma_start3A_136 = tpu.memref_slice %arg7[%dma_start3A_135] : memref<10240xf32, #tpu.memory_space<vmem_shared>> -> memref<10240xf32, #tpu.memory_space<vmem_shared>>
      tpu.enqueue_indirect_dma source(%arg5 : memref<80xf32, #tpu.memory_space<vmem>>) target(%dma_start3A_136 : memref<10240xf32, #tpu.memory_space<vmem_shared>>) offsets(%dma_start3A_134 : memref<80xi32, #tpu.memory_space<vmem>>) semaphore(%arg8 : memref<!tpu.dma_semaphore, #tpu.memory_space<semaphore_mem>>) {add = true}
      %mul3A_137 = arith.constant 25 : i32
      %mul3A_138 = arith.muli %scan3A_47, %mul3A_137 : i32
      %add3A_139 = arith.constant 10 : i32
      %add3A_140 = arith.addi %mul3A_138, %add3A_139 : i32
      %dma_start3A_141 = arith.constant 0 : i32
      %dma_start3A_142 = tpu.memref_slice %arg4[%add3A_140, %dma_start3A_141] : memref<125x80xi32, #tpu.memory_space<vmem>> -> memref<1x80xi32, #tpu.memory_space<vmem>>
      %dma_start3A_143 = tpu.memref_squeeze %dma_start3A_142 : memref<1x80xi32, #tpu.memory_space<vmem>> -> memref<80xi32, #tpu.memory_space<vmem>>
      %dma_start3A_144 = arith.constant 0 : i32
      %dma_start3A_145 = tpu.memref_slice %arg7[%dma_start3A_144] : memref<10240xf32, #tpu.memory_space<vmem_shared>> -> memref<10240xf32, #tpu.memory_space<vmem_shared>>
      tpu.enqueue_indirect_dma source(%arg5 : memref<80xf32, #tpu.memory_space<vmem>>) target(%dma_start3A_145 : memref<10240xf32, #tpu.memory_space<vmem_shared>>) offsets(%dma_start3A_143 : memref<80xi32, #tpu.memory_space<vmem>>) semaphore(%arg8 : memref<!tpu.dma_semaphore, #tpu.memory_space<semaphore_mem>>) {add = true}
      %mul3A_146 = arith.constant 25 : i32
      %mul3A_147 = arith.muli %scan3A_47, %mul3A_146 : i32
      %add3A_148 = arith.constant 11 : i32
      %add3A_149 = arith.addi %mul3A_147, %add3A_148 : i32
      %dma_start3A_150 = arith.constant 0 : i32
      %dma_start3A_151 = tpu.memref_slice %arg4[%add3A_149, %dma_start3A_150] : memref<125x80xi32, #tpu.memory_space<vmem>> -> memref<1x80xi32, #tpu.memory_space<vmem>>
      %dma_start3A_152 = tpu.memref_squeeze %dma_start3A_151 : memref<1x80xi32, #tpu.memory_space<vmem>> -> memref<80xi32, #tpu.memory_space<vmem>>
      %dma_start3A_153 = arith.constant 0 : i32
      %dma_start3A_154 = tpu.memref_slice %arg7[%dma_start3A_153] : memref<10240xf32, #tpu.memory_space<vmem_shared>> -> memref<10240xf32, #tpu.memory_space<vmem_shared>>
      tpu.enqueue_indirect_dma source(%arg5 : memref<80xf32, #tpu.memory_space<vmem>>) target(%dma_start3A_154 : memref<10240xf32, #tpu.memory_space<vmem_shared>>) offsets(%dma_start3A_152 : memref<80xi32, #tpu.memory_space<vmem>>) semaphore(%arg8 : memref<!tpu.dma_semaphore, #tpu.memory_space<semaphore_mem>>) {add = true}
      %mul3A_155 = arith.constant 25 : i32
      %mul3A_156 = arith.muli %scan3A_47, %mul3A_155 : i32
      %add3A_157 = arith.constant 12 : i32
      %add3A_158 = arith.addi %mul3A_156, %add3A_157 : i32
      %dma_start3A_159 = arith.constant 0 : i32
      %dma_start3A_160 = tpu.memref_slice %arg4[%add3A_158, %dma_start3A_159] : memref<125x80xi32, #tpu.memory_space<vmem>> -> memref<1x80xi32, #tpu.memory_space<vmem>>
      %dma_start3A_161 = tpu.memref_squeeze %dma_start3A_160 : memref<1x80xi32, #tpu.memory_space<vmem>> -> memref<80xi32, #tpu.memory_space<vmem>>
      %dma_start3A_162 = arith.constant 0 : i32
      %dma_start3A_163 = tpu.memref_slice %arg7[%dma_start3A_162] : memref<10240xf32, #tpu.memory_space<vmem_shared>> -> memref<10240xf32, #tpu.memory_space<vmem_shared>>
      tpu.enqueue_indirect_dma source(%arg5 : memref<80xf32, #tpu.memory_space<vmem>>) target(%dma_start3A_163 : memref<10240xf32, #tpu.memory_space<vmem_shared>>) offsets(%dma_start3A_161 : memref<80xi32, #tpu.memory_space<vmem>>) semaphore(%arg8 : memref<!tpu.dma_semaphore, #tpu.memory_space<semaphore_mem>>) {add = true}
      %mul3A_164 = arith.constant 25 : i32
      %mul3A_165 = arith.muli %scan3A_47, %mul3A_164 : i32
      %add3A_166 = arith.constant 13 : i32
      %add3A_167 = arith.addi %mul3A_165, %add3A_166 : i32
      %dma_start3A_168 = arith.constant 0 : i32
      %dma_start3A_169 = tpu.memref_slice %arg4[%add3A_167, %dma_start3A_168] : memref<125x80xi32, #tpu.memory_space<vmem>> -> memref<1x80xi32, #tpu.memory_space<vmem>>
      %dma_start3A_170 = tpu.memref_squeeze %dma_start3A_169 : memref<1x80xi32, #tpu.memory_space<vmem>> -> memref<80xi32, #tpu.memory_space<vmem>>
      %dma_start3A_171 = arith.constant 0 : i32
      %dma_start3A_172 = tpu.memref_slice %arg7[%dma_start3A_171] : memref<10240xf32, #tpu.memory_space<vmem_shared>> -> memref<10240xf32, #tpu.memory_space<vmem_shared>>
      tpu.enqueue_indirect_dma source(%arg5 : memref<80xf32, #tpu.memory_space<vmem>>) target(%dma_start3A_172 : memref<10240xf32, #tpu.memory_space<vmem_shared>>) offsets(%dma_start3A_170 : memref<80xi32, #tpu.memory_space<vmem>>) semaphore(%arg8 : memref<!tpu.dma_semaphore, #tpu.memory_space<semaphore_mem>>) {add = true}
      %mul3A_173 = arith.constant 25 : i32
      %mul3A_174 = arith.muli %scan3A_47, %mul3A_173 : i32
      %add3A_175 = arith.constant 14 : i32
      %add3A_176 = arith.addi %mul3A_174, %add3A_175 : i32
      %dma_start3A_177 = arith.constant 0 : i32
      %dma_start3A_178 = tpu.memref_slice %arg4[%add3A_176, %dma_start3A_177] : memref<125x80xi32, #tpu.memory_space<vmem>> -> memref<1x80xi32, #tpu.memory_space<vmem>>
      %dma_start3A_179 = tpu.memref_squeeze %dma_start3A_178 : memref<1x80xi32, #tpu.memory_space<vmem>> -> memref<80xi32, #tpu.memory_space<vmem>>
      %dma_start3A_180 = arith.constant 0 : i32
      %dma_start3A_181 = tpu.memref_slice %arg7[%dma_start3A_180] : memref<10240xf32, #tpu.memory_space<vmem_shared>> -> memref<10240xf32, #tpu.memory_space<vmem_shared>>
      tpu.enqueue_indirect_dma source(%arg5 : memref<80xf32, #tpu.memory_space<vmem>>) target(%dma_start3A_181 : memref<10240xf32, #tpu.memory_space<vmem_shared>>) offsets(%dma_start3A_179 : memref<80xi32, #tpu.memory_space<vmem>>) semaphore(%arg8 : memref<!tpu.dma_semaphore, #tpu.memory_space<semaphore_mem>>) {add = true}
      %mul3A_182 = arith.constant 25 : i32
      %mul3A_183 = arith.muli %scan3A_47, %mul3A_182 : i32
      %add3A_184 = arith.constant 15 : i32
      %add3A_185 = arith.addi %mul3A_183, %add3A_184 : i32
      %dma_start3A_186 = arith.constant 0 : i32
      %dma_start3A_187 = tpu.memref_slice %arg4[%add3A_185, %dma_start3A_186] : memref<125x80xi32, #tpu.memory_space<vmem>> -> memref<1x80xi32, #tpu.memory_space<vmem>>
      %dma_start3A_188 = tpu.memref_squeeze %dma_start3A_187 : memref<1x80xi32, #tpu.memory_space<vmem>> -> memref<80xi32, #tpu.memory_space<vmem>>
      %dma_start3A_189 = arith.constant 0 : i32
      %dma_start3A_190 = tpu.memref_slice %arg7[%dma_start3A_189] : memref<10240xf32, #tpu.memory_space<vmem_shared>> -> memref<10240xf32, #tpu.memory_space<vmem_shared>>
      tpu.enqueue_indirect_dma source(%arg5 : memref<80xf32, #tpu.memory_space<vmem>>) target(%dma_start3A_190 : memref<10240xf32, #tpu.memory_space<vmem_shared>>) offsets(%dma_start3A_188 : memref<80xi32, #tpu.memory_space<vmem>>) semaphore(%arg8 : memref<!tpu.dma_semaphore, #tpu.memory_space<semaphore_mem>>) {add = true}
      %mul3A_191 = arith.constant 25 : i32
      %mul3A_192 = arith.muli %scan3A_47, %mul3A_191 : i32
      %add3A_193 = arith.constant 16 : i32
      %add3A_194 = arith.addi %mul3A_192, %add3A_193 : i32
      %dma_start3A_195 = arith.constant 0 : i32
      %dma_start3A_196 = tpu.memref_slice %arg4[%add3A_194, %dma_start3A_195] : memref<125x80xi32, #tpu.memory_space<vmem>> -> memref<1x80xi32, #tpu.memory_space<vmem>>
      %dma_start3A_197 = tpu.memref_squeeze %dma_start3A_196 : memref<1x80xi32, #tpu.memory_space<vmem>> -> memref<80xi32, #tpu.memory_space<vmem>>
      %dma_start3A_198 = arith.constant 0 : i32
      %dma_start3A_199 = tpu.memref_slice %arg7[%dma_start3A_198] : memref<10240xf32, #tpu.memory_space<vmem_shared>> -> memref<10240xf32, #tpu.memory_space<vmem_shared>>
      tpu.enqueue_indirect_dma source(%arg5 : memref<80xf32, #tpu.memory_space<vmem>>) target(%dma_start3A_199 : memref<10240xf32, #tpu.memory_space<vmem_shared>>) offsets(%dma_start3A_197 : memref<80xi32, #tpu.memory_space<vmem>>) semaphore(%arg8 : memref<!tpu.dma_semaphore, #tpu.memory_space<semaphore_mem>>) {add = true}
      %mul3A_200 = arith.constant 25 : i32
      %mul3A_201 = arith.muli %scan3A_47, %mul3A_200 : i32
      %add3A_202 = arith.constant 17 : i32
      %add3A_203 = arith.addi %mul3A_201, %add3A_202 : i32
      %dma_start3A_204 = arith.constant 0 : i32
      %dma_start3A_205 = tpu.memref_slice %arg4[%add3A_203, %dma_start3A_204] : memref<125x80xi32, #tpu.memory_space<vmem>> -> memref<1x80xi32, #tpu.memory_space<vmem>>
      %dma_start3A_206 = tpu.memref_squeeze %dma_start3A_205 : memref<1x80xi32, #tpu.memory_space<vmem>> -> memref<80xi32, #tpu.memory_space<vmem>>
      %dma_start3A_207 = arith.constant 0 : i32
      %dma_start3A_208 = tpu.memref_slice %arg7[%dma_start3A_207] : memref<10240xf32, #tpu.memory_space<vmem_shared>> -> memref<10240xf32, #tpu.memory_space<vmem_shared>>
      tpu.enqueue_indirect_dma source(%arg5 : memref<80xf32, #tpu.memory_space<vmem>>) target(%dma_start3A_208 : memref<10240xf32, #tpu.memory_space<vmem_shared>>) offsets(%dma_start3A_206 : memref<80xi32, #tpu.memory_space<vmem>>) semaphore(%arg8 : memref<!tpu.dma_semaphore, #tpu.memory_space<semaphore_mem>>) {add = true}
      %mul3A_209 = arith.constant 25 : i32
      %mul3A_210 = arith.muli %scan3A_47, %mul3A_209 : i32
      %add3A_211 = arith.constant 18 : i32
      %add3A_212 = arith.addi %mul3A_210, %add3A_211 : i32
      %dma_start3A_213 = arith.constant 0 : i32
      %dma_start3A_214 = tpu.memref_slice %arg4[%add3A_212, %dma_start3A_213] : memref<125x80xi32, #tpu.memory_space<vmem>> -> memref<1x80xi32, #tpu.memory_space<vmem>>
      %dma_start3A_215 = tpu.memref_squeeze %dma_start3A_214 : memref<1x80xi32, #tpu.memory_space<vmem>> -> memref<80xi32, #tpu.memory_space<vmem>>
      %dma_start3A_216 = arith.constant 0 : i32
      %dma_start3A_217 = tpu.memref_slice %arg7[%dma_start3A_216] : memref<10240xf32, #tpu.memory_space<vmem_shared>> -> memref<10240xf32, #tpu.memory_space<vmem_shared>>
      tpu.enqueue_indirect_dma source(%arg5 : memref<80xf32, #tpu.memory_space<vmem>>) target(%dma_start3A_217 : memref<10240xf32, #tpu.memory_space<vmem_shared>>) offsets(%dma_start3A_215 : memref<80xi32, #tpu.memory_space<vmem>>) semaphore(%arg8 : memref<!tpu.dma_semaphore, #tpu.memory_space<semaphore_mem>>) {add = true}
      %mul3A_218 = arith.constant 25 : i32
      %mul3A_219 = arith.muli %scan3A_47, %mul3A_218 : i32
      %add3A_220 = arith.constant 19 : i32
      %add3A_221 = arith.addi %mul3A_219, %add3A_220 : i32
      %dma_start3A_222 = arith.constant 0 : i32
      %dma_start3A_223 = tpu.memref_slice %arg4[%add3A_221, %dma_start3A_222] : memref<125x80xi32, #tpu.memory_space<vmem>> -> memref<1x80xi32, #tpu.memory_space<vmem>>
      %dma_start3A_224 = tpu.memref_squeeze %dma_start3A_223 : memref<1x80xi32, #tpu.memory_space<vmem>> -> memref<80xi32, #tpu.memory_space<vmem>>
      %dma_start3A_225 = arith.constant 0 : i32
      %dma_start3A_226 = tpu.memref_slice %arg7[%dma_start3A_225] : memref<10240xf32, #tpu.memory_space<vmem_shared>> -> memref<10240xf32, #tpu.memory_space<vmem_shared>>
      tpu.enqueue_indirect_dma source(%arg5 : memref<80xf32, #tpu.memory_space<vmem>>) target(%dma_start3A_226 : memref<10240xf32, #tpu.memory_space<vmem_shared>>) offsets(%dma_start3A_224 : memref<80xi32, #tpu.memory_space<vmem>>) semaphore(%arg8 : memref<!tpu.dma_semaphore, #tpu.memory_space<semaphore_mem>>) {add = true}
      %mul3A_227 = arith.constant 25 : i32
      %mul3A_228 = arith.muli %scan3A_47, %mul3A_227 : i32
      %add3A_229 = arith.constant 20 : i32
      %add3A_230 = arith.addi %mul3A_228, %add3A_229 : i32
      %dma_start3A_231 = arith.constant 0 : i32
      %dma_start3A_232 = tpu.memref_slice %arg4[%add3A_230, %dma_start3A_231] : memref<125x80xi32, #tpu.memory_space<vmem>> -> memref<1x80xi32, #tpu.memory_space<vmem>>
      %dma_start3A_233 = tpu.memref_squeeze %dma_start3A_232 : memref<1x80xi32, #tpu.memory_space<vmem>> -> memref<80xi32, #tpu.memory_space<vmem>>
      %dma_start3A_234 = arith.constant 0 : i32
      %dma_start3A_235 = tpu.memref_slice %arg7[%dma_start3A_234] : memref<10240xf32, #tpu.memory_space<vmem_shared>> -> memref<10240xf32, #tpu.memory_space<vmem_shared>>
      tpu.enqueue_indirect_dma source(%arg5 : memref<80xf32, #tpu.memory_space<vmem>>) target(%dma_start3A_235 : memref<10240xf32, #tpu.memory_space<vmem_shared>>) offsets(%dma_start3A_233 : memref<80xi32, #tpu.memory_space<vmem>>) semaphore(%arg8 : memref<!tpu.dma_semaphore, #tpu.memory_space<semaphore_mem>>) {add = true}
      %mul3A_236 = arith.constant 25 : i32
      %mul3A_237 = arith.muli %scan3A_47, %mul3A_236 : i32
      %add3A_238 = arith.constant 21 : i32
      %add3A_239 = arith.addi %mul3A_237, %add3A_238 : i32
      %dma_start3A_240 = arith.constant 0 : i32
      %dma_start3A_241 = tpu.memref_slice %arg4[%add3A_239, %dma_start3A_240] : memref<125x80xi32, #tpu.memory_space<vmem>> -> memref<1x80xi32, #tpu.memory_space<vmem>>
      %dma_start3A_242 = tpu.memref_squeeze %dma_start3A_241 : memref<1x80xi32, #tpu.memory_space<vmem>> -> memref<80xi32, #tpu.memory_space<vmem>>
      %dma_start3A_243 = arith.constant 0 : i32
      %dma_start3A_244 = tpu.memref_slice %arg7[%dma_start3A_243] : memref<10240xf32, #tpu.memory_space<vmem_shared>> -> memref<10240xf32, #tpu.memory_space<vmem_shared>>
      tpu.enqueue_indirect_dma source(%arg5 : memref<80xf32, #tpu.memory_space<vmem>>) target(%dma_start3A_244 : memref<10240xf32, #tpu.memory_space<vmem_shared>>) offsets(%dma_start3A_242 : memref<80xi32, #tpu.memory_space<vmem>>) semaphore(%arg8 : memref<!tpu.dma_semaphore, #tpu.memory_space<semaphore_mem>>) {add = true}
      %mul3A_245 = arith.constant 25 : i32
      %mul3A_246 = arith.muli %scan3A_47, %mul3A_245 : i32
      %add3A_247 = arith.constant 22 : i32
      %add3A_248 = arith.addi %mul3A_246, %add3A_247 : i32
      %dma_start3A_249 = arith.constant 0 : i32
      %dma_start3A_250 = tpu.memref_slice %arg4[%add3A_248, %dma_start3A_249] : memref<125x80xi32, #tpu.memory_space<vmem>> -> memref<1x80xi32, #tpu.memory_space<vmem>>
      %dma_start3A_251 = tpu.memref_squeeze %dma_start3A_250 : memref<1x80xi32, #tpu.memory_space<vmem>> -> memref<80xi32, #tpu.memory_space<vmem>>
      %dma_start3A_252 = arith.constant 0 : i32
      %dma_start3A_253 = tpu.memref_slice %arg7[%dma_start3A_252] : memref<10240xf32, #tpu.memory_space<vmem_shared>> -> memref<10240xf32, #tpu.memory_space<vmem_shared>>
      tpu.enqueue_indirect_dma source(%arg5 : memref<80xf32, #tpu.memory_space<vmem>>) target(%dma_start3A_253 : memref<10240xf32, #tpu.memory_space<vmem_shared>>) offsets(%dma_start3A_251 : memref<80xi32, #tpu.memory_space<vmem>>) semaphore(%arg8 : memref<!tpu.dma_semaphore, #tpu.memory_space<semaphore_mem>>) {add = true}
      %mul3A_254 = arith.constant 25 : i32
      %mul3A_255 = arith.muli %scan3A_47, %mul3A_254 : i32
      %add3A_256 = arith.constant 23 : i32
      %add3A_257 = arith.addi %mul3A_255, %add3A_256 : i32
      %dma_start3A_258 = arith.constant 0 : i32
      %dma_start3A_259 = tpu.memref_slice %arg4[%add3A_257, %dma_start3A_258] : memref<125x80xi32, #tpu.memory_space<vmem>> -> memref<1x80xi32, #tpu.memory_space<vmem>>
      %dma_start3A_260 = tpu.memref_squeeze %dma_start3A_259 : memref<1x80xi32, #tpu.memory_space<vmem>> -> memref<80xi32, #tpu.memory_space<vmem>>
      %dma_start3A_261 = arith.constant 0 : i32
      %dma_start3A_262 = tpu.memref_slice %arg7[%dma_start3A_261] : memref<10240xf32, #tpu.memory_space<vmem_shared>> -> memref<10240xf32, #tpu.memory_space<vmem_shared>>
      tpu.enqueue_indirect_dma source(%arg5 : memref<80xf32, #tpu.memory_space<vmem>>) target(%dma_start3A_262 : memref<10240xf32, #tpu.memory_space<vmem_shared>>) offsets(%dma_start3A_260 : memref<80xi32, #tpu.memory_space<vmem>>) semaphore(%arg8 : memref<!tpu.dma_semaphore, #tpu.memory_space<semaphore_mem>>) {add = true}
      %mul3A_263 = arith.constant 25 : i32
      %mul3A_264 = arith.muli %scan3A_47, %mul3A_263 : i32
      %add3A_265 = arith.constant 24 : i32
      %add3A_266 = arith.addi %mul3A_264, %add3A_265 : i32
      %dma_start3A_267 = arith.constant 0 : i32
      %dma_start3A_268 = tpu.memref_slice %arg4[%add3A_266, %dma_start3A_267] : memref<125x80xi32, #tpu.memory_space<vmem>> -> memref<1x80xi32, #tpu.memory_space<vmem>>
      %dma_start3A_269 = tpu.memref_squeeze %dma_start3A_268 : memref<1x80xi32, #tpu.memory_space<vmem>> -> memref<80xi32, #tpu.memory_space<vmem>>
      %dma_start3A_270 = arith.constant 0 : i32
      %dma_start3A_271 = tpu.memref_slice %arg7[%dma_start3A_270] : memref<10240xf32, #tpu.memory_space<vmem_shared>> -> memref<10240xf32, #tpu.memory_space<vmem_shared>>
      tpu.enqueue_indirect_dma source(%arg5 : memref<80xf32, #tpu.memory_space<vmem>>) target(%dma_start3A_271 : memref<10240xf32, #tpu.memory_space<vmem_shared>>) offsets(%dma_start3A_269 : memref<80xi32, #tpu.memory_space<vmem>>) semaphore(%arg8 : memref<!tpu.dma_semaphore, #tpu.memory_space<semaphore_mem>>) {add = true}
      %mul3A_272 = arith.constant 25 : i32
      %mul3A_273 = arith.muli %scan3A_47, %mul3A_272 : i32
      %add3A_274 = arith.constant 0 : i32
      %add3A_275 = arith.addi %mul3A_273, %add3A_274 : i32
      %dma_wait3A = arith.constant 0 : i32
      %dma_wait3A_276 = tpu.memref_slice %arg4[%add3A_275, %dma_wait3A] : memref<125x80xi32, #tpu.memory_space<vmem>> -> memref<1x80xi32, #tpu.memory_space<vmem>>
      %dma_wait3A_277 = tpu.memref_squeeze %dma_wait3A_276 : memref<1x80xi32, #tpu.memory_space<vmem>> -> memref<80xi32, #tpu.memory_space<vmem>>
      %dma_wait3A_278 = arith.constant 0 : i32
      %dma_wait3A_279 = tpu.memref_slice %arg7[%dma_wait3A_278] : memref<10240xf32, #tpu.memory_space<vmem_shared>> -> memref<10240xf32, #tpu.memory_space<vmem_shared>>
      tpu.wait_indirect_dma semaphore(%arg8 : memref<!tpu.dma_semaphore, #tpu.memory_space<semaphore_mem>>) src(%arg5 : memref<80xf32, #tpu.memory_space<vmem>>) dst(%dma_wait3A_279 : memref<10240xf32, #tpu.memory_space<vmem_shared>>)
      %mul3A_280 = arith.constant 25 : i32
      %mul3A_281 = arith.muli %scan3A_47, %mul3A_280 : i32
      %add3A_282 = arith.constant 1 : i32
      %add3A_283 = arith.addi %mul3A_281, %add3A_282 : i32
      %dma_wait3A_284 = arith.constant 0 : i32
      %dma_wait3A_285 = tpu.memref_slice %arg4[%add3A_283, %dma_wait3A_284] : memref<125x80xi32, #tpu.memory_space<vmem>> -> memref<1x80xi32, #tpu.memory_space<vmem>>
      %dma_wait3A_286 = tpu.memref_squeeze %dma_wait3A_285 : memref<1x80xi32, #tpu.memory_space<vmem>> -> memref<80xi32, #tpu.memory_space<vmem>>
      %dma_wait3A_287 = arith.constant 0 : i32
      %dma_wait3A_288 = tpu.memref_slice %arg7[%dma_wait3A_287] : memref<10240xf32, #tpu.memory_space<vmem_shared>> -> memref<10240xf32, #tpu.memory_space<vmem_shared>>
      tpu.wait_indirect_dma semaphore(%arg8 : memref<!tpu.dma_semaphore, #tpu.memory_space<semaphore_mem>>) src(%arg5 : memref<80xf32, #tpu.memory_space<vmem>>) dst(%dma_wait3A_288 : memref<10240xf32, #tpu.memory_space<vmem_shared>>)
      %mul3A_289 = arith.constant 25 : i32
      %mul3A_290 = arith.muli %scan3A_47, %mul3A_289 : i32
      %add3A_291 = arith.constant 2 : i32
      %add3A_292 = arith.addi %mul3A_290, %add3A_291 : i32
      %dma_wait3A_293 = arith.constant 0 : i32
      %dma_wait3A_294 = tpu.memref_slice %arg4[%add3A_292, %dma_wait3A_293] : memref<125x80xi32, #tpu.memory_space<vmem>> -> memref<1x80xi32, #tpu.memory_space<vmem>>
      %dma_wait3A_295 = tpu.memref_squeeze %dma_wait3A_294 : memref<1x80xi32, #tpu.memory_space<vmem>> -> memref<80xi32, #tpu.memory_space<vmem>>
      %dma_wait3A_296 = arith.constant 0 : i32
      %dma_wait3A_297 = tpu.memref_slice %arg7[%dma_wait3A_296] : memref<10240xf32, #tpu.memory_space<vmem_shared>> -> memref<10240xf32, #tpu.memory_space<vmem_shared>>
      tpu.wait_indirect_dma semaphore(%arg8 : memref<!tpu.dma_semaphore, #tpu.memory_space<semaphore_mem>>) src(%arg5 : memref<80xf32, #tpu.memory_space<vmem>>) dst(%dma_wait3A_297 : memref<10240xf32, #tpu.memory_space<vmem_shared>>)
      %mul3A_298 = arith.constant 25 : i32
      %mul3A_299 = arith.muli %scan3A_47, %mul3A_298 : i32
      %add3A_300 = arith.constant 3 : i32
      %add3A_301 = arith.addi %mul3A_299, %add3A_300 : i32
      %dma_wait3A_302 = arith.constant 0 : i32
      %dma_wait3A_303 = tpu.memref_slice %arg4[%add3A_301, %dma_wait3A_302] : memref<125x80xi32, #tpu.memory_space<vmem>> -> memref<1x80xi32, #tpu.memory_space<vmem>>
      %dma_wait3A_304 = tpu.memref_squeeze %dma_wait3A_303 : memref<1x80xi32, #tpu.memory_space<vmem>> -> memref<80xi32, #tpu.memory_space<vmem>>
      %dma_wait3A_305 = arith.constant 0 : i32
      %dma_wait3A_306 = tpu.memref_slice %arg7[%dma_wait3A_305] : memref<10240xf32, #tpu.memory_space<vmem_shared>> -> memref<10240xf32, #tpu.memory_space<vmem_shared>>
      tpu.wait_indirect_dma semaphore(%arg8 : memref<!tpu.dma_semaphore, #tpu.memory_space<semaphore_mem>>) src(%arg5 : memref<80xf32, #tpu.memory_space<vmem>>) dst(%dma_wait3A_306 : memref<10240xf32, #tpu.memory_space<vmem_shared>>)
      %mul3A_307 = arith.constant 25 : i32
      %mul3A_308 = arith.muli %scan3A_47, %mul3A_307 : i32
      %add3A_309 = arith.constant 4 : i32
      %add3A_310 = arith.addi %mul3A_308, %add3A_309 : i32
      %dma_wait3A_311 = arith.constant 0 : i32
      %dma_wait3A_312 = tpu.memref_slice %arg4[%add3A_310, %dma_wait3A_311] : memref<125x80xi32, #tpu.memory_space<vmem>> -> memref<1x80xi32, #tpu.memory_space<vmem>>
      %dma_wait3A_313 = tpu.memref_squeeze %dma_wait3A_312 : memref<1x80xi32, #tpu.memory_space<vmem>> -> memref<80xi32, #tpu.memory_space<vmem>>
      %dma_wait3A_314 = arith.constant 0 : i32
      %dma_wait3A_315 = tpu.memref_slice %arg7[%dma_wait3A_314] : memref<10240xf32, #tpu.memory_space<vmem_shared>> -> memref<10240xf32, #tpu.memory_space<vmem_shared>>
      tpu.wait_indirect_dma semaphore(%arg8 : memref<!tpu.dma_semaphore, #tpu.memory_space<semaphore_mem>>) src(%arg5 : memref<80xf32, #tpu.memory_space<vmem>>) dst(%dma_wait3A_315 : memref<10240xf32, #tpu.memory_space<vmem_shared>>)
      %mul3A_316 = arith.constant 25 : i32
      %mul3A_317 = arith.muli %scan3A_47, %mul3A_316 : i32
      %add3A_318 = arith.constant 5 : i32
      %add3A_319 = arith.addi %mul3A_317, %add3A_318 : i32
      %dma_wait3A_320 = arith.constant 0 : i32
      %dma_wait3A_321 = tpu.memref_slice %arg4[%add3A_319, %dma_wait3A_320] : memref<125x80xi32, #tpu.memory_space<vmem>> -> memref<1x80xi32, #tpu.memory_space<vmem>>
      %dma_wait3A_322 = tpu.memref_squeeze %dma_wait3A_321 : memref<1x80xi32, #tpu.memory_space<vmem>> -> memref<80xi32, #tpu.memory_space<vmem>>
      %dma_wait3A_323 = arith.constant 0 : i32
      %dma_wait3A_324 = tpu.memref_slice %arg7[%dma_wait3A_323] : memref<10240xf32, #tpu.memory_space<vmem_shared>> -> memref<10240xf32, #tpu.memory_space<vmem_shared>>
      tpu.wait_indirect_dma semaphore(%arg8 : memref<!tpu.dma_semaphore, #tpu.memory_space<semaphore_mem>>) src(%arg5 : memref<80xf32, #tpu.memory_space<vmem>>) dst(%dma_wait3A_324 : memref<10240xf32, #tpu.memory_space<vmem_shared>>)
      %mul3A_325 = arith.constant 25 : i32
      %mul3A_326 = arith.muli %scan3A_47, %mul3A_325 : i32
      %add3A_327 = arith.constant 6 : i32
      %add3A_328 = arith.addi %mul3A_326, %add3A_327 : i32
      %dma_wait3A_329 = arith.constant 0 : i32
      %dma_wait3A_330 = tpu.memref_slice %arg4[%add3A_328, %dma_wait3A_329] : memref<125x80xi32, #tpu.memory_space<vmem>> -> memref<1x80xi32, #tpu.memory_space<vmem>>
      %dma_wait3A_331 = tpu.memref_squeeze %dma_wait3A_330 : memref<1x80xi32, #tpu.memory_space<vmem>> -> memref<80xi32, #tpu.memory_space<vmem>>
      %dma_wait3A_332 = arith.constant 0 : i32
      %dma_wait3A_333 = tpu.memref_slice %arg7[%dma_wait3A_332] : memref<10240xf32, #tpu.memory_space<vmem_shared>> -> memref<10240xf32, #tpu.memory_space<vmem_shared>>
      tpu.wait_indirect_dma semaphore(%arg8 : memref<!tpu.dma_semaphore, #tpu.memory_space<semaphore_mem>>) src(%arg5 : memref<80xf32, #tpu.memory_space<vmem>>) dst(%dma_wait3A_333 : memref<10240xf32, #tpu.memory_space<vmem_shared>>)
      %mul3A_334 = arith.constant 25 : i32
      %mul3A_335 = arith.muli %scan3A_47, %mul3A_334 : i32
      %add3A_336 = arith.constant 7 : i32
      %add3A_337 = arith.addi %mul3A_335, %add3A_336 : i32
      %dma_wait3A_338 = arith.constant 0 : i32
      %dma_wait3A_339 = tpu.memref_slice %arg4[%add3A_337, %dma_wait3A_338] : memref<125x80xi32, #tpu.memory_space<vmem>> -> memref<1x80xi32, #tpu.memory_space<vmem>>
      %dma_wait3A_340 = tpu.memref_squeeze %dma_wait3A_339 : memref<1x80xi32, #tpu.memory_space<vmem>> -> memref<80xi32, #tpu.memory_space<vmem>>
      %dma_wait3A_341 = arith.constant 0 : i32
      %dma_wait3A_342 = tpu.memref_slice %arg7[%dma_wait3A_341] : memref<10240xf32, #tpu.memory_space<vmem_shared>> -> memref<10240xf32, #tpu.memory_space<vmem_shared>>
      tpu.wait_indirect_dma semaphore(%arg8 : memref<!tpu.dma_semaphore, #tpu.memory_space<semaphore_mem>>) src(%arg5 : memref<80xf32, #tpu.memory_space<vmem>>) dst(%dma_wait3A_342 : memref<10240xf32, #tpu.memory_space<vmem_shared>>)
      %mul3A_343 = arith.constant 25 : i32
      %mul3A_344 = arith.muli %scan3A_47, %mul3A_343 : i32
      %add3A_345 = arith.constant 8 : i32
      %add3A_346 = arith.addi %mul3A_344, %add3A_345 : i32
      %dma_wait3A_347 = arith.constant 0 : i32
      %dma_wait3A_348 = tpu.memref_slice %arg4[%add3A_346, %dma_wait3A_347] : memref<125x80xi32, #tpu.memory_space<vmem>> -> memref<1x80xi32, #tpu.memory_space<vmem>>
      %dma_wait3A_349 = tpu.memref_squeeze %dma_wait3A_348 : memref<1x80xi32, #tpu.memory_space<vmem>> -> memref<80xi32, #tpu.memory_space<vmem>>
      %dma_wait3A_350 = arith.constant 0 : i32
      %dma_wait3A_351 = tpu.memref_slice %arg7[%dma_wait3A_350] : memref<10240xf32, #tpu.memory_space<vmem_shared>> -> memref<10240xf32, #tpu.memory_space<vmem_shared>>
      tpu.wait_indirect_dma semaphore(%arg8 : memref<!tpu.dma_semaphore, #tpu.memory_space<semaphore_mem>>) src(%arg5 : memref<80xf32, #tpu.memory_space<vmem>>) dst(%dma_wait3A_351 : memref<10240xf32, #tpu.memory_space<vmem_shared>>)
      %mul3A_352 = arith.constant 25 : i32
      %mul3A_353 = arith.muli %scan3A_47, %mul3A_352 : i32
      %add3A_354 = arith.constant 9 : i32
      %add3A_355 = arith.addi %mul3A_353, %add3A_354 : i32
      %dma_wait3A_356 = arith.constant 0 : i32
      %dma_wait3A_357 = tpu.memref_slice %arg4[%add3A_355, %dma_wait3A_356] : memref<125x80xi32, #tpu.memory_space<vmem>> -> memref<1x80xi32, #tpu.memory_space<vmem>>
      %dma_wait3A_358 = tpu.memref_squeeze %dma_wait3A_357 : memref<1x80xi32, #tpu.memory_space<vmem>> -> memref<80xi32, #tpu.memory_space<vmem>>
      %dma_wait3A_359 = arith.constant 0 : i32
      %dma_wait3A_360 = tpu.memref_slice %arg7[%dma_wait3A_359] : memref<10240xf32, #tpu.memory_space<vmem_shared>> -> memref<10240xf32, #tpu.memory_space<vmem_shared>>
      tpu.wait_indirect_dma semaphore(%arg8 : memref<!tpu.dma_semaphore, #tpu.memory_space<semaphore_mem>>) src(%arg5 : memref<80xf32, #tpu.memory_space<vmem>>) dst(%dma_wait3A_360 : memref<10240xf32, #tpu.memory_space<vmem_shared>>)
      %mul3A_361 = arith.constant 25 : i32
      %mul3A_362 = arith.muli %scan3A_47, %mul3A_361 : i32
      %add3A_363 = arith.constant 10 : i32
      %add3A_364 = arith.addi %mul3A_362, %add3A_363 : i32
      %dma_wait3A_365 = arith.constant 0 : i32
      %dma_wait3A_366 = tpu.memref_slice %arg4[%add3A_364, %dma_wait3A_365] : memref<125x80xi32, #tpu.memory_space<vmem>> -> memref<1x80xi32, #tpu.memory_space<vmem>>
      %dma_wait3A_367 = tpu.memref_squeeze %dma_wait3A_366 : memref<1x80xi32, #tpu.memory_space<vmem>> -> memref<80xi32, #tpu.memory_space<vmem>>
      %dma_wait3A_368 = arith.constant 0 : i32
      %dma_wait3A_369 = tpu.memref_slice %arg7[%dma_wait3A_368] : memref<10240xf32, #tpu.memory_space<vmem_shared>> -> memref<10240xf32, #tpu.memory_space<vmem_shared>>
      tpu.wait_indirect_dma semaphore(%arg8 : memref<!tpu.dma_semaphore, #tpu.memory_space<semaphore_mem>>) src(%arg5 : memref<80xf32, #tpu.memory_space<vmem>>) dst(%dma_wait3A_369 : memref<10240xf32, #tpu.memory_space<vmem_shared>>)
      %mul3A_370 = arith.constant 25 : i32
      %mul3A_371 = arith.muli %scan3A_47, %mul3A_370 : i32
      %add3A_372 = arith.constant 11 : i32
      %add3A_373 = arith.addi %mul3A_371, %add3A_372 : i32
      %dma_wait3A_374 = arith.constant 0 : i32
      %dma_wait3A_375 = tpu.memref_slice %arg4[%add3A_373, %dma_wait3A_374] : memref<125x80xi32, #tpu.memory_space<vmem>> -> memref<1x80xi32, #tpu.memory_space<vmem>>
      %dma_wait3A_376 = tpu.memref_squeeze %dma_wait3A_375 : memref<1x80xi32, #tpu.memory_space<vmem>> -> memref<80xi32, #tpu.memory_space<vmem>>
      %dma_wait3A_377 = arith.constant 0 : i32
      %dma_wait3A_378 = tpu.memref_slice %arg7[%dma_wait3A_377] : memref<10240xf32, #tpu.memory_space<vmem_shared>> -> memref<10240xf32, #tpu.memory_space<vmem_shared>>
      tpu.wait_indirect_dma semaphore(%arg8 : memref<!tpu.dma_semaphore, #tpu.memory_space<semaphore_mem>>) src(%arg5 : memref<80xf32, #tpu.memory_space<vmem>>) dst(%dma_wait3A_378 : memref<10240xf32, #tpu.memory_space<vmem_shared>>)
      %mul3A_379 = arith.constant 25 : i32
      %mul3A_380 = arith.muli %scan3A_47, %mul3A_379 : i32
      %add3A_381 = arith.constant 12 : i32
      %add3A_382 = arith.addi %mul3A_380, %add3A_381 : i32
      %dma_wait3A_383 = arith.constant 0 : i32
      %dma_wait3A_384 = tpu.memref_slice %arg4[%add3A_382, %dma_wait3A_383] : memref<125x80xi32, #tpu.memory_space<vmem>> -> memref<1x80xi32, #tpu.memory_space<vmem>>
      %dma_wait3A_385 = tpu.memref_squeeze %dma_wait3A_384 : memref<1x80xi32, #tpu.memory_space<vmem>> -> memref<80xi32, #tpu.memory_space<vmem>>
      %dma_wait3A_386 = arith.constant 0 : i32
      %dma_wait3A_387 = tpu.memref_slice %arg7[%dma_wait3A_386] : memref<10240xf32, #tpu.memory_space<vmem_shared>> -> memref<10240xf32, #tpu.memory_space<vmem_shared>>
      tpu.wait_indirect_dma semaphore(%arg8 : memref<!tpu.dma_semaphore, #tpu.memory_space<semaphore_mem>>) src(%arg5 : memref<80xf32, #tpu.memory_space<vmem>>) dst(%dma_wait3A_387 : memref<10240xf32, #tpu.memory_space<vmem_shared>>)
      %mul3A_388 = arith.constant 25 : i32
      %mul3A_389 = arith.muli %scan3A_47, %mul3A_388 : i32
      %add3A_390 = arith.constant 13 : i32
      %add3A_391 = arith.addi %mul3A_389, %add3A_390 : i32
      %dma_wait3A_392 = arith.constant 0 : i32
      %dma_wait3A_393 = tpu.memref_slice %arg4[%add3A_391, %dma_wait3A_392] : memref<125x80xi32, #tpu.memory_space<vmem>> -> memref<1x80xi32, #tpu.memory_space<vmem>>
      %dma_wait3A_394 = tpu.memref_squeeze %dma_wait3A_393 : memref<1x80xi32, #tpu.memory_space<vmem>> -> memref<80xi32, #tpu.memory_space<vmem>>
      %dma_wait3A_395 = arith.constant 0 : i32
      %dma_wait3A_396 = tpu.memref_slice %arg7[%dma_wait3A_395] : memref<10240xf32, #tpu.memory_space<vmem_shared>> -> memref<10240xf32, #tpu.memory_space<vmem_shared>>
      tpu.wait_indirect_dma semaphore(%arg8 : memref<!tpu.dma_semaphore, #tpu.memory_space<semaphore_mem>>) src(%arg5 : memref<80xf32, #tpu.memory_space<vmem>>) dst(%dma_wait3A_396 : memref<10240xf32, #tpu.memory_space<vmem_shared>>)
      %mul3A_397 = arith.constant 25 : i32
      %mul3A_398 = arith.muli %scan3A_47, %mul3A_397 : i32
      %add3A_399 = arith.constant 14 : i32
      %add3A_400 = arith.addi %mul3A_398, %add3A_399 : i32
      %dma_wait3A_401 = arith.constant 0 : i32
      %dma_wait3A_402 = tpu.memref_slice %arg4[%add3A_400, %dma_wait3A_401] : memref<125x80xi32, #tpu.memory_space<vmem>> -> memref<1x80xi32, #tpu.memory_space<vmem>>
      %dma_wait3A_403 = tpu.memref_squeeze %dma_wait3A_402 : memref<1x80xi32, #tpu.memory_space<vmem>> -> memref<80xi32, #tpu.memory_space<vmem>>
      %dma_wait3A_404 = arith.constant 0 : i32
      %dma_wait3A_405 = tpu.memref_slice %arg7[%dma_wait3A_404] : memref<10240xf32, #tpu.memory_space<vmem_shared>> -> memref<10240xf32, #tpu.memory_space<vmem_shared>>
      tpu.wait_indirect_dma semaphore(%arg8 : memref<!tpu.dma_semaphore, #tpu.memory_space<semaphore_mem>>) src(%arg5 : memref<80xf32, #tpu.memory_space<vmem>>) dst(%dma_wait3A_405 : memref<10240xf32, #tpu.memory_space<vmem_shared>>)
      %mul3A_406 = arith.constant 25 : i32
      %mul3A_407 = arith.muli %scan3A_47, %mul3A_406 : i32
      %add3A_408 = arith.constant 15 : i32
      %add3A_409 = arith.addi %mul3A_407, %add3A_408 : i32
      %dma_wait3A_410 = arith.constant 0 : i32
      %dma_wait3A_411 = tpu.memref_slice %arg4[%add3A_409, %dma_wait3A_410] : memref<125x80xi32, #tpu.memory_space<vmem>> -> memref<1x80xi32, #tpu.memory_space<vmem>>
      %dma_wait3A_412 = tpu.memref_squeeze %dma_wait3A_411 : memref<1x80xi32, #tpu.memory_space<vmem>> -> memref<80xi32, #tpu.memory_space<vmem>>
      %dma_wait3A_413 = arith.constant 0 : i32
      %dma_wait3A_414 = tpu.memref_slice %arg7[%dma_wait3A_413] : memref<10240xf32, #tpu.memory_space<vmem_shared>> -> memref<10240xf32, #tpu.memory_space<vmem_shared>>
      tpu.wait_indirect_dma semaphore(%arg8 : memref<!tpu.dma_semaphore, #tpu.memory_space<semaphore_mem>>) src(%arg5 : memref<80xf32, #tpu.memory_space<vmem>>) dst(%dma_wait3A_414 : memref<10240xf32, #tpu.memory_space<vmem_shared>>)
      %mul3A_415 = arith.constant 25 : i32
      %mul3A_416 = arith.muli %scan3A_47, %mul3A_415 : i32
      %add3A_417 = arith.constant 16 : i32
      %add3A_418 = arith.addi %mul3A_416, %add3A_417 : i32
      %dma_wait3A_419 = arith.constant 0 : i32
      %dma_wait3A_420 = tpu.memref_slice %arg4[%add3A_418, %dma_wait3A_419] : memref<125x80xi32, #tpu.memory_space<vmem>> -> memref<1x80xi32, #tpu.memory_space<vmem>>
      %dma_wait3A_421 = tpu.memref_squeeze %dma_wait3A_420 : memref<1x80xi32, #tpu.memory_space<vmem>> -> memref<80xi32, #tpu.memory_space<vmem>>
      %dma_wait3A_422 = arith.constant 0 : i32
      %dma_wait3A_423 = tpu.memref_slice %arg7[%dma_wait3A_422] : memref<10240xf32, #tpu.memory_space<vmem_shared>> -> memref<10240xf32, #tpu.memory_space<vmem_shared>>
      tpu.wait_indirect_dma semaphore(%arg8 : memref<!tpu.dma_semaphore, #tpu.memory_space<semaphore_mem>>) src(%arg5 : memref<80xf32, #tpu.memory_space<vmem>>) dst(%dma_wait3A_423 : memref<10240xf32, #tpu.memory_space<vmem_shared>>)
      %mul3A_424 = arith.constant 25 : i32
      %mul3A_425 = arith.muli %scan3A_47, %mul3A_424 : i32
      %add3A_426 = arith.constant 17 : i32
      %add3A_427 = arith.addi %mul3A_425, %add3A_426 : i32
      %dma_wait3A_428 = arith.constant 0 : i32
      %dma_wait3A_429 = tpu.memref_slice %arg4[%add3A_427, %dma_wait3A_428] : memref<125x80xi32, #tpu.memory_space<vmem>> -> memref<1x80xi32, #tpu.memory_space<vmem>>
      %dma_wait3A_430 = tpu.memref_squeeze %dma_wait3A_429 : memref<1x80xi32, #tpu.memory_space<vmem>> -> memref<80xi32, #tpu.memory_space<vmem>>
      %dma_wait3A_431 = arith.constant 0 : i32
      %dma_wait3A_432 = tpu.memref_slice %arg7[%dma_wait3A_431] : memref<10240xf32, #tpu.memory_space<vmem_shared>> -> memref<10240xf32, #tpu.memory_space<vmem_shared>>
      tpu.wait_indirect_dma semaphore(%arg8 : memref<!tpu.dma_semaphore, #tpu.memory_space<semaphore_mem>>) src(%arg5 : memref<80xf32, #tpu.memory_space<vmem>>) dst(%dma_wait3A_432 : memref<10240xf32, #tpu.memory_space<vmem_shared>>)
      %mul3A_433 = arith.constant 25 : i32
      %mul3A_434 = arith.muli %scan3A_47, %mul3A_433 : i32
      %add3A_435 = arith.constant 18 : i32
      %add3A_436 = arith.addi %mul3A_434, %add3A_435 : i32
      %dma_wait3A_437 = arith.constant 0 : i32
      %dma_wait3A_438 = tpu.memref_slice %arg4[%add3A_436, %dma_wait3A_437] : memref<125x80xi32, #tpu.memory_space<vmem>> -> memref<1x80xi32, #tpu.memory_space<vmem>>
      %dma_wait3A_439 = tpu.memref_squeeze %dma_wait3A_438 : memref<1x80xi32, #tpu.memory_space<vmem>> -> memref<80xi32, #tpu.memory_space<vmem>>
      %dma_wait3A_440 = arith.constant 0 : i32
      %dma_wait3A_441 = tpu.memref_slice %arg7[%dma_wait3A_440] : memref<10240xf32, #tpu.memory_space<vmem_shared>> -> memref<10240xf32, #tpu.memory_space<vmem_shared>>
      tpu.wait_indirect_dma semaphore(%arg8 : memref<!tpu.dma_semaphore, #tpu.memory_space<semaphore_mem>>) src(%arg5 : memref<80xf32, #tpu.memory_space<vmem>>) dst(%dma_wait3A_441 : memref<10240xf32, #tpu.memory_space<vmem_shared>>)
      %mul3A_442 = arith.constant 25 : i32
      %mul3A_443 = arith.muli %scan3A_47, %mul3A_442 : i32
      %add3A_444 = arith.constant 19 : i32
      %add3A_445 = arith.addi %mul3A_443, %add3A_444 : i32
      %dma_wait3A_446 = arith.constant 0 : i32
      %dma_wait3A_447 = tpu.memref_slice %arg4[%add3A_445, %dma_wait3A_446] : memref<125x80xi32, #tpu.memory_space<vmem>> -> memref<1x80xi32, #tpu.memory_space<vmem>>
      %dma_wait3A_448 = tpu.memref_squeeze %dma_wait3A_447 : memref<1x80xi32, #tpu.memory_space<vmem>> -> memref<80xi32, #tpu.memory_space<vmem>>
      %dma_wait3A_449 = arith.constant 0 : i32
      %dma_wait3A_450 = tpu.memref_slice %arg7[%dma_wait3A_449] : memref<10240xf32, #tpu.memory_space<vmem_shared>> -> memref<10240xf32, #tpu.memory_space<vmem_shared>>
      tpu.wait_indirect_dma semaphore(%arg8 : memref<!tpu.dma_semaphore, #tpu.memory_space<semaphore_mem>>) src(%arg5 : memref<80xf32, #tpu.memory_space<vmem>>) dst(%dma_wait3A_450 : memref<10240xf32, #tpu.memory_space<vmem_shared>>)
      %mul3A_451 = arith.constant 25 : i32
      %mul3A_452 = arith.muli %scan3A_47, %mul3A_451 : i32
      %add3A_453 = arith.constant 20 : i32
      %add3A_454 = arith.addi %mul3A_452, %add3A_453 : i32
      %dma_wait3A_455 = arith.constant 0 : i32
      %dma_wait3A_456 = tpu.memref_slice %arg4[%add3A_454, %dma_wait3A_455] : memref<125x80xi32, #tpu.memory_space<vmem>> -> memref<1x80xi32, #tpu.memory_space<vmem>>
      %dma_wait3A_457 = tpu.memref_squeeze %dma_wait3A_456 : memref<1x80xi32, #tpu.memory_space<vmem>> -> memref<80xi32, #tpu.memory_space<vmem>>
      %dma_wait3A_458 = arith.constant 0 : i32
      %dma_wait3A_459 = tpu.memref_slice %arg7[%dma_wait3A_458] : memref<10240xf32, #tpu.memory_space<vmem_shared>> -> memref<10240xf32, #tpu.memory_space<vmem_shared>>
      tpu.wait_indirect_dma semaphore(%arg8 : memref<!tpu.dma_semaphore, #tpu.memory_space<semaphore_mem>>) src(%arg5 : memref<80xf32, #tpu.memory_space<vmem>>) dst(%dma_wait3A_459 : memref<10240xf32, #tpu.memory_space<vmem_shared>>)
      %mul3A_460 = arith.constant 25 : i32
      %mul3A_461 = arith.muli %scan3A_47, %mul3A_460 : i32
      %add3A_462 = arith.constant 21 : i32
      %add3A_463 = arith.addi %mul3A_461, %add3A_462 : i32
      %dma_wait3A_464 = arith.constant 0 : i32
      %dma_wait3A_465 = tpu.memref_slice %arg4[%add3A_463, %dma_wait3A_464] : memref<125x80xi32, #tpu.memory_space<vmem>> -> memref<1x80xi32, #tpu.memory_space<vmem>>
      %dma_wait3A_466 = tpu.memref_squeeze %dma_wait3A_465 : memref<1x80xi32, #tpu.memory_space<vmem>> -> memref<80xi32, #tpu.memory_space<vmem>>
      %dma_wait3A_467 = arith.constant 0 : i32
      %dma_wait3A_468 = tpu.memref_slice %arg7[%dma_wait3A_467] : memref<10240xf32, #tpu.memory_space<vmem_shared>> -> memref<10240xf32, #tpu.memory_space<vmem_shared>>
      tpu.wait_indirect_dma semaphore(%arg8 : memref<!tpu.dma_semaphore, #tpu.memory_space<semaphore_mem>>) src(%arg5 : memref<80xf32, #tpu.memory_space<vmem>>) dst(%dma_wait3A_468 : memref<10240xf32, #tpu.memory_space<vmem_shared>>)
      %mul3A_469 = arith.constant 25 : i32
      %mul3A_470 = arith.muli %scan3A_47, %mul3A_469 : i32
      %add3A_471 = arith.constant 22 : i32
      %add3A_472 = arith.addi %mul3A_470, %add3A_471 : i32
      %dma_wait3A_473 = arith.constant 0 : i32
      %dma_wait3A_474 = tpu.memref_slice %arg4[%add3A_472, %dma_wait3A_473] : memref<125x80xi32, #tpu.memory_space<vmem>> -> memref<1x80xi32, #tpu.memory_space<vmem>>
      %dma_wait3A_475 = tpu.memref_squeeze %dma_wait3A_474 : memref<1x80xi32, #tpu.memory_space<vmem>> -> memref<80xi32, #tpu.memory_space<vmem>>
      %dma_wait3A_476 = arith.constant 0 : i32
      %dma_wait3A_477 = tpu.memref_slice %arg7[%dma_wait3A_476] : memref<10240xf32, #tpu.memory_space<vmem_shared>> -> memref<10240xf32, #tpu.memory_space<vmem_shared>>
      tpu.wait_indirect_dma semaphore(%arg8 : memref<!tpu.dma_semaphore, #tpu.memory_space<semaphore_mem>>) src(%arg5 : memref<80xf32, #tpu.memory_space<vmem>>) dst(%dma_wait3A_477 : memref<10240xf32, #tpu.memory_space<vmem_shared>>)
      %mul3A_478 = arith.constant 25 : i32
      %mul3A_479 = arith.muli %scan3A_47, %mul3A_478 : i32
      %add3A_480 = arith.constant 23 : i32
      %add3A_481 = arith.addi %mul3A_479, %add3A_480 : i32
      %dma_wait3A_482 = arith.constant 0 : i32
      %dma_wait3A_483 = tpu.memref_slice %arg4[%add3A_481, %dma_wait3A_482] : memref<125x80xi32, #tpu.memory_space<vmem>> -> memref<1x80xi32, #tpu.memory_space<vmem>>
      %dma_wait3A_484 = tpu.memref_squeeze %dma_wait3A_483 : memref<1x80xi32, #tpu.memory_space<vmem>> -> memref<80xi32, #tpu.memory_space<vmem>>
      %dma_wait3A_485 = arith.constant 0 : i32
      %dma_wait3A_486 = tpu.memref_slice %arg7[%dma_wait3A_485] : memref<10240xf32, #tpu.memory_space<vmem_shared>> -> memref<10240xf32, #tpu.memory_space<vmem_shared>>
      tpu.wait_indirect_dma semaphore(%arg8 : memref<!tpu.dma_semaphore, #tpu.memory_space<semaphore_mem>>) src(%arg5 : memref<80xf32, #tpu.memory_space<vmem>>) dst(%dma_wait3A_486 : memref<10240xf32, #tpu.memory_space<vmem_shared>>)
      %mul3A_487 = arith.constant 25 : i32
      %mul3A_488 = arith.muli %scan3A_47, %mul3A_487 : i32
      %add3A_489 = arith.constant 24 : i32
      %add3A_490 = arith.addi %mul3A_488, %add3A_489 : i32
      %dma_wait3A_491 = arith.constant 0 : i32
      %dma_wait3A_492 = tpu.memref_slice %arg4[%add3A_490, %dma_wait3A_491] : memref<125x80xi32, #tpu.memory_space<vmem>> -> memref<1x80xi32, #tpu.memory_space<vmem>>
      %dma_wait3A_493 = tpu.memref_squeeze %dma_wait3A_492 : memref<1x80xi32, #tpu.memory_space<vmem>> -> memref<80xi32, #tpu.memory_space<vmem>>
      %dma_wait3A_494 = arith.constant 0 : i32
      %dma_wait3A_495 = tpu.memref_slice %arg7[%dma_wait3A_494] : memref<10240xf32, #tpu.memory_space<vmem_shared>> -> memref<10240xf32, #tpu.memory_space<vmem_shared>>
      tpu.wait_indirect_dma semaphore(%arg8 : memref<!tpu.dma_semaphore, #tpu.memory_space<semaphore_mem>>) src(%arg5 : memref<80xf32, #tpu.memory_space<vmem>>) dst(%dma_wait3A_495 : memref<10240xf32, #tpu.memory_space<vmem_shared>>)
      %scan3A_496 = arith.constant 0 : i32
      scf.yield %scan3A_496 : i32
    }
    %scan3A_41 = arith.constant 5 : i32
    %barrier3A_42 = arith.constant 0 : index
    tpu.barrier barrier_id(%barrier3A_42)
    %mul3A_43 = arith.constant 640 : i32
    %mul3A_44 = arith.muli %mul3A_43, %arg1 : i32
    %mul3A_45 = arith.constant 640 : i32
    %mul3A_46 = arith.muli %mul3A_45, %arg1 : i32
    "tpu.region"() ({
      %run_scoped3A = tpu.sem_alloc : memref<!tpu.dma_semaphore, #tpu.memory_space<semaphore_mem>>
      %dma_start3A = tpu.memref_slice %arg3[%arg0, %mul3A_46] : memref<2x10240xf32, #tpu.memory_space<hbm>> -> memref<1x640xf32, #tpu.memory_space<hbm>>
      %dma_start3A_47 = tpu.memref_squeeze %dma_start3A : memref<1x640xf32, #tpu.memory_space<hbm>> -> memref<640xf32, #tpu.memory_space<hbm>>
      %dma_start3A_48 = tpu.memref_slice %arg7[%mul3A_44] : memref<10240xf32, #tpu.memory_space<vmem_shared>> -> memref<640xf32, #tpu.memory_space<vmem_shared>>
      tpu.enqueue_dma source(%dma_start3A_48 : memref<640xf32, #tpu.memory_space<vmem_shared>>) target(%dma_start3A_47 : memref<640xf32, #tpu.memory_space<hbm>>) target_semaphore(%run_scoped3A : memref<!tpu.dma_semaphore, #tpu.memory_space<semaphore_mem>>)
      %dma_wait3A = tpu.memref_slice %arg3[%arg0, %mul3A_46] : memref<2x10240xf32, #tpu.memory_space<hbm>> -> memref<1x640xf32, #tpu.memory_space<hbm>>
      %dma_wait3A_49 = tpu.memref_squeeze %dma_wait3A : memref<1x640xf32, #tpu.memory_space<hbm>> -> memref<640xf32, #tpu.memory_space<hbm>>
      %dma_wait3A_50 = tpu.memref_slice %arg7[%mul3A_44] : memref<10240xf32, #tpu.memory_space<vmem_shared>> -> memref<640xf32, #tpu.memory_space<vmem_shared>>
      tpu.wait_dma2 semaphore(%run_scoped3A : memref<!tpu.dma_semaphore, #tpu.memory_space<semaphore_mem>>) src(%dma_wait3A_50 : memref<640xf32, #tpu.memory_space<vmem_shared>>) dst(%dma_wait3A_49 : memref<640xf32, #tpu.memory_space<hbm>>)
      tpu.yield
    }) : () -> ()
    return
  }
}

#map = affine_map<(d0, d1) -> (0, 0)>
#map1 = affine_map<(d0, d1) -> (0, 0, 0, 0)>
#map2 = affine_map<(d0, d1) -> (0, 0, 0)>
module attributes {stable_mosaic.version = 14 : i64} {
  func.func @_scatter_kernel(%arg0: i32, %arg1: i32, %arg2: memref<10240x128xf32, #tpu.memory_space<hbm>>, %arg3: memref<2x16x125x80xi32, #tpu.memory_space<hbm>>, %arg4: memref<2x16x125x80xi32, #tpu.memory_space<hbm>>, %arg5: memref<2x10240x128xf32, #tpu.memory_space<hbm>>, %arg6: memref<4x80xi32, #tpu.memory_space<vmem>>, %arg7: memref<4x80xi32, #tpu.memory_space<vmem>>, %arg8: memref<80x128xf32, #tpu.memory_space<vmem>>, %arg9: memref<80x128xf32, #tpu.memory_space<vmem>>, %arg10: memref<16x128xf32, #tpu.memory_space<vmem>>, %arg11: memref<10240x128xf32, #tpu.memory_space<vmem_shared>>, %arg12: memref<4x!tpu.dma_semaphore, #tpu.memory_space<semaphore_mem>>, %arg13: memref<2x!tpu.dma_semaphore, #tpu.memory_space<semaphore_mem>>, %arg14: memref<!tpu.dma_semaphore, #tpu.memory_space<semaphore_mem>>) attributes {dimension_semantics = [#tpu.dimension_semantics<core_parallel>, #tpu.dimension_semantics<subcore_parallel>], iteration_bounds = array<i64: 2, 16>, scalar_prefetch = 0 : i64, scratch_operands = 9 : i64, tpu.core_type = #tpu.core_type<sc_vector_subcore>, window_params = [{transform_indices = #map}, {transform_indices = #map1}, {transform_indices = #map1}, {transform_indices = #map2}]} {
    %rem3A = arith.constant 0 : i32
    %rem3A_0 = arith.constant 4 : i32
    %rem3A_1 = arith.remsi %rem3A, %rem3A_0 : i32
    %dma_start3A = arith.constant 0 : i32
    %dma_start3A_2 = arith.constant 0 : i32
    %dma_start3A_3 = tpu.memref_slice %arg6[%rem3A_1, %dma_start3A_2] : memref<4x80xi32, #tpu.memory_space<vmem>> -> memref<1x80xi32, #tpu.memory_space<vmem>>
    %dma_start3A_4 = tpu.memref_squeeze %dma_start3A_3 : memref<1x80xi32, #tpu.memory_space<vmem>> -> memref<80xi32, #tpu.memory_space<vmem>>
    %dma_start3A_5 = arith.constant 0 : i32
    %dma_start3A_6 = tpu.memref_slice %arg3[%arg0, %arg1, %dma_start3A, %dma_start3A_5] : memref<2x16x125x80xi32, #tpu.memory_space<hbm>> -> memref<1x1x1x80xi32, #tpu.memory_space<hbm>>
    %dma_start3A_7 = tpu.memref_squeeze %dma_start3A_6 : memref<1x1x1x80xi32, #tpu.memory_space<hbm>> -> memref<80xi32, #tpu.memory_space<hbm>>
    %dma_start3A_8 = tpu.memref_slice %arg12[%rem3A_1] : memref<4x!tpu.dma_semaphore, #tpu.memory_space<semaphore_mem>> -> memref<1x!tpu.dma_semaphore, #tpu.memory_space<semaphore_mem>>
    %dma_start3A_9 = tpu.memref_squeeze %dma_start3A_8 : memref<1x!tpu.dma_semaphore, #tpu.memory_space<semaphore_mem>> -> memref<!tpu.dma_semaphore, #tpu.memory_space<semaphore_mem>>
    %dma_start3A_10 = arith.constant 0 : i32
    %dma_start3A_11 = tpu.memref_slice %arg6[%rem3A_1, %dma_start3A_10] : memref<4x80xi32, #tpu.memory_space<vmem>> -> memref<1x80xi32, #tpu.memory_space<vmem>>
    %dma_start3A_12 = tpu.memref_squeeze %dma_start3A_11 : memref<1x80xi32, #tpu.memory_space<vmem>> -> memref<80xi32, #tpu.memory_space<vmem>>
    %dma_start3A_13 = arith.constant 0 : i32
    %dma_start3A_14 = tpu.memref_slice %arg3[%arg0, %arg1, %dma_start3A, %dma_start3A_13] : memref<2x16x125x80xi32, #tpu.memory_space<hbm>> -> memref<1x1x1x80xi32, #tpu.memory_space<hbm>>
    %dma_start3A_15 = tpu.memref_squeeze %dma_start3A_14 : memref<1x1x1x80xi32, #tpu.memory_space<hbm>> -> memref<80xi32, #tpu.memory_space<hbm>>
    tpu.enqueue_dma source(%dma_start3A_15 : memref<80xi32, #tpu.memory_space<hbm>>) target(%dma_start3A_12 : memref<80xi32, #tpu.memory_space<vmem>>) target_semaphore(%dma_start3A_9 : memref<!tpu.dma_semaphore, #tpu.memory_space<semaphore_mem>>)
    %dma_start3A_16 = arith.constant 0 : i32
    %dma_start3A_17 = arith.constant 0 : i32
    %dma_start3A_18 = tpu.memref_slice %arg7[%rem3A_1, %dma_start3A_17] : memref<4x80xi32, #tpu.memory_space<vmem>> -> memref<1x80xi32, #tpu.memory_space<vmem>>
    %dma_start3A_19 = tpu.memref_squeeze %dma_start3A_18 : memref<1x80xi32, #tpu.memory_space<vmem>> -> memref<80xi32, #tpu.memory_space<vmem>>
    %dma_start3A_20 = arith.constant 0 : i32
    %dma_start3A_21 = tpu.memref_slice %arg4[%arg0, %arg1, %dma_start3A_16, %dma_start3A_20] : memref<2x16x125x80xi32, #tpu.memory_space<hbm>> -> memref<1x1x1x80xi32, #tpu.memory_space<hbm>>
    %dma_start3A_22 = tpu.memref_squeeze %dma_start3A_21 : memref<1x1x1x80xi32, #tpu.memory_space<hbm>> -> memref<80xi32, #tpu.memory_space<hbm>>
    %dma_start3A_23 = tpu.memref_slice %arg12[%rem3A_1] : memref<4x!tpu.dma_semaphore, #tpu.memory_space<semaphore_mem>> -> memref<1x!tpu.dma_semaphore, #tpu.memory_space<semaphore_mem>>
    %dma_start3A_24 = tpu.memref_squeeze %dma_start3A_23 : memref<1x!tpu.dma_semaphore, #tpu.memory_space<semaphore_mem>> -> memref<!tpu.dma_semaphore, #tpu.memory_space<semaphore_mem>>
    %dma_start3A_25 = arith.constant 0 : i32
    %dma_start3A_26 = tpu.memref_slice %arg7[%rem3A_1, %dma_start3A_25] : memref<4x80xi32, #tpu.memory_space<vmem>> -> memref<1x80xi32, #tpu.memory_space<vmem>>
    %dma_start3A_27 = tpu.memref_squeeze %dma_start3A_26 : memref<1x80xi32, #tpu.memory_space<vmem>> -> memref<80xi32, #tpu.memory_space<vmem>>
    %dma_start3A_28 = arith.constant 0 : i32
    %dma_start3A_29 = tpu.memref_slice %arg4[%arg0, %arg1, %dma_start3A_16, %dma_start3A_28] : memref<2x16x125x80xi32, #tpu.memory_space<hbm>> -> memref<1x1x1x80xi32, #tpu.memory_space<hbm>>
    %dma_start3A_30 = tpu.memref_squeeze %dma_start3A_29 : memref<1x1x1x80xi32, #tpu.memory_space<hbm>> -> memref<80xi32, #tpu.memory_space<hbm>>
    tpu.enqueue_dma source(%dma_start3A_30 : memref<80xi32, #tpu.memory_space<hbm>>) target(%dma_start3A_27 : memref<80xi32, #tpu.memory_space<vmem>>) target_semaphore(%dma_start3A_24 : memref<!tpu.dma_semaphore, #tpu.memory_space<semaphore_mem>>)
    %rem3A_31 = arith.constant 1 : i32
    %rem3A_32 = arith.constant 4 : i32
    %rem3A_33 = arith.remsi %rem3A_31, %rem3A_32 : i32
    %dma_start3A_34 = arith.constant 1 : i32
    %dma_start3A_35 = arith.constant 0 : i32
    %dma_start3A_36 = tpu.memref_slice %arg6[%rem3A_33, %dma_start3A_35] : memref<4x80xi32, #tpu.memory_space<vmem>> -> memref<1x80xi32, #tpu.memory_space<vmem>>
    %dma_start3A_37 = tpu.memref_squeeze %dma_start3A_36 : memref<1x80xi32, #tpu.memory_space<vmem>> -> memref<80xi32, #tpu.memory_space<vmem>>
    %dma_start3A_38 = arith.constant 0 : i32
    %dma_start3A_39 = tpu.memref_slice %arg3[%arg0, %arg1, %dma_start3A_34, %dma_start3A_38] : memref<2x16x125x80xi32, #tpu.memory_space<hbm>> -> memref<1x1x1x80xi32, #tpu.memory_space<hbm>>
    %dma_start3A_40 = tpu.memref_squeeze %dma_start3A_39 : memref<1x1x1x80xi32, #tpu.memory_space<hbm>> -> memref<80xi32, #tpu.memory_space<hbm>>
    %dma_start3A_41 = tpu.memref_slice %arg12[%rem3A_33] : memref<4x!tpu.dma_semaphore, #tpu.memory_space<semaphore_mem>> -> memref<1x!tpu.dma_semaphore, #tpu.memory_space<semaphore_mem>>
    %dma_start3A_42 = tpu.memref_squeeze %dma_start3A_41 : memref<1x!tpu.dma_semaphore, #tpu.memory_space<semaphore_mem>> -> memref<!tpu.dma_semaphore, #tpu.memory_space<semaphore_mem>>
    %dma_start3A_43 = arith.constant 0 : i32
    %dma_start3A_44 = tpu.memref_slice %arg6[%rem3A_33, %dma_start3A_43] : memref<4x80xi32, #tpu.memory_space<vmem>> -> memref<1x80xi32, #tpu.memory_space<vmem>>
    %dma_start3A_45 = tpu.memref_squeeze %dma_start3A_44 : memref<1x80xi32, #tpu.memory_space<vmem>> -> memref<80xi32, #tpu.memory_space<vmem>>
    %dma_start3A_46 = arith.constant 0 : i32
    %dma_start3A_47 = tpu.memref_slice %arg3[%arg0, %arg1, %dma_start3A_34, %dma_start3A_46] : memref<2x16x125x80xi32, #tpu.memory_space<hbm>> -> memref<1x1x1x80xi32, #tpu.memory_space<hbm>>
    %dma_start3A_48 = tpu.memref_squeeze %dma_start3A_47 : memref<1x1x1x80xi32, #tpu.memory_space<hbm>> -> memref<80xi32, #tpu.memory_space<hbm>>
    tpu.enqueue_dma source(%dma_start3A_48 : memref<80xi32, #tpu.memory_space<hbm>>) target(%dma_start3A_45 : memref<80xi32, #tpu.memory_space<vmem>>) target_semaphore(%dma_start3A_42 : memref<!tpu.dma_semaphore, #tpu.memory_space<semaphore_mem>>)
    %dma_start3A_49 = arith.constant 1 : i32
    %dma_start3A_50 = arith.constant 0 : i32
    %dma_start3A_51 = tpu.memref_slice %arg7[%rem3A_33, %dma_start3A_50] : memref<4x80xi32, #tpu.memory_space<vmem>> -> memref<1x80xi32, #tpu.memory_space<vmem>>
    %dma_start3A_52 = tpu.memref_squeeze %dma_start3A_51 : memref<1x80xi32, #tpu.memory_space<vmem>> -> memref<80xi32, #tpu.memory_space<vmem>>
    %dma_start3A_53 = arith.constant 0 : i32
    %dma_start3A_54 = tpu.memref_slice %arg4[%arg0, %arg1, %dma_start3A_49, %dma_start3A_53] : memref<2x16x125x80xi32, #tpu.memory_space<hbm>> -> memref<1x1x1x80xi32, #tpu.memory_space<hbm>>
    %dma_start3A_55 = tpu.memref_squeeze %dma_start3A_54 : memref<1x1x1x80xi32, #tpu.memory_space<hbm>> -> memref<80xi32, #tpu.memory_space<hbm>>
    %dma_start3A_56 = tpu.memref_slice %arg12[%rem3A_33] : memref<4x!tpu.dma_semaphore, #tpu.memory_space<semaphore_mem>> -> memref<1x!tpu.dma_semaphore, #tpu.memory_space<semaphore_mem>>
    %dma_start3A_57 = tpu.memref_squeeze %dma_start3A_56 : memref<1x!tpu.dma_semaphore, #tpu.memory_space<semaphore_mem>> -> memref<!tpu.dma_semaphore, #tpu.memory_space<semaphore_mem>>
    %dma_start3A_58 = arith.constant 0 : i32
    %dma_start3A_59 = tpu.memref_slice %arg7[%rem3A_33, %dma_start3A_58] : memref<4x80xi32, #tpu.memory_space<vmem>> -> memref<1x80xi32, #tpu.memory_space<vmem>>
    %dma_start3A_60 = tpu.memref_squeeze %dma_start3A_59 : memref<1x80xi32, #tpu.memory_space<vmem>> -> memref<80xi32, #tpu.memory_space<vmem>>
    %dma_start3A_61 = arith.constant 0 : i32
    %dma_start3A_62 = tpu.memref_slice %arg4[%arg0, %arg1, %dma_start3A_49, %dma_start3A_61] : memref<2x16x125x80xi32, #tpu.memory_space<hbm>> -> memref<1x1x1x80xi32, #tpu.memory_space<hbm>>
    %dma_start3A_63 = tpu.memref_squeeze %dma_start3A_62 : memref<1x1x1x80xi32, #tpu.memory_space<hbm>> -> memref<80xi32, #tpu.memory_space<hbm>>
    tpu.enqueue_dma source(%dma_start3A_63 : memref<80xi32, #tpu.memory_space<hbm>>) target(%dma_start3A_60 : memref<80xi32, #tpu.memory_space<vmem>>) target_semaphore(%dma_start3A_57 : memref<!tpu.dma_semaphore, #tpu.memory_space<semaphore_mem>>)
    %rem3A_64 = arith.constant 2 : i32
    %rem3A_65 = arith.constant 4 : i32
    %rem3A_66 = arith.remsi %rem3A_64, %rem3A_65 : i32
    %dma_start3A_67 = arith.constant 2 : i32
    %dma_start3A_68 = arith.constant 0 : i32
    %dma_start3A_69 = tpu.memref_slice %arg6[%rem3A_66, %dma_start3A_68] : memref<4x80xi32, #tpu.memory_space<vmem>> -> memref<1x80xi32, #tpu.memory_space<vmem>>
    %dma_start3A_70 = tpu.memref_squeeze %dma_start3A_69 : memref<1x80xi32, #tpu.memory_space<vmem>> -> memref<80xi32, #tpu.memory_space<vmem>>
    %dma_start3A_71 = arith.constant 0 : i32
    %dma_start3A_72 = tpu.memref_slice %arg3[%arg0, %arg1, %dma_start3A_67, %dma_start3A_71] : memref<2x16x125x80xi32, #tpu.memory_space<hbm>> -> memref<1x1x1x80xi32, #tpu.memory_space<hbm>>
    %dma_start3A_73 = tpu.memref_squeeze %dma_start3A_72 : memref<1x1x1x80xi32, #tpu.memory_space<hbm>> -> memref<80xi32, #tpu.memory_space<hbm>>
    %dma_start3A_74 = tpu.memref_slice %arg12[%rem3A_66] : memref<4x!tpu.dma_semaphore, #tpu.memory_space<semaphore_mem>> -> memref<1x!tpu.dma_semaphore, #tpu.memory_space<semaphore_mem>>
    %dma_start3A_75 = tpu.memref_squeeze %dma_start3A_74 : memref<1x!tpu.dma_semaphore, #tpu.memory_space<semaphore_mem>> -> memref<!tpu.dma_semaphore, #tpu.memory_space<semaphore_mem>>
    %dma_start3A_76 = arith.constant 0 : i32
    %dma_start3A_77 = tpu.memref_slice %arg6[%rem3A_66, %dma_start3A_76] : memref<4x80xi32, #tpu.memory_space<vmem>> -> memref<1x80xi32, #tpu.memory_space<vmem>>
    %dma_start3A_78 = tpu.memref_squeeze %dma_start3A_77 : memref<1x80xi32, #tpu.memory_space<vmem>> -> memref<80xi32, #tpu.memory_space<vmem>>
    %dma_start3A_79 = arith.constant 0 : i32
    %dma_start3A_80 = tpu.memref_slice %arg3[%arg0, %arg1, %dma_start3A_67, %dma_start3A_79] : memref<2x16x125x80xi32, #tpu.memory_space<hbm>> -> memref<1x1x1x80xi32, #tpu.memory_space<hbm>>
    %dma_start3A_81 = tpu.memref_squeeze %dma_start3A_80 : memref<1x1x1x80xi32, #tpu.memory_space<hbm>> -> memref<80xi32, #tpu.memory_space<hbm>>
    tpu.enqueue_dma source(%dma_start3A_81 : memref<80xi32, #tpu.memory_space<hbm>>) target(%dma_start3A_78 : memref<80xi32, #tpu.memory_space<vmem>>) target_semaphore(%dma_start3A_75 : memref<!tpu.dma_semaphore, #tpu.memory_space<semaphore_mem>>)
    %dma_start3A_82 = arith.constant 2 : i32
    %dma_start3A_83 = arith.constant 0 : i32
    %dma_start3A_84 = tpu.memref_slice %arg7[%rem3A_66, %dma_start3A_83] : memref<4x80xi32, #tpu.memory_space<vmem>> -> memref<1x80xi32, #tpu.memory_space<vmem>>
    %dma_start3A_85 = tpu.memref_squeeze %dma_start3A_84 : memref<1x80xi32, #tpu.memory_space<vmem>> -> memref<80xi32, #tpu.memory_space<vmem>>
    %dma_start3A_86 = arith.constant 0 : i32
    %dma_start3A_87 = tpu.memref_slice %arg4[%arg0, %arg1, %dma_start3A_82, %dma_start3A_86] : memref<2x16x125x80xi32, #tpu.memory_space<hbm>> -> memref<1x1x1x80xi32, #tpu.memory_space<hbm>>
    %dma_start3A_88 = tpu.memref_squeeze %dma_start3A_87 : memref<1x1x1x80xi32, #tpu.memory_space<hbm>> -> memref<80xi32, #tpu.memory_space<hbm>>
    %dma_start3A_89 = tpu.memref_slice %arg12[%rem3A_66] : memref<4x!tpu.dma_semaphore, #tpu.memory_space<semaphore_mem>> -> memref<1x!tpu.dma_semaphore, #tpu.memory_space<semaphore_mem>>
    %dma_start3A_90 = tpu.memref_squeeze %dma_start3A_89 : memref<1x!tpu.dma_semaphore, #tpu.memory_space<semaphore_mem>> -> memref<!tpu.dma_semaphore, #tpu.memory_space<semaphore_mem>>
    %dma_start3A_91 = arith.constant 0 : i32
    %dma_start3A_92 = tpu.memref_slice %arg7[%rem3A_66, %dma_start3A_91] : memref<4x80xi32, #tpu.memory_space<vmem>> -> memref<1x80xi32, #tpu.memory_space<vmem>>
    %dma_start3A_93 = tpu.memref_squeeze %dma_start3A_92 : memref<1x80xi32, #tpu.memory_space<vmem>> -> memref<80xi32, #tpu.memory_space<vmem>>
    %dma_start3A_94 = arith.constant 0 : i32
    %dma_start3A_95 = tpu.memref_slice %arg4[%arg0, %arg1, %dma_start3A_82, %dma_start3A_94] : memref<2x16x125x80xi32, #tpu.memory_space<hbm>> -> memref<1x1x1x80xi32, #tpu.memory_space<hbm>>
    %dma_start3A_96 = tpu.memref_squeeze %dma_start3A_95 : memref<1x1x1x80xi32, #tpu.memory_space<hbm>> -> memref<80xi32, #tpu.memory_space<hbm>>
    tpu.enqueue_dma source(%dma_start3A_96 : memref<80xi32, #tpu.memory_space<hbm>>) target(%dma_start3A_93 : memref<80xi32, #tpu.memory_space<vmem>>) target_semaphore(%dma_start3A_90 : memref<!tpu.dma_semaphore, #tpu.memory_space<semaphore_mem>>)
    %rem3A_97 = arith.constant 3 : i32
    %rem3A_98 = arith.constant 4 : i32
    %rem3A_99 = arith.remsi %rem3A_97, %rem3A_98 : i32
    %dma_start3A_100 = arith.constant 3 : i32
    %dma_start3A_101 = arith.constant 0 : i32
    %dma_start3A_102 = tpu.memref_slice %arg6[%rem3A_99, %dma_start3A_101] : memref<4x80xi32, #tpu.memory_space<vmem>> -> memref<1x80xi32, #tpu.memory_space<vmem>>
    %dma_start3A_103 = tpu.memref_squeeze %dma_start3A_102 : memref<1x80xi32, #tpu.memory_space<vmem>> -> memref<80xi32, #tpu.memory_space<vmem>>
    %dma_start3A_104 = arith.constant 0 : i32
    %dma_start3A_105 = tpu.memref_slice %arg3[%arg0, %arg1, %dma_start3A_100, %dma_start3A_104] : memref<2x16x125x80xi32, #tpu.memory_space<hbm>> -> memref<1x1x1x80xi32, #tpu.memory_space<hbm>>
    %dma_start3A_106 = tpu.memref_squeeze %dma_start3A_105 : memref<1x1x1x80xi32, #tpu.memory_space<hbm>> -> memref<80xi32, #tpu.memory_space<hbm>>
    %dma_start3A_107 = tpu.memref_slice %arg12[%rem3A_99] : memref<4x!tpu.dma_semaphore, #tpu.memory_space<semaphore_mem>> -> memref<1x!tpu.dma_semaphore, #tpu.memory_space<semaphore_mem>>
    %dma_start3A_108 = tpu.memref_squeeze %dma_start3A_107 : memref<1x!tpu.dma_semaphore, #tpu.memory_space<semaphore_mem>> -> memref<!tpu.dma_semaphore, #tpu.memory_space<semaphore_mem>>
    %dma_start3A_109 = arith.constant 0 : i32
    %dma_start3A_110 = tpu.memref_slice %arg6[%rem3A_99, %dma_start3A_109] : memref<4x80xi32, #tpu.memory_space<vmem>> -> memref<1x80xi32, #tpu.memory_space<vmem>>
    %dma_start3A_111 = tpu.memref_squeeze %dma_start3A_110 : memref<1x80xi32, #tpu.memory_space<vmem>> -> memref<80xi32, #tpu.memory_space<vmem>>
    %dma_start3A_112 = arith.constant 0 : i32
    %dma_start3A_113 = tpu.memref_slice %arg3[%arg0, %arg1, %dma_start3A_100, %dma_start3A_112] : memref<2x16x125x80xi32, #tpu.memory_space<hbm>> -> memref<1x1x1x80xi32, #tpu.memory_space<hbm>>
    %dma_start3A_114 = tpu.memref_squeeze %dma_start3A_113 : memref<1x1x1x80xi32, #tpu.memory_space<hbm>> -> memref<80xi32, #tpu.memory_space<hbm>>
    tpu.enqueue_dma source(%dma_start3A_114 : memref<80xi32, #tpu.memory_space<hbm>>) target(%dma_start3A_111 : memref<80xi32, #tpu.memory_space<vmem>>) target_semaphore(%dma_start3A_108 : memref<!tpu.dma_semaphore, #tpu.memory_space<semaphore_mem>>)
    %dma_start3A_115 = arith.constant 3 : i32
    %dma_start3A_116 = arith.constant 0 : i32
    %dma_start3A_117 = tpu.memref_slice %arg7[%rem3A_99, %dma_start3A_116] : memref<4x80xi32, #tpu.memory_space<vmem>> -> memref<1x80xi32, #tpu.memory_space<vmem>>
    %dma_start3A_118 = tpu.memref_squeeze %dma_start3A_117 : memref<1x80xi32, #tpu.memory_space<vmem>> -> memref<80xi32, #tpu.memory_space<vmem>>
    %dma_start3A_119 = arith.constant 0 : i32
    %dma_start3A_120 = tpu.memref_slice %arg4[%arg0, %arg1, %dma_start3A_115, %dma_start3A_119] : memref<2x16x125x80xi32, #tpu.memory_space<hbm>> -> memref<1x1x1x80xi32, #tpu.memory_space<hbm>>
    %dma_start3A_121 = tpu.memref_squeeze %dma_start3A_120 : memref<1x1x1x80xi32, #tpu.memory_space<hbm>> -> memref<80xi32, #tpu.memory_space<hbm>>
    %dma_start3A_122 = tpu.memref_slice %arg12[%rem3A_99] : memref<4x!tpu.dma_semaphore, #tpu.memory_space<semaphore_mem>> -> memref<1x!tpu.dma_semaphore, #tpu.memory_space<semaphore_mem>>
    %dma_start3A_123 = tpu.memref_squeeze %dma_start3A_122 : memref<1x!tpu.dma_semaphore, #tpu.memory_space<semaphore_mem>> -> memref<!tpu.dma_semaphore, #tpu.memory_space<semaphore_mem>>
    %dma_start3A_124 = arith.constant 0 : i32
    %dma_start3A_125 = tpu.memref_slice %arg7[%rem3A_99, %dma_start3A_124] : memref<4x80xi32, #tpu.memory_space<vmem>> -> memref<1x80xi32, #tpu.memory_space<vmem>>
    %dma_start3A_126 = tpu.memref_squeeze %dma_start3A_125 : memref<1x80xi32, #tpu.memory_space<vmem>> -> memref<80xi32, #tpu.memory_space<vmem>>
    %dma_start3A_127 = arith.constant 0 : i32
    %dma_start3A_128 = tpu.memref_slice %arg4[%arg0, %arg1, %dma_start3A_115, %dma_start3A_127] : memref<2x16x125x80xi32, #tpu.memory_space<hbm>> -> memref<1x1x1x80xi32, #tpu.memory_space<hbm>>
    %dma_start3A_129 = tpu.memref_squeeze %dma_start3A_128 : memref<1x1x1x80xi32, #tpu.memory_space<hbm>> -> memref<80xi32, #tpu.memory_space<hbm>>
    tpu.enqueue_dma source(%dma_start3A_129 : memref<80xi32, #tpu.memory_space<hbm>>) target(%dma_start3A_126 : memref<80xi32, #tpu.memory_space<vmem>>) target_semaphore(%dma_start3A_123 : memref<!tpu.dma_semaphore, #tpu.memory_space<semaphore_mem>>)
    %rem3A_130 = arith.constant 0 : i32
    %rem3A_131 = arith.constant 4 : i32
    %rem3A_132 = arith.remsi %rem3A_130, %rem3A_131 : i32
    %dma_wait3A = arith.constant 0 : i32
    %dma_wait3A_133 = arith.constant 0 : i32
    %dma_wait3A_134 = tpu.memref_slice %arg6[%rem3A_132, %dma_wait3A_133] : memref<4x80xi32, #tpu.memory_space<vmem>> -> memref<1x80xi32, #tpu.memory_space<vmem>>
    %dma_wait3A_135 = tpu.memref_squeeze %dma_wait3A_134 : memref<1x80xi32, #tpu.memory_space<vmem>> -> memref<80xi32, #tpu.memory_space<vmem>>
    %dma_wait3A_136 = arith.constant 0 : i32
    %dma_wait3A_137 = tpu.memref_slice %arg3[%arg0, %arg1, %dma_wait3A, %dma_wait3A_136] : memref<2x16x125x80xi32, #tpu.memory_space<hbm>> -> memref<1x1x1x80xi32, #tpu.memory_space<hbm>>
    %dma_wait3A_138 = tpu.memref_squeeze %dma_wait3A_137 : memref<1x1x1x80xi32, #tpu.memory_space<hbm>> -> memref<80xi32, #tpu.memory_space<hbm>>
    %dma_wait3A_139 = tpu.memref_slice %arg12[%rem3A_132] : memref<4x!tpu.dma_semaphore, #tpu.memory_space<semaphore_mem>> -> memref<1x!tpu.dma_semaphore, #tpu.memory_space<semaphore_mem>>
    %dma_wait3A_140 = tpu.memref_squeeze %dma_wait3A_139 : memref<1x!tpu.dma_semaphore, #tpu.memory_space<semaphore_mem>> -> memref<!tpu.dma_semaphore, #tpu.memory_space<semaphore_mem>>
    %dma_wait3A_141 = arith.constant 0 : i32
    %dma_wait3A_142 = tpu.memref_slice %arg6[%rem3A_132, %dma_wait3A_141] : memref<4x80xi32, #tpu.memory_space<vmem>> -> memref<1x80xi32, #tpu.memory_space<vmem>>
    %dma_wait3A_143 = tpu.memref_squeeze %dma_wait3A_142 : memref<1x80xi32, #tpu.memory_space<vmem>> -> memref<80xi32, #tpu.memory_space<vmem>>
    %dma_wait3A_144 = arith.constant 0 : i32
    %dma_wait3A_145 = tpu.memref_slice %arg3[%arg0, %arg1, %dma_wait3A, %dma_wait3A_144] : memref<2x16x125x80xi32, #tpu.memory_space<hbm>> -> memref<1x1x1x80xi32, #tpu.memory_space<hbm>>
    %dma_wait3A_146 = tpu.memref_squeeze %dma_wait3A_145 : memref<1x1x1x80xi32, #tpu.memory_space<hbm>> -> memref<80xi32, #tpu.memory_space<hbm>>
    tpu.wait_dma2 semaphore(%dma_wait3A_140 : memref<!tpu.dma_semaphore, #tpu.memory_space<semaphore_mem>>) src(%dma_wait3A_146 : memref<80xi32, #tpu.memory_space<hbm>>) dst(%dma_wait3A_143 : memref<80xi32, #tpu.memory_space<vmem>>)
    %dma_wait3A_147 = arith.constant 0 : i32
    %dma_wait3A_148 = arith.constant 0 : i32
    %dma_wait3A_149 = tpu.memref_slice %arg7[%rem3A_132, %dma_wait3A_148] : memref<4x80xi32, #tpu.memory_space<vmem>> -> memref<1x80xi32, #tpu.memory_space<vmem>>
    %dma_wait3A_150 = tpu.memref_squeeze %dma_wait3A_149 : memref<1x80xi32, #tpu.memory_space<vmem>> -> memref<80xi32, #tpu.memory_space<vmem>>
    %dma_wait3A_151 = arith.constant 0 : i32
    %dma_wait3A_152 = tpu.memref_slice %arg4[%arg0, %arg1, %dma_wait3A_147, %dma_wait3A_151] : memref<2x16x125x80xi32, #tpu.memory_space<hbm>> -> memref<1x1x1x80xi32, #tpu.memory_space<hbm>>
    %dma_wait3A_153 = tpu.memref_squeeze %dma_wait3A_152 : memref<1x1x1x80xi32, #tpu.memory_space<hbm>> -> memref<80xi32, #tpu.memory_space<hbm>>
    %dma_wait3A_154 = tpu.memref_slice %arg12[%rem3A_132] : memref<4x!tpu.dma_semaphore, #tpu.memory_space<semaphore_mem>> -> memref<1x!tpu.dma_semaphore, #tpu.memory_space<semaphore_mem>>
    %dma_wait3A_155 = tpu.memref_squeeze %dma_wait3A_154 : memref<1x!tpu.dma_semaphore, #tpu.memory_space<semaphore_mem>> -> memref<!tpu.dma_semaphore, #tpu.memory_space<semaphore_mem>>
    %dma_wait3A_156 = arith.constant 0 : i32
    %dma_wait3A_157 = tpu.memref_slice %arg7[%rem3A_132, %dma_wait3A_156] : memref<4x80xi32, #tpu.memory_space<vmem>> -> memref<1x80xi32, #tpu.memory_space<vmem>>
    %dma_wait3A_158 = tpu.memref_squeeze %dma_wait3A_157 : memref<1x80xi32, #tpu.memory_space<vmem>> -> memref<80xi32, #tpu.memory_space<vmem>>
    %dma_wait3A_159 = arith.constant 0 : i32
    %dma_wait3A_160 = tpu.memref_slice %arg4[%arg0, %arg1, %dma_wait3A_147, %dma_wait3A_159] : memref<2x16x125x80xi32, #tpu.memory_space<hbm>> -> memref<1x1x1x80xi32, #tpu.memory_space<hbm>>
    %dma_wait3A_161 = tpu.memref_squeeze %dma_wait3A_160 : memref<1x1x1x80xi32, #tpu.memory_space<hbm>> -> memref<80xi32, #tpu.memory_space<hbm>>
    tpu.wait_dma2 semaphore(%dma_wait3A_155 : memref<!tpu.dma_semaphore, #tpu.memory_space<semaphore_mem>>) src(%dma_wait3A_161 : memref<80xi32, #tpu.memory_space<hbm>>) dst(%dma_wait3A_158 : memref<80xi32, #tpu.memory_space<vmem>>)
    %dma_start3A_162 = arith.constant 0 : i32
    %dma_start3A_163 = arith.constant 0 : i32
    %dma_start3A_164 = arith.constant 0 : i32
    %dma_start3A_165 = tpu.memref_slice %arg6[%dma_start3A_162, %dma_start3A_164] : memref<4x80xi32, #tpu.memory_space<vmem>> -> memref<1x80xi32, #tpu.memory_space<vmem>>
    %dma_start3A_166 = tpu.memref_squeeze %dma_start3A_165 : memref<1x80xi32, #tpu.memory_space<vmem>> -> memref<80xi32, #tpu.memory_space<vmem>>
    %dma_start3A_167 = arith.constant 0 : i32
    %dma_start3A_168 = arith.constant 0 : i32
    %dma_start3A_169 = tpu.memref_slice %arg2[%dma_start3A_167, %dma_start3A_168] : memref<10240x128xf32, #tpu.memory_space<hbm>> -> memref<10240x128xf32, #tpu.memory_space<hbm>>
    %dma_start3A_170 = tpu.memref_slice %arg13[%dma_start3A_163] : memref<2x!tpu.dma_semaphore, #tpu.memory_space<semaphore_mem>> -> memref<1x!tpu.dma_semaphore, #tpu.memory_space<semaphore_mem>>
    %dma_start3A_171 = tpu.memref_squeeze %dma_start3A_170 : memref<1x!tpu.dma_semaphore, #tpu.memory_space<semaphore_mem>> -> memref<!tpu.dma_semaphore, #tpu.memory_space<semaphore_mem>>
    tpu.enqueue_indirect_dma source(%dma_start3A_169 : memref<10240x128xf32, #tpu.memory_space<hbm>>) target(%arg8 : memref<80x128xf32, #tpu.memory_space<vmem>>) offsets(%dma_start3A_166 : memref<80xi32, #tpu.memory_space<vmem>>) semaphore(%dma_start3A_171 : memref<!tpu.dma_semaphore, #tpu.memory_space<semaphore_mem>>)
    %rem3A_172 = arith.constant 1 : i32
    %rem3A_173 = arith.constant 4 : i32
    %rem3A_174 = arith.remsi %rem3A_172, %rem3A_173 : i32
    %dma_wait3A_175 = arith.constant 1 : i32
    %dma_wait3A_176 = arith.constant 0 : i32
    %dma_wait3A_177 = tpu.memref_slice %arg6[%rem3A_174, %dma_wait3A_176] : memref<4x80xi32, #tpu.memory_space<vmem>> -> memref<1x80xi32, #tpu.memory_space<vmem>>
    %dma_wait3A_178 = tpu.memref_squeeze %dma_wait3A_177 : memref<1x80xi32, #tpu.memory_space<vmem>> -> memref<80xi32, #tpu.memory_space<vmem>>
    %dma_wait3A_179 = arith.constant 0 : i32
    %dma_wait3A_180 = tpu.memref_slice %arg3[%arg0, %arg1, %dma_wait3A_175, %dma_wait3A_179] : memref<2x16x125x80xi32, #tpu.memory_space<hbm>> -> memref<1x1x1x80xi32, #tpu.memory_space<hbm>>
    %dma_wait3A_181 = tpu.memref_squeeze %dma_wait3A_180 : memref<1x1x1x80xi32, #tpu.memory_space<hbm>> -> memref<80xi32, #tpu.memory_space<hbm>>
    %dma_wait3A_182 = tpu.memref_slice %arg12[%rem3A_174] : memref<4x!tpu.dma_semaphore, #tpu.memory_space<semaphore_mem>> -> memref<1x!tpu.dma_semaphore, #tpu.memory_space<semaphore_mem>>
    %dma_wait3A_183 = tpu.memref_squeeze %dma_wait3A_182 : memref<1x!tpu.dma_semaphore, #tpu.memory_space<semaphore_mem>> -> memref<!tpu.dma_semaphore, #tpu.memory_space<semaphore_mem>>
    %dma_wait3A_184 = arith.constant 0 : i32
    %dma_wait3A_185 = tpu.memref_slice %arg6[%rem3A_174, %dma_wait3A_184] : memref<4x80xi32, #tpu.memory_space<vmem>> -> memref<1x80xi32, #tpu.memory_space<vmem>>
    %dma_wait3A_186 = tpu.memref_squeeze %dma_wait3A_185 : memref<1x80xi32, #tpu.memory_space<vmem>> -> memref<80xi32, #tpu.memory_space<vmem>>
    %dma_wait3A_187 = arith.constant 0 : i32
    %dma_wait3A_188 = tpu.memref_slice %arg3[%arg0, %arg1, %dma_wait3A_175, %dma_wait3A_187] : memref<2x16x125x80xi32, #tpu.memory_space<hbm>> -> memref<1x1x1x80xi32, #tpu.memory_space<hbm>>
    %dma_wait3A_189 = tpu.memref_squeeze %dma_wait3A_188 : memref<1x1x1x80xi32, #tpu.memory_space<hbm>> -> memref<80xi32, #tpu.memory_space<hbm>>
    tpu.wait_dma2 semaphore(%dma_wait3A_183 : memref<!tpu.dma_semaphore, #tpu.memory_space<semaphore_mem>>) src(%dma_wait3A_189 : memref<80xi32, #tpu.memory_space<hbm>>) dst(%dma_wait3A_186 : memref<80xi32, #tpu.memory_space<vmem>>)
    %dma_wait3A_190 = arith.constant 1 : i32
    %dma_wait3A_191 = arith.constant 0 : i32
    %dma_wait3A_192 = tpu.memref_slice %arg7[%rem3A_174, %dma_wait3A_191] : memref<4x80xi32, #tpu.memory_space<vmem>> -> memref<1x80xi32, #tpu.memory_space<vmem>>
    %dma_wait3A_193 = tpu.memref_squeeze %dma_wait3A_192 : memref<1x80xi32, #tpu.memory_space<vmem>> -> memref<80xi32, #tpu.memory_space<vmem>>
    %dma_wait3A_194 = arith.constant 0 : i32
    %dma_wait3A_195 = tpu.memref_slice %arg4[%arg0, %arg1, %dma_wait3A_190, %dma_wait3A_194] : memref<2x16x125x80xi32, #tpu.memory_space<hbm>> -> memref<1x1x1x80xi32, #tpu.memory_space<hbm>>
    %dma_wait3A_196 = tpu.memref_squeeze %dma_wait3A_195 : memref<1x1x1x80xi32, #tpu.memory_space<hbm>> -> memref<80xi32, #tpu.memory_space<hbm>>
    %dma_wait3A_197 = tpu.memref_slice %arg12[%rem3A_174] : memref<4x!tpu.dma_semaphore, #tpu.memory_space<semaphore_mem>> -> memref<1x!tpu.dma_semaphore, #tpu.memory_space<semaphore_mem>>
    %dma_wait3A_198 = tpu.memref_squeeze %dma_wait3A_197 : memref<1x!tpu.dma_semaphore, #tpu.memory_space<semaphore_mem>> -> memref<!tpu.dma_semaphore, #tpu.memory_space<semaphore_mem>>
    %dma_wait3A_199 = arith.constant 0 : i32
    %dma_wait3A_200 = tpu.memref_slice %arg7[%rem3A_174, %dma_wait3A_199] : memref<4x80xi32, #tpu.memory_space<vmem>> -> memref<1x80xi32, #tpu.memory_space<vmem>>
    %dma_wait3A_201 = tpu.memref_squeeze %dma_wait3A_200 : memref<1x80xi32, #tpu.memory_space<vmem>> -> memref<80xi32, #tpu.memory_space<vmem>>
    %dma_wait3A_202 = arith.constant 0 : i32
    %dma_wait3A_203 = tpu.memref_slice %arg4[%arg0, %arg1, %dma_wait3A_190, %dma_wait3A_202] : memref<2x16x125x80xi32, #tpu.memory_space<hbm>> -> memref<1x1x1x80xi32, #tpu.memory_space<hbm>>
    %dma_wait3A_204 = tpu.memref_squeeze %dma_wait3A_203 : memref<1x1x1x80xi32, #tpu.memory_space<hbm>> -> memref<80xi32, #tpu.memory_space<hbm>>
    tpu.wait_dma2 semaphore(%dma_wait3A_198 : memref<!tpu.dma_semaphore, #tpu.memory_space<semaphore_mem>>) src(%dma_wait3A_204 : memref<80xi32, #tpu.memory_space<hbm>>) dst(%dma_wait3A_201 : memref<80xi32, #tpu.memory_space<vmem>>)
    %dma_start3A_205 = arith.constant 1 : i32
    %dma_start3A_206 = arith.constant 1 : i32
    %dma_start3A_207 = arith.constant 0 : i32
    %dma_start3A_208 = tpu.memref_slice %arg6[%dma_start3A_205, %dma_start3A_207] : memref<4x80xi32, #tpu.memory_space<vmem>> -> memref<1x80xi32, #tpu.memory_space<vmem>>
    %dma_start3A_209 = tpu.memref_squeeze %dma_start3A_208 : memref<1x80xi32, #tpu.memory_space<vmem>> -> memref<80xi32, #tpu.memory_space<vmem>>
    %dma_start3A_210 = arith.constant 0 : i32
    %dma_start3A_211 = arith.constant 0 : i32
    %dma_start3A_212 = tpu.memref_slice %arg2[%dma_start3A_210, %dma_start3A_211] : memref<10240x128xf32, #tpu.memory_space<hbm>> -> memref<10240x128xf32, #tpu.memory_space<hbm>>
    %dma_start3A_213 = tpu.memref_slice %arg13[%dma_start3A_206] : memref<2x!tpu.dma_semaphore, #tpu.memory_space<semaphore_mem>> -> memref<1x!tpu.dma_semaphore, #tpu.memory_space<semaphore_mem>>
    %dma_start3A_214 = tpu.memref_squeeze %dma_start3A_213 : memref<1x!tpu.dma_semaphore, #tpu.memory_space<semaphore_mem>> -> memref<!tpu.dma_semaphore, #tpu.memory_space<semaphore_mem>>
    tpu.enqueue_indirect_dma source(%dma_start3A_212 : memref<10240x128xf32, #tpu.memory_space<hbm>>) target(%arg9 : memref<80x128xf32, #tpu.memory_space<vmem>>) offsets(%dma_start3A_209 : memref<80xi32, #tpu.memory_space<vmem>>) semaphore(%dma_start3A_214 : memref<!tpu.dma_semaphore, #tpu.memory_space<semaphore_mem>>)
    %scan3A = arith.constant 0 : i32
    %scan3A_215 = arith.constant 0 : i32
    %scan3A_216 = arith.constant 16 : i32
    %scan3A_217 = arith.addi %scan3A_215, %scan3A_216 : i32
    %scan3A_218 = arith.constant 1 : i32
    %scan3A_219 = scf.for %scan3A_263 = %scan3A_215 to %scan3A_217 step %scan3A_218 iter_args(%scan3A_264 = %scan3A) -> (i32)  : i32 {
      %broadcast_in_dim3A = arith.constant 0.000000e+00 : f32
      %broadcast_in_dim3A_265 = vector.broadcast %broadcast_in_dim3A : f32 to vector<16xf32>
      %swap3A = arith.index_cast %scan3A_263 : i32 to index
      %swap3A_266 = arith.constant 0 : index
      %swap3A_267 = tpu.vector_load %arg10[%swap3A, %swap3A_266] {strides = array<i32>} : memref<16x128xf32, #tpu.memory_space<vmem>>, vector<1x16xf32>,
      %swap3A_268 = vector.shape_cast %swap3A_267 : vector<1x16xf32> to vector<16xf32>
      %swap3A_269 = vector.shape_cast %broadcast_in_dim3A_265 : vector<16xf32> to vector<1x16xf32>
      tpu.vector_store %arg10[%swap3A, %swap3A_266], %swap3A_269 {strides = array<i32>} : memref<16x128xf32, #tpu.memory_space<vmem>>, vector<1x16xf32>,
      %broadcast_in_dim3A_270 = arith.constant 0.000000e+00 : f32
      %broadcast_in_dim3A_271 = vector.broadcast %broadcast_in_dim3A_270 : f32 to vector<16xf32>
      %swap3A_272 = arith.index_cast %scan3A_263 : i32 to index
      %swap3A_273 = arith.constant 16 : index
      %swap3A_274 = tpu.vector_load %arg10[%swap3A_272, %swap3A_273] {strides = array<i32>} : memref<16x128xf32, #tpu.memory_space<vmem>>, vector<1x16xf32>,
      %swap3A_275 = vector.shape_cast %swap3A_274 : vector<1x16xf32> to vector<16xf32>
      %swap3A_276 = vector.shape_cast %broadcast_in_dim3A_271 : vector<16xf32> to vector<1x16xf32>
      tpu.vector_store %arg10[%swap3A_272, %swap3A_273], %swap3A_276 {strides = array<i32>} : memref<16x128xf32, #tpu.memory_space<vmem>>, vector<1x16xf32>,
      %broadcast_in_dim3A_277 = arith.constant 0.000000e+00 : f32
      %broadcast_in_dim3A_278 = vector.broadcast %broadcast_in_dim3A_277 : f32 to vector<16xf32>
      %swap3A_279 = arith.index_cast %scan3A_263 : i32 to index
      %swap3A_280 = arith.constant 32 : index
      %swap3A_281 = tpu.vector_load %arg10[%swap3A_279, %swap3A_280] {strides = array<i32>} : memref<16x128xf32, #tpu.memory_space<vmem>>, vector<1x16xf32>,
      %swap3A_282 = vector.shape_cast %swap3A_281 : vector<1x16xf32> to vector<16xf32>
      %swap3A_283 = vector.shape_cast %broadcast_in_dim3A_278 : vector<16xf32> to vector<1x16xf32>
      tpu.vector_store %arg10[%swap3A_279, %swap3A_280], %swap3A_283 {strides = array<i32>} : memref<16x128xf32, #tpu.memory_space<vmem>>, vector<1x16xf32>,
      %broadcast_in_dim3A_284 = arith.constant 0.000000e+00 : f32
      %broadcast_in_dim3A_285 = vector.broadcast %broadcast_in_dim3A_284 : f32 to vector<16xf32>
      %swap3A_286 = arith.index_cast %scan3A_263 : i32 to index
      %swap3A_287 = arith.constant 48 : index
      %swap3A_288 = tpu.vector_load %arg10[%swap3A_286, %swap3A_287] {strides = array<i32>} : memref<16x128xf32, #tpu.memory_space<vmem>>, vector<1x16xf32>,
      %swap3A_289 = vector.shape_cast %swap3A_288 : vector<1x16xf32> to vector<16xf32>
      %swap3A_290 = vector.shape_cast %broadcast_in_dim3A_285 : vector<16xf32> to vector<1x16xf32>
      tpu.vector_store %arg10[%swap3A_286, %swap3A_287], %swap3A_290 {strides = array<i32>} : memref<16x128xf32, #tpu.memory_space<vmem>>, vector<1x16xf32>,
      %broadcast_in_dim3A_291 = arith.constant 0.000000e+00 : f32
      %broadcast_in_dim3A_292 = vector.broadcast %broadcast_in_dim3A_291 : f32 to vector<16xf32>
      %swap3A_293 = arith.index_cast %scan3A_263 : i32 to index
      %swap3A_294 = arith.constant 64 : index
      %swap3A_295 = tpu.vector_load %arg10[%swap3A_293, %swap3A_294] {strides = array<i32>} : memref<16x128xf32, #tpu.memory_space<vmem>>, vector<1x16xf32>,
      %swap3A_296 = vector.shape_cast %swap3A_295 : vector<1x16xf32> to vector<16xf32>
      %swap3A_297 = vector.shape_cast %broadcast_in_dim3A_292 : vector<16xf32> to vector<1x16xf32>
      tpu.vector_store %arg10[%swap3A_293, %swap3A_294], %swap3A_297 {strides = array<i32>} : memref<16x128xf32, #tpu.memory_space<vmem>>, vector<1x16xf32>,
      %broadcast_in_dim3A_298 = arith.constant 0.000000e+00 : f32
      %broadcast_in_dim3A_299 = vector.broadcast %broadcast_in_dim3A_298 : f32 to vector<16xf32>
      %swap3A_300 = arith.index_cast %scan3A_263 : i32 to index
      %swap3A_301 = arith.constant 80 : index
      %swap3A_302 = tpu.vector_load %arg10[%swap3A_300, %swap3A_301] {strides = array<i32>} : memref<16x128xf32, #tpu.memory_space<vmem>>, vector<1x16xf32>,
      %swap3A_303 = vector.shape_cast %swap3A_302 : vector<1x16xf32> to vector<16xf32>
      %swap3A_304 = vector.shape_cast %broadcast_in_dim3A_299 : vector<16xf32> to vector<1x16xf32>
      tpu.vector_store %arg10[%swap3A_300, %swap3A_301], %swap3A_304 {strides = array<i32>} : memref<16x128xf32, #tpu.memory_space<vmem>>, vector<1x16xf32>,
      %broadcast_in_dim3A_305 = arith.constant 0.000000e+00 : f32
      %broadcast_in_dim3A_306 = vector.broadcast %broadcast_in_dim3A_305 : f32 to vector<16xf32>
      %swap3A_307 = arith.index_cast %scan3A_263 : i32 to index
      %swap3A_308 = arith.constant 96 : index
      %swap3A_309 = tpu.vector_load %arg10[%swap3A_307, %swap3A_308] {strides = array<i32>} : memref<16x128xf32, #tpu.memory_space<vmem>>, vector<1x16xf32>,
      %swap3A_310 = vector.shape_cast %swap3A_309 : vector<1x16xf32> to vector<16xf32>
      %swap3A_311 = vector.shape_cast %broadcast_in_dim3A_306 : vector<16xf32> to vector<1x16xf32>
      tpu.vector_store %arg10[%swap3A_307, %swap3A_308], %swap3A_311 {strides = array<i32>} : memref<16x128xf32, #tpu.memory_space<vmem>>, vector<1x16xf32>,
      %broadcast_in_dim3A_312 = arith.constant 0.000000e+00 : f32
      %broadcast_in_dim3A_313 = vector.broadcast %broadcast_in_dim3A_312 : f32 to vector<16xf32>
      %swap3A_314 = arith.index_cast %scan3A_263 : i32 to index
      %swap3A_315 = arith.constant 112 : index
      %swap3A_316 = tpu.vector_load %arg10[%swap3A_314, %swap3A_315] {strides = array<i32>} : memref<16x128xf32, #tpu.memory_space<vmem>>, vector<1x16xf32>,
      %swap3A_317 = vector.shape_cast %swap3A_316 : vector<1x16xf32> to vector<16xf32>
      %swap3A_318 = vector.shape_cast %broadcast_in_dim3A_313 : vector<16xf32> to vector<1x16xf32>
      tpu.vector_store %arg10[%swap3A_314, %swap3A_315], %swap3A_318 {strides = array<i32>} : memref<16x128xf32, #tpu.memory_space<vmem>>, vector<1x16xf32>,
      %scan3A_319 = arith.constant 0 : i32
      scf.yield %scan3A_319 : i32
    }
    %scan3A_220 = arith.constant 16 : i32
    %scan3A_221 = arith.constant 0 : i32
    %scan3A_222 = arith.constant 0 : i32
    %scan3A_223 = arith.constant 40 : i32
    %scan3A_224 = arith.addi %scan3A_222, %scan3A_223 : i32
    %scan3A_225 = arith.constant 1 : i32
    %scan3A_226 = scf.for %scan3A_263 = %scan3A_222 to %scan3A_224 step %scan3A_225 iter_args(%scan3A_264 = %scan3A_221) -> (i32)  : i32 {
      %mul3A_265 = arith.constant 640 : i32
      %mul3A_266 = arith.muli %mul3A_265, %arg1 : i32
      %mul3A_267 = arith.constant 16 : i32
      %mul3A_268 = arith.muli %mul3A_267, %scan3A_263 : i32
      %add3A = arith.addi %mul3A_266, %mul3A_268 : i32
      "tpu.region"() ({
        %run_scoped3A = tpu.sem_alloc : memref<!tpu.dma_semaphore, #tpu.memory_space<semaphore_mem>>
        %dma_start3A_270 = arith.constant 0 : i32
        %dma_start3A_271 = tpu.memref_slice %arg11[%add3A, %dma_start3A_270] : memref<10240x128xf32, #tpu.memory_space<vmem_shared>> -> memref<16x128xf32, #tpu.memory_space<vmem_shared>>
        %dma_start3A_272 = arith.constant 0 : i32
        %dma_start3A_273 = tpu.memref_slice %arg11[%add3A, %dma_start3A_272] : memref<10240x128xf32, #tpu.memory_space<vmem_shared>> -> memref<16x128xf32, #tpu.memory_space<vmem_shared>>
        tpu.enqueue_dma source(%arg10 : memref<16x128xf32, #tpu.memory_space<vmem>>) target(%dma_start3A_273 : memref<16x128xf32, #tpu.memory_space<vmem_shared>>) target_semaphore(%run_scoped3A : memref<!tpu.dma_semaphore, #tpu.memory_space<semaphore_mem>>)
        %dma_wait3A_274 = arith.constant 0 : i32
        %dma_wait3A_275 = tpu.memref_slice %arg11[%add3A, %dma_wait3A_274] : memref<10240x128xf32, #tpu.memory_space<vmem_shared>> -> memref<16x128xf32, #tpu.memory_space<vmem_shared>>
        %dma_wait3A_276 = arith.constant 0 : i32
        %dma_wait3A_277 = tpu.memref_slice %arg11[%add3A, %dma_wait3A_276] : memref<10240x128xf32, #tpu.memory_space<vmem_shared>> -> memref<16x128xf32, #tpu.memory_space<vmem_shared>>
        tpu.wait_dma2 semaphore(%run_scoped3A : memref<!tpu.dma_semaphore, #tpu.memory_space<semaphore_mem>>) src(%arg10 : memref<16x128xf32, #tpu.memory_space<vmem>>) dst(%dma_wait3A_277 : memref<16x128xf32, #tpu.memory_space<vmem_shared>>)
        tpu.yield
      }) : () -> ()
      %scan3A_269 = arith.constant 0 : i32
      scf.yield %scan3A_269 : i32
    }
    %scan3A_227 = arith.constant 40 : i32
    %barrier3A = arith.constant 0 : index
    tpu.barrier barrier_id(%barrier3A)
    %scan3A_228 = arith.constant 0 : i32
    %scan3A_229 = arith.constant 0 : i32
    %scan3A_230 = arith.constant 62 : i32
    %scan3A_231 = arith.addi %scan3A_229, %scan3A_230 : i32
    %scan3A_232 = arith.constant 1 : i32
    %scan3A_233 = scf.for %scan3A_263 = %scan3A_229 to %scan3A_231 step %scan3A_232 iter_args(%scan3A_264 = %scan3A_228) -> (i32)  : i32 {
      %mul3A_265 = arith.constant 2 : i32
      %mul3A_266 = arith.muli %scan3A_263, %mul3A_265 : i32
      %add3A = arith.constant 0 : i32
      %add3A_267 = arith.addi %mul3A_266, %add3A : i32
      %rem3A_268 = arith.constant 4 : i32
      %rem3A_269 = arith.remsi %add3A_267, %rem3A_268 : i32
      %dma_wait3A_270 = arith.constant 0 : i32
      %dma_wait3A_271 = arith.constant 0 : i32
      %dma_wait3A_272 = tpu.memref_slice %arg6[%rem3A_269, %dma_wait3A_271] : memref<4x80xi32, #tpu.memory_space<vmem>> -> memref<1x80xi32, #tpu.memory_space<vmem>>
      %dma_wait3A_273 = tpu.memref_squeeze %dma_wait3A_272 : memref<1x80xi32, #tpu.memory_space<vmem>> -> memref<80xi32, #tpu.memory_space<vmem>>
      %dma_wait3A_274 = arith.constant 0 : i32
      %dma_wait3A_275 = arith.constant 0 : i32
      %dma_wait3A_276 = tpu.memref_slice %arg2[%dma_wait3A_274, %dma_wait3A_275] : memref<10240x128xf32, #tpu.memory_space<hbm>> -> memref<10240x128xf32, #tpu.memory_space<hbm>>
      %dma_wait3A_277 = tpu.memref_slice %arg13[%dma_wait3A_270] : memref<2x!tpu.dma_semaphore, #tpu.memory_space<semaphore_mem>> -> memref<1x!tpu.dma_semaphore, #tpu.memory_space<semaphore_mem>>
      %dma_wait3A_278 = tpu.memref_squeeze %dma_wait3A_277 : memref<1x!tpu.dma_semaphore, #tpu.memory_space<semaphore_mem>> -> memref<!tpu.dma_semaphore, #tpu.memory_space<semaphore_mem>>
      tpu.wait_indirect_dma semaphore(%dma_wait3A_278 : memref<!tpu.dma_semaphore, #tpu.memory_space<semaphore_mem>>) src(%dma_wait3A_276 : memref<10240x128xf32, #tpu.memory_space<hbm>>) dst(%arg8 : memref<80x128xf32, #tpu.memory_space<vmem>>)
      %dma_start3A_279 = arith.constant 0 : i32
      %dma_start3A_280 = tpu.memref_slice %arg7[%rem3A_269, %dma_start3A_279] : memref<4x80xi32, #tpu.memory_space<vmem>> -> memref<1x80xi32, #tpu.memory_space<vmem>>
      %dma_start3A_281 = tpu.memref_squeeze %dma_start3A_280 : memref<1x80xi32, #tpu.memory_space<vmem>> -> memref<80xi32, #tpu.memory_space<vmem>>
      %dma_start3A_282 = arith.constant 0 : i32
      %dma_start3A_283 = arith.constant 0 : i32
      %dma_start3A_284 = tpu.memref_slice %arg11[%dma_start3A_282, %dma_start3A_283] : memref<10240x128xf32, #tpu.memory_space<vmem_shared>> -> memref<10240x128xf32, #tpu.memory_space<vmem_shared>>
      tpu.enqueue_indirect_dma source(%arg8 : memref<80x128xf32, #tpu.memory_space<vmem>>) target(%dma_start3A_284 : memref<10240x128xf32, #tpu.memory_space<vmem_shared>>) offsets(%dma_start3A_281 : memref<80xi32, #tpu.memory_space<vmem>>) semaphore(%arg14 : memref<!tpu.dma_semaphore, #tpu.memory_space<semaphore_mem>>) {add = true}
      %dma_wait3A_285 = arith.constant 0 : i32
      %dma_wait3A_286 = tpu.memref_slice %arg7[%rem3A_269, %dma_wait3A_285] : memref<4x80xi32, #tpu.memory_space<vmem>> -> memref<1x80xi32, #tpu.memory_space<vmem>>
      %dma_wait3A_287 = tpu.memref_squeeze %dma_wait3A_286 : memref<1x80xi32, #tpu.memory_space<vmem>> -> memref<80xi32, #tpu.memory_space<vmem>>
      %dma_wait3A_288 = arith.constant 0 : i32
      %dma_wait3A_289 = arith.constant 0 : i32
      %dma_wait3A_290 = tpu.memref_slice %arg11[%dma_wait3A_288, %dma_wait3A_289] : memref<10240x128xf32, #tpu.memory_space<vmem_shared>> -> memref<10240x128xf32, #tpu.memory_space<vmem_shared>>
      tpu.wait_indirect_dma semaphore(%arg14 : memref<!tpu.dma_semaphore, #tpu.memory_space<semaphore_mem>>) src(%arg8 : memref<80x128xf32, #tpu.memory_space<vmem>>) dst(%dma_wait3A_290 : memref<10240x128xf32, #tpu.memory_space<vmem_shared>>)
      %add3A_291 = arith.constant 4 : i32
      %add3A_292 = arith.addi %add3A_267, %add3A_291 : i32
      %lt3A = arith.constant 125 : i32
      %lt3A_293 = arith.cmpi slt, %add3A_292, %lt3A : i32
      %convert_element_type3A = arith.extui %lt3A_293 : i1 to i32
      %cond3A = arith.constant 0 : i32
      %cond3A_294 = arith.cmpi ne, %convert_element_type3A, %cond3A : i32
      scf.if %cond3A_294 {
        %add3A_344 = arith.constant 4 : i32
        %add3A_345 = arith.addi %add3A_267, %add3A_344 : i32
        %rem3A_346 = arith.constant 4 : i32
        %rem3A_347 = arith.remsi %add3A_345, %rem3A_346 : i32
        %dma_start3A_348 = arith.constant 0 : i32
        %dma_start3A_349 = tpu.memref_slice %arg6[%rem3A_347, %dma_start3A_348] : memref<4x80xi32, #tpu.memory_space<vmem>> -> memref<1x80xi32, #tpu.memory_space<vmem>>
        %dma_start3A_350 = tpu.memref_squeeze %dma_start3A_349 : memref<1x80xi32, #tpu.memory_space<vmem>> -> memref<80xi32, #tpu.memory_space<vmem>>
        %dma_start3A_351 = arith.constant 0 : i32
        %dma_start3A_352 = tpu.memref_slice %arg3[%arg0, %arg1, %add3A_345, %dma_start3A_351] : memref<2x16x125x80xi32, #tpu.memory_space<hbm>> -> memref<1x1x1x80xi32, #tpu.memory_space<hbm>>
        %dma_start3A_353 = tpu.memref_squeeze %dma_start3A_352 : memref<1x1x1x80xi32, #tpu.memory_space<hbm>> -> memref<80xi32, #tpu.memory_space<hbm>>
        %dma_start3A_354 = tpu.memref_slice %arg12[%rem3A_347] : memref<4x!tpu.dma_semaphore, #tpu.memory_space<semaphore_mem>> -> memref<1x!tpu.dma_semaphore, #tpu.memory_space<semaphore_mem>>
        %dma_start3A_355 = tpu.memref_squeeze %dma_start3A_354 : memref<1x!tpu.dma_semaphore, #tpu.memory_space<semaphore_mem>> -> memref<!tpu.dma_semaphore, #tpu.memory_space<semaphore_mem>>
        %dma_start3A_356 = arith.constant 0 : i32
        %dma_start3A_357 = tpu.memref_slice %arg6[%rem3A_347, %dma_start3A_356] : memref<4x80xi32, #tpu.memory_space<vmem>> -> memref<1x80xi32, #tpu.memory_space<vmem>>
        %dma_start3A_358 = tpu.memref_squeeze %dma_start3A_357 : memref<1x80xi32, #tpu.memory_space<vmem>> -> memref<80xi32, #tpu.memory_space<vmem>>
        %dma_start3A_359 = arith.constant 0 : i32
        %dma_start3A_360 = tpu.memref_slice %arg3[%arg0, %arg1, %add3A_345, %dma_start3A_359] : memref<2x16x125x80xi32, #tpu.memory_space<hbm>> -> memref<1x1x1x80xi32, #tpu.memory_space<hbm>>
        %dma_start3A_361 = tpu.memref_squeeze %dma_start3A_360 : memref<1x1x1x80xi32, #tpu.memory_space<hbm>> -> memref<80xi32, #tpu.memory_space<hbm>>
        tpu.enqueue_dma source(%dma_start3A_361 : memref<80xi32, #tpu.memory_space<hbm>>) target(%dma_start3A_358 : memref<80xi32, #tpu.memory_space<vmem>>) target_semaphore(%dma_start3A_355 : memref<!tpu.dma_semaphore, #tpu.memory_space<semaphore_mem>>)
        %dma_start3A_362 = arith.constant 0 : i32
        %dma_start3A_363 = tpu.memref_slice %arg7[%rem3A_347, %dma_start3A_362] : memref<4x80xi32, #tpu.memory_space<vmem>> -> memref<1x80xi32, #tpu.memory_space<vmem>>
        %dma_start3A_364 = tpu.memref_squeeze %dma_start3A_363 : memref<1x80xi32, #tpu.memory_space<vmem>> -> memref<80xi32, #tpu.memory_space<vmem>>
        %dma_start3A_365 = arith.constant 0 : i32
        %dma_start3A_366 = tpu.memref_slice %arg4[%arg0, %arg1, %add3A_345, %dma_start3A_365] : memref<2x16x125x80xi32, #tpu.memory_space<hbm>> -> memref<1x1x1x80xi32, #tpu.memory_space<hbm>>
        %dma_start3A_367 = tpu.memref_squeeze %dma_start3A_366 : memref<1x1x1x80xi32, #tpu.memory_space<hbm>> -> memref<80xi32, #tpu.memory_space<hbm>>
        %dma_start3A_368 = tpu.memref_slice %arg12[%rem3A_347] : memref<4x!tpu.dma_semaphore, #tpu.memory_space<semaphore_mem>> -> memref<1x!tpu.dma_semaphore, #tpu.memory_space<semaphore_mem>>
        %dma_start3A_369 = tpu.memref_squeeze %dma_start3A_368 : memref<1x!tpu.dma_semaphore, #tpu.memory_space<semaphore_mem>> -> memref<!tpu.dma_semaphore, #tpu.memory_space<semaphore_mem>>
        %dma_start3A_370 = arith.constant 0 : i32
        %dma_start3A_371 = tpu.memref_slice %arg7[%rem3A_347, %dma_start3A_370] : memref<4x80xi32, #tpu.memory_space<vmem>> -> memref<1x80xi32, #tpu.memory_space<vmem>>
        %dma_start3A_372 = tpu.memref_squeeze %dma_start3A_371 : memref<1x80xi32, #tpu.memory_space<vmem>> -> memref<80xi32, #tpu.memory_space<vmem>>
        %dma_start3A_373 = arith.constant 0 : i32
        %dma_start3A_374 = tpu.memref_slice %arg4[%arg0, %arg1, %add3A_345, %dma_start3A_373] : memref<2x16x125x80xi32, #tpu.memory_space<hbm>> -> memref<1x1x1x80xi32, #tpu.memory_space<hbm>>
        %dma_start3A_375 = tpu.memref_squeeze %dma_start3A_374 : memref<1x1x1x80xi32, #tpu.memory_space<hbm>> -> memref<80xi32, #tpu.memory_space<hbm>>
        tpu.enqueue_dma source(%dma_start3A_375 : memref<80xi32, #tpu.memory_space<hbm>>) target(%dma_start3A_372 : memref<80xi32, #tpu.memory_space<vmem>>) target_semaphore(%dma_start3A_369 : memref<!tpu.dma_semaphore, #tpu.memory_space<semaphore_mem>>)
      } else {
      }
      %add3A_295 = arith.constant 2 : i32
      %add3A_296 = arith.addi %add3A_267, %add3A_295 : i32
      %lt3A_297 = arith.constant 125 : i32
      %lt3A_298 = arith.cmpi slt, %add3A_296, %lt3A_297 : i32
      %convert_element_type3A_299 = arith.extui %lt3A_298 : i1 to i32
      %cond3A_300 = arith.constant 0 : i32
      %cond3A_301 = arith.cmpi ne, %convert_element_type3A_299, %cond3A_300 : i32
      scf.if %cond3A_301 {
        %add3A_344 = arith.constant 2 : i32
        %add3A_345 = arith.addi %add3A_267, %add3A_344 : i32
        %rem3A_346 = arith.constant 4 : i32
        %rem3A_347 = arith.remsi %add3A_345, %rem3A_346 : i32
        %dma_wait3A_348 = arith.constant 0 : i32
        %dma_wait3A_349 = tpu.memref_slice %arg6[%rem3A_347, %dma_wait3A_348] : memref<4x80xi32, #tpu.memory_space<vmem>> -> memref<1x80xi32, #tpu.memory_space<vmem>>
        %dma_wait3A_350 = tpu.memref_squeeze %dma_wait3A_349 : memref<1x80xi32, #tpu.memory_space<vmem>> -> memref<80xi32, #tpu.memory_space<vmem>>
        %dma_wait3A_351 = arith.constant 0 : i32
        %dma_wait3A_352 = tpu.memref_slice %arg3[%arg0, %arg1, %add3A_345, %dma_wait3A_351] : memref<2x16x125x80xi32, #tpu.memory_space<hbm>> -> memref<1x1x1x80xi32, #tpu.memory_space<hbm>>
        %dma_wait3A_353 = tpu.memref_squeeze %dma_wait3A_352 : memref<1x1x1x80xi32, #tpu.memory_space<hbm>> -> memref<80xi32, #tpu.memory_space<hbm>>
        %dma_wait3A_354 = tpu.memref_slice %arg12[%rem3A_347] : memref<4x!tpu.dma_semaphore, #tpu.memory_space<semaphore_mem>> -> memref<1x!tpu.dma_semaphore, #tpu.memory_space<semaphore_mem>>
        %dma_wait3A_355 = tpu.memref_squeeze %dma_wait3A_354 : memref<1x!tpu.dma_semaphore, #tpu.memory_space<semaphore_mem>> -> memref<!tpu.dma_semaphore, #tpu.memory_space<semaphore_mem>>
        %dma_wait3A_356 = arith.constant 0 : i32
        %dma_wait3A_357 = tpu.memref_slice %arg6[%rem3A_347, %dma_wait3A_356] : memref<4x80xi32, #tpu.memory_space<vmem>> -> memref<1x80xi32, #tpu.memory_space<vmem>>
        %dma_wait3A_358 = tpu.memref_squeeze %dma_wait3A_357 : memref<1x80xi32, #tpu.memory_space<vmem>> -> memref<80xi32, #tpu.memory_space<vmem>>
        %dma_wait3A_359 = arith.constant 0 : i32
        %dma_wait3A_360 = tpu.memref_slice %arg3[%arg0, %arg1, %add3A_345, %dma_wait3A_359] : memref<2x16x125x80xi32, #tpu.memory_space<hbm>> -> memref<1x1x1x80xi32, #tpu.memory_space<hbm>>
        %dma_wait3A_361 = tpu.memref_squeeze %dma_wait3A_360 : memref<1x1x1x80xi32, #tpu.memory_space<hbm>> -> memref<80xi32, #tpu.memory_space<hbm>>
        tpu.wait_dma2 semaphore(%dma_wait3A_355 : memref<!tpu.dma_semaphore, #tpu.memory_space<semaphore_mem>>) src(%dma_wait3A_361 : memref<80xi32, #tpu.memory_space<hbm>>) dst(%dma_wait3A_358 : memref<80xi32, #tpu.memory_space<vmem>>)
        %dma_wait3A_362 = arith.constant 0 : i32
        %dma_wait3A_363 = tpu.memref_slice %arg7[%rem3A_347, %dma_wait3A_362] : memref<4x80xi32, #tpu.memory_space<vmem>> -> memref<1x80xi32, #tpu.memory_space<vmem>>
        %dma_wait3A_364 = tpu.memref_squeeze %dma_wait3A_363 : memref<1x80xi32, #tpu.memory_space<vmem>> -> memref<80xi32, #tpu.memory_space<vmem>>
        %dma_wait3A_365 = arith.constant 0 : i32
        %dma_wait3A_366 = tpu.memref_slice %arg4[%arg0, %arg1, %add3A_345, %dma_wait3A_365] : memref<2x16x125x80xi32, #tpu.memory_space<hbm>> -> memref<1x1x1x80xi32, #tpu.memory_space<hbm>>
        %dma_wait3A_367 = tpu.memref_squeeze %dma_wait3A_366 : memref<1x1x1x80xi32, #tpu.memory_space<hbm>> -> memref<80xi32, #tpu.memory_space<hbm>>
        %dma_wait3A_368 = tpu.memref_slice %arg12[%rem3A_347] : memref<4x!tpu.dma_semaphore, #tpu.memory_space<semaphore_mem>> -> memref<1x!tpu.dma_semaphore, #tpu.memory_space<semaphore_mem>>
        %dma_wait3A_369 = tpu.memref_squeeze %dma_wait3A_368 : memref<1x!tpu.dma_semaphore, #tpu.memory_space<semaphore_mem>> -> memref<!tpu.dma_semaphore, #tpu.memory_space<semaphore_mem>>
        %dma_wait3A_370 = arith.constant 0 : i32
        %dma_wait3A_371 = tpu.memref_slice %arg7[%rem3A_347, %dma_wait3A_370] : memref<4x80xi32, #tpu.memory_space<vmem>> -> memref<1x80xi32, #tpu.memory_space<vmem>>
        %dma_wait3A_372 = tpu.memref_squeeze %dma_wait3A_371 : memref<1x80xi32, #tpu.memory_space<vmem>> -> memref<80xi32, #tpu.memory_space<vmem>>
        %dma_wait3A_373 = arith.constant 0 : i32
        %dma_wait3A_374 = tpu.memref_slice %arg4[%arg0, %arg1, %add3A_345, %dma_wait3A_373] : memref<2x16x125x80xi32, #tpu.memory_space<hbm>> -> memref<1x1x1x80xi32, #tpu.memory_space<hbm>>
        %dma_wait3A_375 = tpu.memref_squeeze %dma_wait3A_374 : memref<1x1x1x80xi32, #tpu.memory_space<hbm>> -> memref<80xi32, #tpu.memory_space<hbm>>
        tpu.wait_dma2 semaphore(%dma_wait3A_369 : memref<!tpu.dma_semaphore, #tpu.memory_space<semaphore_mem>>) src(%dma_wait3A_375 : memref<80xi32, #tpu.memory_space<hbm>>) dst(%dma_wait3A_372 : memref<80xi32, #tpu.memory_space<vmem>>)
        %add3A_376 = arith.constant 2 : i32
        %add3A_377 = arith.addi %add3A_267, %add3A_376 : i32
        %rem3A_378 = arith.constant 4 : i32
        %rem3A_379 = arith.remsi %add3A_377, %rem3A_378 : i32
        %dma_start3A_380 = arith.constant 0 : i32
        %dma_start3A_381 = arith.constant 0 : i32
        %dma_start3A_382 = tpu.memref_slice %arg6[%rem3A_379, %dma_start3A_381] : memref<4x80xi32, #tpu.memory_space<vmem>> -> memref<1x80xi32, #tpu.memory_space<vmem>>
        %dma_start3A_383 = tpu.memref_squeeze %dma_start3A_382 : memref<1x80xi32, #tpu.memory_space<vmem>> -> memref<80xi32, #tpu.memory_space<vmem>>
        %dma_start3A_384 = arith.constant 0 : i32
        %dma_start3A_385 = arith.constant 0 : i32
        %dma_start3A_386 = tpu.memref_slice %arg2[%dma_start3A_384, %dma_start3A_385] : memref<10240x128xf32, #tpu.memory_space<hbm>> -> memref<10240x128xf32, #tpu.memory_space<hbm>>
        %dma_start3A_387 = tpu.memref_slice %arg13[%dma_start3A_380] : memref<2x!tpu.dma_semaphore, #tpu.memory_space<semaphore_mem>> -> memref<1x!tpu.dma_semaphore, #tpu.memory_space<semaphore_mem>>
        %dma_start3A_388 = tpu.memref_squeeze %dma_start3A_387 : memref<1x!tpu.dma_semaphore, #tpu.memory_space<semaphore_mem>> -> memref<!tpu.dma_semaphore, #tpu.memory_space<semaphore_mem>>
        tpu.enqueue_indirect_dma source(%dma_start3A_386 : memref<10240x128xf32, #tpu.memory_space<hbm>>) target(%arg8 : memref<80x128xf32, #tpu.memory_space<vmem>>) offsets(%dma_start3A_383 : memref<80xi32, #tpu.memory_space<vmem>>) semaphore(%dma_start3A_388 : memref<!tpu.dma_semaphore, #tpu.memory_space<semaphore_mem>>)
      } else {
      }
      %mul3A_302 = arith.constant 2 : i32
      %mul3A_303 = arith.muli %scan3A_263, %mul3A_302 : i32
      %add3A_304 = arith.constant 1 : i32
      %add3A_305 = arith.addi %mul3A_303, %add3A_304 : i32
      %rem3A_306 = arith.constant 4 : i32
      %rem3A_307 = arith.remsi %add3A_305, %rem3A_306 : i32
      %dma_wait3A_308 = arith.constant 1 : i32
      %dma_wait3A_309 = arith.constant 0 : i32
      %dma_wait3A_310 = tpu.memref_slice %arg6[%rem3A_307, %dma_wait3A_309] : memref<4x80xi32, #tpu.memory_space<vmem>> -> memref<1x80xi32, #tpu.memory_space<vmem>>
      %dma_wait3A_311 = tpu.memref_squeeze %dma_wait3A_310 : memref<1x80xi32, #tpu.memory_space<vmem>> -> memref<80xi32, #tpu.memory_space<vmem>>
      %dma_wait3A_312 = arith.constant 0 : i32
      %dma_wait3A_313 = arith.constant 0 : i32
      %dma_wait3A_314 = tpu.memref_slice %arg2[%dma_wait3A_312, %dma_wait3A_313] : memref<10240x128xf32, #tpu.memory_space<hbm>> -> memref<10240x128xf32, #tpu.memory_space<hbm>>
      %dma_wait3A_315 = tpu.memref_slice %arg13[%dma_wait3A_308] : memref<2x!tpu.dma_semaphore, #tpu.memory_space<semaphore_mem>> -> memref<1x!tpu.dma_semaphore, #tpu.memory_space<semaphore_mem>>
      %dma_wait3A_316 = tpu.memref_squeeze %dma_wait3A_315 : memref<1x!tpu.dma_semaphore, #tpu.memory_space<semaphore_mem>> -> memref<!tpu.dma_semaphore, #tpu.memory_space<semaphore_mem>>
      tpu.wait_indirect_dma semaphore(%dma_wait3A_316 : memref<!tpu.dma_semaphore, #tpu.memory_space<semaphore_mem>>) src(%dma_wait3A_314 : memref<10240x128xf32, #tpu.memory_space<hbm>>) dst(%arg9 : memref<80x128xf32, #tpu.memory_space<vmem>>)
      %dma_start3A_317 = arith.constant 0 : i32
      %dma_start3A_318 = tpu.memref_slice %arg7[%rem3A_307, %dma_start3A_317] : memref<4x80xi32, #tpu.memory_space<vmem>> -> memref<1x80xi32, #tpu.memory_space<vmem>>
      %dma_start3A_319 = tpu.memref_squeeze %dma_start3A_318 : memref<1x80xi32, #tpu.memory_space<vmem>> -> memref<80xi32, #tpu.memory_space<vmem>>
      %dma_start3A_320 = arith.constant 0 : i32
      %dma_start3A_321 = arith.constant 0 : i32
      %dma_start3A_322 = tpu.memref_slice %arg11[%dma_start3A_320, %dma_start3A_321] : memref<10240x128xf32, #tpu.memory_space<vmem_shared>> -> memref<10240x128xf32, #tpu.memory_space<vmem_shared>>
      tpu.enqueue_indirect_dma source(%arg9 : memref<80x128xf32, #tpu.memory_space<vmem>>) target(%dma_start3A_322 : memref<10240x128xf32, #tpu.memory_space<vmem_shared>>) offsets(%dma_start3A_319 : memref<80xi32, #tpu.memory_space<vmem>>) semaphore(%arg14 : memref<!tpu.dma_semaphore, #tpu.memory_space<semaphore_mem>>) {add = true}
      %dma_wait3A_323 = arith.constant 0 : i32
      %dma_wait3A_324 = tpu.memref_slice %arg7[%rem3A_307, %dma_wait3A_323] : memref<4x80xi32, #tpu.memory_space<vmem>> -> memref<1x80xi32, #tpu.memory_space<vmem>>
      %dma_wait3A_325 = tpu.memref_squeeze %dma_wait3A_324 : memref<1x80xi32, #tpu.memory_space<vmem>> -> memref<80xi32, #tpu.memory_space<vmem>>
      %dma_wait3A_326 = arith.constant 0 : i32
      %dma_wait3A_327 = arith.constant 0 : i32
      %dma_wait3A_328 = tpu.memref_slice %arg11[%dma_wait3A_326, %dma_wait3A_327] : memref<10240x128xf32, #tpu.memory_space<vmem_shared>> -> memref<10240x128xf32, #tpu.memory_space<vmem_shared>>
      tpu.wait_indirect_dma semaphore(%arg14 : memref<!tpu.dma_semaphore, #tpu.memory_space<semaphore_mem>>) src(%arg9 : memref<80x128xf32, #tpu.memory_space<vmem>>) dst(%dma_wait3A_328 : memref<10240x128xf32, #tpu.memory_space<vmem_shared>>)
      %add3A_329 = arith.constant 4 : i32
      %add3A_330 = arith.addi %add3A_305, %add3A_329 : i32
      %lt3A_331 = arith.constant 125 : i32
      %lt3A_332 = arith.cmpi slt, %add3A_330, %lt3A_331 : i32
      %convert_element_type3A_333 = arith.extui %lt3A_332 : i1 to i32
      %cond3A_334 = arith.constant 0 : i32
      %cond3A_335 = arith.cmpi ne, %convert_element_type3A_333, %cond3A_334 : i32
      scf.if %cond3A_335 {
        %add3A_344 = arith.constant 4 : i32
        %add3A_345 = arith.addi %add3A_305, %add3A_344 : i32
        %rem3A_346 = arith.constant 4 : i32
        %rem3A_347 = arith.remsi %add3A_345, %rem3A_346 : i32
        %dma_start3A_348 = arith.constant 0 : i32
        %dma_start3A_349 = tpu.memref_slice %arg6[%rem3A_347, %dma_start3A_348] : memref<4x80xi32, #tpu.memory_space<vmem>> -> memref<1x80xi32, #tpu.memory_space<vmem>>
        %dma_start3A_350 = tpu.memref_squeeze %dma_start3A_349 : memref<1x80xi32, #tpu.memory_space<vmem>> -> memref<80xi32, #tpu.memory_space<vmem>>
        %dma_start3A_351 = arith.constant 0 : i32
        %dma_start3A_352 = tpu.memref_slice %arg3[%arg0, %arg1, %add3A_345, %dma_start3A_351] : memref<2x16x125x80xi32, #tpu.memory_space<hbm>> -> memref<1x1x1x80xi32, #tpu.memory_space<hbm>>
        %dma_start3A_353 = tpu.memref_squeeze %dma_start3A_352 : memref<1x1x1x80xi32, #tpu.memory_space<hbm>> -> memref<80xi32, #tpu.memory_space<hbm>>
        %dma_start3A_354 = tpu.memref_slice %arg12[%rem3A_347] : memref<4x!tpu.dma_semaphore, #tpu.memory_space<semaphore_mem>> -> memref<1x!tpu.dma_semaphore, #tpu.memory_space<semaphore_mem>>
        %dma_start3A_355 = tpu.memref_squeeze %dma_start3A_354 : memref<1x!tpu.dma_semaphore, #tpu.memory_space<semaphore_mem>> -> memref<!tpu.dma_semaphore, #tpu.memory_space<semaphore_mem>>
        %dma_start3A_356 = arith.constant 0 : i32
        %dma_start3A_357 = tpu.memref_slice %arg6[%rem3A_347, %dma_start3A_356] : memref<4x80xi32, #tpu.memory_space<vmem>> -> memref<1x80xi32, #tpu.memory_space<vmem>>
        %dma_start3A_358 = tpu.memref_squeeze %dma_start3A_357 : memref<1x80xi32, #tpu.memory_space<vmem>> -> memref<80xi32, #tpu.memory_space<vmem>>
        %dma_start3A_359 = arith.constant 0 : i32
        %dma_start3A_360 = tpu.memref_slice %arg3[%arg0, %arg1, %add3A_345, %dma_start3A_359] : memref<2x16x125x80xi32, #tpu.memory_space<hbm>> -> memref<1x1x1x80xi32, #tpu.memory_space<hbm>>
        %dma_start3A_361 = tpu.memref_squeeze %dma_start3A_360 : memref<1x1x1x80xi32, #tpu.memory_space<hbm>> -> memref<80xi32, #tpu.memory_space<hbm>>
        tpu.enqueue_dma source(%dma_start3A_361 : memref<80xi32, #tpu.memory_space<hbm>>) target(%dma_start3A_358 : memref<80xi32, #tpu.memory_space<vmem>>) target_semaphore(%dma_start3A_355 : memref<!tpu.dma_semaphore, #tpu.memory_space<semaphore_mem>>)
        %dma_start3A_362 = arith.constant 0 : i32
        %dma_start3A_363 = tpu.memref_slice %arg7[%rem3A_347, %dma_start3A_362] : memref<4x80xi32, #tpu.memory_space<vmem>> -> memref<1x80xi32, #tpu.memory_space<vmem>>
        %dma_start3A_364 = tpu.memref_squeeze %dma_start3A_363 : memref<1x80xi32, #tpu.memory_space<vmem>> -> memref<80xi32, #tpu.memory_space<vmem>>
        %dma_start3A_365 = arith.constant 0 : i32
        %dma_start3A_366 = tpu.memref_slice %arg4[%arg0, %arg1, %add3A_345, %dma_start3A_365] : memref<2x16x125x80xi32, #tpu.memory_space<hbm>> -> memref<1x1x1x80xi32, #tpu.memory_space<hbm>>
        %dma_start3A_367 = tpu.memref_squeeze %dma_start3A_366 : memref<1x1x1x80xi32, #tpu.memory_space<hbm>> -> memref<80xi32, #tpu.memory_space<hbm>>
        %dma_start3A_368 = tpu.memref_slice %arg12[%rem3A_347] : memref<4x!tpu.dma_semaphore, #tpu.memory_space<semaphore_mem>> -> memref<1x!tpu.dma_semaphore, #tpu.memory_space<semaphore_mem>>
        %dma_start3A_369 = tpu.memref_squeeze %dma_start3A_368 : memref<1x!tpu.dma_semaphore, #tpu.memory_space<semaphore_mem>> -> memref<!tpu.dma_semaphore, #tpu.memory_space<semaphore_mem>>
        %dma_start3A_370 = arith.constant 0 : i32
        %dma_start3A_371 = tpu.memref_slice %arg7[%rem3A_347, %dma_start3A_370] : memref<4x80xi32, #tpu.memory_space<vmem>> -> memref<1x80xi32, #tpu.memory_space<vmem>>
        %dma_start3A_372 = tpu.memref_squeeze %dma_start3A_371 : memref<1x80xi32, #tpu.memory_space<vmem>> -> memref<80xi32, #tpu.memory_space<vmem>>
        %dma_start3A_373 = arith.constant 0 : i32
        %dma_start3A_374 = tpu.memref_slice %arg4[%arg0, %arg1, %add3A_345, %dma_start3A_373] : memref<2x16x125x80xi32, #tpu.memory_space<hbm>> -> memref<1x1x1x80xi32, #tpu.memory_space<hbm>>
        %dma_start3A_375 = tpu.memref_squeeze %dma_start3A_374 : memref<1x1x1x80xi32, #tpu.memory_space<hbm>> -> memref<80xi32, #tpu.memory_space<hbm>>
        tpu.enqueue_dma source(%dma_start3A_375 : memref<80xi32, #tpu.memory_space<hbm>>) target(%dma_start3A_372 : memref<80xi32, #tpu.memory_space<vmem>>) target_semaphore(%dma_start3A_369 : memref<!tpu.dma_semaphore, #tpu.memory_space<semaphore_mem>>)
      } else {
      }
      %add3A_336 = arith.constant 2 : i32
      %add3A_337 = arith.addi %add3A_305, %add3A_336 : i32
      %lt3A_338 = arith.constant 125 : i32
      %lt3A_339 = arith.cmpi slt, %add3A_337, %lt3A_338 : i32
      %convert_element_type3A_340 = arith.extui %lt3A_339 : i1 to i32
      %cond3A_341 = arith.constant 0 : i32
      %cond3A_342 = arith.cmpi ne, %convert_element_type3A_340, %cond3A_341 : i32
      scf.if %cond3A_342 {
        %add3A_344 = arith.constant 2 : i32
        %add3A_345 = arith.addi %add3A_305, %add3A_344 : i32
        %rem3A_346 = arith.constant 4 : i32
        %rem3A_347 = arith.remsi %add3A_345, %rem3A_346 : i32
        %dma_wait3A_348 = arith.constant 0 : i32
        %dma_wait3A_349 = tpu.memref_slice %arg6[%rem3A_347, %dma_wait3A_348] : memref<4x80xi32, #tpu.memory_space<vmem>> -> memref<1x80xi32, #tpu.memory_space<vmem>>
        %dma_wait3A_350 = tpu.memref_squeeze %dma_wait3A_349 : memref<1x80xi32, #tpu.memory_space<vmem>> -> memref<80xi32, #tpu.memory_space<vmem>>
        %dma_wait3A_351 = arith.constant 0 : i32
        %dma_wait3A_352 = tpu.memref_slice %arg3[%arg0, %arg1, %add3A_345, %dma_wait3A_351] : memref<2x16x125x80xi32, #tpu.memory_space<hbm>> -> memref<1x1x1x80xi32, #tpu.memory_space<hbm>>
        %dma_wait3A_353 = tpu.memref_squeeze %dma_wait3A_352 : memref<1x1x1x80xi32, #tpu.memory_space<hbm>> -> memref<80xi32, #tpu.memory_space<hbm>>
        %dma_wait3A_354 = tpu.memref_slice %arg12[%rem3A_347] : memref<4x!tpu.dma_semaphore, #tpu.memory_space<semaphore_mem>> -> memref<1x!tpu.dma_semaphore, #tpu.memory_space<semaphore_mem>>
        %dma_wait3A_355 = tpu.memref_squeeze %dma_wait3A_354 : memref<1x!tpu.dma_semaphore, #tpu.memory_space<semaphore_mem>> -> memref<!tpu.dma_semaphore, #tpu.memory_space<semaphore_mem>>
        %dma_wait3A_356 = arith.constant 0 : i32
        %dma_wait3A_357 = tpu.memref_slice %arg6[%rem3A_347, %dma_wait3A_356] : memref<4x80xi32, #tpu.memory_space<vmem>> -> memref<1x80xi32, #tpu.memory_space<vmem>>
        %dma_wait3A_358 = tpu.memref_squeeze %dma_wait3A_357 : memref<1x80xi32, #tpu.memory_space<vmem>> -> memref<80xi32, #tpu.memory_space<vmem>>
        %dma_wait3A_359 = arith.constant 0 : i32
        %dma_wait3A_360 = tpu.memref_slice %arg3[%arg0, %arg1, %add3A_345, %dma_wait3A_359] : memref<2x16x125x80xi32, #tpu.memory_space<hbm>> -> memref<1x1x1x80xi32, #tpu.memory_space<hbm>>
        %dma_wait3A_361 = tpu.memref_squeeze %dma_wait3A_360 : memref<1x1x1x80xi32, #tpu.memory_space<hbm>> -> memref<80xi32, #tpu.memory_space<hbm>>
        tpu.wait_dma2 semaphore(%dma_wait3A_355 : memref<!tpu.dma_semaphore, #tpu.memory_space<semaphore_mem>>) src(%dma_wait3A_361 : memref<80xi32, #tpu.memory_space<hbm>>) dst(%dma_wait3A_358 : memref<80xi32, #tpu.memory_space<vmem>>)
        %dma_wait3A_362 = arith.constant 0 : i32
        %dma_wait3A_363 = tpu.memref_slice %arg7[%rem3A_347, %dma_wait3A_362] : memref<4x80xi32, #tpu.memory_space<vmem>> -> memref<1x80xi32, #tpu.memory_space<vmem>>
        %dma_wait3A_364 = tpu.memref_squeeze %dma_wait3A_363 : memref<1x80xi32, #tpu.memory_space<vmem>> -> memref<80xi32, #tpu.memory_space<vmem>>
        %dma_wait3A_365 = arith.constant 0 : i32
        %dma_wait3A_366 = tpu.memref_slice %arg4[%arg0, %arg1, %add3A_345, %dma_wait3A_365] : memref<2x16x125x80xi32, #tpu.memory_space<hbm>> -> memref<1x1x1x80xi32, #tpu.memory_space<hbm>>
        %dma_wait3A_367 = tpu.memref_squeeze %dma_wait3A_366 : memref<1x1x1x80xi32, #tpu.memory_space<hbm>> -> memref<80xi32, #tpu.memory_space<hbm>>
        %dma_wait3A_368 = tpu.memref_slice %arg12[%rem3A_347] : memref<4x!tpu.dma_semaphore, #tpu.memory_space<semaphore_mem>> -> memref<1x!tpu.dma_semaphore, #tpu.memory_space<semaphore_mem>>
        %dma_wait3A_369 = tpu.memref_squeeze %dma_wait3A_368 : memref<1x!tpu.dma_semaphore, #tpu.memory_space<semaphore_mem>> -> memref<!tpu.dma_semaphore, #tpu.memory_space<semaphore_mem>>
        %dma_wait3A_370 = arith.constant 0 : i32
        %dma_wait3A_371 = tpu.memref_slice %arg7[%rem3A_347, %dma_wait3A_370] : memref<4x80xi32, #tpu.memory_space<vmem>> -> memref<1x80xi32, #tpu.memory_space<vmem>>
        %dma_wait3A_372 = tpu.memref_squeeze %dma_wait3A_371 : memref<1x80xi32, #tpu.memory_space<vmem>> -> memref<80xi32, #tpu.memory_space<vmem>>
        %dma_wait3A_373 = arith.constant 0 : i32
        %dma_wait3A_374 = tpu.memref_slice %arg4[%arg0, %arg1, %add3A_345, %dma_wait3A_373] : memref<2x16x125x80xi32, #tpu.memory_space<hbm>> -> memref<1x1x1x80xi32, #tpu.memory_space<hbm>>
        %dma_wait3A_375 = tpu.memref_squeeze %dma_wait3A_374 : memref<1x1x1x80xi32, #tpu.memory_space<hbm>> -> memref<80xi32, #tpu.memory_space<hbm>>
        tpu.wait_dma2 semaphore(%dma_wait3A_369 : memref<!tpu.dma_semaphore, #tpu.memory_space<semaphore_mem>>) src(%dma_wait3A_375 : memref<80xi32, #tpu.memory_space<hbm>>) dst(%dma_wait3A_372 : memref<80xi32, #tpu.memory_space<vmem>>)
        %add3A_376 = arith.constant 2 : i32
        %add3A_377 = arith.addi %add3A_305, %add3A_376 : i32
        %rem3A_378 = arith.constant 4 : i32
        %rem3A_379 = arith.remsi %add3A_377, %rem3A_378 : i32
        %dma_start3A_380 = arith.constant 1 : i32
        %dma_start3A_381 = arith.constant 0 : i32
        %dma_start3A_382 = tpu.memref_slice %arg6[%rem3A_379, %dma_start3A_381] : memref<4x80xi32, #tpu.memory_space<vmem>> -> memref<1x80xi32, #tpu.memory_space<vmem>>
        %dma_start3A_383 = tpu.memref_squeeze %dma_start3A_382 : memref<1x80xi32, #tpu.memory_space<vmem>> -> memref<80xi32, #tpu.memory_space<vmem>>
        %dma_start3A_384 = arith.constant 0 : i32
        %dma_start3A_385 = arith.constant 0 : i32
        %dma_start3A_386 = tpu.memref_slice %arg2[%dma_start3A_384, %dma_start3A_385] : memref<10240x128xf32, #tpu.memory_space<hbm>> -> memref<10240x128xf32, #tpu.memory_space<hbm>>
        %dma_start3A_387 = tpu.memref_slice %arg13[%dma_start3A_380] : memref<2x!tpu.dma_semaphore, #tpu.memory_space<semaphore_mem>> -> memref<1x!tpu.dma_semaphore, #tpu.memory_space<semaphore_mem>>
        %dma_start3A_388 = tpu.memref_squeeze %dma_start3A_387 : memref<1x!tpu.dma_semaphore, #tpu.memory_space<semaphore_mem>> -> memref<!tpu.dma_semaphore, #tpu.memory_space<semaphore_mem>>
        tpu.enqueue_indirect_dma source(%dma_start3A_386 : memref<10240x128xf32, #tpu.memory_space<hbm>>) target(%arg9 : memref<80x128xf32, #tpu.memory_space<vmem>>) offsets(%dma_start3A_383 : memref<80xi32, #tpu.memory_space<vmem>>) semaphore(%dma_start3A_388 : memref<!tpu.dma_semaphore, #tpu.memory_space<semaphore_mem>>)
      } else {
      }
      %scan3A_343 = arith.constant 0 : i32
      scf.yield %scan3A_343 : i32
    }
    %scan3A_234 = arith.constant 62 : i32
    %rem3A_235 = arith.constant 124 : i32
    %rem3A_236 = arith.constant 4 : i32
    %rem3A_237 = arith.remsi %rem3A_235, %rem3A_236 : i32
    %dma_wait3A_238 = arith.constant 0 : i32
    %dma_wait3A_239 = arith.constant 0 : i32
    %dma_wait3A_240 = tpu.memref_slice %arg6[%rem3A_237, %dma_wait3A_239] : memref<4x80xi32, #tpu.memory_space<vmem>> -> memref<1x80xi32, #tpu.memory_space<vmem>>
    %dma_wait3A_241 = tpu.memref_squeeze %dma_wait3A_240 : memref<1x80xi32, #tpu.memory_space<vmem>> -> memref<80xi32, #tpu.memory_space<vmem>>
    %dma_wait3A_242 = arith.constant 0 : i32
    %dma_wait3A_243 = arith.constant 0 : i32
    %dma_wait3A_244 = tpu.memref_slice %arg2[%dma_wait3A_242, %dma_wait3A_243] : memref<10240x128xf32, #tpu.memory_space<hbm>> -> memref<10240x128xf32, #tpu.memory_space<hbm>>
    %dma_wait3A_245 = tpu.memref_slice %arg13[%dma_wait3A_238] : memref<2x!tpu.dma_semaphore, #tpu.memory_space<semaphore_mem>> -> memref<1x!tpu.dma_semaphore, #tpu.memory_space<semaphore_mem>>
    %dma_wait3A_246 = tpu.memref_squeeze %dma_wait3A_245 : memref<1x!tpu.dma_semaphore, #tpu.memory_space<semaphore_mem>> -> memref<!tpu.dma_semaphore, #tpu.memory_space<semaphore_mem>>
    tpu.wait_indirect_dma semaphore(%dma_wait3A_246 : memref<!tpu.dma_semaphore, #tpu.memory_space<semaphore_mem>>) src(%dma_wait3A_244 : memref<10240x128xf32, #tpu.memory_space<hbm>>) dst(%arg8 : memref<80x128xf32, #tpu.memory_space<vmem>>)
    %dma_start3A_247 = arith.constant 0 : i32
    %dma_start3A_248 = tpu.memref_slice %arg7[%rem3A_237, %dma_start3A_247] : memref<4x80xi32, #tpu.memory_space<vmem>> -> memref<1x80xi32, #tpu.memory_space<vmem>>
    %dma_start3A_249 = tpu.memref_squeeze %dma_start3A_248 : memref<1x80xi32, #tpu.memory_space<vmem>> -> memref<80xi32, #tpu.memory_space<vmem>>
    %dma_start3A_250 = arith.constant 0 : i32
    %dma_start3A_251 = arith.constant 0 : i32
    %dma_start3A_252 = tpu.memref_slice %arg11[%dma_start3A_250, %dma_start3A_251] : memref<10240x128xf32, #tpu.memory_space<vmem_shared>> -> memref<10240x128xf32, #tpu.memory_space<vmem_shared>>
    tpu.enqueue_indirect_dma source(%arg8 : memref<80x128xf32, #tpu.memory_space<vmem>>) target(%dma_start3A_252 : memref<10240x128xf32, #tpu.memory_space<vmem_shared>>) offsets(%dma_start3A_249 : memref<80xi32, #tpu.memory_space<vmem>>) semaphore(%arg14 : memref<!tpu.dma_semaphore, #tpu.memory_space<semaphore_mem>>) {add = true}
    %dma_wait3A_253 = arith.constant 0 : i32
    %dma_wait3A_254 = tpu.memref_slice %arg7[%rem3A_237, %dma_wait3A_253] : memref<4x80xi32, #tpu.memory_space<vmem>> -> memref<1x80xi32, #tpu.memory_space<vmem>>
    %dma_wait3A_255 = tpu.memref_squeeze %dma_wait3A_254 : memref<1x80xi32, #tpu.memory_space<vmem>> -> memref<80xi32, #tpu.memory_space<vmem>>
    %dma_wait3A_256 = arith.constant 0 : i32
    %dma_wait3A_257 = arith.constant 0 : i32
    %dma_wait3A_258 = tpu.memref_slice %arg11[%dma_wait3A_256, %dma_wait3A_257] : memref<10240x128xf32, #tpu.memory_space<vmem_shared>> -> memref<10240x128xf32, #tpu.memory_space<vmem_shared>>
    tpu.wait_indirect_dma semaphore(%arg14 : memref<!tpu.dma_semaphore, #tpu.memory_space<semaphore_mem>>) src(%arg8 : memref<80x128xf32, #tpu.memory_space<vmem>>) dst(%dma_wait3A_258 : memref<10240x128xf32, #tpu.memory_space<vmem_shared>>)
    %barrier3A_259 = arith.constant 0 : index
    tpu.barrier barrier_id(%barrier3A_259)
    %mul3A = arith.constant 640 : i32
    %mul3A_260 = arith.muli %mul3A, %arg1 : i32
    %mul3A_261 = arith.constant 640 : i32
    %mul3A_262 = arith.muli %mul3A_261, %arg1 : i32
    "tpu.region"() ({
      %run_scoped3A = tpu.sem_alloc : memref<!tpu.dma_semaphore, #tpu.memory_space<semaphore_mem>>
      %dma_start3A_263 = arith.constant 0 : i32
      %dma_start3A_264 = tpu.memref_slice %arg5[%arg0, %mul3A_262, %dma_start3A_263] : memref<2x10240x128xf32, #tpu.memory_space<hbm>> -> memref<1x640x128xf32, #tpu.memory_space<hbm>>
      %dma_start3A_265 = tpu.memref_squeeze %dma_start3A_264 : memref<1x640x128xf32, #tpu.memory_space<hbm>> -> memref<640x128xf32, #tpu.memory_space<hbm>>
      %dma_start3A_266 = arith.constant 0 : i32
      %dma_start3A_267 = tpu.memref_slice %arg11[%mul3A_260, %dma_start3A_266] : memref<10240x128xf32, #tpu.memory_space<vmem_shared>> -> memref<640x128xf32, #tpu.memory_space<vmem_shared>>
      tpu.enqueue_dma source(%dma_start3A_267 : memref<640x128xf32, #tpu.memory_space<vmem_shared>>) target(%dma_start3A_265 : memref<640x128xf32, #tpu.memory_space<hbm>>) target_semaphore(%run_scoped3A : memref<!tpu.dma_semaphore, #tpu.memory_space<semaphore_mem>>)
      %dma_wait3A_268 = arith.constant 0 : i32
      %dma_wait3A_269 = tpu.memref_slice %arg5[%arg0, %mul3A_262, %dma_wait3A_268] : memref<2x10240x128xf32, #tpu.memory_space<hbm>> -> memref<1x640x128xf32, #tpu.memory_space<hbm>>
      %dma_wait3A_270 = tpu.memref_squeeze %dma_wait3A_269 : memref<1x640x128xf32, #tpu.memory_space<hbm>> -> memref<640x128xf32, #tpu.memory_space<hbm>>
      %dma_wait3A_271 = arith.constant 0 : i32
      %dma_wait3A_272 = tpu.memref_slice %arg11[%mul3A_260, %dma_wait3A_271] : memref<10240x128xf32, #tpu.memory_space<vmem_shared>> -> memref<640x128xf32, #tpu.memory_space<vmem_shared>>
      tpu.wait_dma2 semaphore(%run_scoped3A : memref<!tpu.dma_semaphore, #tpu.memory_space<semaphore_mem>>) src(%dma_wait3A_272 : memref<640x128xf32, #tpu.memory_space<vmem_shared>>) dst(%dma_wait3A_270 : memref<640x128xf32, #tpu.memory_space<hbm>>)
      tpu.yield
    }) : () -> ()
    return
  }
}

#map = affine_map<(d0, d1) -> (0, 0)>
#map1 = affine_map<(d0, d1) -> (0, 0, 0, 0)>
#map2 = affine_map<(d0, d1) -> (0, 0, 0)>
module attributes {stable_mosaic.version = 14 : i64} {
  func.func @_scatter_kernel(%arg0: i32, %arg1: i32, %arg2: memref<10240x128xf32, #tpu.memory_space<hbm>>, %arg3: memref<2x16x125x80xi32, #tpu.memory_space<hbm>>, %arg4: memref<2x16x125x80xi32, #tpu.memory_space<hbm>>, %arg5: memref<2x10240x128xf32, #tpu.memory_space<hbm>>, %arg6: memref<4x80xi32, #tpu.memory_space<vmem>>, %arg7: memref<4x80xi32, #tpu.memory_space<vmem>>, %arg8: memref<80x128xf32, #tpu.memory_space<vmem>>, %arg9: memref<80x128xf32, #tpu.memory_space<vmem>>, %arg10: memref<16x128xf32, #tpu.memory_space<vmem>>, %arg11: memref<10240x128xf32, #tpu.memory_space<vmem_shared>>, %arg12: memref<4x!tpu.dma_semaphore, #tpu.memory_space<semaphore_mem>>, %arg13: memref<2x!tpu.dma_semaphore, #tpu.memory_space<semaphore_mem>>, %arg14: memref<!tpu.dma_semaphore, #tpu.memory_space<semaphore_mem>>) attributes {dimension_semantics = [#tpu.dimension_semantics<core_parallel>, #tpu.dimension_semantics<subcore_parallel>], iteration_bounds = array<i64: 2, 16>, scalar_prefetch = 0 : i64, scratch_operands = 9 : i64, tpu.core_type = #tpu.core_type<sc_vector_subcore>, window_params = [{transform_indices = #map}, {transform_indices = #map1}, {transform_indices = #map1}, {transform_indices = #map2}]} {
    %rem3A = arith.constant 0 : i32
    %rem3A_0 = arith.constant 4 : i32
    %rem3A_1 = arith.remsi %rem3A, %rem3A_0 : i32
    %dma_start3A = arith.constant 0 : i32
    %dma_start3A_2 = arith.constant 0 : i32
    %dma_start3A_3 = tpu.memref_slice %arg6[%rem3A_1, %dma_start3A_2] : memref<4x80xi32, #tpu.memory_space<vmem>> -> memref<1x80xi32, #tpu.memory_space<vmem>>
    %dma_start3A_4 = tpu.memref_squeeze %dma_start3A_3 : memref<1x80xi32, #tpu.memory_space<vmem>> -> memref<80xi32, #tpu.memory_space<vmem>>
    %dma_start3A_5 = arith.constant 0 : i32
    %dma_start3A_6 = tpu.memref_slice %arg3[%arg0, %arg1, %dma_start3A, %dma_start3A_5] : memref<2x16x125x80xi32, #tpu.memory_space<hbm>> -> memref<1x1x1x80xi32, #tpu.memory_space<hbm>>
    %dma_start3A_7 = tpu.memref_squeeze %dma_start3A_6 : memref<1x1x1x80xi32, #tpu.memory_space<hbm>> -> memref<80xi32, #tpu.memory_space<hbm>>
    %dma_start3A_8 = tpu.memref_slice %arg12[%rem3A_1] : memref<4x!tpu.dma_semaphore, #tpu.memory_space<semaphore_mem>> -> memref<1x!tpu.dma_semaphore, #tpu.memory_space<semaphore_mem>>
    %dma_start3A_9 = tpu.memref_squeeze %dma_start3A_8 : memref<1x!tpu.dma_semaphore, #tpu.memory_space<semaphore_mem>> -> memref<!tpu.dma_semaphore, #tpu.memory_space<semaphore_mem>>
    %dma_start3A_10 = arith.constant 0 : i32
    %dma_start3A_11 = tpu.memref_slice %arg6[%rem3A_1, %dma_start3A_10] : memref<4x80xi32, #tpu.memory_space<vmem>> -> memref<1x80xi32, #tpu.memory_space<vmem>>
    %dma_start3A_12 = tpu.memref_squeeze %dma_start3A_11 : memref<1x80xi32, #tpu.memory_space<vmem>> -> memref<80xi32, #tpu.memory_space<vmem>>
    %dma_start3A_13 = arith.constant 0 : i32
    %dma_start3A_14 = tpu.memref_slice %arg3[%arg0, %arg1, %dma_start3A, %dma_start3A_13] : memref<2x16x125x80xi32, #tpu.memory_space<hbm>> -> memref<1x1x1x80xi32, #tpu.memory_space<hbm>>
    %dma_start3A_15 = tpu.memref_squeeze %dma_start3A_14 : memref<1x1x1x80xi32, #tpu.memory_space<hbm>> -> memref<80xi32, #tpu.memory_space<hbm>>
    tpu.enqueue_dma source(%dma_start3A_15 : memref<80xi32, #tpu.memory_space<hbm>>) target(%dma_start3A_12 : memref<80xi32, #tpu.memory_space<vmem>>) target_semaphore(%dma_start3A_9 : memref<!tpu.dma_semaphore, #tpu.memory_space<semaphore_mem>>)
    %dma_start3A_16 = arith.constant 0 : i32
    %dma_start3A_17 = arith.constant 0 : i32
    %dma_start3A_18 = tpu.memref_slice %arg7[%rem3A_1, %dma_start3A_17] : memref<4x80xi32, #tpu.memory_space<vmem>> -> memref<1x80xi32, #tpu.memory_space<vmem>>
    %dma_start3A_19 = tpu.memref_squeeze %dma_start3A_18 : memref<1x80xi32, #tpu.memory_space<vmem>> -> memref<80xi32, #tpu.memory_space<vmem>>
    %dma_start3A_20 = arith.constant 0 : i32
    %dma_start3A_21 = tpu.memref_slice %arg4[%arg0, %arg1, %dma_start3A_16, %dma_start3A_20] : memref<2x16x125x80xi32, #tpu.memory_space<hbm>> -> memref<1x1x1x80xi32, #tpu.memory_space<hbm>>
    %dma_start3A_22 = tpu.memref_squeeze %dma_start3A_21 : memref<1x1x1x80xi32, #tpu.memory_space<hbm>> -> memref<80xi32, #tpu.memory_space<hbm>>
    %dma_start3A_23 = tpu.memref_slice %arg12[%rem3A_1] : memref<4x!tpu.dma_semaphore, #tpu.memory_space<semaphore_mem>> -> memref<1x!tpu.dma_semaphore, #tpu.memory_space<semaphore_mem>>
    %dma_start3A_24 = tpu.memref_squeeze %dma_start3A_23 : memref<1x!tpu.dma_semaphore, #tpu.memory_space<semaphore_mem>> -> memref<!tpu.dma_semaphore, #tpu.memory_space<semaphore_mem>>
    %dma_start3A_25 = arith.constant 0 : i32
    %dma_start3A_26 = tpu.memref_slice %arg7[%rem3A_1, %dma_start3A_25] : memref<4x80xi32, #tpu.memory_space<vmem>> -> memref<1x80xi32, #tpu.memory_space<vmem>>
    %dma_start3A_27 = tpu.memref_squeeze %dma_start3A_26 : memref<1x80xi32, #tpu.memory_space<vmem>> -> memref<80xi32, #tpu.memory_space<vmem>>
    %dma_start3A_28 = arith.constant 0 : i32
    %dma_start3A_29 = tpu.memref_slice %arg4[%arg0, %arg1, %dma_start3A_16, %dma_start3A_28] : memref<2x16x125x80xi32, #tpu.memory_space<hbm>> -> memref<1x1x1x80xi32, #tpu.memory_space<hbm>>
    %dma_start3A_30 = tpu.memref_squeeze %dma_start3A_29 : memref<1x1x1x80xi32, #tpu.memory_space<hbm>> -> memref<80xi32, #tpu.memory_space<hbm>>
    tpu.enqueue_dma source(%dma_start3A_30 : memref<80xi32, #tpu.memory_space<hbm>>) target(%dma_start3A_27 : memref<80xi32, #tpu.memory_space<vmem>>) target_semaphore(%dma_start3A_24 : memref<!tpu.dma_semaphore, #tpu.memory_space<semaphore_mem>>)
    %rem3A_31 = arith.constant 1 : i32
    %rem3A_32 = arith.constant 4 : i32
    %rem3A_33 = arith.remsi %rem3A_31, %rem3A_32 : i32
    %dma_start3A_34 = arith.constant 1 : i32
    %dma_start3A_35 = arith.constant 0 : i32
    %dma_start3A_36 = tpu.memref_slice %arg6[%rem3A_33, %dma_start3A_35] : memref<4x80xi32, #tpu.memory_space<vmem>> -> memref<1x80xi32, #tpu.memory_space<vmem>>
    %dma_start3A_37 = tpu.memref_squeeze %dma_start3A_36 : memref<1x80xi32, #tpu.memory_space<vmem>> -> memref<80xi32, #tpu.memory_space<vmem>>
    %dma_start3A_38 = arith.constant 0 : i32
    %dma_start3A_39 = tpu.memref_slice %arg3[%arg0, %arg1, %dma_start3A_34, %dma_start3A_38] : memref<2x16x125x80xi32, #tpu.memory_space<hbm>> -> memref<1x1x1x80xi32, #tpu.memory_space<hbm>>
    %dma_start3A_40 = tpu.memref_squeeze %dma_start3A_39 : memref<1x1x1x80xi32, #tpu.memory_space<hbm>> -> memref<80xi32, #tpu.memory_space<hbm>>
    %dma_start3A_41 = tpu.memref_slice %arg12[%rem3A_33] : memref<4x!tpu.dma_semaphore, #tpu.memory_space<semaphore_mem>> -> memref<1x!tpu.dma_semaphore, #tpu.memory_space<semaphore_mem>>
    %dma_start3A_42 = tpu.memref_squeeze %dma_start3A_41 : memref<1x!tpu.dma_semaphore, #tpu.memory_space<semaphore_mem>> -> memref<!tpu.dma_semaphore, #tpu.memory_space<semaphore_mem>>
    %dma_start3A_43 = arith.constant 0 : i32
    %dma_start3A_44 = tpu.memref_slice %arg6[%rem3A_33, %dma_start3A_43] : memref<4x80xi32, #tpu.memory_space<vmem>> -> memref<1x80xi32, #tpu.memory_space<vmem>>
    %dma_start3A_45 = tpu.memref_squeeze %dma_start3A_44 : memref<1x80xi32, #tpu.memory_space<vmem>> -> memref<80xi32, #tpu.memory_space<vmem>>
    %dma_start3A_46 = arith.constant 0 : i32
    %dma_start3A_47 = tpu.memref_slice %arg3[%arg0, %arg1, %dma_start3A_34, %dma_start3A_46] : memref<2x16x125x80xi32, #tpu.memory_space<hbm>> -> memref<1x1x1x80xi32, #tpu.memory_space<hbm>>
    %dma_start3A_48 = tpu.memref_squeeze %dma_start3A_47 : memref<1x1x1x80xi32, #tpu.memory_space<hbm>> -> memref<80xi32, #tpu.memory_space<hbm>>
    tpu.enqueue_dma source(%dma_start3A_48 : memref<80xi32, #tpu.memory_space<hbm>>) target(%dma_start3A_45 : memref<80xi32, #tpu.memory_space<vmem>>) target_semaphore(%dma_start3A_42 : memref<!tpu.dma_semaphore, #tpu.memory_space<semaphore_mem>>)
    %dma_start3A_49 = arith.constant 1 : i32
    %dma_start3A_50 = arith.constant 0 : i32
    %dma_start3A_51 = tpu.memref_slice %arg7[%rem3A_33, %dma_start3A_50] : memref<4x80xi32, #tpu.memory_space<vmem>> -> memref<1x80xi32, #tpu.memory_space<vmem>>
    %dma_start3A_52 = tpu.memref_squeeze %dma_start3A_51 : memref<1x80xi32, #tpu.memory_space<vmem>> -> memref<80xi32, #tpu.memory_space<vmem>>
    %dma_start3A_53 = arith.constant 0 : i32
    %dma_start3A_54 = tpu.memref_slice %arg4[%arg0, %arg1, %dma_start3A_49, %dma_start3A_53] : memref<2x16x125x80xi32, #tpu.memory_space<hbm>> -> memref<1x1x1x80xi32, #tpu.memory_space<hbm>>
    %dma_start3A_55 = tpu.memref_squeeze %dma_start3A_54 : memref<1x1x1x80xi32, #tpu.memory_space<hbm>> -> memref<80xi32, #tpu.memory_space<hbm>>
    %dma_start3A_56 = tpu.memref_slice %arg12[%rem3A_33] : memref<4x!tpu.dma_semaphore, #tpu.memory_space<semaphore_mem>> -> memref<1x!tpu.dma_semaphore, #tpu.memory_space<semaphore_mem>>
    %dma_start3A_57 = tpu.memref_squeeze %dma_start3A_56 : memref<1x!tpu.dma_semaphore, #tpu.memory_space<semaphore_mem>> -> memref<!tpu.dma_semaphore, #tpu.memory_space<semaphore_mem>>
    %dma_start3A_58 = arith.constant 0 : i32
    %dma_start3A_59 = tpu.memref_slice %arg7[%rem3A_33, %dma_start3A_58] : memref<4x80xi32, #tpu.memory_space<vmem>> -> memref<1x80xi32, #tpu.memory_space<vmem>>
    %dma_start3A_60 = tpu.memref_squeeze %dma_start3A_59 : memref<1x80xi32, #tpu.memory_space<vmem>> -> memref<80xi32, #tpu.memory_space<vmem>>
    %dma_start3A_61 = arith.constant 0 : i32
    %dma_start3A_62 = tpu.memref_slice %arg4[%arg0, %arg1, %dma_start3A_49, %dma_start3A_61] : memref<2x16x125x80xi32, #tpu.memory_space<hbm>> -> memref<1x1x1x80xi32, #tpu.memory_space<hbm>>
    %dma_start3A_63 = tpu.memref_squeeze %dma_start3A_62 : memref<1x1x1x80xi32, #tpu.memory_space<hbm>> -> memref<80xi32, #tpu.memory_space<hbm>>
    tpu.enqueue_dma source(%dma_start3A_63 : memref<80xi32, #tpu.memory_space<hbm>>) target(%dma_start3A_60 : memref<80xi32, #tpu.memory_space<vmem>>) target_semaphore(%dma_start3A_57 : memref<!tpu.dma_semaphore, #tpu.memory_space<semaphore_mem>>)
    %rem3A_64 = arith.constant 2 : i32
    %rem3A_65 = arith.constant 4 : i32
    %rem3A_66 = arith.remsi %rem3A_64, %rem3A_65 : i32
    %dma_start3A_67 = arith.constant 2 : i32
    %dma_start3A_68 = arith.constant 0 : i32
    %dma_start3A_69 = tpu.memref_slice %arg6[%rem3A_66, %dma_start3A_68] : memref<4x80xi32, #tpu.memory_space<vmem>> -> memref<1x80xi32, #tpu.memory_space<vmem>>
    %dma_start3A_70 = tpu.memref_squeeze %dma_start3A_69 : memref<1x80xi32, #tpu.memory_space<vmem>> -> memref<80xi32, #tpu.memory_space<vmem>>
    %dma_start3A_71 = arith.constant 0 : i32
    %dma_start3A_72 = tpu.memref_slice %arg3[%arg0, %arg1, %dma_start3A_67, %dma_start3A_71] : memref<2x16x125x80xi32, #tpu.memory_space<hbm>> -> memref<1x1x1x80xi32, #tpu.memory_space<hbm>>
    %dma_start3A_73 = tpu.memref_squeeze %dma_start3A_72 : memref<1x1x1x80xi32, #tpu.memory_space<hbm>> -> memref<80xi32, #tpu.memory_space<hbm>>
    %dma_start3A_74 = tpu.memref_slice %arg12[%rem3A_66] : memref<4x!tpu.dma_semaphore, #tpu.memory_space<semaphore_mem>> -> memref<1x!tpu.dma_semaphore, #tpu.memory_space<semaphore_mem>>
    %dma_start3A_75 = tpu.memref_squeeze %dma_start3A_74 : memref<1x!tpu.dma_semaphore, #tpu.memory_space<semaphore_mem>> -> memref<!tpu.dma_semaphore, #tpu.memory_space<semaphore_mem>>
    %dma_start3A_76 = arith.constant 0 : i32
    %dma_start3A_77 = tpu.memref_slice %arg6[%rem3A_66, %dma_start3A_76] : memref<4x80xi32, #tpu.memory_space<vmem>> -> memref<1x80xi32, #tpu.memory_space<vmem>>
    %dma_start3A_78 = tpu.memref_squeeze %dma_start3A_77 : memref<1x80xi32, #tpu.memory_space<vmem>> -> memref<80xi32, #tpu.memory_space<vmem>>
    %dma_start3A_79 = arith.constant 0 : i32
    %dma_start3A_80 = tpu.memref_slice %arg3[%arg0, %arg1, %dma_start3A_67, %dma_start3A_79] : memref<2x16x125x80xi32, #tpu.memory_space<hbm>> -> memref<1x1x1x80xi32, #tpu.memory_space<hbm>>
    %dma_start3A_81 = tpu.memref_squeeze %dma_start3A_80 : memref<1x1x1x80xi32, #tpu.memory_space<hbm>> -> memref<80xi32, #tpu.memory_space<hbm>>
    tpu.enqueue_dma source(%dma_start3A_81 : memref<80xi32, #tpu.memory_space<hbm>>) target(%dma_start3A_78 : memref<80xi32, #tpu.memory_space<vmem>>) target_semaphore(%dma_start3A_75 : memref<!tpu.dma_semaphore, #tpu.memory_space<semaphore_mem>>)
    %dma_start3A_82 = arith.constant 2 : i32
    %dma_start3A_83 = arith.constant 0 : i32
    %dma_start3A_84 = tpu.memref_slice %arg7[%rem3A_66, %dma_start3A_83] : memref<4x80xi32, #tpu.memory_space<vmem>> -> memref<1x80xi32, #tpu.memory_space<vmem>>
    %dma_start3A_85 = tpu.memref_squeeze %dma_start3A_84 : memref<1x80xi32, #tpu.memory_space<vmem>> -> memref<80xi32, #tpu.memory_space<vmem>>
    %dma_start3A_86 = arith.constant 0 : i32
    %dma_start3A_87 = tpu.memref_slice %arg4[%arg0, %arg1, %dma_start3A_82, %dma_start3A_86] : memref<2x16x125x80xi32, #tpu.memory_space<hbm>> -> memref<1x1x1x80xi32, #tpu.memory_space<hbm>>
    %dma_start3A_88 = tpu.memref_squeeze %dma_start3A_87 : memref<1x1x1x80xi32, #tpu.memory_space<hbm>> -> memref<80xi32, #tpu.memory_space<hbm>>
    %dma_start3A_89 = tpu.memref_slice %arg12[%rem3A_66] : memref<4x!tpu.dma_semaphore, #tpu.memory_space<semaphore_mem>> -> memref<1x!tpu.dma_semaphore, #tpu.memory_space<semaphore_mem>>
    %dma_start3A_90 = tpu.memref_squeeze %dma_start3A_89 : memref<1x!tpu.dma_semaphore, #tpu.memory_space<semaphore_mem>> -> memref<!tpu.dma_semaphore, #tpu.memory_space<semaphore_mem>>
    %dma_start3A_91 = arith.constant 0 : i32
    %dma_start3A_92 = tpu.memref_slice %arg7[%rem3A_66, %dma_start3A_91] : memref<4x80xi32, #tpu.memory_space<vmem>> -> memref<1x80xi32, #tpu.memory_space<vmem>>
    %dma_start3A_93 = tpu.memref_squeeze %dma_start3A_92 : memref<1x80xi32, #tpu.memory_space<vmem>> -> memref<80xi32, #tpu.memory_space<vmem>>
    %dma_start3A_94 = arith.constant 0 : i32
    %dma_start3A_95 = tpu.memref_slice %arg4[%arg0, %arg1, %dma_start3A_82, %dma_start3A_94] : memref<2x16x125x80xi32, #tpu.memory_space<hbm>> -> memref<1x1x1x80xi32, #tpu.memory_space<hbm>>
    %dma_start3A_96 = tpu.memref_squeeze %dma_start3A_95 : memref<1x1x1x80xi32, #tpu.memory_space<hbm>> -> memref<80xi32, #tpu.memory_space<hbm>>
    tpu.enqueue_dma source(%dma_start3A_96 : memref<80xi32, #tpu.memory_space<hbm>>) target(%dma_start3A_93 : memref<80xi32, #tpu.memory_space<vmem>>) target_semaphore(%dma_start3A_90 : memref<!tpu.dma_semaphore, #tpu.memory_space<semaphore_mem>>)
    %rem3A_97 = arith.constant 3 : i32
    %rem3A_98 = arith.constant 4 : i32
    %rem3A_99 = arith.remsi %rem3A_97, %rem3A_98 : i32
    %dma_start3A_100 = arith.constant 3 : i32
    %dma_start3A_101 = arith.constant 0 : i32
    %dma_start3A_102 = tpu.memref_slice %arg6[%rem3A_99, %dma_start3A_101] : memref<4x80xi32, #tpu.memory_space<vmem>> -> memref<1x80xi32, #tpu.memory_space<vmem>>
    %dma_start3A_103 = tpu.memref_squeeze %dma_start3A_102 : memref<1x80xi32, #tpu.memory_space<vmem>> -> memref<80xi32, #tpu.memory_space<vmem>>
    %dma_start3A_104 = arith.constant 0 : i32
    %dma_start3A_105 = tpu.memref_slice %arg3[%arg0, %arg1, %dma_start3A_100, %dma_start3A_104] : memref<2x16x125x80xi32, #tpu.memory_space<hbm>> -> memref<1x1x1x80xi32, #tpu.memory_space<hbm>>
    %dma_start3A_106 = tpu.memref_squeeze %dma_start3A_105 : memref<1x1x1x80xi32, #tpu.memory_space<hbm>> -> memref<80xi32, #tpu.memory_space<hbm>>
    %dma_start3A_107 = tpu.memref_slice %arg12[%rem3A_99] : memref<4x!tpu.dma_semaphore, #tpu.memory_space<semaphore_mem>> -> memref<1x!tpu.dma_semaphore, #tpu.memory_space<semaphore_mem>>
    %dma_start3A_108 = tpu.memref_squeeze %dma_start3A_107 : memref<1x!tpu.dma_semaphore, #tpu.memory_space<semaphore_mem>> -> memref<!tpu.dma_semaphore, #tpu.memory_space<semaphore_mem>>
    %dma_start3A_109 = arith.constant 0 : i32
    %dma_start3A_110 = tpu.memref_slice %arg6[%rem3A_99, %dma_start3A_109] : memref<4x80xi32, #tpu.memory_space<vmem>> -> memref<1x80xi32, #tpu.memory_space<vmem>>
    %dma_start3A_111 = tpu.memref_squeeze %dma_start3A_110 : memref<1x80xi32, #tpu.memory_space<vmem>> -> memref<80xi32, #tpu.memory_space<vmem>>
    %dma_start3A_112 = arith.constant 0 : i32
    %dma_start3A_113 = tpu.memref_slice %arg3[%arg0, %arg1, %dma_start3A_100, %dma_start3A_112] : memref<2x16x125x80xi32, #tpu.memory_space<hbm>> -> memref<1x1x1x80xi32, #tpu.memory_space<hbm>>
    %dma_start3A_114 = tpu.memref_squeeze %dma_start3A_113 : memref<1x1x1x80xi32, #tpu.memory_space<hbm>> -> memref<80xi32, #tpu.memory_space<hbm>>
    tpu.enqueue_dma source(%dma_start3A_114 : memref<80xi32, #tpu.memory_space<hbm>>) target(%dma_start3A_111 : memref<80xi32, #tpu.memory_space<vmem>>) target_semaphore(%dma_start3A_108 : memref<!tpu.dma_semaphore, #tpu.memory_space<semaphore_mem>>)
    %dma_start3A_115 = arith.constant 3 : i32
    %dma_start3A_116 = arith.constant 0 : i32
    %dma_start3A_117 = tpu.memref_slice %arg7[%rem3A_99, %dma_start3A_116] : memref<4x80xi32, #tpu.memory_space<vmem>> -> memref<1x80xi32, #tpu.memory_space<vmem>>
    %dma_start3A_118 = tpu.memref_squeeze %dma_start3A_117 : memref<1x80xi32, #tpu.memory_space<vmem>> -> memref<80xi32, #tpu.memory_space<vmem>>
    %dma_start3A_119 = arith.constant 0 : i32
    %dma_start3A_120 = tpu.memref_slice %arg4[%arg0, %arg1, %dma_start3A_115, %dma_start3A_119] : memref<2x16x125x80xi32, #tpu.memory_space<hbm>> -> memref<1x1x1x80xi32, #tpu.memory_space<hbm>>
    %dma_start3A_121 = tpu.memref_squeeze %dma_start3A_120 : memref<1x1x1x80xi32, #tpu.memory_space<hbm>> -> memref<80xi32, #tpu.memory_space<hbm>>
    %dma_start3A_122 = tpu.memref_slice %arg12[%rem3A_99] : memref<4x!tpu.dma_semaphore, #tpu.memory_space<semaphore_mem>> -> memref<1x!tpu.dma_semaphore, #tpu.memory_space<semaphore_mem>>
    %dma_start3A_123 = tpu.memref_squeeze %dma_start3A_122 : memref<1x!tpu.dma_semaphore, #tpu.memory_space<semaphore_mem>> -> memref<!tpu.dma_semaphore, #tpu.memory_space<semaphore_mem>>
    %dma_start3A_124 = arith.constant 0 : i32
    %dma_start3A_125 = tpu.memref_slice %arg7[%rem3A_99, %dma_start3A_124] : memref<4x80xi32, #tpu.memory_space<vmem>> -> memref<1x80xi32, #tpu.memory_space<vmem>>
    %dma_start3A_126 = tpu.memref_squeeze %dma_start3A_125 : memref<1x80xi32, #tpu.memory_space<vmem>> -> memref<80xi32, #tpu.memory_space<vmem>>
    %dma_start3A_127 = arith.constant 0 : i32
    %dma_start3A_128 = tpu.memref_slice %arg4[%arg0, %arg1, %dma_start3A_115, %dma_start3A_127] : memref<2x16x125x80xi32, #tpu.memory_space<hbm>> -> memref<1x1x1x80xi32, #tpu.memory_space<hbm>>
    %dma_start3A_129 = tpu.memref_squeeze %dma_start3A_128 : memref<1x1x1x80xi32, #tpu.memory_space<hbm>> -> memref<80xi32, #tpu.memory_space<hbm>>
    tpu.enqueue_dma source(%dma_start3A_129 : memref<80xi32, #tpu.memory_space<hbm>>) target(%dma_start3A_126 : memref<80xi32, #tpu.memory_space<vmem>>) target_semaphore(%dma_start3A_123 : memref<!tpu.dma_semaphore, #tpu.memory_space<semaphore_mem>>)
    %rem3A_130 = arith.constant 0 : i32
    %rem3A_131 = arith.constant 4 : i32
    %rem3A_132 = arith.remsi %rem3A_130, %rem3A_131 : i32
    %dma_wait3A = arith.constant 0 : i32
    %dma_wait3A_133 = arith.constant 0 : i32
    %dma_wait3A_134 = tpu.memref_slice %arg6[%rem3A_132, %dma_wait3A_133] : memref<4x80xi32, #tpu.memory_space<vmem>> -> memref<1x80xi32, #tpu.memory_space<vmem>>
    %dma_wait3A_135 = tpu.memref_squeeze %dma_wait3A_134 : memref<1x80xi32, #tpu.memory_space<vmem>> -> memref<80xi32, #tpu.memory_space<vmem>>
    %dma_wait3A_136 = arith.constant 0 : i32
    %dma_wait3A_137 = tpu.memref_slice %arg3[%arg0, %arg1, %dma_wait3A, %dma_wait3A_136] : memref<2x16x125x80xi32, #tpu.memory_space<hbm>> -> memref<1x1x1x80xi32, #tpu.memory_space<hbm>>
    %dma_wait3A_138 = tpu.memref_squeeze %dma_wait3A_137 : memref<1x1x1x80xi32, #tpu.memory_space<hbm>> -> memref<80xi32, #tpu.memory_space<hbm>>
    %dma_wait3A_139 = tpu.memref_slice %arg12[%rem3A_132] : memref<4x!tpu.dma_semaphore, #tpu.memory_space<semaphore_mem>> -> memref<1x!tpu.dma_semaphore, #tpu.memory_space<semaphore_mem>>
    %dma_wait3A_140 = tpu.memref_squeeze %dma_wait3A_139 : memref<1x!tpu.dma_semaphore, #tpu.memory_space<semaphore_mem>> -> memref<!tpu.dma_semaphore, #tpu.memory_space<semaphore_mem>>
    %dma_wait3A_141 = arith.constant 0 : i32
    %dma_wait3A_142 = tpu.memref_slice %arg6[%rem3A_132, %dma_wait3A_141] : memref<4x80xi32, #tpu.memory_space<vmem>> -> memref<1x80xi32, #tpu.memory_space<vmem>>
    %dma_wait3A_143 = tpu.memref_squeeze %dma_wait3A_142 : memref<1x80xi32, #tpu.memory_space<vmem>> -> memref<80xi32, #tpu.memory_space<vmem>>
    %dma_wait3A_144 = arith.constant 0 : i32
    %dma_wait3A_145 = tpu.memref_slice %arg3[%arg0, %arg1, %dma_wait3A, %dma_wait3A_144] : memref<2x16x125x80xi32, #tpu.memory_space<hbm>> -> memref<1x1x1x80xi32, #tpu.memory_space<hbm>>
    %dma_wait3A_146 = tpu.memref_squeeze %dma_wait3A_145 : memref<1x1x1x80xi32, #tpu.memory_space<hbm>> -> memref<80xi32, #tpu.memory_space<hbm>>
    tpu.wait_dma2 semaphore(%dma_wait3A_140 : memref<!tpu.dma_semaphore, #tpu.memory_space<semaphore_mem>>) src(%dma_wait3A_146 : memref<80xi32, #tpu.memory_space<hbm>>) dst(%dma_wait3A_143 : memref<80xi32, #tpu.memory_space<vmem>>)
    %dma_wait3A_147 = arith.constant 0 : i32
    %dma_wait3A_148 = arith.constant 0 : i32
    %dma_wait3A_149 = tpu.memref_slice %arg7[%rem3A_132, %dma_wait3A_148] : memref<4x80xi32, #tpu.memory_space<vmem>> -> memref<1x80xi32, #tpu.memory_space<vmem>>
    %dma_wait3A_150 = tpu.memref_squeeze %dma_wait3A_149 : memref<1x80xi32, #tpu.memory_space<vmem>> -> memref<80xi32, #tpu.memory_space<vmem>>
    %dma_wait3A_151 = arith.constant 0 : i32
    %dma_wait3A_152 = tpu.memref_slice %arg4[%arg0, %arg1, %dma_wait3A_147, %dma_wait3A_151] : memref<2x16x125x80xi32, #tpu.memory_space<hbm>> -> memref<1x1x1x80xi32, #tpu.memory_space<hbm>>
    %dma_wait3A_153 = tpu.memref_squeeze %dma_wait3A_152 : memref<1x1x1x80xi32, #tpu.memory_space<hbm>> -> memref<80xi32, #tpu.memory_space<hbm>>
    %dma_wait3A_154 = tpu.memref_slice %arg12[%rem3A_132] : memref<4x!tpu.dma_semaphore, #tpu.memory_space<semaphore_mem>> -> memref<1x!tpu.dma_semaphore, #tpu.memory_space<semaphore_mem>>
    %dma_wait3A_155 = tpu.memref_squeeze %dma_wait3A_154 : memref<1x!tpu.dma_semaphore, #tpu.memory_space<semaphore_mem>> -> memref<!tpu.dma_semaphore, #tpu.memory_space<semaphore_mem>>
    %dma_wait3A_156 = arith.constant 0 : i32
    %dma_wait3A_157 = tpu.memref_slice %arg7[%rem3A_132, %dma_wait3A_156] : memref<4x80xi32, #tpu.memory_space<vmem>> -> memref<1x80xi32, #tpu.memory_space<vmem>>
    %dma_wait3A_158 = tpu.memref_squeeze %dma_wait3A_157 : memref<1x80xi32, #tpu.memory_space<vmem>> -> memref<80xi32, #tpu.memory_space<vmem>>
    %dma_wait3A_159 = arith.constant 0 : i32
    %dma_wait3A_160 = tpu.memref_slice %arg4[%arg0, %arg1, %dma_wait3A_147, %dma_wait3A_159] : memref<2x16x125x80xi32, #tpu.memory_space<hbm>> -> memref<1x1x1x80xi32, #tpu.memory_space<hbm>>
    %dma_wait3A_161 = tpu.memref_squeeze %dma_wait3A_160 : memref<1x1x1x80xi32, #tpu.memory_space<hbm>> -> memref<80xi32, #tpu.memory_space<hbm>>
    tpu.wait_dma2 semaphore(%dma_wait3A_155 : memref<!tpu.dma_semaphore, #tpu.memory_space<semaphore_mem>>) src(%dma_wait3A_161 : memref<80xi32, #tpu.memory_space<hbm>>) dst(%dma_wait3A_158 : memref<80xi32, #tpu.memory_space<vmem>>)
    %dma_start3A_162 = arith.constant 0 : i32
    %dma_start3A_163 = arith.constant 0 : i32
    %dma_start3A_164 = arith.constant 0 : i32
    %dma_start3A_165 = tpu.memref_slice %arg6[%dma_start3A_162, %dma_start3A_164] : memref<4x80xi32, #tpu.memory_space<vmem>> -> memref<1x80xi32, #tpu.memory_space<vmem>>
    %dma_start3A_166 = tpu.memref_squeeze %dma_start3A_165 : memref<1x80xi32, #tpu.memory_space<vmem>> -> memref<80xi32, #tpu.memory_space<vmem>>
    %dma_start3A_167 = arith.constant 0 : i32
    %dma_start3A_168 = arith.constant 0 : i32
    %dma_start3A_169 = tpu.memref_slice %arg2[%dma_start3A_167, %dma_start3A_168] : memref<10240x128xf32, #tpu.memory_space<hbm>> -> memref<10240x128xf32, #tpu.memory_space<hbm>>
    %dma_start3A_170 = tpu.memref_slice %arg13[%dma_start3A_163] : memref<2x!tpu.dma_semaphore, #tpu.memory_space<semaphore_mem>> -> memref<1x!tpu.dma_semaphore, #tpu.memory_space<semaphore_mem>>
    %dma_start3A_171 = tpu.memref_squeeze %dma_start3A_170 : memref<1x!tpu.dma_semaphore, #tpu.memory_space<semaphore_mem>> -> memref<!tpu.dma_semaphore, #tpu.memory_space<semaphore_mem>>
    tpu.enqueue_indirect_dma source(%dma_start3A_169 : memref<10240x128xf32, #tpu.memory_space<hbm>>) target(%arg8 : memref<80x128xf32, #tpu.memory_space<vmem>>) offsets(%dma_start3A_166 : memref<80xi32, #tpu.memory_space<vmem>>) semaphore(%dma_start3A_171 : memref<!tpu.dma_semaphore, #tpu.memory_space<semaphore_mem>>)
    %rem3A_172 = arith.constant 1 : i32
    %rem3A_173 = arith.constant 4 : i32
    %rem3A_174 = arith.remsi %rem3A_172, %rem3A_173 : i32
    %dma_wait3A_175 = arith.constant 1 : i32
    %dma_wait3A_176 = arith.constant 0 : i32
    %dma_wait3A_177 = tpu.memref_slice %arg6[%rem3A_174, %dma_wait3A_176] : memref<4x80xi32, #tpu.memory_space<vmem>> -> memref<1x80xi32, #tpu.memory_space<vmem>>
    %dma_wait3A_178 = tpu.memref_squeeze %dma_wait3A_177 : memref<1x80xi32, #tpu.memory_space<vmem>> -> memref<80xi32, #tpu.memory_space<vmem>>
    %dma_wait3A_179 = arith.constant 0 : i32
    %dma_wait3A_180 = tpu.memref_slice %arg3[%arg0, %arg1, %dma_wait3A_175, %dma_wait3A_179] : memref<2x16x125x80xi32, #tpu.memory_space<hbm>> -> memref<1x1x1x80xi32, #tpu.memory_space<hbm>>
    %dma_wait3A_181 = tpu.memref_squeeze %dma_wait3A_180 : memref<1x1x1x80xi32, #tpu.memory_space<hbm>> -> memref<80xi32, #tpu.memory_space<hbm>>
    %dma_wait3A_182 = tpu.memref_slice %arg12[%rem3A_174] : memref<4x!tpu.dma_semaphore, #tpu.memory_space<semaphore_mem>> -> memref<1x!tpu.dma_semaphore, #tpu.memory_space<semaphore_mem>>
    %dma_wait3A_183 = tpu.memref_squeeze %dma_wait3A_182 : memref<1x!tpu.dma_semaphore, #tpu.memory_space<semaphore_mem>> -> memref<!tpu.dma_semaphore, #tpu.memory_space<semaphore_mem>>
    %dma_wait3A_184 = arith.constant 0 : i32
    %dma_wait3A_185 = tpu.memref_slice %arg6[%rem3A_174, %dma_wait3A_184] : memref<4x80xi32, #tpu.memory_space<vmem>> -> memref<1x80xi32, #tpu.memory_space<vmem>>
    %dma_wait3A_186 = tpu.memref_squeeze %dma_wait3A_185 : memref<1x80xi32, #tpu.memory_space<vmem>> -> memref<80xi32, #tpu.memory_space<vmem>>
    %dma_wait3A_187 = arith.constant 0 : i32
    %dma_wait3A_188 = tpu.memref_slice %arg3[%arg0, %arg1, %dma_wait3A_175, %dma_wait3A_187] : memref<2x16x125x80xi32, #tpu.memory_space<hbm>> -> memref<1x1x1x80xi32, #tpu.memory_space<hbm>>
    %dma_wait3A_189 = tpu.memref_squeeze %dma_wait3A_188 : memref<1x1x1x80xi32, #tpu.memory_space<hbm>> -> memref<80xi32, #tpu.memory_space<hbm>>
    tpu.wait_dma2 semaphore(%dma_wait3A_183 : memref<!tpu.dma_semaphore, #tpu.memory_space<semaphore_mem>>) src(%dma_wait3A_189 : memref<80xi32, #tpu.memory_space<hbm>>) dst(%dma_wait3A_186 : memref<80xi32, #tpu.memory_space<vmem>>)
    %dma_wait3A_190 = arith.constant 1 : i32
    %dma_wait3A_191 = arith.constant 0 : i32
    %dma_wait3A_192 = tpu.memref_slice %arg7[%rem3A_174, %dma_wait3A_191] : memref<4x80xi32, #tpu.memory_space<vmem>> -> memref<1x80xi32, #tpu.memory_space<vmem>>
    %dma_wait3A_193 = tpu.memref_squeeze %dma_wait3A_192 : memref<1x80xi32, #tpu.memory_space<vmem>> -> memref<80xi32, #tpu.memory_space<vmem>>
    %dma_wait3A_194 = arith.constant 0 : i32
    %dma_wait3A_195 = tpu.memref_slice %arg4[%arg0, %arg1, %dma_wait3A_190, %dma_wait3A_194] : memref<2x16x125x80xi32, #tpu.memory_space<hbm>> -> memref<1x1x1x80xi32, #tpu.memory_space<hbm>>
    %dma_wait3A_196 = tpu.memref_squeeze %dma_wait3A_195 : memref<1x1x1x80xi32, #tpu.memory_space<hbm>> -> memref<80xi32, #tpu.memory_space<hbm>>
    %dma_wait3A_197 = tpu.memref_slice %arg12[%rem3A_174] : memref<4x!tpu.dma_semaphore, #tpu.memory_space<semaphore_mem>> -> memref<1x!tpu.dma_semaphore, #tpu.memory_space<semaphore_mem>>
    %dma_wait3A_198 = tpu.memref_squeeze %dma_wait3A_197 : memref<1x!tpu.dma_semaphore, #tpu.memory_space<semaphore_mem>> -> memref<!tpu.dma_semaphore, #tpu.memory_space<semaphore_mem>>
    %dma_wait3A_199 = arith.constant 0 : i32
    %dma_wait3A_200 = tpu.memref_slice %arg7[%rem3A_174, %dma_wait3A_199] : memref<4x80xi32, #tpu.memory_space<vmem>> -> memref<1x80xi32, #tpu.memory_space<vmem>>
    %dma_wait3A_201 = tpu.memref_squeeze %dma_wait3A_200 : memref<1x80xi32, #tpu.memory_space<vmem>> -> memref<80xi32, #tpu.memory_space<vmem>>
    %dma_wait3A_202 = arith.constant 0 : i32
    %dma_wait3A_203 = tpu.memref_slice %arg4[%arg0, %arg1, %dma_wait3A_190, %dma_wait3A_202] : memref<2x16x125x80xi32, #tpu.memory_space<hbm>> -> memref<1x1x1x80xi32, #tpu.memory_space<hbm>>
    %dma_wait3A_204 = tpu.memref_squeeze %dma_wait3A_203 : memref<1x1x1x80xi32, #tpu.memory_space<hbm>> -> memref<80xi32, #tpu.memory_space<hbm>>
    tpu.wait_dma2 semaphore(%dma_wait3A_198 : memref<!tpu.dma_semaphore, #tpu.memory_space<semaphore_mem>>) src(%dma_wait3A_204 : memref<80xi32, #tpu.memory_space<hbm>>) dst(%dma_wait3A_201 : memref<80xi32, #tpu.memory_space<vmem>>)
    %dma_start3A_205 = arith.constant 1 : i32
    %dma_start3A_206 = arith.constant 1 : i32
    %dma_start3A_207 = arith.constant 0 : i32
    %dma_start3A_208 = tpu.memref_slice %arg6[%dma_start3A_205, %dma_start3A_207] : memref<4x80xi32, #tpu.memory_space<vmem>> -> memref<1x80xi32, #tpu.memory_space<vmem>>
    %dma_start3A_209 = tpu.memref_squeeze %dma_start3A_208 : memref<1x80xi32, #tpu.memory_space<vmem>> -> memref<80xi32, #tpu.memory_space<vmem>>
    %dma_start3A_210 = arith.constant 0 : i32
    %dma_start3A_211 = arith.constant 0 : i32
    %dma_start3A_212 = tpu.memref_slice %arg2[%dma_start3A_210, %dma_start3A_211] : memref<10240x128xf32, #tpu.memory_space<hbm>> -> memref<10240x128xf32, #tpu.memory_space<hbm>>
    %dma_start3A_213 = tpu.memref_slice %arg13[%dma_start3A_206] : memref<2x!tpu.dma_semaphore, #tpu.memory_space<semaphore_mem>> -> memref<1x!tpu.dma_semaphore, #tpu.memory_space<semaphore_mem>>
    %dma_start3A_214 = tpu.memref_squeeze %dma_start3A_213 : memref<1x!tpu.dma_semaphore, #tpu.memory_space<semaphore_mem>> -> memref<!tpu.dma_semaphore, #tpu.memory_space<semaphore_mem>>
    tpu.enqueue_indirect_dma source(%dma_start3A_212 : memref<10240x128xf32, #tpu.memory_space<hbm>>) target(%arg9 : memref<80x128xf32, #tpu.memory_space<vmem>>) offsets(%dma_start3A_209 : memref<80xi32, #tpu.memory_space<vmem>>) semaphore(%dma_start3A_214 : memref<!tpu.dma_semaphore, #tpu.memory_space<semaphore_mem>>)
    %scan3A = arith.constant 0 : i32
    %scan3A_215 = arith.constant 0 : i32
    %scan3A_216 = arith.constant 16 : i32
    %scan3A_217 = arith.addi %scan3A_215, %scan3A_216 : i32
    %scan3A_218 = arith.constant 1 : i32
    %scan3A_219 = scf.for %scan3A_263 = %scan3A_215 to %scan3A_217 step %scan3A_218 iter_args(%scan3A_264 = %scan3A) -> (i32)  : i32 {
      %broadcast_in_dim3A = arith.constant 0.000000e+00 : f32
      %broadcast_in_dim3A_265 = vector.broadcast %broadcast_in_dim3A : f32 to vector<16xf32>
      %swap3A = arith.index_cast %scan3A_263 : i32 to index
      %swap3A_266 = arith.constant 0 : index
      %swap3A_267 = tpu.vector_load %arg10[%swap3A, %swap3A_266] {strides = array<i32>} : memref<16x128xf32, #tpu.memory_space<vmem>>, vector<1x16xf32>,
      %swap3A_268 = vector.shape_cast %swap3A_267 : vector<1x16xf32> to vector<16xf32>
      %swap3A_269 = vector.shape_cast %broadcast_in_dim3A_265 : vector<16xf32> to vector<1x16xf32>
      tpu.vector_store %arg10[%swap3A, %swap3A_266], %swap3A_269 {strides = array<i32>} : memref<16x128xf32, #tpu.memory_space<vmem>>, vector<1x16xf32>,
      %broadcast_in_dim3A_270 = arith.constant 0.000000e+00 : f32
      %broadcast_in_dim3A_271 = vector.broadcast %broadcast_in_dim3A_270 : f32 to vector<16xf32>
      %swap3A_272 = arith.index_cast %scan3A_263 : i32 to index
      %swap3A_273 = arith.constant 16 : index
      %swap3A_274 = tpu.vector_load %arg10[%swap3A_272, %swap3A_273] {strides = array<i32>} : memref<16x128xf32, #tpu.memory_space<vmem>>, vector<1x16xf32>,
      %swap3A_275 = vector.shape_cast %swap3A_274 : vector<1x16xf32> to vector<16xf32>
      %swap3A_276 = vector.shape_cast %broadcast_in_dim3A_271 : vector<16xf32> to vector<1x16xf32>
      tpu.vector_store %arg10[%swap3A_272, %swap3A_273], %swap3A_276 {strides = array<i32>} : memref<16x128xf32, #tpu.memory_space<vmem>>, vector<1x16xf32>,
      %broadcast_in_dim3A_277 = arith.constant 0.000000e+00 : f32
      %broadcast_in_dim3A_278 = vector.broadcast %broadcast_in_dim3A_277 : f32 to vector<16xf32>
      %swap3A_279 = arith.index_cast %scan3A_263 : i32 to index
      %swap3A_280 = arith.constant 32 : index
      %swap3A_281 = tpu.vector_load %arg10[%swap3A_279, %swap3A_280] {strides = array<i32>} : memref<16x128xf32, #tpu.memory_space<vmem>>, vector<1x16xf32>,
      %swap3A_282 = vector.shape_cast %swap3A_281 : vector<1x16xf32> to vector<16xf32>
      %swap3A_283 = vector.shape_cast %broadcast_in_dim3A_278 : vector<16xf32> to vector<1x16xf32>
      tpu.vector_store %arg10[%swap3A_279, %swap3A_280], %swap3A_283 {strides = array<i32>} : memref<16x128xf32, #tpu.memory_space<vmem>>, vector<1x16xf32>,
      %broadcast_in_dim3A_284 = arith.constant 0.000000e+00 : f32
      %broadcast_in_dim3A_285 = vector.broadcast %broadcast_in_dim3A_284 : f32 to vector<16xf32>
      %swap3A_286 = arith.index_cast %scan3A_263 : i32 to index
      %swap3A_287 = arith.constant 48 : index
      %swap3A_288 = tpu.vector_load %arg10[%swap3A_286, %swap3A_287] {strides = array<i32>} : memref<16x128xf32, #tpu.memory_space<vmem>>, vector<1x16xf32>,
      %swap3A_289 = vector.shape_cast %swap3A_288 : vector<1x16xf32> to vector<16xf32>
      %swap3A_290 = vector.shape_cast %broadcast_in_dim3A_285 : vector<16xf32> to vector<1x16xf32>
      tpu.vector_store %arg10[%swap3A_286, %swap3A_287], %swap3A_290 {strides = array<i32>} : memref<16x128xf32, #tpu.memory_space<vmem>>, vector<1x16xf32>,
      %broadcast_in_dim3A_291 = arith.constant 0.000000e+00 : f32
      %broadcast_in_dim3A_292 = vector.broadcast %broadcast_in_dim3A_291 : f32 to vector<16xf32>
      %swap3A_293 = arith.index_cast %scan3A_263 : i32 to index
      %swap3A_294 = arith.constant 64 : index
      %swap3A_295 = tpu.vector_load %arg10[%swap3A_293, %swap3A_294] {strides = array<i32>} : memref<16x128xf32, #tpu.memory_space<vmem>>, vector<1x16xf32>,
      %swap3A_296 = vector.shape_cast %swap3A_295 : vector<1x16xf32> to vector<16xf32>
      %swap3A_297 = vector.shape_cast %broadcast_in_dim3A_292 : vector<16xf32> to vector<1x16xf32>
      tpu.vector_store %arg10[%swap3A_293, %swap3A_294], %swap3A_297 {strides = array<i32>} : memref<16x128xf32, #tpu.memory_space<vmem>>, vector<1x16xf32>,
      %broadcast_in_dim3A_298 = arith.constant 0.000000e+00 : f32
      %broadcast_in_dim3A_299 = vector.broadcast %broadcast_in_dim3A_298 : f32 to vector<16xf32>
      %swap3A_300 = arith.index_cast %scan3A_263 : i32 to index
      %swap3A_301 = arith.constant 80 : index
      %swap3A_302 = tpu.vector_load %arg10[%swap3A_300, %swap3A_301] {strides = array<i32>} : memref<16x128xf32, #tpu.memory_space<vmem>>, vector<1x16xf32>,
      %swap3A_303 = vector.shape_cast %swap3A_302 : vector<1x16xf32> to vector<16xf32>
      %swap3A_304 = vector.shape_cast %broadcast_in_dim3A_299 : vector<16xf32> to vector<1x16xf32>
      tpu.vector_store %arg10[%swap3A_300, %swap3A_301], %swap3A_304 {strides = array<i32>} : memref<16x128xf32, #tpu.memory_space<vmem>>, vector<1x16xf32>,
      %broadcast_in_dim3A_305 = arith.constant 0.000000e+00 : f32
      %broadcast_in_dim3A_306 = vector.broadcast %broadcast_in_dim3A_305 : f32 to vector<16xf32>
      %swap3A_307 = arith.index_cast %scan3A_263 : i32 to index
      %swap3A_308 = arith.constant 96 : index
      %swap3A_309 = tpu.vector_load %arg10[%swap3A_307, %swap3A_308] {strides = array<i32>} : memref<16x128xf32, #tpu.memory_space<vmem>>, vector<1x16xf32>,
      %swap3A_310 = vector.shape_cast %swap3A_309 : vector<1x16xf32> to vector<16xf32>
      %swap3A_311 = vector.shape_cast %broadcast_in_dim3A_306 : vector<16xf32> to vector<1x16xf32>
      tpu.vector_store %arg10[%swap3A_307, %swap3A_308], %swap3A_311 {strides = array<i32>} : memref<16x128xf32, #tpu.memory_space<vmem>>, vector<1x16xf32>,
      %broadcast_in_dim3A_312 = arith.constant 0.000000e+00 : f32
      %broadcast_in_dim3A_313 = vector.broadcast %broadcast_in_dim3A_312 : f32 to vector<16xf32>
      %swap3A_314 = arith.index_cast %scan3A_263 : i32 to index
      %swap3A_315 = arith.constant 112 : index
      %swap3A_316 = tpu.vector_load %arg10[%swap3A_314, %swap3A_315] {strides = array<i32>} : memref<16x128xf32, #tpu.memory_space<vmem>>, vector<1x16xf32>,
      %swap3A_317 = vector.shape_cast %swap3A_316 : vector<1x16xf32> to vector<16xf32>
      %swap3A_318 = vector.shape_cast %broadcast_in_dim3A_313 : vector<16xf32> to vector<1x16xf32>
      tpu.vector_store %arg10[%swap3A_314, %swap3A_315], %swap3A_318 {strides = array<i32>} : memref<16x128xf32, #tpu.memory_space<vmem>>, vector<1x16xf32>,
      %scan3A_319 = arith.constant 0 : i32
      scf.yield %scan3A_319 : i32
    }
    %scan3A_220 = arith.constant 16 : i32
    %scan3A_221 = arith.constant 0 : i32
    %scan3A_222 = arith.constant 0 : i32
    %scan3A_223 = arith.constant 40 : i32
    %scan3A_224 = arith.addi %scan3A_222, %scan3A_223 : i32
    %scan3A_225 = arith.constant 1 : i32
    %scan3A_226 = scf.for %scan3A_263 = %scan3A_222 to %scan3A_224 step %scan3A_225 iter_args(%scan3A_264 = %scan3A_221) -> (i32)  : i32 {
      %mul3A_265 = arith.constant 640 : i32
      %mul3A_266 = arith.muli %mul3A_265, %arg1 : i32
      %mul3A_267 = arith.constant 16 : i32
      %mul3A_268 = arith.muli %mul3A_267, %scan3A_263 : i32
      %add3A = arith.addi %mul3A_266, %mul3A_268 : i32
      "tpu.region"() ({
        %run_scoped3A = tpu.sem_alloc : memref<!tpu.dma_semaphore, #tpu.memory_space<semaphore_mem>>
        %dma_start3A_270 = arith.constant 0 : i32
        %dma_start3A_271 = tpu.memref_slice %arg11[%add3A, %dma_start3A_270] : memref<10240x128xf32, #tpu.memory_space<vmem_shared>> -> memref<16x128xf32, #tpu.memory_space<vmem_shared>>
        %dma_start3A_272 = arith.constant 0 : i32
        %dma_start3A_273 = tpu.memref_slice %arg11[%add3A, %dma_start3A_272] : memref<10240x128xf32, #tpu.memory_space<vmem_shared>> -> memref<16x128xf32, #tpu.memory_space<vmem_shared>>
        tpu.enqueue_dma source(%arg10 : memref<16x128xf32, #tpu.memory_space<vmem>>) target(%dma_start3A_273 : memref<16x128xf32, #tpu.memory_space<vmem_shared>>) target_semaphore(%run_scoped3A : memref<!tpu.dma_semaphore, #tpu.memory_space<semaphore_mem>>)
        %dma_wait3A_274 = arith.constant 0 : i32
        %dma_wait3A_275 = tpu.memref_slice %arg11[%add3A, %dma_wait3A_274] : memref<10240x128xf32, #tpu.memory_space<vmem_shared>> -> memref<16x128xf32, #tpu.memory_space<vmem_shared>>
        %dma_wait3A_276 = arith.constant 0 : i32
        %dma_wait3A_277 = tpu.memref_slice %arg11[%add3A, %dma_wait3A_276] : memref<10240x128xf32, #tpu.memory_space<vmem_shared>> -> memref<16x128xf32, #tpu.memory_space<vmem_shared>>
        tpu.wait_dma2 semaphore(%run_scoped3A : memref<!tpu.dma_semaphore, #tpu.memory_space<semaphore_mem>>) src(%arg10 : memref<16x128xf32, #tpu.memory_space<vmem>>) dst(%dma_wait3A_277 : memref<16x128xf32, #tpu.memory_space<vmem_shared>>)
        tpu.yield
      }) : () -> ()
      %scan3A_269 = arith.constant 0 : i32
      scf.yield %scan3A_269 : i32
    }
    %scan3A_227 = arith.constant 40 : i32
    %barrier3A = arith.constant 0 : index
    tpu.barrier barrier_id(%barrier3A)
    %scan3A_228 = arith.constant 0 : i32
    %scan3A_229 = arith.constant 0 : i32
    %scan3A_230 = arith.constant 62 : i32
    %scan3A_231 = arith.addi %scan3A_229, %scan3A_230 : i32
    %scan3A_232 = arith.constant 1 : i32
    %scan3A_233 = scf.for %scan3A_263 = %scan3A_229 to %scan3A_231 step %scan3A_232 iter_args(%scan3A_264 = %scan3A_228) -> (i32)  : i32 {
      %mul3A_265 = arith.constant 2 : i32
      %mul3A_266 = arith.muli %scan3A_263, %mul3A_265 : i32
      %add3A = arith.constant 0 : i32
      %add3A_267 = arith.addi %mul3A_266, %add3A : i32
      %rem3A_268 = arith.constant 4 : i32
      %rem3A_269 = arith.remsi %add3A_267, %rem3A_268 : i32
      %dma_wait3A_270 = arith.constant 0 : i32
      %dma_wait3A_271 = arith.constant 0 : i32
      %dma_wait3A_272 = tpu.memref_slice %arg6[%rem3A_269, %dma_wait3A_271] : memref<4x80xi32, #tpu.memory_space<vmem>> -> memref<1x80xi32, #tpu.memory_space<vmem>>
      %dma_wait3A_273 = tpu.memref_squeeze %dma_wait3A_272 : memref<1x80xi32, #tpu.memory_space<vmem>> -> memref<80xi32, #tpu.memory_space<vmem>>
      %dma_wait3A_274 = arith.constant 0 : i32
      %dma_wait3A_275 = arith.constant 0 : i32
      %dma_wait3A_276 = tpu.memref_slice %arg2[%dma_wait3A_274, %dma_wait3A_275] : memref<10240x128xf32, #tpu.memory_space<hbm>> -> memref<10240x128xf32, #tpu.memory_space<hbm>>
      %dma_wait3A_277 = tpu.memref_slice %arg13[%dma_wait3A_270] : memref<2x!tpu.dma_semaphore, #tpu.memory_space<semaphore_mem>> -> memref<1x!tpu.dma_semaphore, #tpu.memory_space<semaphore_mem>>
      %dma_wait3A_278 = tpu.memref_squeeze %dma_wait3A_277 : memref<1x!tpu.dma_semaphore, #tpu.memory_space<semaphore_mem>> -> memref<!tpu.dma_semaphore, #tpu.memory_space<semaphore_mem>>
      tpu.wait_indirect_dma semaphore(%dma_wait3A_278 : memref<!tpu.dma_semaphore, #tpu.memory_space<semaphore_mem>>) src(%dma_wait3A_276 : memref<10240x128xf32, #tpu.memory_space<hbm>>) dst(%arg8 : memref<80x128xf32, #tpu.memory_space<vmem>>)
      %dma_start3A_279 = arith.constant 0 : i32
      %dma_start3A_280 = tpu.memref_slice %arg7[%rem3A_269, %dma_start3A_279] : memref<4x80xi32, #tpu.memory_space<vmem>> -> memref<1x80xi32, #tpu.memory_space<vmem>>
      %dma_start3A_281 = tpu.memref_squeeze %dma_start3A_280 : memref<1x80xi32, #tpu.memory_space<vmem>> -> memref<80xi32, #tpu.memory_space<vmem>>
      %dma_start3A_282 = arith.constant 0 : i32
      %dma_start3A_283 = arith.constant 0 : i32
      %dma_start3A_284 = tpu.memref_slice %arg11[%dma_start3A_282, %dma_start3A_283] : memref<10240x128xf32, #tpu.memory_space<vmem_shared>> -> memref<10240x128xf32, #tpu.memory_space<vmem_shared>>
      tpu.enqueue_indirect_dma source(%arg8 : memref<80x128xf32, #tpu.memory_space<vmem>>) target(%dma_start3A_284 : memref<10240x128xf32, #tpu.memory_space<vmem_shared>>) offsets(%dma_start3A_281 : memref<80xi32, #tpu.memory_space<vmem>>) semaphore(%arg14 : memref<!tpu.dma_semaphore, #tpu.memory_space<semaphore_mem>>) {add = true}
      %dma_wait3A_285 = arith.constant 0 : i32
      %dma_wait3A_286 = tpu.memref_slice %arg7[%rem3A_269, %dma_wait3A_285] : memref<4x80xi32, #tpu.memory_space<vmem>> -> memref<1x80xi32, #tpu.memory_space<vmem>>
      %dma_wait3A_287 = tpu.memref_squeeze %dma_wait3A_286 : memref<1x80xi32, #tpu.memory_space<vmem>> -> memref<80xi32, #tpu.memory_space<vmem>>
      %dma_wait3A_288 = arith.constant 0 : i32
      %dma_wait3A_289 = arith.constant 0 : i32
      %dma_wait3A_290 = tpu.memref_slice %arg11[%dma_wait3A_288, %dma_wait3A_289] : memref<10240x128xf32, #tpu.memory_space<vmem_shared>> -> memref<10240x128xf32, #tpu.memory_space<vmem_shared>>
      tpu.wait_indirect_dma semaphore(%arg14 : memref<!tpu.dma_semaphore, #tpu.memory_space<semaphore_mem>>) src(%arg8 : memref<80x128xf32, #tpu.memory_space<vmem>>) dst(%dma_wait3A_290 : memref<10240x128xf32, #tpu.memory_space<vmem_shared>>)
      %add3A_291 = arith.constant 4 : i32
      %add3A_292 = arith.addi %add3A_267, %add3A_291 : i32
      %lt3A = arith.constant 125 : i32
      %lt3A_293 = arith.cmpi slt, %add3A_292, %lt3A : i32
      %convert_element_type3A = arith.extui %lt3A_293 : i1 to i32
      %cond3A = arith.constant 0 : i32
      %cond3A_294 = arith.cmpi ne, %convert_element_type3A, %cond3A : i32
      scf.if %cond3A_294 {
        %add3A_344 = arith.constant 4 : i32
        %add3A_345 = arith.addi %add3A_267, %add3A_344 : i32
        %rem3A_346 = arith.constant 4 : i32
        %rem3A_347 = arith.remsi %add3A_345, %rem3A_346 : i32
        %dma_start3A_348 = arith.constant 0 : i32
        %dma_start3A_349 = tpu.memref_slice %arg6[%rem3A_347, %dma_start3A_348] : memref<4x80xi32, #tpu.memory_space<vmem>> -> memref<1x80xi32, #tpu.memory_space<vmem>>
        %dma_start3A_350 = tpu.memref_squeeze %dma_start3A_349 : memref<1x80xi32, #tpu.memory_space<vmem>> -> memref<80xi32, #tpu.memory_space<vmem>>
        %dma_start3A_351 = arith.constant 0 : i32
        %dma_start3A_352 = tpu.memref_slice %arg3[%arg0, %arg1, %add3A_345, %dma_start3A_351] : memref<2x16x125x80xi32, #tpu.memory_space<hbm>> -> memref<1x1x1x80xi32, #tpu.memory_space<hbm>>
        %dma_start3A_353 = tpu.memref_squeeze %dma_start3A_352 : memref<1x1x1x80xi32, #tpu.memory_space<hbm>> -> memref<80xi32, #tpu.memory_space<hbm>>
        %dma_start3A_354 = tpu.memref_slice %arg12[%rem3A_347] : memref<4x!tpu.dma_semaphore, #tpu.memory_space<semaphore_mem>> -> memref<1x!tpu.dma_semaphore, #tpu.memory_space<semaphore_mem>>
        %dma_start3A_355 = tpu.memref_squeeze %dma_start3A_354 : memref<1x!tpu.dma_semaphore, #tpu.memory_space<semaphore_mem>> -> memref<!tpu.dma_semaphore, #tpu.memory_space<semaphore_mem>>
        %dma_start3A_356 = arith.constant 0 : i32
        %dma_start3A_357 = tpu.memref_slice %arg6[%rem3A_347, %dma_start3A_356] : memref<4x80xi32, #tpu.memory_space<vmem>> -> memref<1x80xi32, #tpu.memory_space<vmem>>
        %dma_start3A_358 = tpu.memref_squeeze %dma_start3A_357 : memref<1x80xi32, #tpu.memory_space<vmem>> -> memref<80xi32, #tpu.memory_space<vmem>>
        %dma_start3A_359 = arith.constant 0 : i32
        %dma_start3A_360 = tpu.memref_slice %arg3[%arg0, %arg1, %add3A_345, %dma_start3A_359] : memref<2x16x125x80xi32, #tpu.memory_space<hbm>> -> memref<1x1x1x80xi32, #tpu.memory_space<hbm>>
        %dma_start3A_361 = tpu.memref_squeeze %dma_start3A_360 : memref<1x1x1x80xi32, #tpu.memory_space<hbm>> -> memref<80xi32, #tpu.memory_space<hbm>>
        tpu.enqueue_dma source(%dma_start3A_361 : memref<80xi32, #tpu.memory_space<hbm>>) target(%dma_start3A_358 : memref<80xi32, #tpu.memory_space<vmem>>) target_semaphore(%dma_start3A_355 : memref<!tpu.dma_semaphore, #tpu.memory_space<semaphore_mem>>)
        %dma_start3A_362 = arith.constant 0 : i32
        %dma_start3A_363 = tpu.memref_slice %arg7[%rem3A_347, %dma_start3A_362] : memref<4x80xi32, #tpu.memory_space<vmem>> -> memref<1x80xi32, #tpu.memory_space<vmem>>
        %dma_start3A_364 = tpu.memref_squeeze %dma_start3A_363 : memref<1x80xi32, #tpu.memory_space<vmem>> -> memref<80xi32, #tpu.memory_space<vmem>>
        %dma_start3A_365 = arith.constant 0 : i32
        %dma_start3A_366 = tpu.memref_slice %arg4[%arg0, %arg1, %add3A_345, %dma_start3A_365] : memref<2x16x125x80xi32, #tpu.memory_space<hbm>> -> memref<1x1x1x80xi32, #tpu.memory_space<hbm>>
        %dma_start3A_367 = tpu.memref_squeeze %dma_start3A_366 : memref<1x1x1x80xi32, #tpu.memory_space<hbm>> -> memref<80xi32, #tpu.memory_space<hbm>>
        %dma_start3A_368 = tpu.memref_slice %arg12[%rem3A_347] : memref<4x!tpu.dma_semaphore, #tpu.memory_space<semaphore_mem>> -> memref<1x!tpu.dma_semaphore, #tpu.memory_space<semaphore_mem>>
        %dma_start3A_369 = tpu.memref_squeeze %dma_start3A_368 : memref<1x!tpu.dma_semaphore, #tpu.memory_space<semaphore_mem>> -> memref<!tpu.dma_semaphore, #tpu.memory_space<semaphore_mem>>
        %dma_start3A_370 = arith.constant 0 : i32
        %dma_start3A_371 = tpu.memref_slice %arg7[%rem3A_347, %dma_start3A_370] : memref<4x80xi32, #tpu.memory_space<vmem>> -> memref<1x80xi32, #tpu.memory_space<vmem>>
        %dma_start3A_372 = tpu.memref_squeeze %dma_start3A_371 : memref<1x80xi32, #tpu.memory_space<vmem>> -> memref<80xi32, #tpu.memory_space<vmem>>
        %dma_start3A_373 = arith.constant 0 : i32
        %dma_start3A_374 = tpu.memref_slice %arg4[%arg0, %arg1, %add3A_345, %dma_start3A_373] : memref<2x16x125x80xi32, #tpu.memory_space<hbm>> -> memref<1x1x1x80xi32, #tpu.memory_space<hbm>>
        %dma_start3A_375 = tpu.memref_squeeze %dma_start3A_374 : memref<1x1x1x80xi32, #tpu.memory_space<hbm>> -> memref<80xi32, #tpu.memory_space<hbm>>
        tpu.enqueue_dma source(%dma_start3A_375 : memref<80xi32, #tpu.memory_space<hbm>>) target(%dma_start3A_372 : memref<80xi32, #tpu.memory_space<vmem>>) target_semaphore(%dma_start3A_369 : memref<!tpu.dma_semaphore, #tpu.memory_space<semaphore_mem>>)
      } else {
      }
      %add3A_295 = arith.constant 2 : i32
      %add3A_296 = arith.addi %add3A_267, %add3A_295 : i32
      %lt3A_297 = arith.constant 125 : i32
      %lt3A_298 = arith.cmpi slt, %add3A_296, %lt3A_297 : i32
      %convert_element_type3A_299 = arith.extui %lt3A_298 : i1 to i32
      %cond3A_300 = arith.constant 0 : i32
      %cond3A_301 = arith.cmpi ne, %convert_element_type3A_299, %cond3A_300 : i32
      scf.if %cond3A_301 {
        %add3A_344 = arith.constant 2 : i32
        %add3A_345 = arith.addi %add3A_267, %add3A_344 : i32
        %rem3A_346 = arith.constant 4 : i32
        %rem3A_347 = arith.remsi %add3A_345, %rem3A_346 : i32
        %dma_wait3A_348 = arith.constant 0 : i32
        %dma_wait3A_349 = tpu.memref_slice %arg6[%rem3A_347, %dma_wait3A_348] : memref<4x80xi32, #tpu.memory_space<vmem>> -> memref<1x80xi32, #tpu.memory_space<vmem>>
        %dma_wait3A_350 = tpu.memref_squeeze %dma_wait3A_349 : memref<1x80xi32, #tpu.memory_space<vmem>> -> memref<80xi32, #tpu.memory_space<vmem>>
        %dma_wait3A_351 = arith.constant 0 : i32
        %dma_wait3A_352 = tpu.memref_slice %arg3[%arg0, %arg1, %add3A_345, %dma_wait3A_351] : memref<2x16x125x80xi32, #tpu.memory_space<hbm>> -> memref<1x1x1x80xi32, #tpu.memory_space<hbm>>
        %dma_wait3A_353 = tpu.memref_squeeze %dma_wait3A_352 : memref<1x1x1x80xi32, #tpu.memory_space<hbm>> -> memref<80xi32, #tpu.memory_space<hbm>>
        %dma_wait3A_354 = tpu.memref_slice %arg12[%rem3A_347] : memref<4x!tpu.dma_semaphore, #tpu.memory_space<semaphore_mem>> -> memref<1x!tpu.dma_semaphore, #tpu.memory_space<semaphore_mem>>
        %dma_wait3A_355 = tpu.memref_squeeze %dma_wait3A_354 : memref<1x!tpu.dma_semaphore, #tpu.memory_space<semaphore_mem>> -> memref<!tpu.dma_semaphore, #tpu.memory_space<semaphore_mem>>
        %dma_wait3A_356 = arith.constant 0 : i32
        %dma_wait3A_357 = tpu.memref_slice %arg6[%rem3A_347, %dma_wait3A_356] : memref<4x80xi32, #tpu.memory_space<vmem>> -> memref<1x80xi32, #tpu.memory_space<vmem>>
        %dma_wait3A_358 = tpu.memref_squeeze %dma_wait3A_357 : memref<1x80xi32, #tpu.memory_space<vmem>> -> memref<80xi32, #tpu.memory_space<vmem>>
        %dma_wait3A_359 = arith.constant 0 : i32
        %dma_wait3A_360 = tpu.memref_slice %arg3[%arg0, %arg1, %add3A_345, %dma_wait3A_359] : memref<2x16x125x80xi32, #tpu.memory_space<hbm>> -> memref<1x1x1x80xi32, #tpu.memory_space<hbm>>
        %dma_wait3A_361 = tpu.memref_squeeze %dma_wait3A_360 : memref<1x1x1x80xi32, #tpu.memory_space<hbm>> -> memref<80xi32, #tpu.memory_space<hbm>>
        tpu.wait_dma2 semaphore(%dma_wait3A_355 : memref<!tpu.dma_semaphore, #tpu.memory_space<semaphore_mem>>) src(%dma_wait3A_361 : memref<80xi32, #tpu.memory_space<hbm>>) dst(%dma_wait3A_358 : memref<80xi32, #tpu.memory_space<vmem>>)
        %dma_wait3A_362 = arith.constant 0 : i32
        %dma_wait3A_363 = tpu.memref_slice %arg7[%rem3A_347, %dma_wait3A_362] : memref<4x80xi32, #tpu.memory_space<vmem>> -> memref<1x80xi32, #tpu.memory_space<vmem>>
        %dma_wait3A_364 = tpu.memref_squeeze %dma_wait3A_363 : memref<1x80xi32, #tpu.memory_space<vmem>> -> memref<80xi32, #tpu.memory_space<vmem>>
        %dma_wait3A_365 = arith.constant 0 : i32
        %dma_wait3A_366 = tpu.memref_slice %arg4[%arg0, %arg1, %add3A_345, %dma_wait3A_365] : memref<2x16x125x80xi32, #tpu.memory_space<hbm>> -> memref<1x1x1x80xi32, #tpu.memory_space<hbm>>
        %dma_wait3A_367 = tpu.memref_squeeze %dma_wait3A_366 : memref<1x1x1x80xi32, #tpu.memory_space<hbm>> -> memref<80xi32, #tpu.memory_space<hbm>>
        %dma_wait3A_368 = tpu.memref_slice %arg12[%rem3A_347] : memref<4x!tpu.dma_semaphore, #tpu.memory_space<semaphore_mem>> -> memref<1x!tpu.dma_semaphore, #tpu.memory_space<semaphore_mem>>
        %dma_wait3A_369 = tpu.memref_squeeze %dma_wait3A_368 : memref<1x!tpu.dma_semaphore, #tpu.memory_space<semaphore_mem>> -> memref<!tpu.dma_semaphore, #tpu.memory_space<semaphore_mem>>
        %dma_wait3A_370 = arith.constant 0 : i32
        %dma_wait3A_371 = tpu.memref_slice %arg7[%rem3A_347, %dma_wait3A_370] : memref<4x80xi32, #tpu.memory_space<vmem>> -> memref<1x80xi32, #tpu.memory_space<vmem>>
        %dma_wait3A_372 = tpu.memref_squeeze %dma_wait3A_371 : memref<1x80xi32, #tpu.memory_space<vmem>> -> memref<80xi32, #tpu.memory_space<vmem>>
        %dma_wait3A_373 = arith.constant 0 : i32
        %dma_wait3A_374 = tpu.memref_slice %arg4[%arg0, %arg1, %add3A_345, %dma_wait3A_373] : memref<2x16x125x80xi32, #tpu.memory_space<hbm>> -> memref<1x1x1x80xi32, #tpu.memory_space<hbm>>
        %dma_wait3A_375 = tpu.memref_squeeze %dma_wait3A_374 : memref<1x1x1x80xi32, #tpu.memory_space<hbm>> -> memref<80xi32, #tpu.memory_space<hbm>>
        tpu.wait_dma2 semaphore(%dma_wait3A_369 : memref<!tpu.dma_semaphore, #tpu.memory_space<semaphore_mem>>) src(%dma_wait3A_375 : memref<80xi32, #tpu.memory_space<hbm>>) dst(%dma_wait3A_372 : memref<80xi32, #tpu.memory_space<vmem>>)
        %add3A_376 = arith.constant 2 : i32
        %add3A_377 = arith.addi %add3A_267, %add3A_376 : i32
        %rem3A_378 = arith.constant 4 : i32
        %rem3A_379 = arith.remsi %add3A_377, %rem3A_378 : i32
        %dma_start3A_380 = arith.constant 0 : i32
        %dma_start3A_381 = arith.constant 0 : i32
        %dma_start3A_382 = tpu.memref_slice %arg6[%rem3A_379, %dma_start3A_381] : memref<4x80xi32, #tpu.memory_space<vmem>> -> memref<1x80xi32, #tpu.memory_space<vmem>>
        %dma_start3A_383 = tpu.memref_squeeze %dma_start3A_382 : memref<1x80xi32, #tpu.memory_space<vmem>> -> memref<80xi32, #tpu.memory_space<vmem>>
        %dma_start3A_384 = arith.constant 0 : i32
        %dma_start3A_385 = arith.constant 0 : i32
        %dma_start3A_386 = tpu.memref_slice %arg2[%dma_start3A_384, %dma_start3A_385] : memref<10240x128xf32, #tpu.memory_space<hbm>> -> memref<10240x128xf32, #tpu.memory_space<hbm>>
        %dma_start3A_387 = tpu.memref_slice %arg13[%dma_start3A_380] : memref<2x!tpu.dma_semaphore, #tpu.memory_space<semaphore_mem>> -> memref<1x!tpu.dma_semaphore, #tpu.memory_space<semaphore_mem>>
        %dma_start3A_388 = tpu.memref_squeeze %dma_start3A_387 : memref<1x!tpu.dma_semaphore, #tpu.memory_space<semaphore_mem>> -> memref<!tpu.dma_semaphore, #tpu.memory_space<semaphore_mem>>
        tpu.enqueue_indirect_dma source(%dma_start3A_386 : memref<10240x128xf32, #tpu.memory_space<hbm>>) target(%arg8 : memref<80x128xf32, #tpu.memory_space<vmem>>) offsets(%dma_start3A_383 : memref<80xi32, #tpu.memory_space<vmem>>) semaphore(%dma_start3A_388 : memref<!tpu.dma_semaphore, #tpu.memory_space<semaphore_mem>>)
      } else {
      }
      %mul3A_302 = arith.constant 2 : i32
      %mul3A_303 = arith.muli %scan3A_263, %mul3A_302 : i32
      %add3A_304 = arith.constant 1 : i32
      %add3A_305 = arith.addi %mul3A_303, %add3A_304 : i32
      %rem3A_306 = arith.constant 4 : i32
      %rem3A_307 = arith.remsi %add3A_305, %rem3A_306 : i32
      %dma_wait3A_308 = arith.constant 1 : i32
      %dma_wait3A_309 = arith.constant 0 : i32
      %dma_wait3A_310 = tpu.memref_slice %arg6[%rem3A_307, %dma_wait3A_309] : memref<4x80xi32, #tpu.memory_space<vmem>> -> memref<1x80xi32, #tpu.memory_space<vmem>>
      %dma_wait3A_311 = tpu.memref_squeeze %dma_wait3A_310 : memref<1x80xi32, #tpu.memory_space<vmem>> -> memref<80xi32, #tpu.memory_space<vmem>>
      %dma_wait3A_312 = arith.constant 0 : i32
      %dma_wait3A_313 = arith.constant 0 : i32
      %dma_wait3A_314 = tpu.memref_slice %arg2[%dma_wait3A_312, %dma_wait3A_313] : memref<10240x128xf32, #tpu.memory_space<hbm>> -> memref<10240x128xf32, #tpu.memory_space<hbm>>
      %dma_wait3A_315 = tpu.memref_slice %arg13[%dma_wait3A_308] : memref<2x!tpu.dma_semaphore, #tpu.memory_space<semaphore_mem>> -> memref<1x!tpu.dma_semaphore, #tpu.memory_space<semaphore_mem>>
      %dma_wait3A_316 = tpu.memref_squeeze %dma_wait3A_315 : memref<1x!tpu.dma_semaphore, #tpu.memory_space<semaphore_mem>> -> memref<!tpu.dma_semaphore, #tpu.memory_space<semaphore_mem>>
      tpu.wait_indirect_dma semaphore(%dma_wait3A_316 : memref<!tpu.dma_semaphore, #tpu.memory_space<semaphore_mem>>) src(%dma_wait3A_314 : memref<10240x128xf32, #tpu.memory_space<hbm>>) dst(%arg9 : memref<80x128xf32, #tpu.memory_space<vmem>>)
      %dma_start3A_317 = arith.constant 0 : i32
      %dma_start3A_318 = tpu.memref_slice %arg7[%rem3A_307, %dma_start3A_317] : memref<4x80xi32, #tpu.memory_space<vmem>> -> memref<1x80xi32, #tpu.memory_space<vmem>>
      %dma_start3A_319 = tpu.memref_squeeze %dma_start3A_318 : memref<1x80xi32, #tpu.memory_space<vmem>> -> memref<80xi32, #tpu.memory_space<vmem>>
      %dma_start3A_320 = arith.constant 0 : i32
      %dma_start3A_321 = arith.constant 0 : i32
      %dma_start3A_322 = tpu.memref_slice %arg11[%dma_start3A_320, %dma_start3A_321] : memref<10240x128xf32, #tpu.memory_space<vmem_shared>> -> memref<10240x128xf32, #tpu.memory_space<vmem_shared>>
      tpu.enqueue_indirect_dma source(%arg9 : memref<80x128xf32, #tpu.memory_space<vmem>>) target(%dma_start3A_322 : memref<10240x128xf32, #tpu.memory_space<vmem_shared>>) offsets(%dma_start3A_319 : memref<80xi32, #tpu.memory_space<vmem>>) semaphore(%arg14 : memref<!tpu.dma_semaphore, #tpu.memory_space<semaphore_mem>>) {add = true}
      %dma_wait3A_323 = arith.constant 0 : i32
      %dma_wait3A_324 = tpu.memref_slice %arg7[%rem3A_307, %dma_wait3A_323] : memref<4x80xi32, #tpu.memory_space<vmem>> -> memref<1x80xi32, #tpu.memory_space<vmem>>
      %dma_wait3A_325 = tpu.memref_squeeze %dma_wait3A_324 : memref<1x80xi32, #tpu.memory_space<vmem>> -> memref<80xi32, #tpu.memory_space<vmem>>
      %dma_wait3A_326 = arith.constant 0 : i32
      %dma_wait3A_327 = arith.constant 0 : i32
      %dma_wait3A_328 = tpu.memref_slice %arg11[%dma_wait3A_326, %dma_wait3A_327] : memref<10240x128xf32, #tpu.memory_space<vmem_shared>> -> memref<10240x128xf32, #tpu.memory_space<vmem_shared>>
      tpu.wait_indirect_dma semaphore(%arg14 : memref<!tpu.dma_semaphore, #tpu.memory_space<semaphore_mem>>) src(%arg9 : memref<80x128xf32, #tpu.memory_space<vmem>>) dst(%dma_wait3A_328 : memref<10240x128xf32, #tpu.memory_space<vmem_shared>>)
      %add3A_329 = arith.constant 4 : i32
      %add3A_330 = arith.addi %add3A_305, %add3A_329 : i32
      %lt3A_331 = arith.constant 125 : i32
      %lt3A_332 = arith.cmpi slt, %add3A_330, %lt3A_331 : i32
      %convert_element_type3A_333 = arith.extui %lt3A_332 : i1 to i32
      %cond3A_334 = arith.constant 0 : i32
      %cond3A_335 = arith.cmpi ne, %convert_element_type3A_333, %cond3A_334 : i32
      scf.if %cond3A_335 {
        %add3A_344 = arith.constant 4 : i32
        %add3A_345 = arith.addi %add3A_305, %add3A_344 : i32
        %rem3A_346 = arith.constant 4 : i32
        %rem3A_347 = arith.remsi %add3A_345, %rem3A_346 : i32
        %dma_start3A_348 = arith.constant 0 : i32
        %dma_start3A_349 = tpu.memref_slice %arg6[%rem3A_347, %dma_start3A_348] : memref<4x80xi32, #tpu.memory_space<vmem>> -> memref<1x80xi32, #tpu.memory_space<vmem>>
        %dma_start3A_350 = tpu.memref_squeeze %dma_start3A_349 : memref<1x80xi32, #tpu.memory_space<vmem>> -> memref<80xi32, #tpu.memory_space<vmem>>
        %dma_start3A_351 = arith.constant 0 : i32
        %dma_start3A_352 = tpu.memref_slice %arg3[%arg0, %arg1, %add3A_345, %dma_start3A_351] : memref<2x16x125x80xi32, #tpu.memory_space<hbm>> -> memref<1x1x1x80xi32, #tpu.memory_space<hbm>>
        %dma_start3A_353 = tpu.memref_squeeze %dma_start3A_352 : memref<1x1x1x80xi32, #tpu.memory_space<hbm>> -> memref<80xi32, #tpu.memory_space<hbm>>
        %dma_start3A_354 = tpu.memref_slice %arg12[%rem3A_347] : memref<4x!tpu.dma_semaphore, #tpu.memory_space<semaphore_mem>> -> memref<1x!tpu.dma_semaphore, #tpu.memory_space<semaphore_mem>>
        %dma_start3A_355 = tpu.memref_squeeze %dma_start3A_354 : memref<1x!tpu.dma_semaphore, #tpu.memory_space<semaphore_mem>> -> memref<!tpu.dma_semaphore, #tpu.memory_space<semaphore_mem>>
        %dma_start3A_356 = arith.constant 0 : i32
        %dma_start3A_357 = tpu.memref_slice %arg6[%rem3A_347, %dma_start3A_356] : memref<4x80xi32, #tpu.memory_space<vmem>> -> memref<1x80xi32, #tpu.memory_space<vmem>>
        %dma_start3A_358 = tpu.memref_squeeze %dma_start3A_357 : memref<1x80xi32, #tpu.memory_space<vmem>> -> memref<80xi32, #tpu.memory_space<vmem>>
        %dma_start3A_359 = arith.constant 0 : i32
        %dma_start3A_360 = tpu.memref_slice %arg3[%arg0, %arg1, %add3A_345, %dma_start3A_359] : memref<2x16x125x80xi32, #tpu.memory_space<hbm>> -> memref<1x1x1x80xi32, #tpu.memory_space<hbm>>
        %dma_start3A_361 = tpu.memref_squeeze %dma_start3A_360 : memref<1x1x1x80xi32, #tpu.memory_space<hbm>> -> memref<80xi32, #tpu.memory_space<hbm>>
        tpu.enqueue_dma source(%dma_start3A_361 : memref<80xi32, #tpu.memory_space<hbm>>) target(%dma_start3A_358 : memref<80xi32, #tpu.memory_space<vmem>>) target_semaphore(%dma_start3A_355 : memref<!tpu.dma_semaphore, #tpu.memory_space<semaphore_mem>>)
        %dma_start3A_362 = arith.constant 0 : i32
        %dma_start3A_363 = tpu.memref_slice %arg7[%rem3A_347, %dma_start3A_362] : memref<4x80xi32, #tpu.memory_space<vmem>> -> memref<1x80xi32, #tpu.memory_space<vmem>>
        %dma_start3A_364 = tpu.memref_squeeze %dma_start3A_363 : memref<1x80xi32, #tpu.memory_space<vmem>> -> memref<80xi32, #tpu.memory_space<vmem>>
        %dma_start3A_365 = arith.constant 0 : i32
        %dma_start3A_366 = tpu.memref_slice %arg4[%arg0, %arg1, %add3A_345, %dma_start3A_365] : memref<2x16x125x80xi32, #tpu.memory_space<hbm>> -> memref<1x1x1x80xi32, #tpu.memory_space<hbm>>
        %dma_start3A_367 = tpu.memref_squeeze %dma_start3A_366 : memref<1x1x1x80xi32, #tpu.memory_space<hbm>> -> memref<80xi32, #tpu.memory_space<hbm>>
        %dma_start3A_368 = tpu.memref_slice %arg12[%rem3A_347] : memref<4x!tpu.dma_semaphore, #tpu.memory_space<semaphore_mem>> -> memref<1x!tpu.dma_semaphore, #tpu.memory_space<semaphore_mem>>
        %dma_start3A_369 = tpu.memref_squeeze %dma_start3A_368 : memref<1x!tpu.dma_semaphore, #tpu.memory_space<semaphore_mem>> -> memref<!tpu.dma_semaphore, #tpu.memory_space<semaphore_mem>>
        %dma_start3A_370 = arith.constant 0 : i32
        %dma_start3A_371 = tpu.memref_slice %arg7[%rem3A_347, %dma_start3A_370] : memref<4x80xi32, #tpu.memory_space<vmem>> -> memref<1x80xi32, #tpu.memory_space<vmem>>
        %dma_start3A_372 = tpu.memref_squeeze %dma_start3A_371 : memref<1x80xi32, #tpu.memory_space<vmem>> -> memref<80xi32, #tpu.memory_space<vmem>>
        %dma_start3A_373 = arith.constant 0 : i32
        %dma_start3A_374 = tpu.memref_slice %arg4[%arg0, %arg1, %add3A_345, %dma_start3A_373] : memref<2x16x125x80xi32, #tpu.memory_space<hbm>> -> memref<1x1x1x80xi32, #tpu.memory_space<hbm>>
        %dma_start3A_375 = tpu.memref_squeeze %dma_start3A_374 : memref<1x1x1x80xi32, #tpu.memory_space<hbm>> -> memref<80xi32, #tpu.memory_space<hbm>>
        tpu.enqueue_dma source(%dma_start3A_375 : memref<80xi32, #tpu.memory_space<hbm>>) target(%dma_start3A_372 : memref<80xi32, #tpu.memory_space<vmem>>) target_semaphore(%dma_start3A_369 : memref<!tpu.dma_semaphore, #tpu.memory_space<semaphore_mem>>)
      } else {
      }
      %add3A_336 = arith.constant 2 : i32
      %add3A_337 = arith.addi %add3A_305, %add3A_336 : i32
      %lt3A_338 = arith.constant 125 : i32
      %lt3A_339 = arith.cmpi slt, %add3A_337, %lt3A_338 : i32
      %convert_element_type3A_340 = arith.extui %lt3A_339 : i1 to i32
      %cond3A_341 = arith.constant 0 : i32
      %cond3A_342 = arith.cmpi ne, %convert_element_type3A_340, %cond3A_341 : i32
      scf.if %cond3A_342 {
        %add3A_344 = arith.constant 2 : i32
        %add3A_345 = arith.addi %add3A_305, %add3A_344 : i32
        %rem3A_346 = arith.constant 4 : i32
        %rem3A_347 = arith.remsi %add3A_345, %rem3A_346 : i32
        %dma_wait3A_348 = arith.constant 0 : i32
        %dma_wait3A_349 = tpu.memref_slice %arg6[%rem3A_347, %dma_wait3A_348] : memref<4x80xi32, #tpu.memory_space<vmem>> -> memref<1x80xi32, #tpu.memory_space<vmem>>
        %dma_wait3A_350 = tpu.memref_squeeze %dma_wait3A_349 : memref<1x80xi32, #tpu.memory_space<vmem>> -> memref<80xi32, #tpu.memory_space<vmem>>
        %dma_wait3A_351 = arith.constant 0 : i32
        %dma_wait3A_352 = tpu.memref_slice %arg3[%arg0, %arg1, %add3A_345, %dma_wait3A_351] : memref<2x16x125x80xi32, #tpu.memory_space<hbm>> -> memref<1x1x1x80xi32, #tpu.memory_space<hbm>>
        %dma_wait3A_353 = tpu.memref_squeeze %dma_wait3A_352 : memref<1x1x1x80xi32, #tpu.memory_space<hbm>> -> memref<80xi32, #tpu.memory_space<hbm>>
        %dma_wait3A_354 = tpu.memref_slice %arg12[%rem3A_347] : memref<4x!tpu.dma_semaphore, #tpu.memory_space<semaphore_mem>> -> memref<1x!tpu.dma_semaphore, #tpu.memory_space<semaphore_mem>>
        %dma_wait3A_355 = tpu.memref_squeeze %dma_wait3A_354 : memref<1x!tpu.dma_semaphore, #tpu.memory_space<semaphore_mem>> -> memref<!tpu.dma_semaphore, #tpu.memory_space<semaphore_mem>>
        %dma_wait3A_356 = arith.constant 0 : i32
        %dma_wait3A_357 = tpu.memref_slice %arg6[%rem3A_347, %dma_wait3A_356] : memref<4x80xi32, #tpu.memory_space<vmem>> -> memref<1x80xi32, #tpu.memory_space<vmem>>
        %dma_wait3A_358 = tpu.memref_squeeze %dma_wait3A_357 : memref<1x80xi32, #tpu.memory_space<vmem>> -> memref<80xi32, #tpu.memory_space<vmem>>
        %dma_wait3A_359 = arith.constant 0 : i32
        %dma_wait3A_360 = tpu.memref_slice %arg3[%arg0, %arg1, %add3A_345, %dma_wait3A_359] : memref<2x16x125x80xi32, #tpu.memory_space<hbm>> -> memref<1x1x1x80xi32, #tpu.memory_space<hbm>>
        %dma_wait3A_361 = tpu.memref_squeeze %dma_wait3A_360 : memref<1x1x1x80xi32, #tpu.memory_space<hbm>> -> memref<80xi32, #tpu.memory_space<hbm>>
        tpu.wait_dma2 semaphore(%dma_wait3A_355 : memref<!tpu.dma_semaphore, #tpu.memory_space<semaphore_mem>>) src(%dma_wait3A_361 : memref<80xi32, #tpu.memory_space<hbm>>) dst(%dma_wait3A_358 : memref<80xi32, #tpu.memory_space<vmem>>)
        %dma_wait3A_362 = arith.constant 0 : i32
        %dma_wait3A_363 = tpu.memref_slice %arg7[%rem3A_347, %dma_wait3A_362] : memref<4x80xi32, #tpu.memory_space<vmem>> -> memref<1x80xi32, #tpu.memory_space<vmem>>
        %dma_wait3A_364 = tpu.memref_squeeze %dma_wait3A_363 : memref<1x80xi32, #tpu.memory_space<vmem>> -> memref<80xi32, #tpu.memory_space<vmem>>
        %dma_wait3A_365 = arith.constant 0 : i32
        %dma_wait3A_366 = tpu.memref_slice %arg4[%arg0, %arg1, %add3A_345, %dma_wait3A_365] : memref<2x16x125x80xi32, #tpu.memory_space<hbm>> -> memref<1x1x1x80xi32, #tpu.memory_space<hbm>>
        %dma_wait3A_367 = tpu.memref_squeeze %dma_wait3A_366 : memref<1x1x1x80xi32, #tpu.memory_space<hbm>> -> memref<80xi32, #tpu.memory_space<hbm>>
        %dma_wait3A_368 = tpu.memref_slice %arg12[%rem3A_347] : memref<4x!tpu.dma_semaphore, #tpu.memory_space<semaphore_mem>> -> memref<1x!tpu.dma_semaphore, #tpu.memory_space<semaphore_mem>>
        %dma_wait3A_369 = tpu.memref_squeeze %dma_wait3A_368 : memref<1x!tpu.dma_semaphore, #tpu.memory_space<semaphore_mem>> -> memref<!tpu.dma_semaphore, #tpu.memory_space<semaphore_mem>>
        %dma_wait3A_370 = arith.constant 0 : i32
        %dma_wait3A_371 = tpu.memref_slice %arg7[%rem3A_347, %dma_wait3A_370] : memref<4x80xi32, #tpu.memory_space<vmem>> -> memref<1x80xi32, #tpu.memory_space<vmem>>
        %dma_wait3A_372 = tpu.memref_squeeze %dma_wait3A_371 : memref<1x80xi32, #tpu.memory_space<vmem>> -> memref<80xi32, #tpu.memory_space<vmem>>
        %dma_wait3A_373 = arith.constant 0 : i32
        %dma_wait3A_374 = tpu.memref_slice %arg4[%arg0, %arg1, %add3A_345, %dma_wait3A_373] : memref<2x16x125x80xi32, #tpu.memory_space<hbm>> -> memref<1x1x1x80xi32, #tpu.memory_space<hbm>>
        %dma_wait3A_375 = tpu.memref_squeeze %dma_wait3A_374 : memref<1x1x1x80xi32, #tpu.memory_space<hbm>> -> memref<80xi32, #tpu.memory_space<hbm>>
        tpu.wait_dma2 semaphore(%dma_wait3A_369 : memref<!tpu.dma_semaphore, #tpu.memory_space<semaphore_mem>>) src(%dma_wait3A_375 : memref<80xi32, #tpu.memory_space<hbm>>) dst(%dma_wait3A_372 : memref<80xi32, #tpu.memory_space<vmem>>)
        %add3A_376 = arith.constant 2 : i32
        %add3A_377 = arith.addi %add3A_305, %add3A_376 : i32
        %rem3A_378 = arith.constant 4 : i32
        %rem3A_379 = arith.remsi %add3A_377, %rem3A_378 : i32
        %dma_start3A_380 = arith.constant 1 : i32
        %dma_start3A_381 = arith.constant 0 : i32
        %dma_start3A_382 = tpu.memref_slice %arg6[%rem3A_379, %dma_start3A_381] : memref<4x80xi32, #tpu.memory_space<vmem>> -> memref<1x80xi32, #tpu.memory_space<vmem>>
        %dma_start3A_383 = tpu.memref_squeeze %dma_start3A_382 : memref<1x80xi32, #tpu.memory_space<vmem>> -> memref<80xi32, #tpu.memory_space<vmem>>
        %dma_start3A_384 = arith.constant 0 : i32
        %dma_start3A_385 = arith.constant 0 : i32
        %dma_start3A_386 = tpu.memref_slice %arg2[%dma_start3A_384, %dma_start3A_385] : memref<10240x128xf32, #tpu.memory_space<hbm>> -> memref<10240x128xf32, #tpu.memory_space<hbm>>
        %dma_start3A_387 = tpu.memref_slice %arg13[%dma_start3A_380] : memref<2x!tpu.dma_semaphore, #tpu.memory_space<semaphore_mem>> -> memref<1x!tpu.dma_semaphore, #tpu.memory_space<semaphore_mem>>
        %dma_start3A_388 = tpu.memref_squeeze %dma_start3A_387 : memref<1x!tpu.dma_semaphore, #tpu.memory_space<semaphore_mem>> -> memref<!tpu.dma_semaphore, #tpu.memory_space<semaphore_mem>>
        tpu.enqueue_indirect_dma source(%dma_start3A_386 : memref<10240x128xf32, #tpu.memory_space<hbm>>) target(%arg9 : memref<80x128xf32, #tpu.memory_space<vmem>>) offsets(%dma_start3A_383 : memref<80xi32, #tpu.memory_space<vmem>>) semaphore(%dma_start3A_388 : memref<!tpu.dma_semaphore, #tpu.memory_space<semaphore_mem>>)
      } else {
      }
      %scan3A_343 = arith.constant 0 : i32
      scf.yield %scan3A_343 : i32
    }
    %scan3A_234 = arith.constant 62 : i32
    %rem3A_235 = arith.constant 124 : i32
    %rem3A_236 = arith.constant 4 : i32
    %rem3A_237 = arith.remsi %rem3A_235, %rem3A_236 : i32
    %dma_wait3A_238 = arith.constant 0 : i32
    %dma_wait3A_239 = arith.constant 0 : i32
    %dma_wait3A_240 = tpu.memref_slice %arg6[%rem3A_237, %dma_wait3A_239] : memref<4x80xi32, #tpu.memory_space<vmem>> -> memref<1x80xi32, #tpu.memory_space<vmem>>
    %dma_wait3A_241 = tpu.memref_squeeze %dma_wait3A_240 : memref<1x80xi32, #tpu.memory_space<vmem>> -> memref<80xi32, #tpu.memory_space<vmem>>
    %dma_wait3A_242 = arith.constant 0 : i32
    %dma_wait3A_243 = arith.constant 0 : i32
    %dma_wait3A_244 = tpu.memref_slice %arg2[%dma_wait3A_242, %dma_wait3A_243] : memref<10240x128xf32, #tpu.memory_space<hbm>> -> memref<10240x128xf32, #tpu.memory_space<hbm>>
    %dma_wait3A_245 = tpu.memref_slice %arg13[%dma_wait3A_238] : memref<2x!tpu.dma_semaphore, #tpu.memory_space<semaphore_mem>> -> memref<1x!tpu.dma_semaphore, #tpu.memory_space<semaphore_mem>>
    %dma_wait3A_246 = tpu.memref_squeeze %dma_wait3A_245 : memref<1x!tpu.dma_semaphore, #tpu.memory_space<semaphore_mem>> -> memref<!tpu.dma_semaphore, #tpu.memory_space<semaphore_mem>>
    tpu.wait_indirect_dma semaphore(%dma_wait3A_246 : memref<!tpu.dma_semaphore, #tpu.memory_space<semaphore_mem>>) src(%dma_wait3A_244 : memref<10240x128xf32, #tpu.memory_space<hbm>>) dst(%arg8 : memref<80x128xf32, #tpu.memory_space<vmem>>)
    %dma_start3A_247 = arith.constant 0 : i32
    %dma_start3A_248 = tpu.memref_slice %arg7[%rem3A_237, %dma_start3A_247] : memref<4x80xi32, #tpu.memory_space<vmem>> -> memref<1x80xi32, #tpu.memory_space<vmem>>
    %dma_start3A_249 = tpu.memref_squeeze %dma_start3A_248 : memref<1x80xi32, #tpu.memory_space<vmem>> -> memref<80xi32, #tpu.memory_space<vmem>>
    %dma_start3A_250 = arith.constant 0 : i32
    %dma_start3A_251 = arith.constant 0 : i32
    %dma_start3A_252 = tpu.memref_slice %arg11[%dma_start3A_250, %dma_start3A_251] : memref<10240x128xf32, #tpu.memory_space<vmem_shared>> -> memref<10240x128xf32, #tpu.memory_space<vmem_shared>>
    tpu.enqueue_indirect_dma source(%arg8 : memref<80x128xf32, #tpu.memory_space<vmem>>) target(%dma_start3A_252 : memref<10240x128xf32, #tpu.memory_space<vmem_shared>>) offsets(%dma_start3A_249 : memref<80xi32, #tpu.memory_space<vmem>>) semaphore(%arg14 : memref<!tpu.dma_semaphore, #tpu.memory_space<semaphore_mem>>) {add = true}
    %dma_wait3A_253 = arith.constant 0 : i32
    %dma_wait3A_254 = tpu.memref_slice %arg7[%rem3A_237, %dma_wait3A_253] : memref<4x80xi32, #tpu.memory_space<vmem>> -> memref<1x80xi32, #tpu.memory_space<vmem>>
    %dma_wait3A_255 = tpu.memref_squeeze %dma_wait3A_254 : memref<1x80xi32, #tpu.memory_space<vmem>> -> memref<80xi32, #tpu.memory_space<vmem>>
    %dma_wait3A_256 = arith.constant 0 : i32
    %dma_wait3A_257 = arith.constant 0 : i32
    %dma_wait3A_258 = tpu.memref_slice %arg11[%dma_wait3A_256, %dma_wait3A_257] : memref<10240x128xf32, #tpu.memory_space<vmem_shared>> -> memref<10240x128xf32, #tpu.memory_space<vmem_shared>>
    tpu.wait_indirect_dma semaphore(%arg14 : memref<!tpu.dma_semaphore, #tpu.memory_space<semaphore_mem>>) src(%arg8 : memref<80x128xf32, #tpu.memory_space<vmem>>) dst(%dma_wait3A_258 : memref<10240x128xf32, #tpu.memory_space<vmem_shared>>)
    %barrier3A_259 = arith.constant 0 : index
    tpu.barrier barrier_id(%barrier3A_259)
    %mul3A = arith.constant 640 : i32
    %mul3A_260 = arith.muli %mul3A, %arg1 : i32
    %mul3A_261 = arith.constant 640 : i32
    %mul3A_262 = arith.muli %mul3A_261, %arg1 : i32
    "tpu.region"() ({
      %run_scoped3A = tpu.sem_alloc : memref<!tpu.dma_semaphore, #tpu.memory_space<semaphore_mem>>
      %dma_start3A_263 = arith.constant 0 : i32
      %dma_start3A_264 = tpu.memref_slice %arg5[%arg0, %mul3A_262, %dma_start3A_263] : memref<2x10240x128xf32, #tpu.memory_space<hbm>> -> memref<1x640x128xf32, #tpu.memory_space<hbm>>
      %dma_start3A_265 = tpu.memref_squeeze %dma_start3A_264 : memref<1x640x128xf32, #tpu.memory_space<hbm>> -> memref<640x128xf32, #tpu.memory_space<hbm>>
      %dma_start3A_266 = arith.constant 0 : i32
      %dma_start3A_267 = tpu.memref_slice %arg11[%mul3A_260, %dma_start3A_266] : memref<10240x128xf32, #tpu.memory_space<vmem_shared>> -> memref<640x128xf32, #tpu.memory_space<vmem_shared>>
      tpu.enqueue_dma source(%dma_start3A_267 : memref<640x128xf32, #tpu.memory_space<vmem_shared>>) target(%dma_start3A_265 : memref<640x128xf32, #tpu.memory_space<hbm>>) target_semaphore(%run_scoped3A : memref<!tpu.dma_semaphore, #tpu.memory_space<semaphore_mem>>)
      %dma_wait3A_268 = arith.constant 0 : i32
      %dma_wait3A_269 = tpu.memref_slice %arg5[%arg0, %mul3A_262, %dma_wait3A_268] : memref<2x10240x128xf32, #tpu.memory_space<hbm>> -> memref<1x640x128xf32, #tpu.memory_space<hbm>>
      %dma_wait3A_270 = tpu.memref_squeeze %dma_wait3A_269 : memref<1x640x128xf32, #tpu.memory_space<hbm>> -> memref<640x128xf32, #tpu.memory_space<hbm>>
      %dma_wait3A_271 = arith.constant 0 : i32
      %dma_wait3A_272 = tpu.memref_slice %arg11[%mul3A_260, %dma_wait3A_271] : memref<10240x128xf32, #tpu.memory_space<vmem_shared>> -> memref<640x128xf32, #tpu.memory_space<vmem_shared>>
      tpu.wait_dma2 semaphore(%run_scoped3A : memref<!tpu.dma_semaphore, #tpu.memory_space<semaphore_mem>>) src(%dma_wait3A_272 : memref<640x128xf32, #tpu.memory_space<vmem_shared>>) dst(%dma_wait3A_270 : memref<640x128xf32, #tpu.memory_space<hbm>>)
      tpu.yield
    }) : () -> ()
    return
  }
}

module attributes {stable_mosaic.version = 14 : i64} {
  func.func @_tc1_body(%arg0: i32, %arg1: memref<256x128xf32, #tpu.memory_space<vmem>>, %arg2: memref<128x128xf32, #tpu.memory_space<vmem>>, %arg3: memref<2x10240xf32, #tpu.memory_space<vmem>>, %arg4: memref<256x128xf32, #tpu.memory_space<vmem>>, %arg5: memref<1x10240xf32, #tpu.memory_space<vmem>>) attributes {dimension_semantics = [#tpu.dimension_semantics<arbitrary>], iteration_bounds = array<i64: 40>, scalar_prefetch = 0 : i64, scratch_operands = 0 : i64, tpu.core_type = #tpu.core_type<tc>, window_params = [{transform_indices = @transform_0, window_bounds = array<i64: 256, 128>}, {pipeline_mode = #tpu.pipeline_mode<synchronous>, transform_indices = @transform_1, window_bounds = array<i64: 128, 128>}, {pipeline_mode = #tpu.pipeline_mode<synchronous>, transform_indices = @transform_2, window_bounds = array<i64: 2, 10240>}, {transform_indices = @transform_3, window_bounds = array<i64: 256, 128>}, {pipeline_mode = #tpu.pipeline_mode<synchronous>, transform_indices = @transform_4, window_bounds = array<i64: 1, 10240>}]} {
    %mul3A = arith.constant 256 : i32
    %mul3A_0 = arith.muli %arg0, %mul3A : i32
    %get3A = arith.constant 0 : index
    %get3A_1 = arith.index_cast %mul3A_0 : i32 to index
    %get3A_2 = vector.load %arg3[%get3A, %get3A_1] : memref<2x10240xf32, #tpu.memory_space<vmem>>, vector<1x256xf32>
    %get3A_3 = vector.shape_cast %get3A_2 : vector<1x256xf32> to vector<256xf32>
    %mul3A_4 = arith.constant 256 : i32
    %mul3A_5 = arith.muli %arg0, %mul3A_4 : i32
    %get3A_6 = arith.constant 1 : index
    %get3A_7 = arith.index_cast %mul3A_5 : i32 to index
    %get3A_8 = vector.load %arg3[%get3A_6, %get3A_7] : memref<2x10240xf32, #tpu.memory_space<vmem>>, vector<1x256xf32>
    %get3A_9 = vector.shape_cast %get3A_8 : vector<1x256xf32> to vector<256xf32>
    %add3A = arith.addf %get3A_3, %get3A_9 : vector<256xf32>
    %add3A_10 = arith.constant 1.000000e+00 : f32
    %add3A_11 = vector.broadcast %add3A_10 : f32 to vector<256xf32>
    %add3A_12 = arith.addf %add3A, %add3A_11 : vector<256xf32>
    %rsqrt3A = math.rsqrt %add3A_12 : vector<256xf32>
    %get3A_13 = arith.constant 0 : index
    %get3A_14 = arith.constant 0 : index
    %get3A_15 = vector.load %arg1[%get3A_13, %get3A_14] : memref<256x128xf32, #tpu.memory_space<vmem>>, vector<256x128xf32>
    %get3A_16 = arith.constant 0 : index
    %get3A_17 = arith.constant 0 : index
    %get3A_18 = vector.load %arg2[%get3A_16, %get3A_17] : memref<128x128xf32, #tpu.memory_space<vmem>>, vector<128x128xf32>
    %dot_general3A = arith.constant dense<0.000000e+00> : vector<256x128xf32>
    %dot_general3A_19 = tpu.matmul %get3A_15, %get3A_18, %dot_general3A {dimension_numbers = #tpu.dot_dimension_numbers<[1], [0], [0], [1], [0, 0, 1, 1], [], []>, transpose_lhs_hint = false} : vector<256x128xf32>, vector<128x128xf32>, vector<256x128xf32> -> vector<256x128xf32>
    %broadcast_in_dim3A = vector.shape_cast %rsqrt3A : vector<256xf32> to vector<256x1xf32>
    %mul3A_20 = vector.broadcast %broadcast_in_dim3A : vector<256x1xf32> to vector<256x128xf32>
    %mul3A_21 = arith.mulf %dot_general3A_19, %mul3A_20 : vector<256x128xf32>
    %swap3A = arith.constant 0 : index
    %swap3A_22 = arith.constant 0 : index
    %swap3A_23 = vector.load %arg4[%swap3A, %swap3A_22] : memref<256x128xf32, #tpu.memory_space<vmem>>, vector<256x128xf32>
    tpu.vector_store %arg4[%swap3A, %swap3A_22], %mul3A_21 {strides = array<i32>} : memref<256x128xf32, #tpu.memory_space<vmem>>, vector<256x128xf32>,
    %mul3A_24 = arith.constant 256 : i32
    %mul3A_25 = arith.muli %arg0, %mul3A_24 : i32
    %swap3A_26 = arith.constant 0 : index
    %swap3A_27 = arith.index_cast %mul3A_25 : i32 to index
    %swap3A_28 = vector.load %arg5[%swap3A_26, %swap3A_27] : memref<1x10240xf32, #tpu.memory_space<vmem>>, vector<1x256xf32>
    %swap3A_29 = vector.shape_cast %swap3A_28 : vector<1x256xf32> to vector<256xf32>
    %swap3A_30 = vector.shape_cast %rsqrt3A : vector<256xf32> to vector<1x256xf32>
    tpu.vector_store %arg5[%swap3A_26, %swap3A_27], %swap3A_30 {strides = array<i32>} : memref<1x10240xf32, #tpu.memory_space<vmem>>, vector<1x256xf32>,
    return
  }
  func.func @transform_0(%arg0: i32) -> (i32, i32) {
    %c0_i32 = arith.constant 0 : i32
    %c0_i32_0 = arith.constant 0 : i32
    return %arg0, %c0_i32 : i32, i32
  }
  func.func @transform_1(%arg0: i32) -> (i32, i32) {
    %c0_i32 = arith.constant 0 : i32
    %c0_i32_0 = arith.constant 0 : i32
    %c0_i32_1 = arith.constant 0 : i32
    return %c0_i32, %c0_i32_0 : i32, i32
  }
  func.func @transform_2(%arg0: i32) -> (i32, i32) {
    %c0_i32 = arith.constant 0 : i32
    %c0_i32_0 = arith.constant 0 : i32
    %c0_i32_1 = arith.constant 0 : i32
    return %c0_i32, %c0_i32_0 : i32, i32
  }
  func.func @transform_3(%arg0: i32) -> (i32, i32) {
    %c0_i32 = arith.constant 0 : i32
    %c0_i32_0 = arith.constant 0 : i32
    return %arg0, %c0_i32 : i32, i32
  }
  func.func @transform_4(%arg0: i32) -> (i32, i32) {
    %c0_i32 = arith.constant 0 : i32
    %c0_i32_0 = arith.constant 0 : i32
    %c0_i32_1 = arith.constant 0 : i32
    return %c0_i32, %c0_i32_0 : i32, i32
  }
}

module attributes {stable_mosaic.version = 14 : i64} {
  func.func @body(%arg0: i32, %arg1: memref<2x256x128xf32, #tpu.memory_space<vmem>>, %arg2: memref<256x128xf32, #tpu.memory_space<vmem>>, %arg3: memref<1x10240xf32, #tpu.memory_space<vmem>>, %arg4: memref<1x128xf32, #tpu.memory_space<vmem>>, %arg5: memref<128x128xf32, #tpu.memory_space<vmem>>, %arg6: memref<256x128xf32, #tpu.memory_space<vmem>>) attributes {dimension_semantics = [#tpu.dimension_semantics<arbitrary>], iteration_bounds = array<i64: 40>, scalar_prefetch = 0 : i64, scratch_operands = 0 : i64, tpu.core_type = #tpu.core_type<tc>, window_params = [{transform_indices = @transform_0, window_bounds = array<i64: 2, 256, 128>}, {transform_indices = @transform_1, window_bounds = array<i64: 256, 128>}, {pipeline_mode = #tpu.pipeline_mode<synchronous>, transform_indices = @transform_2, window_bounds = array<i64: 1, 10240>}, {pipeline_mode = #tpu.pipeline_mode<synchronous>, transform_indices = @transform_3, window_bounds = array<i64: 1, 128>}, {pipeline_mode = #tpu.pipeline_mode<synchronous>, transform_indices = @transform_4, window_bounds = array<i64: 128, 128>}, {transform_indices = @transform_5, window_bounds = array<i64: 256, 128>}]} {
    %mul3A = arith.constant 256 : i32
    %mul3A_0 = arith.muli %arg0, %mul3A : i32
    %get3A = arith.constant 0 : index
    %get3A_1 = arith.index_cast %mul3A_0 : i32 to index
    %get3A_2 = vector.load %arg3[%get3A, %get3A_1] : memref<1x10240xf32, #tpu.memory_space<vmem>>, vector<1x256xf32>
    %get3A_3 = vector.shape_cast %get3A_2 : vector<1x256xf32> to vector<256xf32>
    %get3A_4 = arith.constant 0 : index
    %get3A_5 = arith.constant 0 : index
    %get3A_6 = arith.constant 0 : index
    %get3A_7 = vector.load %arg1[%get3A_4, %get3A_5, %get3A_6] : memref<2x256x128xf32, #tpu.memory_space<vmem>>, vector<1x256x128xf32>
    %get3A_8 = vector.shape_cast %get3A_7 : vector<1x256x128xf32> to vector<256x128xf32>
    %get3A_9 = arith.constant 1 : index
    %get3A_10 = arith.constant 0 : index
    %get3A_11 = arith.constant 0 : index
    %get3A_12 = vector.load %arg1[%get3A_9, %get3A_10, %get3A_11] : memref<2x256x128xf32, #tpu.memory_space<vmem>>, vector<1x256x128xf32>
    %get3A_13 = vector.shape_cast %get3A_12 : vector<1x256x128xf32> to vector<256x128xf32>
    %add3A = arith.addf %get3A_8, %get3A_13 : vector<256x128xf32>
    %get3A_14 = arith.constant 0 : index
    %get3A_15 = arith.constant 0 : index
    %get3A_16 = vector.load %arg2[%get3A_14, %get3A_15] : memref<256x128xf32, #tpu.memory_space<vmem>>, vector<256x128xf32>
    %add3A_17 = arith.addf %add3A, %get3A_16 : vector<256x128xf32>
    %broadcast_in_dim3A = vector.shape_cast %get3A_3 : vector<256xf32> to vector<256x1xf32>
    %mul3A_18 = vector.broadcast %broadcast_in_dim3A : vector<256x1xf32> to vector<256x128xf32>
    %mul3A_19 = arith.mulf %mul3A_18, %add3A_17 : vector<256x128xf32>
    %get3A_20 = arith.constant 0 : index
    %get3A_21 = arith.constant 0 : index
    %get3A_22 = vector.load %arg4[%get3A_20, %get3A_21] : memref<1x128xf32, #tpu.memory_space<vmem>>, vector<1x128xf32>
    %get3A_23 = vector.shape_cast %get3A_22 : vector<1x128xf32> to vector<128xf32>
    %broadcast_in_dim3A_24 = vector.shape_cast %get3A_23 : vector<128xf32> to vector<1x128xf32>
    %add3A_25 = vector.broadcast %broadcast_in_dim3A_24 : vector<1x128xf32> to vector<256x128xf32>
    %add3A_26 = arith.addf %mul3A_19, %add3A_25 : vector<256x128xf32>
    %max3A = arith.constant 0.000000e+00 : f32
    %max3A_27 = vector.broadcast %max3A : f32 to vector<256x128xf32>
    %max3A_28 = arith.maximumf %add3A_26, %max3A_27 : vector<256x128xf32>
    %get3A_29 = arith.constant 0 : index
    %get3A_30 = arith.constant 0 : index
    %get3A_31 = vector.load %arg5[%get3A_29, %get3A_30] : memref<128x128xf32, #tpu.memory_space<vmem>>, vector<128x128xf32>
    %dot_general3A = arith.constant dense<0.000000e+00> : vector<256x128xf32>
    %dot_general3A_32 = tpu.matmul %max3A_28, %get3A_31, %dot_general3A {dimension_numbers = #tpu.dot_dimension_numbers<[1], [0], [0], [1], [0, 0, 1, 1], [], []>, transpose_lhs_hint = false} : vector<256x128xf32>, vector<128x128xf32>, vector<256x128xf32> -> vector<256x128xf32>
    %broadcast_in_dim3A_33 = vector.shape_cast %get3A_3 : vector<256xf32> to vector<256x1xf32>
    %mul3A_34 = vector.broadcast %broadcast_in_dim3A_33 : vector<256x1xf32> to vector<256x128xf32>
    %mul3A_35 = arith.mulf %dot_general3A_32, %mul3A_34 : vector<256x128xf32>
    %swap3A = arith.constant 0 : index
    %swap3A_36 = arith.constant 0 : index
    %swap3A_37 = vector.load %arg6[%swap3A, %swap3A_36] : memref<256x128xf32, #tpu.memory_space<vmem>>, vector<256x128xf32>
    tpu.vector_store %arg6[%swap3A, %swap3A_36], %mul3A_35 {strides = array<i32>} : memref<256x128xf32, #tpu.memory_space<vmem>>, vector<256x128xf32>,
    return
  }
  func.func @transform_0(%arg0: i32) -> (i32, i32, i32) {
    %c0_i32 = arith.constant 0 : i32
    %c0_i32_0 = arith.constant 0 : i32
    %c0_i32_1 = arith.constant 0 : i32
    return %c0_i32, %arg0, %c0_i32_0 : i32, i32, i32
  }
  func.func @transform_1(%arg0: i32) -> (i32, i32) {
    %c0_i32 = arith.constant 0 : i32
    %c0_i32_0 = arith.constant 0 : i32
    return %arg0, %c0_i32 : i32, i32
  }
  func.func @transform_2(%arg0: i32) -> (i32, i32) {
    %c0_i32 = arith.constant 0 : i32
    %c0_i32_0 = arith.constant 0 : i32
    %c0_i32_1 = arith.constant 0 : i32
    return %c0_i32, %c0_i32_0 : i32, i32
  }
  func.func @transform_3(%arg0: i32) -> (i32, i32) {
    %c0_i32 = arith.constant 0 : i32
    %c0_i32_0 = arith.constant 0 : i32
    %c0_i32_1 = arith.constant 0 : i32
    return %c0_i32, %c0_i32_0 : i32, i32
  }
  func.func @transform_4(%arg0: i32) -> (i32, i32) {
    %c0_i32 = arith.constant 0 : i32
    %c0_i32_0 = arith.constant 0 : i32
    %c0_i32_1 = arith.constant 0 : i32
    return %c0_i32, %c0_i32_0 : i32, i32
  }
  func.func @transform_5(%arg0: i32) -> (i32, i32) {
    %c0_i32 = arith.constant 0 : i32
    %c0_i32_0 = arith.constant 0 : i32
    return %arg0, %c0_i32 : i32, i32
  }
}

module attributes {stable_mosaic.version = 14 : i64} {
  func.func @_tc_fin_body(%arg0: i32, %arg1: memref<2x256x128xf32, #tpu.memory_space<vmem>>, %arg2: memref<256x128xf32, #tpu.memory_space<vmem>>, %arg3: memref<1x10240xf32, #tpu.memory_space<vmem>>, %arg4: memref<1x128xf32, #tpu.memory_space<vmem>>, %arg5: memref<256x128xf32, #tpu.memory_space<vmem>>) attributes {dimension_semantics = [#tpu.dimension_semantics<arbitrary>], iteration_bounds = array<i64: 40>, scalar_prefetch = 0 : i64, scratch_operands = 0 : i64, tpu.core_type = #tpu.core_type<tc>, window_params = [{transform_indices = @transform_0, window_bounds = array<i64: 2, 256, 128>}, {transform_indices = @transform_1, window_bounds = array<i64: 256, 128>}, {pipeline_mode = #tpu.pipeline_mode<synchronous>, transform_indices = @transform_2, window_bounds = array<i64: 1, 10240>}, {pipeline_mode = #tpu.pipeline_mode<synchronous>, transform_indices = @transform_3, window_bounds = array<i64: 1, 128>}, {transform_indices = @transform_4, window_bounds = array<i64: 256, 128>}]} {
    %mul3A = arith.constant 256 : i32
    %mul3A_0 = arith.muli %arg0, %mul3A : i32
    %get3A = arith.constant 0 : index
    %get3A_1 = arith.index_cast %mul3A_0 : i32 to index
    %get3A_2 = vector.load %arg3[%get3A, %get3A_1] : memref<1x10240xf32, #tpu.memory_space<vmem>>, vector<1x256xf32>
    %get3A_3 = vector.shape_cast %get3A_2 : vector<1x256xf32> to vector<256xf32>
    %get3A_4 = arith.constant 0 : index
    %get3A_5 = arith.constant 0 : index
    %get3A_6 = arith.constant 0 : index
    %get3A_7 = vector.load %arg1[%get3A_4, %get3A_5, %get3A_6] : memref<2x256x128xf32, #tpu.memory_space<vmem>>, vector<1x256x128xf32>
    %get3A_8 = vector.shape_cast %get3A_7 : vector<1x256x128xf32> to vector<256x128xf32>
    %get3A_9 = arith.constant 1 : index
    %get3A_10 = arith.constant 0 : index
    %get3A_11 = arith.constant 0 : index
    %get3A_12 = vector.load %arg1[%get3A_9, %get3A_10, %get3A_11] : memref<2x256x128xf32, #tpu.memory_space<vmem>>, vector<1x256x128xf32>
    %get3A_13 = vector.shape_cast %get3A_12 : vector<1x256x128xf32> to vector<256x128xf32>
    %add3A = arith.addf %get3A_8, %get3A_13 : vector<256x128xf32>
    %get3A_14 = arith.constant 0 : index
    %get3A_15 = arith.constant 0 : index
    %get3A_16 = vector.load %arg2[%get3A_14, %get3A_15] : memref<256x128xf32, #tpu.memory_space<vmem>>, vector<256x128xf32>
    %add3A_17 = arith.addf %add3A, %get3A_16 : vector<256x128xf32>
    %broadcast_in_dim3A = vector.shape_cast %get3A_3 : vector<256xf32> to vector<256x1xf32>
    %mul3A_18 = vector.broadcast %broadcast_in_dim3A : vector<256x1xf32> to vector<256x128xf32>
    %mul3A_19 = arith.mulf %mul3A_18, %add3A_17 : vector<256x128xf32>
    %get3A_20 = arith.constant 0 : index
    %get3A_21 = arith.constant 0 : index
    %get3A_22 = vector.load %arg4[%get3A_20, %get3A_21] : memref<1x128xf32, #tpu.memory_space<vmem>>, vector<1x128xf32>
    %get3A_23 = vector.shape_cast %get3A_22 : vector<1x128xf32> to vector<128xf32>
    %broadcast_in_dim3A_24 = vector.shape_cast %get3A_23 : vector<128xf32> to vector<1x128xf32>
    %add3A_25 = vector.broadcast %broadcast_in_dim3A_24 : vector<1x128xf32> to vector<256x128xf32>
    %add3A_26 = arith.addf %mul3A_19, %add3A_25 : vector<256x128xf32>
    %iota3A = tpu.iota {dimensions = array<i32: 1>} : vector<256x128xi32>
    %lt3A = arith.constant 40 : i32
    %lt3A_27 = vector.broadcast %lt3A : i32 to vector<256x128xi32>
    %lt3A_28 = arith.cmpi slt, %iota3A, %lt3A_27 : vector<256x128xi32>
    %jit3A = arith.constant 0xFF800000 : f32
    %broadcast_in_dim3A_29 = vector.broadcast %jit3A : f32 to vector<256x128xf32>
    %select_n3A = arith.select %lt3A_28, %add3A_26, %broadcast_in_dim3A_29 : vector<256x128xi1>, vector<256x128xf32>
    %reduce_max3A = arith.constant dense<0xFF800000> : vector<256xf32>
    %reduce_max3A_30 = vector.multi_reduction <maximumf>, %select_n3A, %reduce_max3A [1] : vector<256x128xf32> to vector<256xf32>
    %broadcast_in_dim3A_31 = vector.shape_cast %reduce_max3A_30 : vector<256xf32> to vector<256x1xf32>
    %sub3A = vector.broadcast %broadcast_in_dim3A_31 : vector<256x1xf32> to vector<256x128xf32>
    %sub3A_32 = arith.subf %select_n3A, %sub3A : vector<256x128xf32>
    %exp3A = math.exp %sub3A_32 : vector<256x128xf32>
    %reduce_sum3A = arith.constant dense<0.000000e+00> : vector<256xf32>
    %reduce_sum3A_33 = vector.multi_reduction <add>, %exp3A, %reduce_sum3A [1] : vector<256x128xf32> to vector<256xf32>
    %broadcast_in_dim3A_34 = vector.shape_cast %reduce_max3A_30 : vector<256xf32> to vector<256x1xf32>
    %sub3A_35 = vector.broadcast %broadcast_in_dim3A_34 : vector<256x1xf32> to vector<256x128xf32>
    %sub3A_36 = arith.subf %add3A_26, %sub3A_35 : vector<256x128xf32>
    %log3A = math.log %reduce_sum3A_33 : vector<256xf32>
    %broadcast_in_dim3A_37 = vector.shape_cast %log3A : vector<256xf32> to vector<256x1xf32>
    %sub3A_38 = vector.broadcast %broadcast_in_dim3A_37 : vector<256x1xf32> to vector<256x128xf32>
    %sub3A_39 = arith.subf %sub3A_36, %sub3A_38 : vector<256x128xf32>
    %swap3A = arith.constant 0 : index
    %swap3A_40 = arith.constant 0 : index
    %swap3A_41 = vector.load %arg5[%swap3A, %swap3A_40] : memref<256x128xf32, #tpu.memory_space<vmem>>, vector<256x128xf32>
    tpu.vector_store %arg5[%swap3A, %swap3A_40], %sub3A_39 {strides = array<i32>} : memref<256x128xf32, #tpu.memory_space<vmem>>, vector<256x128xf32>,
    return
  }
  func.func @transform_0(%arg0: i32) -> (i32, i32, i32) {
    %c0_i32 = arith.constant 0 : i32
    %c0_i32_0 = arith.constant 0 : i32
    %c0_i32_1 = arith.constant 0 : i32
    return %c0_i32, %arg0, %c0_i32_0 : i32, i32, i32
  }
  func.func @transform_1(%arg0: i32) -> (i32, i32) {
    %c0_i32 = arith.constant 0 : i32
    %c0_i32_0 = arith.constant 0 : i32
    return %arg0, %c0_i32 : i32, i32
  }
  func.func @transform_2(%arg0: i32) -> (i32, i32) {
    %c0_i32 = arith.constant 0 : i32
    %c0_i32_0 = arith.constant 0 : i32
    %c0_i32_1 = arith.constant 0 : i32
    return %c0_i32, %c0_i32_0 : i32, i32
  }
  func.func @transform_3(%arg0: i32) -> (i32, i32) {
    %c0_i32 = arith.constant 0 : i32
    %c0_i32_0 = arith.constant 0 : i32
    %c0_i32_1 = arith.constant 0 : i32
    return %c0_i32, %c0_i32_0 : i32, i32
  }
  func.func @transform_4(%arg0: i32) -> (i32, i32) {
    %c0_i32 = arith.constant 0 : i32
    %c0_i32_0 = arith.constant 0 : i32
    return %arg0, %c0_i32 : i32, i32
  }
}

</mosaic_0001>

<sc_bundles>
// kernel: kernel.10.cloned.1.call-start
scs
__scs_entry_jumppad:
0x0: {  	(pc) =	sbr.rel $0x88, $3  }
0x1: {  	(tag) =	ssettag $0x0;
	lr =	simm.s32 $0x1  }
0x2: {  	[smem:$0x3F99] =	sst lr;
	_ =	strace $0xD0000000  }
0x3: {  	_ = 	snop  }
0x4: {  	_ = 	snop  }
0x5: {  	_ = 	snop  }
0x6: {  	_ = 	snop  }
0x7: {  	_ = 	snop  }
__scs_overlays_trampoline_lowered:
0x8: {  	[smem:$0x3FA8] =	sst s0  }
0x9: {  	[smem:$0x3FA9] =	sst s1  }
0xa: {  	[smem:$0x3FAA] =	sst s2  }
0xb: {  	[smem:$0x3FAB] =	sst s3  }
0xc: {  	[smem:$0x3FAC] =	sst s4  }
0xd: {  	[smem:$0x3FAD] =	sst s5  }
0xe: {  	[smem:$0x3FAE] =	sst s6  }
0xf: {  	[smem:$0x3FAF] =	sst s7  }
0x10: {  	[smem:$0x3FB0] =	sst s8  }
0x11: {  	[smem:$0x3FB1] =	sst s9;
	s0 =	simm.s32 @!p0 $0x0  }
0x12: {  	s1 =	sld [smem:$0x3F97];
	s0 =	simm.s32 @p0 $0x1  }
0x13: {  	[smem:$0x3FB2] =	sst s0;
	s0 =	simm.s32 @!p1 $0x0  }
0x14: {  	s2 =	sld [smem:$0x3F96];
	s0 =	simm.s32 @p1 $0x1  }
0x15: {  	[smem:$0x3FB3] =	sst s0;
	s0 =	simm.s32 @!p2 $0x0  }
0x16: {  	s3 =	sld [smem:$0x3FDB];
	s0 =	simm.s32 @p2 $0x1  }
0x17: {  	s4 =	simm.s32 $0x1BF5;
	[smem:$0x3FB5] =	sst s0  }
0x18: {  	s0 =	sld [smem:$0x3F98];
	_ =	swait.ge [sflag:s4], $0x0  }
0x19: {  	s7 =	sld [smem:$0x3F99]  }
0x1a: {  	s8 =	sadd.s32 $0xFFFFE003, lr  }
0x1b: {  	s9 =	sadd.s32 $0xFFFFFEF7, lr;
	s5 =	simm.s32 $0xFFFFFFFF;
	p2 =	slt.u32 s8, $0xFFFFF086  }
0x1c: {  	p1 =	slt.u32 s9, $0xF7A;
	s5 =	simm.s32 @!p2 $0x0  }
0x1d: {  	s5 =	simm.s32 @p1 $0x1;
	p0 =	seq.s32 s7, s2  }
0x1e: {  	s7 =	smul.u32 @!p0 $0xF7A, s2;
	p2 =	seq.s32 @!p0 s5, $0x0  }
0x1f: {  	s9 =	smul.u32 $0xF7A, s1;
	s8 =	simm.s32 @!p0 $0x1BF5;
	p2 =	por !p2, p0  }
0x20: {  	[sflag:s8] =	ssyncset.s32 @!p0 $0xFFFFF086;
	s6 =	sadd.s32 @!p0 s3, s7;
	s7 =	simm.s32 @!p0 $0x108  }
0x21: {  	s3 =	sadd.s32 s3, s9;
	s6 =	sadd.s32 @!p0 $0x88, s6;
	s7 =	simm.s32 @p2 $0x1082  }
0x22: {  	[simem:s7], [sflag:s8] =	dma.local @!p0 [hbm:s6], $0xF7A  }
0x23: {  	s9 =	sor.u32 $0xD0000000, s2;
	s6 =	simm.s32 $0x108;
	_ =	swait.ge @!p0 [sflag:s8], $0x0  }
0x24: {  	s3 =	sadd.s32 $0x88, s3;
	s6 =	simm.s32 @!p1 $0x1082;
	[sflag:s4] =	ssyncset.s32 $0xFFFFF086  }
0x25: {  	[simem:s6], [sflag:s4] =	dma.local [hbm:s3], $0xF7A  }
0x26: {  	[smem:$0x3F99] =	sst s1;
	(tag) =	ssettag s2;
	_ =	strace s9  }
0x27: {  	s1 =	sld [smem:$0x3FA9]  }
0x28: {  	s2 =	sld [smem:$0x3FAA]  }
0x29: {  	s4 =	sld [smem:$0x3FAC]  }
0x2a: {  	p0 =	seq.s32 s5, $0x0;
	s5 =	sld [smem:$0x3FAD]  }
0x2b: {  	s6 =	sld [smem:$0x3FAE]  }
0x2c: {  	s7 =	sld [smem:$0x3FAF]  }
0x2d: {  	s3 =	simm.s32 $0x108;
	s8 =	sld [smem:$0x3FB0]  }
0x2e: {  	s3 =	simm.s32 @!p0 $0x1082;
	s9 =	sld [smem:$0x3FB1]  }
0x2f: {  	lr =	sadd.s32 s0, s3;
	s0 =	sld [smem:$0x3FA8]  }
0x30: {  	s3 =	sld [smem:$0x3FAB]  }
0x31: {  	[smem:$0x3FB4] =	sst s10  }
0x32: {  	s10 =	sld [smem:$0x3FB2];
	_ =	sdelay $0x3  }
0x33: {  	p0 =	seq.s32 s10, $0x1;
	s10 =	sld [smem:$0x3FB4];
	_ =	sdelay $0x3  }
0x34: {  	[smem:$0x3FB4] =	sst s10  }
0x35: {  	s10 =	sld [smem:$0x3FB3];
	_ =	sdelay $0x3  }
0x36: {  	p1 =	seq.s32 s10, $0x1;
	s10 =	sld [smem:$0x3FB4];
	_ =	sdelay $0x3  }
0x37: {  	[smem:$0x3FB4] =	sst s10  }
0x38: {  	s10 =	sld [smem:$0x3FB5]  }
0x39: {  	_ = 	snop;
	(pc) =	sbr.ind lr, $3  }
0x3a: {  	_ = 	snop  }
0x3b: {  	_ = 	snop  }
0x3c: {  	p2 =	seq.s32 s10, $0x1;
	s10 =	sld [smem:$0x3FB4]  }
0x3d: {  	_ =	shalt  }
0x3e: {  	_ =	shalt  }
0x3f: {  	_ =	shalt  }
0x40: {  	_ =	shalt  }
0x41: {  	_ =	shalt  }
0x42: {  	_ =	shalt  }
0x43: {  	_ =	shalt  }
0x44: {  	_ =	shalt  }
0x45: {  	_ =	shalt  }
0x46: {  	_ =	shalt  }
0x47: {  	_ =	shalt  }
0x48: {  	_ =	shalt  }
0x49: {  	_ =	shalt  }
0x4a: {  	_ =	shalt  }
0x4b: {  	_ =	shalt  }
0x4c: {  	_ =	shalt  }
0x4d: {  	_ =	shalt  }
0x4e: {  	_ =	shalt  }
0x4f: {  	_ =	shalt  }
0x50: {  	_ =	shalt  }
0x51: {  	_ =	shalt  }
0x52: {  	_ =	shalt  }
0x53: {  	_ =	shalt  }
0x54: {  	_ =	shalt  }
0x55: {  	_ =	shalt  }
0x56: {  	_ =	shalt  }
0x57: {  	_ =	shalt  }
0x58: {  	_ =	shalt  }
0x59: {  	_ =	shalt  }
0x5a: {  	_ =	shalt  }
0x5b: {  	_ =	shalt  }
0x5c: {  	_ =	shalt  }
0x5d: {  	_ =	shalt  }
0x5e: {  	_ =	shalt  }
0x5f: {  	_ =	shalt  }
0x60: {  	_ =	shalt  }
0x61: {  	_ =	shalt  }
0x62: {  	_ =	shalt  }
0x63: {  	_ =	shalt  }
0x64: {  	_ =	shalt  }
0x65: {  	_ =	shalt  }
0x66: {  	_ =	shalt  }
0x67: {  	_ =	shalt  }
0x68: {  	_ =	shalt  }
0x69: {  	_ =	shalt  }
0x6a: {  	_ =	shalt  }
0x6b: {  	_ =	shalt  }
0x6c: {  	_ =	shalt  }
0x6d: {  	_ =	shalt  }
0x6e: {  	_ =	shalt  }
0x6f: {  	_ =	shalt  }
0x70: {  	_ =	shalt  }
0x71: {  	_ =	shalt  }
0x72: {  	_ =	shalt  }
0x73: {  	_ =	shalt  }
0x74: {  	_ =	shalt  }
0x75: {  	_ =	shalt  }
0x76: {  	_ =	shalt  }
0x77: {  	_ =	shalt  }
0x78: {  	_ =	shalt  }
0x79: {  	_ =	shalt  }
0x7a: {  	_ =	shalt  }
0x7b: {  	_ =	shalt  }
0x7c: {  	_ =	shalt  }
0x7d: {  	_ =	shalt  }
0x7e: {  	_ =	shalt  }
0x7f: {  	_ =	shalt  }
0x80: {  	_ =	shalt  }
0x81: {  	_ =	shalt  }
0x82: {  	_ =	shalt  }
0x83: {  	_ =	shalt  }
0x84: {  	_ =	shalt  }
0x85: {  	_ =	shalt  }
0x86: {  	_ =	shalt  }
0x87: {  	_ =	shalt  }
.Lfunc_end0:
.L_simem_size_0:
called_computation_lowered:
.L_overlay_start_0:
0x88: {  	s2 =	sld [smem:$0x3FD9]  }
0x89: {  	s3 =	sld [smem:$0x3FFE];
	_ =	sdelay $0x1  }
0x8a: {  	s1 =	srdreg.scid  }
0x8b: {  	s0 =	sand.u32 $0x1, s1  }
0x8c: {  	s17 =	sshll.u32 s0, $0xA;
	s2 =	sadd.s32 s3, s2  }
0x8d: {  	s2 =	sadd.s32 s2, s17  }
0x8e: {  	[smem:$0x3FC0] =	sst s2  }
0x8f: {  	_ = 	snop  }
0x90: {  	s2 =	sld [smem:$0x3FD0];
	(tm) =	ssettm $0x1  }
0x91: {  	s18 =	sld [smem:$0x3FFB];
	_ =	sdelay $0x3  }
0x92: {  	_ =	strace s18  }
0x93: {  	s3 =	sld [smem:$0x3FFC];
	_ =	sdelay $0x3  }
0x94: {  	_ =	strace s3  }
0x95: {  	s3 =	sld [smem:$0x3FFD];
	_ =	sdelay $0x3  }
0x96: {  	_ =	strace s3  }
0x97: {  	_ =	strace $0x8FFFFFFF  }
0x98: {  	s19 =	sld [smem:$0x3FDB];
	_ =	sdelay $0x1  }
0x99: {  	s4 =	simm.s32 $_scs_section_size  }
0x9a: {  	s5 =	simm.s32 $_size__tile_overlayer_lowered;
	s6 =	simm.s32 $_tile_overlayer_lowered  }
0x9b: {  	s22 =	simm.s32 $0x1BFF;
	s21 =	sshll.u32 s6, $0x1;
	s3 =	sadd.s32 s4, s19  }
0x9c: {  	s7 =	simm.s32 $0x0;
	s20 =	sshll.u32 s5, $0x1;
	s5 =	sadd.s32 s21, s3  }
0x9d: {  	[timem:s7], [sflag:s22] =	dma.local [hbm:s5], s20  }
0x9e: {  	_ =	swait.ge [sflag:s22], s20  }
0x9f: {  	s4 =	ssub.s32 $0x0, s20;
	[sflag:s22] =	ssyncset.done $0x0  }
0xa0: {  	[sflag:s22] =	ssyncadd.s32 s4;
	_ =	sdelay $0x1  }
0xa1: {  	s23 =	simm.s32 $0x1B8B  }
0xa2: {  	_ =	swait.ge [sflag:s23], $0x1  }
0xa3: {  	[sflag:s23] =	ssyncset.done $0x0  }
0xa4: {  	s25 =	simm.s32 $0x1B8E;
	s24 =	sld [smem:$0x3FFE];
	[sflag:s23] =	ssyncadd.s32 $0xFFFFFFFF  }
0xa5: {  	s26 =	simm.s32 $execute0_lowered;
	[smem:$0x3FD2] =	sst s25  }
0xa6: {  	s5 =	sshll.u32 s26, $0x1;
	_ =	strace $0x80000046;
	[dreg:$0x1] =	wrdreg $0xFFFFFFFF  }
0xa7: {  	s28 =	simm.s32 $_size_execute0_lowered;
	s3 =	sadd.s32 s3, s5;
	[dreg:$0x0] =	wrdreg $0x0  }
0xa8: {  	s5 =	sshll.u32 s28, $0x1;
	[dreg:$0x2] =	wrdreg s3  }
0xa9: {  	[dreg:$0x3] =	wrdreg s5  }
0xaa: {  	[dreg:$0x4] =	wrdreg $0xC0  }
0xab: {  	_ =	task [dreg:s7], $0x5FFFF  }
0xac: {  	[dreg:$0x1] =	wrdreg $0xFFFFFFFF  }
0xad: {  	[dreg:$0x0] =	wrdreg $0x60  }
0xae: {  	[dreg:$0x2] =	wrdreg s24  }
0xaf: {  	[dreg:$0x3] =	wrdreg s2  }
0xb0: {  	[dreg:$0x4] =	wrdreg $0x43000  }
0xb1: {  	[dreg:$0x5] =	wrdreg $0x9  }
0xb2: {  	_ =	task.clear_ibuf [dreg:s7], $0x6FFFF;
	_ =	strace $0x90000046  }
0xb3: {  	s29 =	simm.s32 $0x9;
	_ =	strace $0x80000048  }
0xb4: {  	_ =	swait.ge [sflag:s29], $0x1  }
0xb5: {  	[sflag:s29] =	ssyncadd.s32 $0xFFFFFFFF  }
0xb6: {  	_ =	strace $0x90000048  }
0xb7: {  	_ =	sfence  }
0xb8: {  	s30 =	sld [smem:$0x0];
	_ =	sdelay $0x2  }
0xb9: {  	s31 =	sshll.u32 s1, $0xD;
	s1 =	sshrl.u32 s1, $0x2  }
0xba: {  	s3 =	sand.u32 $0x4000, s31;
	s1 =	sadd.s32 s1, s30  }
0xbb: {  	s0 =	sor.u32 s3, s0;
	s1 =	sshll.u32 s1, $0x11  }
0xbc: {  	s0 =	sor.u32 s1, s0  }
0xbd: {  	s0 =	sadd.s32 $0x8F2B, s0  }
0xbe: {  	[sflag:s0] =	ssyncadd.remote.s32 $0x1  }
0xbf: {  	_ =	sfence.sel $0xFFFF  }
0xc0: {  	[dreg:$0x0] =	wrdreg $0xFFFFFFFF;
	(pc) =	sbr.abs _section_cstart, $3  }
0xc1: {  	[dreg:$0x1] =	wrdreg $0xFFFFFFFF  }
0xc2: {  	_ =	task.clear_ibuf [dreg:s7], $0x2FFFF;
	_ =	strace $0x9FFFFFFF  }
0xc3: {  	(tm) =	ssettm $0x7FFFFFFF  }
tec
execute0_lowered:
.L_overlay_start_1:
0x0: {  	(tag) =	ssettag $0x1  }
0x1: {  	s4 =	rddreg [dreg:$0x0]  }
0x2: {  	s6 =	rddreg [dreg:$0x1]  }
0x3: {  	s2 =	rddreg [dreg:$0x2]  }
0x4: {  	s0 =	rddreg [dreg:$0x3];
	s3 =	simm.s32 $0x0  }
0x5: {  	s1 =	stileid.u32;
	s5 =	srdreg.scid;
	s12 =	simm.s32 $0x1  }
0x6: {  	s15 =	simm.s32 $0x20;
	s16 =	simm.s32 $0x10;
	s17 =	simm.s32 $0x0  }
0x7: {  	[smem:$0x7FF] =	sst s3;
	s7 =	sshll.u32 s1, $0xB;
	s8 =	smul.u32 $0x500, s1  }
0x8: {  	s5 =	sand.u32 $0x1, s5;
	s10 =	smul.u32 $0xA00, s1;
	s13 =	sshll.u32 s1, $0x6  }
0x9: {  	_ =	strace $0x80000047;
	s4 =	sadd.s32 s7, s4;
	s30 =	ssub.s32 $0x2, s5  }
0xa: {  	s11 =	sshll.u32 s5, $0x7;
	s5 =	sshll.u32 s5, $0xF;
	s13 =	sor.u32 $0x1C02, s13  }
0xb: {  	s9 =	sshrl.u32 s30, $0x1;
	s8 =	sor.u32 s11, s8;
	s4 =	sadd.s32 s5, s4  }
0xc: {  	s31 =	sshrl.u32 s10, $0x2;
	s10 =	simm.s32 $0x50;
	s11 =	simm.s32 $0x4000  }
0xd: {  	s7 =	ssub.s32 s30, s9;
	s8 =	sshrl.u32 s8, $0x3;
	s4 =	sadd.s32 $0x3800, s4  }
0xe: {  	s5 =	sadd.s32 s31, s2;
	s9 =	simm.s32 $0x4080;
	s6 =	sadd.s32 s6, s8  }
0xf: {  	v0 =	vimm.f32 $1.000000000e+00;
	v1 =	vimm.f32 $0.0e+00;
	s7 =	smax.u32 s7, $0x1;
	s8 =	simm.s32 $0x2;
	s14 =	sshrl.u32 s5, $0x3  }
.LBB2_1:
0x10: {  	[tilespmem:s3], [sflag:$0x2] =	stream.linear.gather [hbm4b:s4+s3], $0x3E80, $0x38;
	[tilespmem:$0x4580] =	vst v63  }
0x11: {  	_ =	swait.ge [sflag:s8], $0x3E80  }
0x12: {  	[sflag:s8] =	ssyncset.done $0x0  }
0x13: {  	[sflag:s8] =	ssyncadd.s32 $0xFFFFC180  }
0x14: {  	[tilespmem:$0x4000] =	vst v0  }
0x15: {  	[tilespmem:$0x4010] =	vst v0  }
0x16: {  	[tilespmem:$0x4020] =	vst v0  }
0x17: {  	[tilespmem:$0x4030] =	vst v0  }
0x18: {  	[tilespmem:$0x4040] =	vst v0  }
0x19: {  	[tilespmem:$0x4080] =	vst v1  }
0x1a: {  	[tilespmem:$0x4090] =	vst v1  }
0x1b: {  	[tilespmem:$0x40A0] =	vst v1  }
0x1c: {  	[tilespmem:$0x40B0] =	vst v1  }
0x1d: {  	[tilespmem:$0x40C0] =	vst v1  }
0x1e: {  	[tilespmem:$0x40D0] =	vst v1  }
0x1f: {  	[tilespmem:$0x40E0] =	vst v1  }
0x20: {  	[tilespmem:$0x40F0] =	vst v1  }
0x21: {  	[tilespmem:$0x4100] =	vst v1  }
0x22: {  	[tilespmem:$0x4110] =	vst v1  }
0x23: {  	[tilespmem:$0x4120] =	vst v1  }
0x24: {  	[tilespmem:$0x4130] =	vst v1  }
0x25: {  	[tilespmem:$0x4140] =	vst v1  }
0x26: {  	[tilespmem:$0x4150] =	vst v1  }
0x27: {  	[tilespmem:$0x4160] =	vst v1  }
0x28: {  	[tilespmem:$0x4170] =	vst v1  }
0x29: {  	[tilespmem:$0x4180] =	vst v1  }
0x2a: {  	[tilespmem:$0x4190] =	vst v1  }
0x2b: {  	[tilespmem:$0x41A0] =	vst v1  }
0x2c: {  	[tilespmem:$0x41B0] =	vst v1  }
0x2d: {  	[tilespmem:$0x41C0] =	vst v1  }
0x2e: {  	[tilespmem:$0x41D0] =	vst v1  }
0x2f: {  	[tilespmem:$0x41E0] =	vst v1  }
0x30: {  	[tilespmem:$0x41F0] =	vst v1  }
0x31: {  	[tilespmem:$0x4200] =	vst v1  }
0x32: {  	[tilespmem:$0x4210] =	vst v1  }
0x33: {  	[tilespmem:$0x4220] =	vst v1  }
0x34: {  	[tilespmem:$0x4230] =	vst v1  }
0x35: {  	[tilespmem:$0x4240] =	vst v1  }
0x36: {  	[tilespmem:$0x4250] =	vst v1  }
0x37: {  	[tilespmem:$0x4260] =	vst v1  }
0x38: {  	[tilespmem:$0x4270] =	vst v1  }
0x39: {  	[tilespmem:$0x4280] =	vst v1  }
0x3a: {  	[tilespmem:$0x4290] =	vst v1  }
0x3b: {  	[tilespmem:$0x42A0] =	vst v1  }
0x3c: {  	[tilespmem:$0x42B0] =	vst v1  }
0x3d: {  	[tilespmem:$0x42C0] =	vst v1  }
0x3e: {  	[tilespmem:$0x42D0] =	vst v1  }
0x3f: {  	[tilespmem:$0x42E0] =	vst v1  }
0x40: {  	[tilespmem:$0x42F0] =	vst v1  }
0x41: {  	[spmem:s5] =	stream.linear.scatter [tilespmem:s9], [sflag:$0x2], $0x280, $0x38;
	[tilespmem:$0x4580] =	vst v63  }
0x42: {  	_ =	swait.ge [sflag:s8], $0x280  }
0x43: {  	[sflag:s8] =	ssyncset.done $0x0  }
0x44: {  	[sflag:s8] =	ssyncadd.s32 $0xFFFFFD80  }
0x45: {  	s18 =	simm.s32 $0x0;
	[bflag:$0x0] =	sbarrier.arrive $0xFFFF  }
0x46: {  	[spmem:s2] =	stream.indirect.scatter.add.f32 [tilespmem:s11], [sflag:$0x1], $0x1, s18, s10, $0xb8;
	[tilespmem:$0x4580] =	vst v63  }
0x47: {  	s19 =	simm.s32 $0x80  }
0x48: {  	[spmem:s2] =	stream.indirect.scatter.add.f32 [tilespmem:s11], [sflag:$0x1], $0x1, s19, s10, $0xb8;
	[tilespmem:$0x4580] =	vst v63  }
0x49: {  	s20 =	simm.s32 $0x100  }
0x4a: {  	[spmem:s2] =	stream.indirect.scatter.add.f32 [tilespmem:s11], [sflag:$0x1], $0x1, s20, s10, $0xb8;
	[tilespmem:$0x4580] =	vst v63  }
0x4b: {  	s21 =	simm.s32 $0x180  }
0x4c: {  	[spmem:s2] =	stream.indirect.scatter.add.f32 [tilespmem:s11], [sflag:$0x1], $0x1, s21, s10, $0xb8;
	[tilespmem:$0x4580] =	vst v63  }
0x4d: {  	s22 =	simm.s32 $0x200  }
0x4e: {  	[spmem:s2] =	stream.indirect.scatter.add.f32 [tilespmem:s11], [sflag:$0x1], $0x1, s22, s10, $0xb8;
	[tilespmem:$0x4580] =	vst v63  }
0x4f: {  	s23 =	simm.s32 $0x280  }
0x50: {  	[spmem:s2] =	stream.indirect.scatter.add.f32 [tilespmem:s11], [sflag:$0x1], $0x1, s23, s10, $0xb8;
	[tilespmem:$0x4580] =	vst v63  }
0x51: {  	s24 =	simm.s32 $0x300  }
0x52: {  	[spmem:s2] =	stream.indirect.scatter.add.f32 [tilespmem:s11], [sflag:$0x1], $0x1, s24, s10, $0xb8;
	[tilespmem:$0x4580] =	vst v63  }
0x53: {  	s25 =	simm.s32 $0x380  }
0x54: {  	[spmem:s2] =	stream.indirect.scatter.add.f32 [tilespmem:s11], [sflag:$0x1], $0x1, s25, s10, $0xb8;
	[tilespmem:$0x4580] =	vst v63  }
0x55: {  	s26 =	simm.s32 $0x400  }
0x56: {  	[spmem:s2] =	stream.indirect.scatter.add.f32 [tilespmem:s11], [sflag:$0x1], $0x1, s26, s10, $0xb8;
	[tilespmem:$0x4580] =	vst v63  }
0x57: {  	s28 =	simm.s32 $0x480  }
0x58: {  	[spmem:s2] =	stream.indirect.scatter.add.f32 [tilespmem:s11], [sflag:$0x1], $0x1, s28, s10, $0xb8;
	[tilespmem:$0x4580] =	vst v63  }
0x59: {  	s29 =	simm.s32 $0x500  }
0x5a: {  	[spmem:s2] =	stream.indirect.scatter.add.f32 [tilespmem:s11], [sflag:$0x1], $0x1, s29, s10, $0xb8;
	[tilespmem:$0x4580] =	vst v63  }
0x5b: {  	s30 =	simm.s32 $0x580  }
0x5c: {  	[spmem:s2] =	stream.indirect.scatter.add.f32 [tilespmem:s11], [sflag:$0x1], $0x1, s30, s10, $0xb8;
	[tilespmem:$0x4580] =	vst v63  }
0x5d: {  	s31 =	simm.s32 $0x600  }
0x5e: {  	[spmem:s2] =	stream.indirect.scatter.add.f32 [tilespmem:s11], [sflag:$0x1], $0x1, s31, s10, $0xb8;
	[tilespmem:$0x4580] =	vst v63  }
0x5f: {  	s19 =	simm.s32 $0x680  }
0x60: {  	[spmem:s2] =	stream.indirect.scatter.add.f32 [tilespmem:s11], [sflag:$0x1], $0x1, s19, s10, $0xb8;
	[tilespmem:$0x4580] =	vst v63  }
0x61: {  	s20 =	simm.s32 $0x700  }
0x62: {  	[spmem:s2] =	stream.indirect.scatter.add.f32 [tilespmem:s11], [sflag:$0x1], $0x1, s20, s10, $0xb8;
	[tilespmem:$0x4580] =	vst v63  }
0x63: {  	s21 =	simm.s32 $0x780  }
0x64: {  	[spmem:s2] =	stream.indirect.scatter.add.f32 [tilespmem:s11], [sflag:$0x1], $0x1, s21, s10, $0xb8;
	[tilespmem:$0x4580] =	vst v63  }
0x65: {  	s22 =	simm.s32 $0x800  }
0x66: {  	[spmem:s2] =	stream.indirect.scatter.add.f32 [tilespmem:s11], [sflag:$0x1], $0x1, s22, s10, $0xb8;
	[tilespmem:$0x4580] =	vst v63  }
0x67: {  	s23 =	simm.s32 $0x880  }
0x68: {  	[spmem:s2] =	stream.indirect.scatter.add.f32 [tilespmem:s11], [sflag:$0x1], $0x1, s23, s10, $0xb8;
	[tilespmem:$0x4580] =	vst v63  }
0x69: {  	s24 =	simm.s32 $0x900  }
0x6a: {  	[spmem:s2] =	stream.indirect.scatter.add.f32 [tilespmem:s11], [sflag:$0x1], $0x1, s24, s10, $0xb8;
	[tilespmem:$0x4580] =	vst v63  }
0x6b: {  	s25 =	simm.s32 $0x980  }
0x6c: {  	[spmem:s2] =	stream.indirect.scatter.add.f32 [tilespmem:s11], [sflag:$0x1], $0x1, s25, s10, $0xb8;
	[tilespmem:$0x4580] =	vst v63  }
0x6d: {  	s26 =	simm.s32 $0xA00  }
0x6e: {  	[spmem:s2] =	stream.indirect.scatter.add.f32 [tilespmem:s11], [sflag:$0x1], $0x1, s26, s10, $0xb8;
	[tilespmem:$0x4580] =	vst v63  }
0x6f: {  	s28 =	simm.s32 $0xA80  }
0x70: {  	[spmem:s2] =	stream.indirect.scatter.add.f32 [tilespmem:s11], [sflag:$0x1], $0x1, s28, s10, $0xb8;
	[tilespmem:$0x4580] =	vst v63  }
0x71: {  	s29 =	simm.s32 $0xB00  }
0x72: {  	[spmem:s2] =	stream.indirect.scatter.add.f32 [tilespmem:s11], [sflag:$0x1], $0x1, s29, s10, $0xb8;
	[tilespmem:$0x4580] =	vst v63  }
0x73: {  	s30 =	simm.s32 $0xB80  }
0x74: {  	[spmem:s2] =	stream.indirect.scatter.add.f32 [tilespmem:s11], [sflag:$0x1], $0x1, s30, s10, $0xb8;
	[tilespmem:$0x4580] =	vst v63  }
0x75: {  	s31 =	simm.s32 $0xC00  }
0x76: {  	[spmem:s2] =	stream.indirect.scatter.add.f32 [tilespmem:s11], [sflag:$0x1], $0x1, s31, s10, $0xb8;
	[tilespmem:$0x4580] =	vst v63  }
0x77: {  	_ =	swait.ge [sflag:s12], $0x50  }
0x78: {  	[sflag:s12] =	ssyncset.done $0x0  }
0x79: {  	[sflag:s12] =	ssyncadd.s32 $0xFFFFFFB0  }
0x7a: {  	_ =	swait.ge [sflag:s12], $0x50  }
0x7b: {  	[sflag:s12] =	ssyncset.done $0x0  }
0x7c: {  	[sflag:s12] =	ssyncadd.s32 $0xFFFFFFB0  }
0x7d: {  	_ =	swait.ge [sflag:s12], $0x50  }
0x7e: {  	[sflag:s12] =	ssyncset.done $0x0  }
0x7f: {  	[sflag:s12] =	ssyncadd.s32 $0xFFFFFFB0  }
0x80: {  	_ =	swait.ge [sflag:s12], $0x50  }
0x81: {  	[sflag:s12] =	ssyncset.done $0x0  }
0x82: {  	[sflag:s12] =	ssyncadd.s32 $0xFFFFFFB0  }
0x83: {  	_ =	swait.ge [sflag:s12], $0x50  }
0x84: {  	[sflag:s12] =	ssyncset.done $0x0  }
0x85: {  	[sflag:s12] =	ssyncadd.s32 $0xFFFFFFB0  }
0x86: {  	_ =	swait.ge [sflag:s12], $0x50  }
0x87: {  	[sflag:s12] =	ssyncset.done $0x0  }
0x88: {  	[sflag:s12] =	ssyncadd.s32 $0xFFFFFFB0  }
0x89: {  	_ =	swait.ge [sflag:s12], $0x50  }
0x8a: {  	[sflag:s12] =	ssyncset.done $0x0  }
0x8b: {  	[sflag:s12] =	ssyncadd.s32 $0xFFFFFFB0  }
0x8c: {  	_ =	swait.ge [sflag:s12], $0x50  }
0x8d: {  	[sflag:s12] =	ssyncset.done $0x0  }
0x8e: {  	[sflag:s12] =	ssyncadd.s32 $0xFFFFFFB0  }
0x8f: {  	_ =	swait.ge [sflag:s12], $0x50  }
0x90: {  	[sflag:s12] =	ssyncset.done $0x0  }
0x91: {  	[sflag:s12] =	ssyncadd.s32 $0xFFFFFFB0  }
0x92: {  	_ =	swait.ge [sflag:s12], $0x50  }
0x93: {  	[sflag:s12] =	ssyncset.done $0x0  }
0x94: {  	[sflag:s12] =	ssyncadd.s32 $0xFFFFFFB0  }
0x95: {  	_ =	swait.ge [sflag:s12], $0x50  }
0x96: {  	[sflag:s12] =	ssyncset.done $0x0  }
0x97: {  	[sflag:s12] =	ssyncadd.s32 $0xFFFFFFB0  }
0x98: {  	_ =	swait.ge [sflag:s12], $0x50  }
0x99: {  	[sflag:s12] =	ssyncset.done $0x0  }
0x9a: {  	[sflag:s12] =	ssyncadd.s32 $0xFFFFFFB0  }
0x9b: {  	_ =	swait.ge [sflag:s12], $0x50  }
0x9c: {  	[sflag:s12] =	ssyncset.done $0x0  }
0x9d: {  	[sflag:s12] =	ssyncadd.s32 $0xFFFFFFB0  }
0x9e: {  	_ =	swait.ge [sflag:s12], $0x50  }
0x9f: {  	[sflag:s12] =	ssyncset.done $0x0  }
0xa0: {  	[sflag:s12] =	ssyncadd.s32 $0xFFFFFFB0  }
0xa1: {  	_ =	swait.ge [sflag:s12], $0x50  }
0xa2: {  	[sflag:s12] =	ssyncset.done $0x0  }
0xa3: {  	[sflag:s12] =	ssyncadd.s32 $0xFFFFFFB0  }
0xa4: {  	_ =	swait.ge [sflag:s12], $0x50  }
0xa5: {  	[sflag:s12] =	ssyncset.done $0x0  }
0xa6: {  	[sflag:s12] =	ssyncadd.s32 $0xFFFFFFB0  }
0xa7: {  	_ =	swait.ge [sflag:s12], $0x50  }
0xa8: {  	[sflag:s12] =	ssyncset.done $0x0  }
0xa9: {  	[sflag:s12] =	ssyncadd.s32 $0xFFFFFFB0  }
0xaa: {  	_ =	swait.ge [sflag:s12], $0x50  }
0xab: {  	[sflag:s12] =	ssyncset.done $0x0  }
0xac: {  	[sflag:s12] =	ssyncadd.s32 $0xFFFFFFB0  }
0xad: {  	_ =	swait.ge [sflag:s12], $0x50  }
0xae: {  	[sflag:s12] =	ssyncset.done $0x0  }
0xaf: {  	[sflag:s12] =	ssyncadd.s32 $0xFFFFFFB0  }
0xb0: {  	_ =	swait.ge [sflag:s12], $0x50  }
0xb1: {  	[sflag:s12] =	ssyncset.done $0x0  }
0xb2: {  	[sflag:s12] =	ssyncadd.s32 $0xFFFFFFB0  }
0xb3: {  	_ =	swait.ge [sflag:s12], $0x50  }
0xb4: {  	[sflag:s12] =	ssyncset.done $0x0  }
0xb5: {  	[sflag:s12] =	ssyncadd.s32 $0xFFFFFFB0  }
0xb6: {  	_ =	swait.ge [sflag:s12], $0x50  }
0xb7: {  	[sflag:s12] =	ssyncset.done $0x0  }
0xb8: {  	[sflag:s12] =	ssyncadd.s32 $0xFFFFFFB0  }
0xb9: {  	_ =	swait.ge [sflag:s12], $0x50  }
0xba: {  	[sflag:s12] =	ssyncset.done $0x0  }
0xbb: {  	[sflag:s12] =	ssyncadd.s32 $0xFFFFFFB0  }
0xbc: {  	_ =	swait.ge [sflag:s12], $0x50  }
0xbd: {  	[sflag:s12] =	ssyncset.done $0x0  }
0xbe: {  	[sflag:s12] =	ssyncadd.s32 $0xFFFFFFB0  }
0xbf: {  	_ =	swait.ge [sflag:s12], $0x50  }
0xc0: {  	s18 =	simm.s32 $0x3200;
	s21 =	simm.s32 $0x6400;
	[sflag:s12] =	ssyncset.done $0x0  }
.LBB2_2:
0xc1: {  	s20 =	sshra.s32 s18, $0x2  }
0xc2: {  	[sflag:s12] =	ssyncadd.s32 $0xFFFFFFB0;
	s18 =	smov.u32 s21;
	s19 =	sadd.s32 $0x3200, s21  }
0xc3: {  	[spmem:s2] =	stream.indirect.scatter.add.f32 [tilespmem:s11], [sflag:$0x1], $0x1, s20, s10, $0xb8;
	[tilespmem:$0x4580] =	vst v63  }
0xc4: {  	p0 =	sne.s32 s21, $0xC800;
	s21 =	sadd.s32 $0x80, s20  }
0xc5: {  	[spmem:s2] =	stream.indirect.scatter.add.f32 [tilespmem:s11], [sflag:$0x1], $0x1, s21, s10, $0xb8;
	[tilespmem:$0x4580] =	vst v63  }
0xc6: {  	s21 =	sadd.s32 $0x100, s20  }
0xc7: {  	[spmem:s2] =	stream.indirect.scatter.add.f32 [tilespmem:s11], [sflag:$0x1], $0x1, s21, s10, $0xb8;
	[tilespmem:$0x4580] =	vst v63  }
0xc8: {  	s21 =	sadd.s32 $0x180, s20  }
0xc9: {  	[spmem:s2] =	stream.indirect.scatter.add.f32 [tilespmem:s11], [sflag:$0x1], $0x1, s21, s10, $0xb8;
	[tilespmem:$0x4580] =	vst v63  }
0xca: {  	s21 =	sadd.s32 $0x200, s20  }
0xcb: {  	[spmem:s2] =	stream.indirect.scatter.add.f32 [tilespmem:s11], [sflag:$0x1], $0x1, s21, s10, $0xb8;
	[tilespmem:$0x4580] =	vst v63  }
0xcc: {  	s21 =	sadd.s32 $0x280, s20  }
0xcd: {  	[spmem:s2] =	stream.indirect.scatter.add.f32 [tilespmem:s11], [sflag:$0x1], $0x1, s21, s10, $0xb8;
	[tilespmem:$0x4580] =	vst v63  }
0xce: {  	s21 =	sadd.s32 $0x300, s20  }
0xcf: {  	[spmem:s2] =	stream.indirect.scatter.add.f32 [tilespmem:s11], [sflag:$0x1], $0x1, s21, s10, $0xb8;
	[tilespmem:$0x4580] =	vst v63  }
0xd0: {  	s21 =	sadd.s32 $0x380, s20  }
0xd1: {  	[spmem:s2] =	stream.indirect.scatter.add.f32 [tilespmem:s11], [sflag:$0x1], $0x1, s21, s10, $0xb8;
	[tilespmem:$0x4580] =	vst v63  }
0xd2: {  	s21 =	sadd.s32 $0x400, s20  }
0xd3: {  	[spmem:s2] =	stream.indirect.scatter.add.f32 [tilespmem:s11], [sflag:$0x1], $0x1, s21, s10, $0xb8;
	[tilespmem:$0x4580] =	vst v63  }
0xd4: {  	s21 =	sadd.s32 $0x480, s20  }
0xd5: {  	[spmem:s2] =	stream.indirect.scatter.add.f32 [tilespmem:s11], [sflag:$0x1], $0x1, s21, s10, $0xb8;
	[tilespmem:$0x4580] =	vst v63  }
0xd6: {  	s21 =	sadd.s32 $0x500, s20  }
0xd7: {  	[spmem:s2] =	stream.indirect.scatter.add.f32 [tilespmem:s11], [sflag:$0x1], $0x1, s21, s10, $0xb8;
	[tilespmem:$0x4580] =	vst v63  }
0xd8: {  	s21 =	sadd.s32 $0x580, s20  }
0xd9: {  	[spmem:s2] =	stream.indirect.scatter.add.f32 [tilespmem:s11], [sflag:$0x1], $0x1, s21, s10, $0xb8;
	[tilespmem:$0x4580] =	vst v63  }
0xda: {  	s21 =	sadd.s32 $0x600, s20  }
0xdb: {  	[spmem:s2] =	stream.indirect.scatter.add.f32 [tilespmem:s11], [sflag:$0x1], $0x1, s21, s10, $0xb8;
	[tilespmem:$0x4580] =	vst v63  }
0xdc: {  	s21 =	sadd.s32 $0x680, s20  }
0xdd: {  	[spmem:s2] =	stream.indirect.scatter.add.f32 [tilespmem:s11], [sflag:$0x1], $0x1, s21, s10, $0xb8;
	[tilespmem:$0x4580] =	vst v63  }
0xde: {  	s21 =	sadd.s32 $0x700, s20  }
0xdf: {  	[spmem:s2] =	stream.indirect.scatter.add.f32 [tilespmem:s11], [sflag:$0x1], $0x1, s21, s10, $0xb8;
	[tilespmem:$0x4580] =	vst v63  }
0xe0: {  	s21 =	sadd.s32 $0x780, s20  }
0xe1: {  	[spmem:s2] =	stream.indirect.scatter.add.f32 [tilespmem:s11], [sflag:$0x1], $0x1, s21, s10, $0xb8;
	[tilespmem:$0x4580] =	vst v63  }
0xe2: {  	s21 =	sadd.s32 $0x800, s20  }
0xe3: {  	[spmem:s2] =	stream.indirect.scatter.add.f32 [tilespmem:s11], [sflag:$0x1], $0x1, s21, s10, $0xb8;
	[tilespmem:$0x4580] =	vst v63  }
0xe4: {  	s21 =	sadd.s32 $0x880, s20  }
0xe5: {  	[spmem:s2] =	stream.indirect.scatter.add.f32 [tilespmem:s11], [sflag:$0x1], $0x1, s21, s10, $0xb8;
	[tilespmem:$0x4580] =	vst v63  }
0xe6: {  	s21 =	sadd.s32 $0x900, s20  }
0xe7: {  	[spmem:s2] =	stream.indirect.scatter.add.f32 [tilespmem:s11], [sflag:$0x1], $0x1, s21, s10, $0xb8;
	[tilespmem:$0x4580] =	vst v63  }
0xe8: {  	s21 =	sadd.s32 $0x980, s20  }
0xe9: {  	[spmem:s2] =	stream.indirect.scatter.add.f32 [tilespmem:s11], [sflag:$0x1], $0x1, s21, s10, $0xb8;
	[tilespmem:$0x4580] =	vst v63  }
0xea: {  	s21 =	sadd.s32 $0xA00, s20  }
0xeb: {  	[spmem:s2] =	stream.indirect.scatter.add.f32 [tilespmem:s11], [sflag:$0x1], $0x1, s21, s10, $0xb8;
	[tilespmem:$0x4580] =	vst v63  }
0xec: {  	s21 =	sadd.s32 $0xA80, s20  }
0xed: {  	[spmem:s2] =	stream.indirect.scatter.add.f32 [tilespmem:s11], [sflag:$0x1], $0x1, s21, s10, $0xb8;
	[tilespmem:$0x4580] =	vst v63  }
0xee: {  	s21 =	sadd.s32 $0xB00, s20  }
0xef: {  	[spmem:s2] =	stream.indirect.scatter.add.f32 [tilespmem:s11], [sflag:$0x1], $0x1, s21, s10, $0xb8;
	[tilespmem:$0x4580] =	vst v63  }
0xf0: {  	s21 =	sadd.s32 $0xB80, s20  }
0xf1: {  	[spmem:s2] =	stream.indirect.scatter.add.f32 [tilespmem:s11], [sflag:$0x1], $0x1, s21, s10, $0xb8;
	[tilespmem:$0x4580] =	vst v63  }
0xf2: {  	s20 =	sadd.s32 $0xC00, s20  }
0xf3: {  	[spmem:s2] =	stream.indirect.scatter.add.f32 [tilespmem:s11], [sflag:$0x1], $0x1, s20, s10, $0xb8;
	[tilespmem:$0x4580] =	vst v63  }
0xf4: {  	_ =	swait.ge [sflag:s12], $0x50  }
0xf5: {  	[sflag:s12] =	ssyncset.done $0x0  }
0xf6: {  	[sflag:s12] =	ssyncadd.s32 $0xFFFFFFB0  }
0xf7: {  	_ =	swait.ge [sflag:s12], $0x50  }
0xf8: {  	[sflag:s12] =	ssyncset.done $0x0  }
0xf9: {  	[sflag:s12] =	ssyncadd.s32 $0xFFFFFFB0  }
0xfa: {  	_ =	swait.ge [sflag:s12], $0x50  }
0xfb: {  	[sflag:s12] =	ssyncset.done $0x0  }
0xfc: {  	[sflag:s12] =	ssyncadd.s32 $0xFFFFFFB0  }
0xfd: {  	_ =	swait.ge [sflag:s12], $0x50  }
0xfe: {  	[sflag:s12] =	ssyncset.done $0x0  }
0xff: {  	[sflag:s12] =	ssyncadd.s32 $0xFFFFFFB0  }
0x100: {  	_ =	swait.ge [sflag:s12], $0x50  }
0x101: {  	[sflag:s12] =	ssyncset.done $0x0  }
0x102: {  	[sflag:s12] =	ssyncadd.s32 $0xFFFFFFB0  }
0x103: {  	_ =	swait.ge [sflag:s12], $0x50  }
0x104: {  	[sflag:s12] =	ssyncset.done $0x0  }
0x105: {  	[sflag:s12] =	ssyncadd.s32 $0xFFFFFFB0  }
0x106: {  	_ =	swait.ge [sflag:s12], $0x50  }
0x107: {  	[sflag:s12] =	ssyncset.done $0x0  }
0x108: {  	[sflag:s12] =	ssyncadd.s32 $0xFFFFFFB0  }
0x109: {  	_ =	swait.ge [sflag:s12], $0x50  }
0x10a: {  	[sflag:s12] =	ssyncset.done $0x0  }
0x10b: {  	[sflag:s12] =	ssyncadd.s32 $0xFFFFFFB0  }
0x10c: {  	_ =	swait.ge [sflag:s12], $0x50  }
0x10d: {  	[sflag:s12] =	ssyncset.done $0x0  }
0x10e: {  	[sflag:s12] =	ssyncadd.s32 $0xFFFFFFB0  }
0x10f: {  	_ =	swait.ge [sflag:s12], $0x50  }
0x110: {  	[sflag:s12] =	ssyncset.done $0x0  }
0x111: {  	[sflag:s12] =	ssyncadd.s32 $0xFFFFFFB0  }
0x112: {  	_ =	swait.ge [sflag:s12], $0x50  }
0x113: {  	[sflag:s12] =	ssyncset.done $0x0  }
0x114: {  	[sflag:s12] =	ssyncadd.s32 $0xFFFFFFB0  }
0x115: {  	_ =	swait.ge [sflag:s12], $0x50  }
0x116: {  	[sflag:s12] =	ssyncset.done $0x0  }
0x117: {  	[sflag:s12] =	ssyncadd.s32 $0xFFFFFFB0  }
0x118: {  	_ =	swait.ge [sflag:s12], $0x50  }
0x119: {  	[sflag:s12] =	ssyncset.done $0x0  }
0x11a: {  	[sflag:s12] =	ssyncadd.s32 $0xFFFFFFB0  }
0x11b: {  	_ =	swait.ge [sflag:s12], $0x50  }
0x11c: {  	[sflag:s12] =	ssyncset.done $0x0  }
0x11d: {  	[sflag:s12] =	ssyncadd.s32 $0xFFFFFFB0  }
0x11e: {  	_ =	swait.ge [sflag:s12], $0x50  }
0x11f: {  	[sflag:s12] =	ssyncset.done $0x0  }
0x120: {  	[sflag:s12] =	ssyncadd.s32 $0xFFFFFFB0  }
0x121: {  	_ =	swait.ge [sflag:s12], $0x50  }
0x122: {  	[sflag:s12] =	ssyncset.done $0x0  }
0x123: {  	[sflag:s12] =	ssyncadd.s32 $0xFFFFFFB0  }
0x124: {  	_ =	swait.ge [sflag:s12], $0x50  }
0x125: {  	[sflag:s12] =	ssyncset.done $0x0  }
0x126: {  	[sflag:s12] =	ssyncadd.s32 $0xFFFFFFB0  }
0x127: {  	_ =	swait.ge [sflag:s12], $0x50  }
0x128: {  	[sflag:s12] =	ssyncset.done $0x0  }
0x129: {  	[sflag:s12] =	ssyncadd.s32 $0xFFFFFFB0  }
0x12a: {  	_ =	swait.ge [sflag:s12], $0x50  }
0x12b: {  	[sflag:s12] =	ssyncset.done $0x0  }
0x12c: {  	[sflag:s12] =	ssyncadd.s32 $0xFFFFFFB0  }
0x12d: {  	_ =	swait.ge [sflag:s12], $0x50  }
0x12e: {  	[sflag:s12] =	ssyncset.done $0x0  }
0x12f: {  	[sflag:s12] =	ssyncadd.s32 $0xFFFFFFB0  }
0x130: {  	_ =	swait.ge [sflag:s12], $0x50  }
0x131: {  	[sflag:s12] =	ssyncset.done $0x0  }
0x132: {  	[sflag:s12] =	ssyncadd.s32 $0xFFFFFFB0  }
0x133: {  	_ =	swait.ge [sflag:s12], $0x50  }
0x134: {  	[sflag:s12] =	ssyncset.done $0x0  }
0x135: {  	[sflag:s12] =	ssyncadd.s32 $0xFFFFFFB0  }
0x136: {  	_ =	swait.ge [sflag:s12], $0x50  }
0x137: {  	[sflag:s12] =	ssyncset.done $0x0  }
0x138: {  	[sflag:s12] =	ssyncadd.s32 $0xFFFFFFB0  }
.Ltmp0:
0x139: {  	_ =	swait.ge [sflag:s12], $0x50;
	(pc) =	sbr.rel @p0 .LBB2_2-.Ltmp0, $4  }
0x13a: {  	[sflag:s12] =	ssyncset.done $0x0  }
0x13b: {  	[sflag:s12] =	ssyncadd.s32 $0xFFFFFFB0  }
0x13c: {  	_ =	swait.ge [sflag:s12], $0x50  }
0x13d: {  	s21 =	smov.u32 s19;
	[sflag:s12] =	ssyncset.done $0x0  }
0x13e: {  	s18 =	sshra.s32 s18, $0x2;
	[sflag:s12] =	ssyncadd.s32 $0xFFFFFFB0  }
0x13f: {  	[spmem:s2] =	stream.indirect.scatter.add.f32 [tilespmem:s11], [sflag:$0x1], $0x1, s18, s10, $0xb8;
	[tilespmem:$0x4580] =	vst v63  }
0x140: {  	s19 =	sadd.s32 $0x80, s18  }
0x141: {  	[spmem:s2] =	stream.indirect.scatter.add.f32 [tilespmem:s11], [sflag:$0x1], $0x1, s19, s10, $0xb8;
	[tilespmem:$0x4580] =	vst v63  }
0x142: {  	s20 =	sadd.s32 $0x100, s18  }
0x143: {  	[spmem:s2] =	stream.indirect.scatter.add.f32 [tilespmem:s11], [sflag:$0x1], $0x1, s20, s10, $0xb8;
	[tilespmem:$0x4580] =	vst v63  }
0x144: {  	s21 =	sadd.s32 $0x180, s18  }
0x145: {  	[spmem:s2] =	stream.indirect.scatter.add.f32 [tilespmem:s11], [sflag:$0x1], $0x1, s21, s10, $0xb8;
	[tilespmem:$0x4580] =	vst v63  }
0x146: {  	s22 =	sadd.s32 $0x200, s18  }
0x147: {  	[spmem:s2] =	stream.indirect.scatter.add.f32 [tilespmem:s11], [sflag:$0x1], $0x1, s22, s10, $0xb8;
	[tilespmem:$0x4580] =	vst v63  }
0x148: {  	s23 =	sadd.s32 $0x280, s18  }
0x149: {  	[spmem:s2] =	stream.indirect.scatter.add.f32 [tilespmem:s11], [sflag:$0x1], $0x1, s23, s10, $0xb8;
	[tilespmem:$0x4580] =	vst v63  }
0x14a: {  	s24 =	sadd.s32 $0x300, s18  }
0x14b: {  	[spmem:s2] =	stream.indirect.scatter.add.f32 [tilespmem:s11], [sflag:$0x1], $0x1, s24, s10, $0xb8;
	[tilespmem:$0x4580] =	vst v63  }
0x14c: {  	s25 =	sadd.s32 $0x380, s18  }
0x14d: {  	[spmem:s2] =	stream.indirect.scatter.add.f32 [tilespmem:s11], [sflag:$0x1], $0x1, s25, s10, $0xb8;
	[tilespmem:$0x4580] =	vst v63  }
0x14e: {  	s26 =	sadd.s32 $0x400, s18  }
0x14f: {  	[spmem:s2] =	stream.indirect.scatter.add.f32 [tilespmem:s11], [sflag:$0x1], $0x1, s26, s10, $0xb8;
	[tilespmem:$0x4580] =	vst v63  }
0x150: {  	s28 =	sadd.s32 $0x480, s18  }
0x151: {  	[spmem:s2] =	stream.indirect.scatter.add.f32 [tilespmem:s11], [sflag:$0x1], $0x1, s28, s10, $0xb8;
	[tilespmem:$0x4580] =	vst v63  }
0x152: {  	s29 =	sadd.s32 $0x500, s18  }
0x153: {  	[spmem:s2] =	stream.indirect.scatter.add.f32 [tilespmem:s11], [sflag:$0x1], $0x1, s29, s10, $0xb8;
	[tilespmem:$0x4580] =	vst v63  }
0x154: {  	s30 =	sadd.s32 $0x580, s18  }
0x155: {  	[spmem:s2] =	stream.indirect.scatter.add.f32 [tilespmem:s11], [sflag:$0x1], $0x1, s30, s10, $0xb8;
	[tilespmem:$0x4580] =	vst v63  }
0x156: {  	s31 =	sadd.s32 $0x600, s18  }
0x157: {  	[spmem:s2] =	stream.indirect.scatter.add.f32 [tilespmem:s11], [sflag:$0x1], $0x1, s31, s10, $0xb8;
	[tilespmem:$0x4580] =	vst v63  }
0x158: {  	s20 =	sadd.s32 $0x680, s18  }
0x159: {  	[spmem:s2] =	stream.indirect.scatter.add.f32 [tilespmem:s11], [sflag:$0x1], $0x1, s20, s10, $0xb8;
	[tilespmem:$0x4580] =	vst v63  }
0x15a: {  	s21 =	sadd.s32 $0x700, s18  }
0x15b: {  	[spmem:s2] =	stream.indirect.scatter.add.f32 [tilespmem:s11], [sflag:$0x1], $0x1, s21, s10, $0xb8;
	[tilespmem:$0x4580] =	vst v63  }
0x15c: {  	s22 =	sadd.s32 $0x780, s18  }
0x15d: {  	[spmem:s2] =	stream.indirect.scatter.add.f32 [tilespmem:s11], [sflag:$0x1], $0x1, s22, s10, $0xb8;
	[tilespmem:$0x4580] =	vst v63  }
0x15e: {  	s23 =	sadd.s32 $0x800, s18  }
0x15f: {  	[spmem:s2] =	stream.indirect.scatter.add.f32 [tilespmem:s11], [sflag:$0x1], $0x1, s23, s10, $0xb8;
	[tilespmem:$0x4580] =	vst v63  }
0x160: {  	s24 =	sadd.s32 $0x880, s18  }
0x161: {  	[spmem:s2] =	stream.indirect.scatter.add.f32 [tilespmem:s11], [sflag:$0x1], $0x1, s24, s10, $0xb8;
	[tilespmem:$0x4580] =	vst v63  }
0x162: {  	s25 =	sadd.s32 $0x900, s18  }
0x163: {  	[spmem:s2] =	stream.indirect.scatter.add.f32 [tilespmem:s11], [sflag:$0x1], $0x1, s25, s10, $0xb8;
	[tilespmem:$0x4580] =	vst v63  }
0x164: {  	s26 =	sadd.s32 $0x980, s18  }
0x165: {  	[spmem:s2] =	stream.indirect.scatter.add.f32 [tilespmem:s11], [sflag:$0x1], $0x1, s26, s10, $0xb8;
	[tilespmem:$0x4580] =	vst v63  }
0x166: {  	s28 =	sadd.s32 $0xA00, s18  }
0x167: {  	[spmem:s2] =	stream.indirect.scatter.add.f32 [tilespmem:s11], [sflag:$0x1], $0x1, s28, s10, $0xb8;
	[tilespmem:$0x4580] =	vst v63  }
0x168: {  	s29 =	sadd.s32 $0xA80, s18  }
0x169: {  	[spmem:s2] =	stream.indirect.scatter.add.f32 [tilespmem:s11], [sflag:$0x1], $0x1, s29, s10, $0xb8;
	[tilespmem:$0x4580] =	vst v63  }
0x16a: {  	s30 =	sadd.s32 $0xB00, s18  }
0x16b: {  	[spmem:s2] =	stream.indirect.scatter.add.f32 [tilespmem:s11], [sflag:$0x1], $0x1, s30, s10, $0xb8;
	[tilespmem:$0x4580] =	vst v63  }
0x16c: {  	s31 =	sadd.s32 $0xB80, s18  }
0x16d: {  	[spmem:s2] =	stream.indirect.scatter.add.f32 [tilespmem:s11], [sflag:$0x1], $0x1, s31, s10, $0xb8;
	[tilespmem:$0x4580] =	vst v63  }
0x16e: {  	s18 =	sadd.s32 $0xC00, s18  }
0x16f: {  	[spmem:s2] =	stream.indirect.scatter.add.f32 [tilespmem:s11], [sflag:$0x1], $0x1, s18, s10, $0xb8;
	[tilespmem:$0x4580] =	vst v63  }
0x170: {  	_ =	swait.ge [sflag:s12], $0x50  }
0x171: {  	[sflag:s12] =	ssyncset.done $0x0  }
0x172: {  	[sflag:s12] =	ssyncadd.s32 $0xFFFFFFB0  }
0x173: {  	_ =	swait.ge [sflag:s12], $0x50  }
0x174: {  	[sflag:s12] =	ssyncset.done $0x0  }
0x175: {  	[sflag:s12] =	ssyncadd.s32 $0xFFFFFFB0  }
0x176: {  	_ =	swait.ge [sflag:s12], $0x50  }
0x177: {  	[sflag:s12] =	ssyncset.done $0x0  }
0x178: {  	[sflag:s12] =	ssyncadd.s32 $0xFFFFFFB0  }
0x179: {  	_ =	swait.ge [sflag:s12], $0x50  }
0x17a: {  	[sflag:s12] =	ssyncset.done $0x0  }
0x17b: {  	[sflag:s12] =	ssyncadd.s32 $0xFFFFFFB0  }
0x17c: {  	_ =	swait.ge [sflag:s12], $0x50  }
0x17d: {  	[sflag:s12] =	ssyncset.done $0x0  }
0x17e: {  	[sflag:s12] =	ssyncadd.s32 $0xFFFFFFB0  }
0x17f: {  	_ =	swait.ge [sflag:s12], $0x50  }
0x180: {  	[sflag:s12] =	ssyncset.done $0x0  }
0x181: {  	[sflag:s12] =	ssyncadd.s32 $0xFFFFFFB0  }
0x182: {  	_ =	swait.ge [sflag:s12], $0x50  }
0x183: {  	[sflag:s12] =	ssyncset.done $0x0  }
0x184: {  	[sflag:s12] =	ssyncadd.s32 $0xFFFFFFB0  }
0x185: {  	_ =	swait.ge [sflag:s12], $0x50  }
0x186: {  	[sflag:s12] =	ssyncset.done $0x0  }
0x187: {  	[sflag:s12] =	ssyncadd.s32 $0xFFFFFFB0  }
0x188: {  	_ =	swait.ge [sflag:s12], $0x50  }
0x189: {  	[sflag:s12] =	ssyncset.done $0x0  }
0x18a: {  	[sflag:s12] =	ssyncadd.s32 $0xFFFFFFB0  }
0x18b: {  	_ =	swait.ge [sflag:s12], $0x50  }
0x18c: {  	[sflag:s12] =	ssyncset.done $0x0  }
0x18d: {  	[sflag:s12] =	ssyncadd.s32 $0xFFFFFFB0  }
0x18e: {  	_ =	swait.ge [sflag:s12], $0x50  }
0x18f: {  	[sflag:s12] =	ssyncset.done $0x0  }
0x190: {  	[sflag:s12] =	ssyncadd.s32 $0xFFFFFFB0  }
0x191: {  	_ =	swait.ge [sflag:s12], $0x50  }
0x192: {  	[sflag:s12] =	ssyncset.done $0x0  }
0x193: {  	[sflag:s12] =	ssyncadd.s32 $0xFFFFFFB0  }
0x194: {  	_ =	swait.ge [sflag:s12], $0x50  }
0x195: {  	[sflag:s12] =	ssyncset.done $0x0  }
0x196: {  	[sflag:s12] =	ssyncadd.s32 $0xFFFFFFB0  }
0x197: {  	_ =	swait.ge [sflag:s12], $0x50  }
0x198: {  	[sflag:s12] =	ssyncset.done $0x0  }
0x199: {  	[sflag:s12] =	ssyncadd.s32 $0xFFFFFFB0  }
0x19a: {  	_ =	swait.ge [sflag:s12], $0x50  }
0x19b: {  	[sflag:s12] =	ssyncset.done $0x0  }
0x19c: {  	[sflag:s12] =	ssyncadd.s32 $0xFFFFFFB0  }
0x19d: {  	_ =	swait.ge [sflag:s12], $0x50  }
0x19e: {  	[sflag:s12] =	ssyncset.done $0x0  }
0x19f: {  	[sflag:s12] =	ssyncadd.s32 $0xFFFFFFB0  }
0x1a0: {  	_ =	swait.ge [sflag:s12], $0x50  }
0x1a1: {  	[sflag:s12] =	ssyncset.done $0x0  }
0x1a2: {  	[sflag:s12] =	ssyncadd.s32 $0xFFFFFFB0  }
0x1a3: {  	_ =	swait.ge [sflag:s12], $0x50  }
0x1a4: {  	[sflag:s12] =	ssyncset.done $0x0  }
0x1a5: {  	[sflag:s12] =	ssyncadd.s32 $0xFFFFFFB0  }
0x1a6: {  	_ =	swait.ge [sflag:s12], $0x50  }
0x1a7: {  	[sflag:s12] =	ssyncset.done $0x0  }
0x1a8: {  	[sflag:s12] =	ssyncadd.s32 $0xFFFFFFB0  }
0x1a9: {  	_ =	swait.ge [sflag:s12], $0x50  }
0x1aa: {  	[sflag:s12] =	ssyncset.done $0x0  }
0x1ab: {  	[sflag:s12] =	ssyncadd.s32 $0xFFFFFFB0  }
0x1ac: {  	_ =	swait.ge [sflag:s12], $0x50  }
0x1ad: {  	[sflag:s12] =	ssyncset.done $0x0  }
0x1ae: {  	[sflag:s12] =	ssyncadd.s32 $0xFFFFFFB0  }
0x1af: {  	_ =	swait.ge [sflag:s12], $0x50  }
0x1b0: {  	[sflag:s12] =	ssyncset.done $0x0  }
0x1b1: {  	[sflag:s12] =	ssyncadd.s32 $0xFFFFFFB0  }
0x1b2: {  	_ =	swait.ge [sflag:s12], $0x50  }
0x1b3: {  	[sflag:s12] =	ssyncset.done $0x0  }
0x1b4: {  	[sflag:s12] =	ssyncadd.s32 $0xFFFFFFB0  }
0x1b5: {  	_ =	swait.ge [sflag:s12], $0x50  }
0x1b6: {  	[sflag:s12] =	ssyncset.done $0x0  }
0x1b7: {  	[sflag:s12] =	ssyncadd.s32 $0xFFFFFFB0  }
0x1b8: {  	_ =	swait.ge [sflag:s12], $0x50  }
0x1b9: {  	s17 =	sadd.s32 $0x1, s17;
	[sflag:s12] =	ssyncset.done $0x0  }
0x1ba: {  	p0 =	sne.s32 s17, s7;
	[sflag:s12] =	ssyncadd.s32 $0xFFFFFFB0  }
.Ltmp1:
0x1bb: {  	[bflag:$0x0] =	sbarrier.arrive $0xFFFF;
	(pc) =	sbr.rel @p0 .LBB2_1-.Ltmp1, $4  }
0x1bc: {  	[hbm:s6@s15], [sflag:s13] =	dma.strided [spmem:s14@s16], $0x50, s12, $0x10   }
0x1bd: {  	_ =	swait.ge [sflag:s8], $0x50  }
0x1be: {  	[sflag:s8] =	ssyncset.done $0x0  }
0x1bf: {  	[sflag:s8] =	ssyncadd.s32 $0xFFFFFFB0  }
0x1c0: {  	_ =	sfence.sel $0x180000  }
0x1c1: {  	[bflag:$0x0] =	sbarrier.arrive $0xFFFF  }
0x1c2: {  	p0 =	sne.s32 s1, $0x0;
	_ =	strace $0x90000047  }
0x1c3: {  	s0 =	sadd.s32 @!p0 $0x100000, s0;
	[bflag:$0x2] =	sbarrier.arrive $0xFFFF  }
0x1c4: {  	[sflag:s0] =	ssyncadd.tile.s32 @!p0 $0x1;
	_ =	shalt  }
.Lfunc_end2:
_tile_overlayer_lowered:
.L_overlay_start_2:
0x1c5: {  	(tag) =	ssettag $0x2  }
0x1c6: {  	s0 =	rddreg [dreg:$0x0];
	s2 =	stileid.u32  }
0x1c7: {  	s1 =	rddreg [dreg:$0x1];
	p0 =	sne.s32 s2, $0x0  }
0x1c8: {  	s3 =	rddreg [dreg:$0x2];
	[bflag:$0x3] =	sbarrier.arrive $0xFFFF;
	s2 =	simm.s32 @!p0 $0x1C02  }
0x1c9: {  	[timem:s3], [sflag:s2] =	dma.local @!p0 [hbm:s0], s1  }
0x1ca: {  	s0 =	simm.s32 @!p0 $0x2  }
0x1cb: {  	_ =	swait.ge @!p0 [sflag:s0], s1  }
0x1cc: {  	s1 =	ssub.s32 @!p0 $0x0, s1;
	[sflag:s0] =	ssyncset.done @!p0 $0x0  }
0x1cd: {  	[sflag:s0] =	ssyncadd.s32 @!p0 s1  }
0x1ce: {  	[bflag:$0x3] =	sbarrier.arrive $0xFFFF  }
0x1cf: {  	_ =	shalt  }

// kernel: kernel.13.cloned.1.call-start
scs
__scs_entry_jumppad:
0x0: {  	(pc) =	sbr.rel $0x88, $3  }
0x1: {  	(tag) =	ssettag $0x0;
	lr =	simm.s32 $0x1  }
0x2: {  	[smem:$0x3F99] =	sst lr;
	_ =	strace $0xD0000000  }
0x3: {  	_ = 	snop  }
0x4: {  	_ = 	snop  }
0x5: {  	_ = 	snop  }
0x6: {  	_ = 	snop  }
0x7: {  	_ = 	snop  }
__scs_overlays_trampoline_lowered:
0x8: {  	[smem:$0x3FA8] =	sst s0  }
0x9: {  	[smem:$0x3FA9] =	sst s1  }
0xa: {  	[smem:$0x3FAA] =	sst s2  }
0xb: {  	[smem:$0x3FAB] =	sst s3  }
0xc: {  	[smem:$0x3FAC] =	sst s4  }
0xd: {  	[smem:$0x3FAD] =	sst s5  }
0xe: {  	[smem:$0x3FAE] =	sst s6  }
0xf: {  	[smem:$0x3FAF] =	sst s7  }
0x10: {  	[smem:$0x3FB0] =	sst s8  }
0x11: {  	[smem:$0x3FB1] =	sst s9;
	s0 =	simm.s32 @!p0 $0x0  }
0x12: {  	s1 =	sld [smem:$0x3F97];
	s0 =	simm.s32 @p0 $0x1  }
0x13: {  	[smem:$0x3FB2] =	sst s0;
	s0 =	simm.s32 @!p1 $0x0  }
0x14: {  	s2 =	sld [smem:$0x3F96];
	s0 =	simm.s32 @p1 $0x1  }
0x15: {  	[smem:$0x3FB3] =	sst s0;
	s0 =	simm.s32 @!p2 $0x0  }
0x16: {  	s3 =	sld [smem:$0x3FDB];
	s0 =	simm.s32 @p2 $0x1  }
0x17: {  	s4 =	simm.s32 $0x1BF5;
	[smem:$0x3FB5] =	sst s0  }
0x18: {  	s0 =	sld [smem:$0x3F98];
	_ =	swait.ge [sflag:s4], $0x0  }
0x19: {  	s7 =	sld [smem:$0x3F99]  }
0x1a: {  	s8 =	sadd.s32 $0xFFFFE003, lr  }
0x1b: {  	s9 =	sadd.s32 $0xFFFFFEF7, lr;
	s5 =	simm.s32 $0xFFFFFFFF;
	p2 =	slt.u32 s8, $0xFFFFF086  }
0x1c: {  	p1 =	slt.u32 s9, $0xF7A;
	s5 =	simm.s32 @!p2 $0x0  }
0x1d: {  	s5 =	simm.s32 @p1 $0x1;
	p0 =	seq.s32 s7, s2  }
0x1e: {  	s7 =	smul.u32 @!p0 $0xF7A, s2;
	p2 =	seq.s32 @!p0 s5, $0x0  }
0x1f: {  	s9 =	smul.u32 $0xF7A, s1;
	s8 =	simm.s32 @!p0 $0x1BF5;
	p2 =	por !p2, p0  }
0x20: {  	[sflag:s8] =	ssyncset.s32 @!p0 $0xFFFFF086;
	s6 =	sadd.s32 @!p0 s3, s7;
	s7 =	simm.s32 @!p0 $0x108  }
0x21: {  	s3 =	sadd.s32 s3, s9;
	s6 =	sadd.s32 @!p0 $0x88, s6;
	s7 =	simm.s32 @p2 $0x1082  }
0x22: {  	[simem:s7], [sflag:s8] =	dma.local @!p0 [hbm:s6], $0xF7A  }
0x23: {  	s9 =	sor.u32 $0xD0000000, s2;
	s6 =	simm.s32 $0x108;
	_ =	swait.ge @!p0 [sflag:s8], $0x0  }
0x24: {  	s3 =	sadd.s32 $0x88, s3;
	s6 =	simm.s32 @!p1 $0x1082;
	[sflag:s4] =	ssyncset.s32 $0xFFFFF086  }
0x25: {  	[simem:s6], [sflag:s4] =	dma.local [hbm:s3], $0xF7A  }
0x26: {  	[smem:$0x3F99] =	sst s1;
	(tag) =	ssettag s2;
	_ =	strace s9  }
0x27: {  	s1 =	sld [smem:$0x3FA9]  }
0x28: {  	s2 =	sld [smem:$0x3FAA]  }
0x29: {  	s4 =	sld [smem:$0x3FAC]  }
0x2a: {  	p0 =	seq.s32 s5, $0x0;
	s5 =	sld [smem:$0x3FAD]  }
0x2b: {  	s6 =	sld [smem:$0x3FAE]  }
0x2c: {  	s7 =	sld [smem:$0x3FAF]  }
0x2d: {  	s3 =	simm.s32 $0x108;
	s8 =	sld [smem:$0x3FB0]  }
0x2e: {  	s3 =	simm.s32 @!p0 $0x1082;
	s9 =	sld [smem:$0x3FB1]  }
0x2f: {  	lr =	sadd.s32 s0, s3;
	s0 =	sld [smem:$0x3FA8]  }
0x30: {  	s3 =	sld [smem:$0x3FAB]  }
0x31: {  	[smem:$0x3FB4] =	sst s10  }
0x32: {  	s10 =	sld [smem:$0x3FB2];
	_ =	sdelay $0x3  }
0x33: {  	p0 =	seq.s32 s10, $0x1;
	s10 =	sld [smem:$0x3FB4];
	_ =	sdelay $0x3  }
0x34: {  	[smem:$0x3FB4] =	sst s10  }
0x35: {  	s10 =	sld [smem:$0x3FB3];
	_ =	sdelay $0x3  }
0x36: {  	p1 =	seq.s32 s10, $0x1;
	s10 =	sld [smem:$0x3FB4];
	_ =	sdelay $0x3  }
0x37: {  	[smem:$0x3FB4] =	sst s10  }
0x38: {  	s10 =	sld [smem:$0x3FB5]  }
0x39: {  	_ = 	snop;
	(pc) =	sbr.ind lr, $3  }
0x3a: {  	_ = 	snop  }
0x3b: {  	_ = 	snop  }
0x3c: {  	p2 =	seq.s32 s10, $0x1;
	s10 =	sld [smem:$0x3FB4]  }
0x3d: {  	_ =	shalt  }
0x3e: {  	_ =	shalt  }
0x3f: {  	_ =	shalt  }
0x40: {  	_ =	shalt  }
0x41: {  	_ =	shalt  }
0x42: {  	_ =	shalt  }
0x43: {  	_ =	shalt  }
0x44: {  	_ =	shalt  }
0x45: {  	_ =	shalt  }
0x46: {  	_ =	shalt  }
0x47: {  	_ =	shalt  }
0x48: {  	_ =	shalt  }
0x49: {  	_ =	shalt  }
0x4a: {  	_ =	shalt  }
0x4b: {  	_ =	shalt  }
0x4c: {  	_ =	shalt  }
0x4d: {  	_ =	shalt  }
0x4e: {  	_ =	shalt  }
0x4f: {  	_ =	shalt  }
0x50: {  	_ =	shalt  }
0x51: {  	_ =	shalt  }
0x52: {  	_ =	shalt  }
0x53: {  	_ =	shalt  }
0x54: {  	_ =	shalt  }
0x55: {  	_ =	shalt  }
0x56: {  	_ =	shalt  }
0x57: {  	_ =	shalt  }
0x58: {  	_ =	shalt  }
0x59: {  	_ =	shalt  }
0x5a: {  	_ =	shalt  }
0x5b: {  	_ =	shalt  }
0x5c: {  	_ =	shalt  }
0x5d: {  	_ =	shalt  }
0x5e: {  	_ =	shalt  }
0x5f: {  	_ =	shalt  }
0x60: {  	_ =	shalt  }
0x61: {  	_ =	shalt  }
0x62: {  	_ =	shalt  }
0x63: {  	_ =	shalt  }
0x64: {  	_ =	shalt  }
0x65: {  	_ =	shalt  }
0x66: {  	_ =	shalt  }
0x67: {  	_ =	shalt  }
0x68: {  	_ =	shalt  }
0x69: {  	_ =	shalt  }
0x6a: {  	_ =	shalt  }
0x6b: {  	_ =	shalt  }
0x6c: {  	_ =	shalt  }
0x6d: {  	_ =	shalt  }
0x6e: {  	_ =	shalt  }
0x6f: {  	_ =	shalt  }
0x70: {  	_ =	shalt  }
0x71: {  	_ =	shalt  }
0x72: {  	_ =	shalt  }
0x73: {  	_ =	shalt  }
0x74: {  	_ =	shalt  }
0x75: {  	_ =	shalt  }
0x76: {  	_ =	shalt  }
0x77: {  	_ =	shalt  }
0x78: {  	_ =	shalt  }
0x79: {  	_ =	shalt  }
0x7a: {  	_ =	shalt  }
0x7b: {  	_ =	shalt  }
0x7c: {  	_ =	shalt  }
0x7d: {  	_ =	shalt  }
0x7e: {  	_ =	shalt  }
0x7f: {  	_ =	shalt  }
0x80: {  	_ =	shalt  }
0x81: {  	_ =	shalt  }
0x82: {  	_ =	shalt  }
0x83: {  	_ =	shalt  }
0x84: {  	_ =	shalt  }
0x85: {  	_ =	shalt  }
0x86: {  	_ =	shalt  }
0x87: {  	_ =	shalt  }
.Lfunc_end0:
.L_simem_size_0:
called_computation.1_lowered:
.L_overlay_start_0:
0x88: {  	s2 =	sld [smem:$0x3FD9]  }
0x89: {  	s3 =	sld [smem:$0x3FFE];
	_ =	sdelay $0x1  }
0x8a: {  	s1 =	srdreg.scid  }
0x8b: {  	s0 =	sand.u32 $0x1, s1  }
0x8c: {  	s16 =	sshll.u32 s0, $0xA;
	s2 =	sadd.s32 s3, s2  }
0x8d: {  	s2 =	sadd.s32 s2, s16  }
0x8e: {  	[smem:$0x3FC0] =	sst s2  }
0x8f: {  	_ = 	snop  }
0x90: {  	(tm) =	ssettm $0x1  }
0x91: {  	s17 =	sld [smem:$0x3FFB];
	_ =	sdelay $0x3  }
0x92: {  	_ =	strace s17  }
0x93: {  	s2 =	sld [smem:$0x3FFC];
	_ =	sdelay $0x3  }
0x94: {  	_ =	strace s2  }
0x95: {  	s2 =	sld [smem:$0x3FFD];
	_ =	sdelay $0x3  }
0x96: {  	_ =	strace s2  }
0x97: {  	_ =	strace $0x8FFFFFFF  }
0x98: {  	s18 =	sld [smem:$0x3FDB];
	_ =	sdelay $0x1  }
0x99: {  	s19 =	simm.s32 $_scs_section_size  }
0x9a: {  	s4 =	simm.s32 $_size__tile_overlayer_lowered;
	s5 =	simm.s32 $_tile_overlayer_lowered  }
0x9b: {  	s22 =	simm.s32 $0x1BFF;
	s21 =	sshll.u32 s5, $0x1;
	s2 =	sadd.s32 s19, s18  }
0x9c: {  	s6 =	simm.s32 $0x0;
	s20 =	sshll.u32 s4, $0x1;
	s4 =	sadd.s32 s21, s2  }
0x9d: {  	[timem:s6], [sflag:s22] =	dma.local [hbm:s4], s20  }
0x9e: {  	_ =	swait.ge [sflag:s22], s20  }
0x9f: {  	s3 =	ssub.s32 $0x0, s20;
	[sflag:s22] =	ssyncset.done $0x0  }
0xa0: {  	[sflag:s22] =	ssyncadd.s32 s3;
	_ =	sdelay $0x1  }
0xa1: {  	s23 =	simm.s32 $0x1B8B  }
0xa2: {  	_ =	swait.ge [sflag:s23], $0x1  }
0xa3: {  	[sflag:s23] =	ssyncset.done $0x0  }
0xa4: {  	s25 =	simm.s32 $0x1B8E;
	s24 =	sld [smem:$0x3FFE];
	[sflag:s23] =	ssyncadd.s32 $0xFFFFFFFF  }
0xa5: {  	s26 =	simm.s32 $execute0_lowered;
	[smem:$0x3FD2] =	sst s25  }
0xa6: {  	s4 =	sshll.u32 s26, $0x1;
	_ =	strace $0x80000049;
	[dreg:$0x1] =	wrdreg $0xFFFFFFFF  }
0xa7: {  	s28 =	simm.s32 $_size_execute0_lowered;
	s2 =	sadd.s32 s2, s4;
	[dreg:$0x0] =	wrdreg $0x0  }
0xa8: {  	s4 =	sshll.u32 s28, $0x1;
	[dreg:$0x2] =	wrdreg s2  }
0xa9: {  	[dreg:$0x3] =	wrdreg s4  }
0xaa: {  	[dreg:$0x4] =	wrdreg $0xC0  }
0xab: {  	_ =	task [dreg:s6], $0x5FFFF  }
0xac: {  	[dreg:$0x1] =	wrdreg $0xFFFFFFFF  }
0xad: {  	[dreg:$0x0] =	wrdreg $0x60  }
0xae: {  	[dreg:$0x2] =	wrdreg s24  }
0xaf: {  	[dreg:$0x3] =	wrdreg $0x5C000  }
0xb0: {  	[dreg:$0x4] =	wrdreg $0x9  }
0xb1: {  	_ =	task.clear_ibuf [dreg:s6], $0x5FFFF;
	_ =	strace $0x90000049  }
0xb2: {  	s29 =	simm.s32 $0x9;
	_ =	strace $0x8000004B  }
0xb3: {  	_ =	swait.ge [sflag:s29], $0x1  }
0xb4: {  	[sflag:s29] =	ssyncadd.s32 $0xFFFFFFFF  }
0xb5: {  	_ =	strace $0x9000004B  }
0xb6: {  	_ =	sfence  }
0xb7: {  	s30 =	sld [smem:$0x0];
	_ =	sdelay $0x2  }
0xb8: {  	s31 =	sshll.u32 s1, $0xD;
	s1 =	sshrl.u32 s1, $0x2  }
0xb9: {  	s3 =	sand.u32 $0x4000, s31;
	s1 =	sadd.s32 s1, s30  }
0xba: {  	s0 =	sor.u32 s3, s0;
	s1 =	sshll.u32 s1, $0x11  }
0xbb: {  	s0 =	sor.u32 s1, s0  }
0xbc: {  	s0 =	sadd.s32 $0x8F2B, s0  }
0xbd: {  	[sflag:s0] =	ssyncadd.remote.s32 $0x1  }
0xbe: {  	_ =	sfence.sel $0xFFFF  }
0xbf: {  	[dreg:$0x0] =	wrdreg $0xFFFFFFFF;
	(pc) =	sbr.abs _section_cstart, $3  }
0xc0: {  	[dreg:$0x1] =	wrdreg $0xFFFFFFFF  }
0xc1: {  	_ =	task.clear_ibuf [dreg:s6], $0x2FFFF;
	_ =	strace $0x9FFFFFFF  }
0xc2: {  	(tm) =	ssettm $0x7FFFFFFF  }
0xc3: {  	_ =	shalt  }
tec
execute0_lowered:
.L_overlay_start_1:
0x0: {  	(tag) =	ssettag $0x1  }
0x1: {  	s0 =	rddreg [dreg:$0x0]  }
0x2: {  	s1 =	rddreg [dreg:$0x1];
	s2 =	simm.s32 $0x0  }
0x3: {  	s3 =	srdreg.scid;
	s11 =	stileid.u32;
	s28 =	simm.s32 $0x50  }
0x4: {  	s29 =	simm.s32 $0x400;
	s30 =	simm.s32 $0x2;
	s31 =	simm.s32 $0x2C00  }
0x5: {  	[smem:$0x7FF] =	sst s2;
	s3 =	sand.u32 $0x1, s3;
	s4 =	sadd.s32 $0x23800, s0  }
0x6: {  	s5 =	sadd.s32 $0x13800, s0;
	s8 =	smul.u32 $0x14000, s11;
	s6 =	sadd.s32 $0x3800, s0  }
0x7: {  	s10 =	sshll.u32 s11, $0xE;
	s23 =	smul.u32 $0x50000, s11;
	_ =	strace $0x8000004A  }
0x8: {  	s7 =	smul.u32 $0x140000, s3;
	s9 =	sshll.u32 s3, $0x12;
	s3 =	ssub.s32 $0x2, s3  }
0x9: {  	s17 =	sshrl.u32 s3, $0x1;
	s26 =	sshrl.u32 s23, $0x2;
	s23 =	simm.s32 $0x6  }
0xa: {  	s8 =	sadd.s32 s8, s7;
	s7 =	sor.u32 s10, s9;
	s3 =	ssub.s32 s3, s17  }
0xb: {  	s16 =	sadd.s32 s26, s1;
	s8 =	sshrl.u32 s8, $0x3;
	s10 =	sshrl.u32 s7, $0x3  }
0xc: {  	s26 =	simm.s32 $0x1;
	s0 =	sadd.s32 s8, s0;
	s19 =	sadd.s32 s5, s10  }
0xd: {  	s18 =	sor.u32 $0x10, s10;
	s20 =	sadd.s32 s6, s10;
	[dreg:$0x3] =	wrdreg s19  }
0xe: {  	s22 =	sor.u32 $0x20, s10;
	s25 =	sor.u32 $0x30, s10;
	[dreg:$0x4] =	wrdreg s20  }
0xf: {  	s21 =	sadd.s32 s5, s18;
	s8 =	sadd.s32 s6, s18;
	s24 =	sadd.s32 s5, s22  }
0x10: {  	s10 =	sadd.s32 s5, s25;
	s17 =	sadd.s32 $0x4B800, s0;
	[dreg:$0x5] =	wrdreg s21  }
.Ltmp0:
0x11: {  	s18 =	smax.u32 s3, $0x1;
	[dreg:$0x6] =	wrdreg s8;
	(pc) =	sbr.rel .LBB2_1-.Ltmp0, $4  }
0x12: {  	s0 =	simm.s32 $0x5400;
	s3 =	simm.s32 $0x8;
	[dreg:$0x7] =	wrdreg s24  }
0x13: {  	s8 =	sadd.s32 s6, s22;
	[dreg:$0x9] =	wrdreg s10;
	s10 =	simm.s32 $0x200  }
0x14: {  	s21 =	simm.s32 $0x5;
	[dreg:$0x8] =	wrdreg s8;
	s8 =	sadd.s32 s6, s25  }
0x15: {  	v0 =	vimm.f32 $0.0e+00;
	s22 =	simm.s32 $0x7;
	s24 =	simm.s32 $0x0;
	[dreg:$0xa] =	wrdreg s8  }
.LBB2_10:
0x16: {  	_ =	swait.ge [sflag:s21], $0x2800  }
0x17: {  	[sflag:s21] =	ssyncset.done $0x0  }
0x18: {  	s10 =	simm.s32 $0x200;
	[sflag:s21] =	ssyncadd.s32 $0xFFFFD800  }
0x19: {  	[spmem:s1] =	stream.indirect.scatter.add.f32 [tilespmem:s29], [sflag:$0x7], $0x80, s10, s28, $0xb8;
	[tilespmem:$0x19C00] =	vst v63  }
0x1a: {  	s8 =	stileid.u32;
	_ =	swait.ge [sflag:s22], $0x2800  }
0x1b: {  	s9 =	sshrl.u32 s16, $0x3;
	s24 =	sadd.s32 $0x1, s24;
	[sflag:s22] =	ssyncset.done $0x0  }
0x1c: {  	s8 =	sshll.u32 s8, $0x6;
	p0 =	sne.s32 s24, s18;
	[sflag:s22] =	ssyncadd.s32 $0xFFFFD800  }
.Ltmp1:
0x1d: {  	s8 =	sor.u32 $0x1C08, s8;
	[bflag:$0x0] =	sbarrier.arrive $0xFFFF;
	(pc) =	sbr.rel @!p0 .LBB2_11-.Ltmp1, $4  }
0x1e: {  	[hbm:s17], [sflag:s8] =	dma.local [spmem:s9], $0x2800  }
0x1f: {  	_ =	swait.ge [sflag:s3], $0x2800  }
0x20: {  	[sflag:s3] =	ssyncset.done $0x0  }
0x21: {  	[sflag:s3] =	ssyncadd.s32 $0xFFFFD800  }
.LBB2_1:
0x22: {  	s8 =	rddreg [dreg:$0x3]  }
0x23: {  	[tilespmem:s2], [sflag:$0x1] =	stream.linear.gather [hbm4b:s8+s2], $0x80, $0x38;
	[tilespmem:$0x19C00] =	vst v63  }
0x24: {  	s15 =	rddreg [dreg:$0x4]  }
0x25: {  	[tilespmem:s10], [sflag:$0x1] =	stream.linear.gather [hbm4b:s15+s2], $0x80, $0x38;
	[tilespmem:$0x19C00] =	vst v63  }
0x26: {  	s19 =	rddreg [dreg:$0x5];
	s9 =	simm.s32 $0x80  }
0x27: {  	[tilespmem:s9], [sflag:$0x2] =	stream.linear.gather [hbm4b:s19+s2], $0x80, $0x38;
	[tilespmem:$0x19C00] =	vst v63  }
0x28: {  	s20 =	rddreg [dreg:$0x6];
	s25 =	simm.s32 $0x280  }
0x29: {  	[tilespmem:s25], [sflag:$0x2] =	stream.linear.gather [hbm4b:s20+s2], $0x80, $0x38;
	[tilespmem:$0x19C00] =	vst v63  }
0x2a: {  	s11 =	rddreg [dreg:$0x7];
	s12 =	simm.s32 $0x100  }
0x2b: {  	[tilespmem:s12], [sflag:$0x3] =	stream.linear.gather [hbm4b:s11+s2], $0x80, $0x38;
	[tilespmem:$0x19C00] =	vst v63  }
0x2c: {  	s13 =	rddreg [dreg:$0x8];
	s14 =	simm.s32 $0x300  }
0x2d: {  	[tilespmem:s14], [sflag:$0x3] =	stream.linear.gather [hbm4b:s13+s2], $0x80, $0x38;
	[tilespmem:$0x19C00] =	vst v63  }
0x2e: {  	s15 =	rddreg [dreg:$0x9];
	s19 =	simm.s32 $0x180  }
0x2f: {  	[tilespmem:s19], [sflag:$0x4] =	stream.linear.gather [hbm4b:s15+s2], $0x80, $0x38;
	[tilespmem:$0x19C00] =	vst v63  }
0x30: {  	s20 =	rddreg [dreg:$0xa];
	s25 =	simm.s32 $0x380  }
0x31: {  	[tilespmem:s25], [sflag:$0x4] =	stream.linear.gather [hbm4b:s20+s2], $0x80, $0x38;
	[tilespmem:$0x19C00] =	vst v63  }
0x32: {  	_ =	swait.ge [sflag:s26], $0x80  }
0x33: {  	[sflag:s26] =	ssyncset.done $0x0  }
0x34: {  	[sflag:s26] =	ssyncadd.s32 $0xFFFFFF80  }
0x35: {  	_ =	swait.ge [sflag:s26], $0x80  }
0x36: {  	[sflag:s26] =	ssyncset.done $0x0  }
0x37: {  	[sflag:s26] =	ssyncadd.s32 $0xFFFFFF80  }
0x38: {  	[tilespmem:s29], [sflag:$0x5] =	stream.indirect.gather [hbm4b:s4+s28], $0x80, s2, s28, $0xb8;
	[tilespmem:$0x19C00] =	vst v63  }
0x39: {  	_ =	swait.ge [sflag:s30], $0x80  }
0x3a: {  	[sflag:s30] =	ssyncset.done $0x0  }
0x3b: {  	[sflag:s30] =	ssyncadd.s32 $0xFFFFFF80  }
0x3c: {  	_ =	swait.ge [sflag:s30], $0x80  }
0x3d: {  	[sflag:s30] =	ssyncset.done $0x0  }
0x3e: {  	[sflag:s30] =	ssyncadd.s32 $0xFFFFFF80  }
0x3f: {  	[tilespmem:s31], [sflag:$0x6] =	stream.indirect.gather [hbm4b:s4+s28], $0x80, s9, s28, $0xb8;
	[tilespmem:$0x19C00] =	vst v63  }
0x40: {  	s8 =	simm.s32 $0x0;
	s9 =	simm.s32 $0x200  }
.LBB2_2:
0x41: {  	p0 =	seq.s32 s9, $0x1E00;
	[tilespmem:s8+$0x5470] =	vst v0  }
0x42: {  	[tilespmem:s8+$0x5400] =	vst v0  }
0x43: {  	[tilespmem:s8+$0x5410] =	vst v0  }
.Ltmp2:
0x44: {  	[tilespmem:s8+$0x5420] =	vst v0;
	(pc) =	sbr.rel @!p0 .LBB2_2-.Ltmp2, $4  }
0x45: {  	[tilespmem:s8+$0x5430] =	vst v0  }
0x46: {  	[tilespmem:s8+$0x5440] =	vst v0  }
0x47: {  	[tilespmem:s8+$0x5450] =	vst v0  }
0x48: {  	[tilespmem:s8+$0x5460] =	vst v0;
	s8 =	sshra.s32 s9, $0x2;
	s9 =	sadd.s32 $0x200, s9  }
0x49: {  	[tilespmem:s8+$0x5470] =	vst v0  }
0x4a: {  	[tilespmem:s8+$0x5400] =	vst v0  }
0x4b: {  	[tilespmem:s8+$0x5410] =	vst v0  }
0x4c: {  	[tilespmem:s8+$0x5420] =	vst v0  }
0x4d: {  	[tilespmem:s8+$0x5430] =	vst v0  }
0x4e: {  	[tilespmem:s8+$0x5440] =	vst v0  }
0x4f: {  	[tilespmem:s8+$0x5450] =	vst v0  }
0x50: {  	[tilespmem:s8+$0x5460] =	vst v0;
	s25 =	sadd.s32 $0x0, s16  }
0x51: {  	[spmem:s25] =	stream.linear.scatter [tilespmem:s0], [sflag:$0x8], $0x800, $0x38;
	[tilespmem:$0x19C00] =	vst v63  }
0x52: {  	s8 =	simm.s32 $0x2000;
	_ =	swait.ge [sflag:s3], $0x800  }
.LBB2_4:
0x53: {  	s9 =	sshra.s32 s8, $0x2;
	[sflag:s3] =	ssyncset.done $0x0;
	p0 =	sne.s32 s8, $0x4E000  }
.Ltmp3:
0x54: {  	s9 =	sadd.s32 s9, s16;
	[sflag:s3] =	ssyncadd.s32 $0xFFFFF800;
	(pc) =	sbr.rel @p0 .LBB2_4-.Ltmp3, $3  }
0x55: {  	[spmem:s9] =	stream.linear.scatter [tilespmem:s0], [sflag:$0x8], $0x800, $0x38;
	[tilespmem:$0x19C00] =	vst v63  }
0x56: {  	s8 =	sadd.s32 $0x2000, s8;
	_ =	sdelay $0x1  }
0x57: {  	_ =	swait.ge [sflag:s3], $0x800  }
.Ltmp4:
0x58: {  	(pc) =	sbr.rel .LBB2_6-.Ltmp4, $4  }
0x59: {  	[sflag:s3] =	ssyncset.done $0x0  }
0x5a: {  	[sflag:s3] =	ssyncadd.s32 $0xFFFFF800  }
0x5b: {  	s25 =	simm.s32 $0x280;
	[bflag:$0x0] =	sbarrier.arrive $0xFFFF  }
0x5c: {  	s8 =	simm.s32 $0x0;
	s9 =	simm.s32 $0x0;
	s10 =	simm.s32 $0x0  }
.LBB2_7:
0x5d: {  	s11 =	sand.u32 $0x7C00, s25  }
0x5e: {  	s12 =	sand.u32 $0x380, s25;
	s11 =	sadd.s32 s7, s11  }
0x5f: {  	s13 =	sadd.s32 $0x5, s9;
	s11 =	sor.u32 s12, s11  }
0x60: {  	s20 =	sand.u32 $0x3, s13;
	s11 =	sshrl.u32 s11, $0x3  }
0x61: {  	s13 =	sadd.s32 $0x1, s20;
	s12 =	sshll.u32 s20, $0x7;
	s14 =	sadd.s32 s5, s11  }
0x62: {  	[tilespmem:s12], [sflag:s13] =	stream.linear.gather [hbm4b:s14+s2], $0x80, $0x38;
	[tilespmem:$0x19C00] =	vst v63  }
0x63: {  	s11 =	sadd.s32 s6, s11;
	s12 =	sor.u32 $0x200, s12  }
0x64: {  	[tilespmem:s12], [sflag:s13] =	stream.linear.gather [hbm4b:s11+s2], $0x80, $0x38;
	[tilespmem:$0x19C00] =	vst v63  }
.LBB2_9:
0x65: {  	s11 =	sadd.s32 $0xFFFFFFFF, s9  }
0x66: {  	s11 =	sand.u32 $0x3, s11  }
0x67: {  	s12 =	sadd.s32 $0x1, s11  }
0x68: {  	s9 =	sadd.s32 $0x2, s9;
	_ =	swait.ge [sflag:s12], $0x80  }
0x69: {  	p0 =	sne.s32 s9, $0x7C;
	[sflag:s12] =	ssyncset.done $0x0  }
.Ltmp5:
0x6a: {  	[sflag:s12] =	ssyncadd.s32 $0xFFFFFF80;
	(pc) =	sbr.rel @!p0 .LBB2_10-.Ltmp5, $4  }
0x6b: {  	_ =	swait.ge [sflag:s12], $0x80  }
0x6c: {  	s10 =	sadd.s32 $0x1, s10;
	s25 =	sadd.s32 $0x100, s25;
	[sflag:s12] =	ssyncset.done $0x0  }
0x6d: {  	s8 =	sadd.s32 $0x400, s8;
	s11 =	sshll.u32 s11, $0x7;
	[sflag:s12] =	ssyncadd.s32 $0xFFFFFF80  }
0x6e: {  	[tilespmem:s31], [sflag:$0x6] =	stream.indirect.gather [hbm4b:s4+s28], $0x80, s11, s28, $0xb8;
	[tilespmem:$0x19C00] =	vst v63  }
.LBB2_6:
0x6f: {  	_ =	swait.ge [sflag:s21], $0x2800;
	s11 =	sshrl.u32 s8, $0x2  }
0x70: {  	[sflag:s21] =	ssyncset.done $0x0;
	s11 =	sand.u32 $0x100, s11  }
0x71: {  	p0 =	seq.s32 s9, $0x7A;
	[sflag:s21] =	ssyncadd.s32 $0xFFFFD800;
	s12 =	sor.u32 $0x200, s11  }
0x72: {  	[spmem:s1] =	stream.indirect.scatter.add.f32 [tilespmem:s29], [sflag:$0x7], $0x80, s12, s28, $0xb8;
	[tilespmem:$0x19C00] =	vst v63  }
0x73: {  	s12 =	sadd.s32 @!p0 $0xFFFFFF80, s25  }
0x74: {  	s13 =	sand.u32 @!p0 $0x7C00, s12  }
0x75: {  	s14 =	sand.u32 @!p0 $0x2, s9;
	s12 =	sand.u32 @!p0 $0x300, s12;
	s13 =	sadd.s32 @!p0 s7, s13  }
0x76: {  	s20 =	simm.s32 @!p0 $0x0;
	_ =	swait.ge [sflag:s22], $0x2800;
	s12 =	sor.u32 @!p0 s12, s13  }
0x77: {  	s15 =	sshll.u32 @!p0 s14, $0x7;
	[sflag:s22] =	ssyncset.done $0x0;
	s12 =	sshrl.u32 @!p0 s12, $0x3  }
0x78: {  	[sflag:s22] =	ssyncadd.s32 $0xFFFFD800;
	s13 =	sor.u32 @!p0 $0x1, s14;
	s19 =	sadd.s32 @!p0 s5, s12  }
0x79: {  	[tilespmem:s15], [sflag:s13] =	stream.linear.gather @!p0 [hbm4b:s19+s20], $0x80, $0x38;
	[tilespmem:$0x19C00] =	vst v63  }
0x7a: {  	s12 =	sadd.s32 @!p0 s6, s12;
	s15 =	sor.u32 @!p0 $0x200, s15  }
0x7b: {  	[tilespmem:s15], [sflag:s13] =	stream.linear.gather @!p0 [hbm4b:s12+s20], $0x80, $0x38;
	[tilespmem:$0x19C00] =	vst v63  }
0x7c: {  	s12 =	sxor.u32 @!p0 $0x2, s14  }
0x7d: {  	s12 =	simm.s32 @p0 $0x0  }
0x7e: {  	s20 =	sadd.s32 $0x1, s12  }
0x7f: {  	_ =	swait.ge [sflag:s20], $0x80  }
0x80: {  	[sflag:s20] =	ssyncset.done $0x0  }
0x81: {  	[sflag:s20] =	ssyncadd.s32 $0xFFFFFF80  }
0x82: {  	_ =	swait.ge [sflag:s20], $0x80  }
0x83: {  	[sflag:s20] =	ssyncset.done $0x0  }
0x84: {  	s12 =	sshll.u32 s12, $0x7;
	[sflag:s20] =	ssyncadd.s32 $0xFFFFFF80  }
0x85: {  	[tilespmem:s29], [sflag:$0x5] =	stream.indirect.gather [hbm4b:s4+s28], $0x80, s12, s28, $0xb8;
	[tilespmem:$0x19C00] =	vst v63  }
0x86: {  	_ =	swait.ge [sflag:s23], $0x2800  }
0x87: {  	p1 =	sgt.u32 s10, $0x3B;
	[sflag:s23] =	ssyncset.done $0x0  }
.Ltmp6:
0x88: {  	s11 =	sadd.s32 $0x280, s11;
	[sflag:s23] =	ssyncadd.s32 $0xFFFFD800;
	(pc) =	sbr.rel @!p1 .LBB2_7-.Ltmp6, $4  }
0x89: {  	[spmem:s1] =	stream.indirect.scatter.add.f32 [tilespmem:s31], [sflag:$0x7], $0x80, s11, s28, $0xb8;
	[tilespmem:$0x19C00] =	vst v63  }
0x8a: {  	_ =	swait.ge [sflag:s22], $0x2800  }
0x8b: {  	[sflag:s22] =	ssyncset.done $0x0  }
0x8c: {  	[sflag:s22] =	ssyncadd.s32 $0xFFFFD800  }
.Ltmp7:
0x8d: {  	(pc) =	sbr.rel @!p0 .LBB2_9-.Ltmp7, $4  }
.Ltmp8:
0x8e: {  	(pc) =	sbr.rel @p0 .LBB2_10-.Ltmp8, $4  }
0x8f: {  	_ = 	snop  }
0x90: {  	_ = 	snop  }
0x91: {  	_ = 	snop  }
0x92: {  	_ = 	snop  }
.LBB2_11:
0x93: {  	_ =	sfence.sel $0x180000  }
0x94: {  	[bflag:$0x0] =	sbarrier.arrive $0xFFFF  }
0x95: {  	_ =	strace $0x9000004A  }
0x96: {  	s0 =	stileid.u32;
	[bflag:$0x2] =	sbarrier.arrive $0xFFFF  }
0x97: {  	p0 =	sne.s32 s0, $0x0;
	s0 =	rddreg [dreg:$0x2]  }
0x98: {  	s0 =	sadd.s32 @!p0 $0x100000, s0  }
0x99: {  	[sflag:s0] =	ssyncadd.tile.s32 @!p0 $0x1;
	_ =	shalt  }
.Lfunc_end2:
_tile_overlayer_lowered:
.L_overlay_start_2:
0x9a: {  	(tag) =	ssettag $0x2  }
0x9b: {  	s0 =	rddreg [dreg:$0x0];
	s2 =	stileid.u32  }
0x9c: {  	s1 =	rddreg [dreg:$0x1];
	p0 =	sne.s32 s2, $0x0  }
0x9d: {  	s3 =	rddreg [dreg:$0x2];
	[bflag:$0x3] =	sbarrier.arrive $0xFFFF;
	s2 =	simm.s32 @!p0 $0x1C08  }
0x9e: {  	[timem:s3], [sflag:s2] =	dma.local @!p0 [hbm:s0], s1  }
0x9f: {  	s0 =	simm.s32 @!p0 $0x8  }
0xa0: {  	_ =	swait.ge @!p0 [sflag:s0], s1  }
0xa1: {  	s1 =	ssub.s32 @!p0 $0x0, s1;
	[sflag:s0] =	ssyncset.done @!p0 $0x0  }
0xa2: {  	[sflag:s0] =	ssyncadd.s32 @!p0 s1  }
0xa3: {  	[bflag:$0x3] =	sbarrier.arrive $0xFFFF  }
0xa4: {  	_ =	shalt  }

// kernel: kernel.16.cloned.1.call-start
scs
__scs_entry_jumppad:
0x0: {  	(pc) =	sbr.rel $0x88, $3  }
0x1: {  	(tag) =	ssettag $0x0;
	lr =	simm.s32 $0x1  }
0x2: {  	[smem:$0x3F99] =	sst lr;
	_ =	strace $0xD0000000  }
0x3: {  	_ = 	snop  }
0x4: {  	_ = 	snop  }
0x5: {  	_ = 	snop  }
0x6: {  	_ = 	snop  }
0x7: {  	_ = 	snop  }
__scs_overlays_trampoline_lowered:
0x8: {  	[smem:$0x3FA8] =	sst s0  }
0x9: {  	[smem:$0x3FA9] =	sst s1  }
0xa: {  	[smem:$0x3FAA] =	sst s2  }
0xb: {  	[smem:$0x3FAB] =	sst s3  }
0xc: {  	[smem:$0x3FAC] =	sst s4  }
0xd: {  	[smem:$0x3FAD] =	sst s5  }
0xe: {  	[smem:$0x3FAE] =	sst s6  }
0xf: {  	[smem:$0x3FAF] =	sst s7  }
0x10: {  	[smem:$0x3FB0] =	sst s8  }
0x11: {  	[smem:$0x3FB1] =	sst s9;
	s0 =	simm.s32 @!p0 $0x0  }
0x12: {  	s1 =	sld [smem:$0x3F97];
	s0 =	simm.s32 @p0 $0x1  }
0x13: {  	[smem:$0x3FB2] =	sst s0;
	s0 =	simm.s32 @!p1 $0x0  }
0x14: {  	s2 =	sld [smem:$0x3F96];
	s0 =	simm.s32 @p1 $0x1  }
0x15: {  	[smem:$0x3FB3] =	sst s0;
	s0 =	simm.s32 @!p2 $0x0  }
0x16: {  	s3 =	sld [smem:$0x3FDB];
	s0 =	simm.s32 @p2 $0x1  }
0x17: {  	s4 =	simm.s32 $0x1BF5;
	[smem:$0x3FB5] =	sst s0  }
0x18: {  	s0 =	sld [smem:$0x3F98];
	_ =	swait.ge [sflag:s4], $0x0  }
0x19: {  	s7 =	sld [smem:$0x3F99]  }
0x1a: {  	s8 =	sadd.s32 $0xFFFFE003, lr  }
0x1b: {  	s9 =	sadd.s32 $0xFFFFFEF7, lr;
	s5 =	simm.s32 $0xFFFFFFFF;
	p2 =	slt.u32 s8, $0xFFFFF086  }
0x1c: {  	p1 =	slt.u32 s9, $0xF7A;
	s5 =	simm.s32 @!p2 $0x0  }
0x1d: {  	s5 =	simm.s32 @p1 $0x1;
	p0 =	seq.s32 s7, s2  }
0x1e: {  	s7 =	smul.u32 @!p0 $0xF7A, s2;
	p2 =	seq.s32 @!p0 s5, $0x0  }
0x1f: {  	s9 =	smul.u32 $0xF7A, s1;
	s8 =	simm.s32 @!p0 $0x1BF5;
	p2 =	por !p2, p0  }
0x20: {  	[sflag:s8] =	ssyncset.s32 @!p0 $0xFFFFF086;
	s6 =	sadd.s32 @!p0 s3, s7;
	s7 =	simm.s32 @!p0 $0x108  }
0x21: {  	s3 =	sadd.s32 s3, s9;
	s6 =	sadd.s32 @!p0 $0x88, s6;
	s7 =	simm.s32 @p2 $0x1082  }
0x22: {  	[simem:s7], [sflag:s8] =	dma.local @!p0 [hbm:s6], $0xF7A  }
0x23: {  	s9 =	sor.u32 $0xD0000000, s2;
	s6 =	simm.s32 $0x108;
	_ =	swait.ge @!p0 [sflag:s8], $0x0  }
0x24: {  	s3 =	sadd.s32 $0x88, s3;
	s6 =	simm.s32 @!p1 $0x1082;
	[sflag:s4] =	ssyncset.s32 $0xFFFFF086  }
0x25: {  	[simem:s6], [sflag:s4] =	dma.local [hbm:s3], $0xF7A  }
0x26: {  	[smem:$0x3F99] =	sst s1;
	(tag) =	ssettag s2;
	_ =	strace s9  }
0x27: {  	s1 =	sld [smem:$0x3FA9]  }
0x28: {  	s2 =	sld [smem:$0x3FAA]  }
0x29: {  	s4 =	sld [smem:$0x3FAC]  }
0x2a: {  	p0 =	seq.s32 s5, $0x0;
	s5 =	sld [smem:$0x3FAD]  }
0x2b: {  	s6 =	sld [smem:$0x3FAE]  }
0x2c: {  	s7 =	sld [smem:$0x3FAF]  }
0x2d: {  	s3 =	simm.s32 $0x108;
	s8 =	sld [smem:$0x3FB0]  }
0x2e: {  	s3 =	simm.s32 @!p0 $0x1082;
	s9 =	sld [smem:$0x3FB1]  }
0x2f: {  	lr =	sadd.s32 s0, s3;
	s0 =	sld [smem:$0x3FA8]  }
0x30: {  	s3 =	sld [smem:$0x3FAB]  }
0x31: {  	[smem:$0x3FB4] =	sst s10  }
0x32: {  	s10 =	sld [smem:$0x3FB2];
	_ =	sdelay $0x3  }
0x33: {  	p0 =	seq.s32 s10, $0x1;
	s10 =	sld [smem:$0x3FB4];
	_ =	sdelay $0x3  }
0x34: {  	[smem:$0x3FB4] =	sst s10  }
0x35: {  	s10 =	sld [smem:$0x3FB3];
	_ =	sdelay $0x3  }
0x36: {  	p1 =	seq.s32 s10, $0x1;
	s10 =	sld [smem:$0x3FB4];
	_ =	sdelay $0x3  }
0x37: {  	[smem:$0x3FB4] =	sst s10  }
0x38: {  	s10 =	sld [smem:$0x3FB5]  }
0x39: {  	_ = 	snop;
	(pc) =	sbr.ind lr, $3  }
0x3a: {  	_ = 	snop  }
0x3b: {  	_ = 	snop  }
0x3c: {  	p2 =	seq.s32 s10, $0x1;
	s10 =	sld [smem:$0x3FB4]  }
0x3d: {  	_ =	shalt  }
0x3e: {  	_ =	shalt  }
0x3f: {  	_ =	shalt  }
0x40: {  	_ =	shalt  }
0x41: {  	_ =	shalt  }
0x42: {  	_ =	shalt  }
0x43: {  	_ =	shalt  }
0x44: {  	_ =	shalt  }
0x45: {  	_ =	shalt  }
0x46: {  	_ =	shalt  }
0x47: {  	_ =	shalt  }
0x48: {  	_ =	shalt  }
0x49: {  	_ =	shalt  }
0x4a: {  	_ =	shalt  }
0x4b: {  	_ =	shalt  }
0x4c: {  	_ =	shalt  }
0x4d: {  	_ =	shalt  }
0x4e: {  	_ =	shalt  }
0x4f: {  	_ =	shalt  }
0x50: {  	_ =	shalt  }
0x51: {  	_ =	shalt  }
0x52: {  	_ =	shalt  }
0x53: {  	_ =	shalt  }
0x54: {  	_ =	shalt  }
0x55: {  	_ =	shalt  }
0x56: {  	_ =	shalt  }
0x57: {  	_ =	shalt  }
0x58: {  	_ =	shalt  }
0x59: {  	_ =	shalt  }
0x5a: {  	_ =	shalt  }
0x5b: {  	_ =	shalt  }
0x5c: {  	_ =	shalt  }
0x5d: {  	_ =	shalt  }
0x5e: {  	_ =	shalt  }
0x5f: {  	_ =	shalt  }
0x60: {  	_ =	shalt  }
0x61: {  	_ =	shalt  }
0x62: {  	_ =	shalt  }
0x63: {  	_ =	shalt  }
0x64: {  	_ =	shalt  }
0x65: {  	_ =	shalt  }
0x66: {  	_ =	shalt  }
0x67: {  	_ =	shalt  }
0x68: {  	_ =	shalt  }
0x69: {  	_ =	shalt  }
0x6a: {  	_ =	shalt  }
0x6b: {  	_ =	shalt  }
0x6c: {  	_ =	shalt  }
0x6d: {  	_ =	shalt  }
0x6e: {  	_ =	shalt  }
0x6f: {  	_ =	shalt  }
0x70: {  	_ =	shalt  }
0x71: {  	_ =	shalt  }
0x72: {  	_ =	shalt  }
0x73: {  	_ =	shalt  }
0x74: {  	_ =	shalt  }
0x75: {  	_ =	shalt  }
0x76: {  	_ =	shalt  }
0x77: {  	_ =	shalt  }
0x78: {  	_ =	shalt  }
0x79: {  	_ =	shalt  }
0x7a: {  	_ =	shalt  }
0x7b: {  	_ =	shalt  }
0x7c: {  	_ =	shalt  }
0x7d: {  	_ =	shalt  }
0x7e: {  	_ =	shalt  }
0x7f: {  	_ =	shalt  }
0x80: {  	_ =	shalt  }
0x81: {  	_ =	shalt  }
0x82: {  	_ =	shalt  }
0x83: {  	_ =	shalt  }
0x84: {  	_ =	shalt  }
0x85: {  	_ =	shalt  }
0x86: {  	_ =	shalt  }
0x87: {  	_ =	shalt  }
.Lfunc_end0:
.L_simem_size_0:
called_computation.2_lowered:
.L_overlay_start_0:
0x88: {  	s2 =	sld [smem:$0x3FD9]  }
0x89: {  	s3 =	sld [smem:$0x3FFE];
	_ =	sdelay $0x1  }
0x8a: {  	s1 =	srdreg.scid  }
0x8b: {  	s0 =	sand.u32 $0x1, s1  }
0x8c: {  	s16 =	sshll.u32 s0, $0xA;
	s2 =	sadd.s32 s3, s2  }
0x8d: {  	s2 =	sadd.s32 s2, s16  }
0x8e: {  	[smem:$0x3FC0] =	sst s2  }
0x8f: {  	_ = 	snop  }
0x90: {  	(tm) =	ssettm $0x1  }
0x91: {  	s17 =	sld [smem:$0x3FFB];
	_ =	sdelay $0x3  }
0x92: {  	_ =	strace s17  }
0x93: {  	s2 =	sld [smem:$0x3FFC];
	_ =	sdelay $0x3  }
0x94: {  	_ =	strace s2  }
0x95: {  	s2 =	sld [smem:$0x3FFD];
	_ =	sdelay $0x3  }
0x96: {  	_ =	strace s2  }
0x97: {  	_ =	strace $0x8FFFFFFF  }
0x98: {  	s18 =	sld [smem:$0x3FDB];
	_ =	sdelay $0x1  }
0x99: {  	s19 =	simm.s32 $_scs_section_size  }
0x9a: {  	s4 =	simm.s32 $_size__tile_overlayer_lowered;
	s5 =	simm.s32 $_tile_overlayer_lowered  }
0x9b: {  	s22 =	simm.s32 $0x1BFF;
	s21 =	sshll.u32 s5, $0x1;
	s2 =	sadd.s32 s19, s18  }
0x9c: {  	s6 =	simm.s32 $0x0;
	s20 =	sshll.u32 s4, $0x1;
	s4 =	sadd.s32 s21, s2  }
0x9d: {  	[timem:s6], [sflag:s22] =	dma.local [hbm:s4], s20  }
0x9e: {  	_ =	swait.ge [sflag:s22], s20  }
0x9f: {  	s3 =	ssub.s32 $0x0, s20;
	[sflag:s22] =	ssyncset.done $0x0  }
0xa0: {  	[sflag:s22] =	ssyncadd.s32 s3;
	_ =	sdelay $0x1  }
0xa1: {  	s23 =	simm.s32 $0x1B8B  }
0xa2: {  	_ =	swait.ge [sflag:s23], $0x1  }
0xa3: {  	[sflag:s23] =	ssyncset.done $0x0  }
0xa4: {  	s25 =	simm.s32 $0x1B8E;
	s24 =	sld [smem:$0x3FFE];
	[sflag:s23] =	ssyncadd.s32 $0xFFFFFFFF  }
0xa5: {  	s26 =	simm.s32 $execute0_lowered;
	[smem:$0x3FD2] =	sst s25  }
0xa6: {  	s4 =	sshll.u32 s26, $0x1;
	_ =	strace $0x8000004C;
	[dreg:$0x1] =	wrdreg $0xFFFFFFFF  }
0xa7: {  	s28 =	simm.s32 $_size_execute0_lowered;
	s2 =	sadd.s32 s2, s4;
	[dreg:$0x0] =	wrdreg $0x0  }
0xa8: {  	s4 =	sshll.u32 s28, $0x1;
	[dreg:$0x2] =	wrdreg s2  }
0xa9: {  	[dreg:$0x3] =	wrdreg s4  }
0xaa: {  	[dreg:$0x4] =	wrdreg $0xC0  }
0xab: {  	_ =	task [dreg:s6], $0x5FFFF  }
0xac: {  	[dreg:$0x1] =	wrdreg $0xFFFFFFFF  }
0xad: {  	[dreg:$0x0] =	wrdreg $0x60  }
0xae: {  	[dreg:$0x2] =	wrdreg s24  }
0xaf: {  	[dreg:$0x3] =	wrdreg $0x5C000  }
0xb0: {  	[dreg:$0x4] =	wrdreg $0x9  }
0xb1: {  	_ =	task.clear_ibuf [dreg:s6], $0x5FFFF;
	_ =	strace $0x9000004C  }
0xb2: {  	s29 =	simm.s32 $0x9;
	_ =	strace $0x8000004E  }
0xb3: {  	_ =	swait.ge [sflag:s29], $0x1  }
0xb4: {  	[sflag:s29] =	ssyncadd.s32 $0xFFFFFFFF  }
0xb5: {  	_ =	strace $0x9000004E  }
0xb6: {  	_ =	sfence  }
0xb7: {  	s30 =	sld [smem:$0x0];
	_ =	sdelay $0x2  }
0xb8: {  	s31 =	sshll.u32 s1, $0xD;
	s1 =	sshrl.u32 s1, $0x2  }
0xb9: {  	s3 =	sand.u32 $0x4000, s31;
	s1 =	sadd.s32 s1, s30  }
0xba: {  	s0 =	sor.u32 s3, s0;
	s1 =	sshll.u32 s1, $0x11  }
0xbb: {  	s0 =	sor.u32 s1, s0  }
0xbc: {  	s0 =	sadd.s32 $0x8F2B, s0  }
0xbd: {  	[sflag:s0] =	ssyncadd.remote.s32 $0x1  }
0xbe: {  	_ =	sfence.sel $0xFFFF  }
0xbf: {  	[dreg:$0x0] =	wrdreg $0xFFFFFFFF;
	(pc) =	sbr.abs _section_cstart, $3  }
0xc0: {  	[dreg:$0x1] =	wrdreg $0xFFFFFFFF  }
0xc1: {  	_ =	task.clear_ibuf [dreg:s6], $0x2FFFF;
	_ =	strace $0x9FFFFFFF  }
0xc2: {  	(tm) =	ssettm $0x7FFFFFFF  }
0xc3: {  	_ =	shalt  }
tec
execute0_lowered:
.L_overlay_start_1:
0x0: {  	(tag) =	ssettag $0x1  }
0x1: {  	s0 =	rddreg [dreg:$0x0]  }
0x2: {  	s1 =	rddreg [dreg:$0x1];
	s2 =	simm.s32 $0x0  }
0x3: {  	s3 =	srdreg.scid;
	s11 =	stileid.u32;
	s28 =	simm.s32 $0x50  }
0x4: {  	s29 =	simm.s32 $0x400;
	s30 =	simm.s32 $0x2;
	s31 =	simm.s32 $0x2C00  }
0x5: {  	[smem:$0x7FF] =	sst s2;
	s3 =	sand.u32 $0x1, s3;
	s4 =	sadd.s32 $0x23800, s0  }
0x6: {  	s5 =	sadd.s32 $0x13800, s0;
	s8 =	smul.u32 $0x14000, s11;
	s6 =	sadd.s32 $0x3800, s0  }
0x7: {  	s10 =	sshll.u32 s11, $0xE;
	s23 =	smul.u32 $0x50000, s11;
	_ =	strace $0x8000004D  }
0x8: {  	s7 =	smul.u32 $0x140000, s3;
	s9 =	sshll.u32 s3, $0x12;
	s3 =	ssub.s32 $0x2, s3  }
0x9: {  	s17 =	sshrl.u32 s3, $0x1;
	s26 =	sshrl.u32 s23, $0x2;
	s23 =	simm.s32 $0x6  }
0xa: {  	s8 =	sadd.s32 s8, s7;
	s7 =	sor.u32 s10, s9;
	s3 =	ssub.s32 s3, s17  }
0xb: {  	s16 =	sadd.s32 s26, s1;
	s8 =	sshrl.u32 s8, $0x3;
	s10 =	sshrl.u32 s7, $0x3  }
0xc: {  	s26 =	simm.s32 $0x1;
	s0 =	sadd.s32 s8, s0;
	s19 =	sadd.s32 s5, s10  }
0xd: {  	s18 =	sor.u32 $0x10, s10;
	s20 =	sadd.s32 s6, s10;
	[dreg:$0x3] =	wrdreg s19  }
0xe: {  	s22 =	sor.u32 $0x20, s10;
	s25 =	sor.u32 $0x30, s10;
	[dreg:$0x4] =	wrdreg s20  }
0xf: {  	s21 =	sadd.s32 s5, s18;
	s8 =	sadd.s32 s6, s18;
	s24 =	sadd.s32 s5, s22  }
0x10: {  	s10 =	sadd.s32 s5, s25;
	s17 =	sadd.s32 $0x4B800, s0;
	[dreg:$0x5] =	wrdreg s21  }
.Ltmp0:
0x11: {  	s18 =	smax.u32 s3, $0x1;
	[dreg:$0x6] =	wrdreg s8;
	(pc) =	sbr.rel .LBB2_1-.Ltmp0, $4  }
0x12: {  	s0 =	simm.s32 $0x5400;
	s3 =	simm.s32 $0x8;
	[dreg:$0x7] =	wrdreg s24  }
0x13: {  	s8 =	sadd.s32 s6, s22;
	[dreg:$0x9] =	wrdreg s10;
	s10 =	simm.s32 $0x200  }
0x14: {  	s21 =	simm.s32 $0x5;
	[dreg:$0x8] =	wrdreg s8;
	s8 =	sadd.s32 s6, s25  }
0x15: {  	v0 =	vimm.f32 $0.0e+00;
	s22 =	simm.s32 $0x7;
	s24 =	simm.s32 $0x0;
	[dreg:$0xa] =	wrdreg s8  }
.LBB2_10:
0x16: {  	_ =	swait.ge [sflag:s21], $0x2800  }
0x17: {  	[sflag:s21] =	ssyncset.done $0x0  }
0x18: {  	s10 =	simm.s32 $0x200;
	[sflag:s21] =	ssyncadd.s32 $0xFFFFD800  }
0x19: {  	[spmem:s1] =	stream.indirect.scatter.add.f32 [tilespmem:s29], [sflag:$0x7], $0x80, s10, s28, $0xb8;
	[tilespmem:$0x19C00] =	vst v63  }
0x1a: {  	s8 =	stileid.u32;
	_ =	swait.ge [sflag:s22], $0x2800  }
0x1b: {  	s9 =	sshrl.u32 s16, $0x3;
	s24 =	sadd.s32 $0x1, s24;
	[sflag:s22] =	ssyncset.done $0x0  }
0x1c: {  	s8 =	sshll.u32 s8, $0x6;
	p0 =	sne.s32 s24, s18;
	[sflag:s22] =	ssyncadd.s32 $0xFFFFD800  }
.Ltmp1:
0x1d: {  	s8 =	sor.u32 $0x1C08, s8;
	[bflag:$0x0] =	sbarrier.arrive $0xFFFF;
	(pc) =	sbr.rel @!p0 .LBB2_11-.Ltmp1, $4  }
0x1e: {  	[hbm:s17], [sflag:s8] =	dma.local [spmem:s9], $0x2800  }
0x1f: {  	_ =	swait.ge [sflag:s3], $0x2800  }
0x20: {  	[sflag:s3] =	ssyncset.done $0x0  }
0x21: {  	[sflag:s3] =	ssyncadd.s32 $0xFFFFD800  }
.LBB2_1:
0x22: {  	s8 =	rddreg [dreg:$0x3]  }
0x23: {  	[tilespmem:s2], [sflag:$0x1] =	stream.linear.gather [hbm4b:s8+s2], $0x80, $0x38;
	[tilespmem:$0x19C00] =	vst v63  }
0x24: {  	s15 =	rddreg [dreg:$0x4]  }
0x25: {  	[tilespmem:s10], [sflag:$0x1] =	stream.linear.gather [hbm4b:s15+s2], $0x80, $0x38;
	[tilespmem:$0x19C00] =	vst v63  }
0x26: {  	s19 =	rddreg [dreg:$0x5];
	s9 =	simm.s32 $0x80  }
0x27: {  	[tilespmem:s9], [sflag:$0x2] =	stream.linear.gather [hbm4b:s19+s2], $0x80, $0x38;
	[tilespmem:$0x19C00] =	vst v63  }
0x28: {  	s20 =	rddreg [dreg:$0x6];
	s25 =	simm.s32 $0x280  }
0x29: {  	[tilespmem:s25], [sflag:$0x2] =	stream.linear.gather [hbm4b:s20+s2], $0x80, $0x38;
	[tilespmem:$0x19C00] =	vst v63  }
0x2a: {  	s11 =	rddreg [dreg:$0x7];
	s12 =	simm.s32 $0x100  }
0x2b: {  	[tilespmem:s12], [sflag:$0x3] =	stream.linear.gather [hbm4b:s11+s2], $0x80, $0x38;
	[tilespmem:$0x19C00] =	vst v63  }
0x2c: {  	s13 =	rddreg [dreg:$0x8];
	s14 =	simm.s32 $0x300  }
0x2d: {  	[tilespmem:s14], [sflag:$0x3] =	stream.linear.gather [hbm4b:s13+s2], $0x80, $0x38;
	[tilespmem:$0x19C00] =	vst v63  }
0x2e: {  	s15 =	rddreg [dreg:$0x9];
	s19 =	simm.s32 $0x180  }
0x2f: {  	[tilespmem:s19], [sflag:$0x4] =	stream.linear.gather [hbm4b:s15+s2], $0x80, $0x38;
	[tilespmem:$0x19C00] =	vst v63  }
0x30: {  	s20 =	rddreg [dreg:$0xa];
	s25 =	simm.s32 $0x380  }
0x31: {  	[tilespmem:s25], [sflag:$0x4] =	stream.linear.gather [hbm4b:s20+s2], $0x80, $0x38;
	[tilespmem:$0x19C00] =	vst v63  }
0x32: {  	_ =	swait.ge [sflag:s26], $0x80  }
0x33: {  	[sflag:s26] =	ssyncset.done $0x0  }
0x34: {  	[sflag:s26] =	ssyncadd.s32 $0xFFFFFF80  }
0x35: {  	_ =	swait.ge [sflag:s26], $0x80  }
0x36: {  	[sflag:s26] =	ssyncset.done $0x0  }
0x37: {  	[sflag:s26] =	ssyncadd.s32 $0xFFFFFF80  }
0x38: {  	[tilespmem:s29], [sflag:$0x5] =	stream.indirect.gather [hbm4b:s4+s28], $0x80, s2, s28, $0xb8;
	[tilespmem:$0x19C00] =	vst v63  }
0x39: {  	_ =	swait.ge [sflag:s30], $0x80  }
0x3a: {  	[sflag:s30] =	ssyncset.done $0x0  }
0x3b: {  	[sflag:s30] =	ssyncadd.s32 $0xFFFFFF80  }
0x3c: {  	_ =	swait.ge [sflag:s30], $0x80  }
0x3d: {  	[sflag:s30] =	ssyncset.done $0x0  }
0x3e: {  	[sflag:s30] =	ssyncadd.s32 $0xFFFFFF80  }
0x3f: {  	[tilespmem:s31], [sflag:$0x6] =	stream.indirect.gather [hbm4b:s4+s28], $0x80, s9, s28, $0xb8;
	[tilespmem:$0x19C00] =	vst v63  }
0x40: {  	s8 =	simm.s32 $0x0;
	s9 =	simm.s32 $0x200  }
.LBB2_2:
0x41: {  	p0 =	seq.s32 s9, $0x1E00;
	[tilespmem:s8+$0x5470] =	vst v0  }
0x42: {  	[tilespmem:s8+$0x5400] =	vst v0  }
0x43: {  	[tilespmem:s8+$0x5410] =	vst v0  }
.Ltmp2:
0x44: {  	[tilespmem:s8+$0x5420] =	vst v0;
	(pc) =	sbr.rel @!p0 .LBB2_2-.Ltmp2, $4  }
0x45: {  	[tilespmem:s8+$0x5430] =	vst v0  }
0x46: {  	[tilespmem:s8+$0x5440] =	vst v0  }
0x47: {  	[tilespmem:s8+$0x5450] =	vst v0  }
0x48: {  	[tilespmem:s8+$0x5460] =	vst v0;
	s8 =	sshra.s32 s9, $0x2;
	s9 =	sadd.s32 $0x200, s9  }
0x49: {  	[tilespmem:s8+$0x5470] =	vst v0  }
0x4a: {  	[tilespmem:s8+$0x5400] =	vst v0  }
0x4b: {  	[tilespmem:s8+$0x5410] =	vst v0  }
0x4c: {  	[tilespmem:s8+$0x5420] =	vst v0  }
0x4d: {  	[tilespmem:s8+$0x5430] =	vst v0  }
0x4e: {  	[tilespmem:s8+$0x5440] =	vst v0  }
0x4f: {  	[tilespmem:s8+$0x5450] =	vst v0  }
0x50: {  	[tilespmem:s8+$0x5460] =	vst v0;
	s25 =	sadd.s32 $0x0, s16  }
0x51: {  	[spmem:s25] =	stream.linear.scatter [tilespmem:s0], [sflag:$0x8], $0x800, $0x38;
	[tilespmem:$0x19C00] =	vst v63  }
0x52: {  	s8 =	simm.s32 $0x2000;
	_ =	swait.ge [sflag:s3], $0x800  }
.LBB2_4:
0x53: {  	s9 =	sshra.s32 s8, $0x2;
	[sflag:s3] =	ssyncset.done $0x0;
	p0 =	sne.s32 s8, $0x4E000  }
.Ltmp3:
0x54: {  	s9 =	sadd.s32 s9, s16;
	[sflag:s3] =	ssyncadd.s32 $0xFFFFF800;
	(pc) =	sbr.rel @p0 .LBB2_4-.Ltmp3, $3  }
0x55: {  	[spmem:s9] =	stream.linear.scatter [tilespmem:s0], [sflag:$0x8], $0x800, $0x38;
	[tilespmem:$0x19C00] =	vst v63  }
0x56: {  	s8 =	sadd.s32 $0x2000, s8;
	_ =	sdelay $0x1  }
0x57: {  	_ =	swait.ge [sflag:s3], $0x800  }
.Ltmp4:
0x58: {  	(pc) =	sbr.rel .LBB2_6-.Ltmp4, $4  }
0x59: {  	[sflag:s3] =	ssyncset.done $0x0  }
0x5a: {  	[sflag:s3] =	ssyncadd.s32 $0xFFFFF800  }
0x5b: {  	s25 =	simm.s32 $0x280;
	[bflag:$0x0] =	sbarrier.arrive $0xFFFF  }
0x5c: {  	s8 =	simm.s32 $0x0;
	s9 =	simm.s32 $0x0;
	s10 =	simm.s32 $0x0  }
.LBB2_7:
0x5d: {  	s11 =	sand.u32 $0x7C00, s25  }
0x5e: {  	s12 =	sand.u32 $0x380, s25;
	s11 =	sadd.s32 s7, s11  }
0x5f: {  	s13 =	sadd.s32 $0x5, s9;
	s11 =	sor.u32 s12, s11  }
0x60: {  	s20 =	sand.u32 $0x3, s13;
	s11 =	sshrl.u32 s11, $0x3  }
0x61: {  	s13 =	sadd.s32 $0x1, s20;
	s12 =	sshll.u32 s20, $0x7;
	s14 =	sadd.s32 s5, s11  }
0x62: {  	[tilespmem:s12], [sflag:s13] =	stream.linear.gather [hbm4b:s14+s2], $0x80, $0x38;
	[tilespmem:$0x19C00] =	vst v63  }
0x63: {  	s11 =	sadd.s32 s6, s11;
	s12 =	sor.u32 $0x200, s12  }
0x64: {  	[tilespmem:s12], [sflag:s13] =	stream.linear.gather [hbm4b:s11+s2], $0x80, $0x38;
	[tilespmem:$0x19C00] =	vst v63  }
.LBB2_9:
0x65: {  	s11 =	sadd.s32 $0xFFFFFFFF, s9  }
0x66: {  	s11 =	sand.u32 $0x3, s11  }
0x67: {  	s12 =	sadd.s32 $0x1, s11  }
0x68: {  	s9 =	sadd.s32 $0x2, s9;
	_ =	swait.ge [sflag:s12], $0x80  }
0x69: {  	p0 =	sne.s32 s9, $0x7C;
	[sflag:s12] =	ssyncset.done $0x0  }
.Ltmp5:
0x6a: {  	[sflag:s12] =	ssyncadd.s32 $0xFFFFFF80;
	(pc) =	sbr.rel @!p0 .LBB2_10-.Ltmp5, $4  }
0x6b: {  	_ =	swait.ge [sflag:s12], $0x80  }
0x6c: {  	s10 =	sadd.s32 $0x1, s10;
	s25 =	sadd.s32 $0x100, s25;
	[sflag:s12] =	ssyncset.done $0x0  }
0x6d: {  	s8 =	sadd.s32 $0x400, s8;
	s11 =	sshll.u32 s11, $0x7;
	[sflag:s12] =	ssyncadd.s32 $0xFFFFFF80  }
0x6e: {  	[tilespmem:s31], [sflag:$0x6] =	stream.indirect.gather [hbm4b:s4+s28], $0x80, s11, s28, $0xb8;
	[tilespmem:$0x19C00] =	vst v63  }
.LBB2_6:
0x6f: {  	_ =	swait.ge [sflag:s21], $0x2800;
	s11 =	sshrl.u32 s8, $0x2  }
0x70: {  	[sflag:s21] =	ssyncset.done $0x0;
	s11 =	sand.u32 $0x100, s11  }
0x71: {  	p0 =	seq.s32 s9, $0x7A;
	[sflag:s21] =	ssyncadd.s32 $0xFFFFD800;
	s12 =	sor.u32 $0x200, s11  }
0x72: {  	[spmem:s1] =	stream.indirect.scatter.add.f32 [tilespmem:s29], [sflag:$0x7], $0x80, s12, s28, $0xb8;
	[tilespmem:$0x19C00] =	vst v63  }
0x73: {  	s12 =	sadd.s32 @!p0 $0xFFFFFF80, s25  }
0x74: {  	s13 =	sand.u32 @!p0 $0x7C00, s12  }
0x75: {  	s14 =	sand.u32 @!p0 $0x2, s9;
	s12 =	sand.u32 @!p0 $0x300, s12;
	s13 =	sadd.s32 @!p0 s7, s13  }
0x76: {  	s20 =	simm.s32 @!p0 $0x0;
	_ =	swait.ge [sflag:s22], $0x2800;
	s12 =	sor.u32 @!p0 s12, s13  }
0x77: {  	s15 =	sshll.u32 @!p0 s14, $0x7;
	[sflag:s22] =	ssyncset.done $0x0;
	s12 =	sshrl.u32 @!p0 s12, $0x3  }
0x78: {  	[sflag:s22] =	ssyncadd.s32 $0xFFFFD800;
	s13 =	sor.u32 @!p0 $0x1, s14;
	s19 =	sadd.s32 @!p0 s5, s12  }
0x79: {  	[tilespmem:s15], [sflag:s13] =	stream.linear.gather @!p0 [hbm4b:s19+s20], $0x80, $0x38;
	[tilespmem:$0x19C00] =	vst v63  }
0x7a: {  	s12 =	sadd.s32 @!p0 s6, s12;
	s15 =	sor.u32 @!p0 $0x200, s15  }
0x7b: {  	[tilespmem:s15], [sflag:s13] =	stream.linear.gather @!p0 [hbm4b:s12+s20], $0x80, $0x38;
	[tilespmem:$0x19C00] =	vst v63  }
0x7c: {  	s12 =	sxor.u32 @!p0 $0x2, s14  }
0x7d: {  	s12 =	simm.s32 @p0 $0x0  }
0x7e: {  	s20 =	sadd.s32 $0x1, s12  }
0x7f: {  	_ =	swait.ge [sflag:s20], $0x80  }
0x80: {  	[sflag:s20] =	ssyncset.done $0x0  }
0x81: {  	[sflag:s20] =	ssyncadd.s32 $0xFFFFFF80  }
0x82: {  	_ =	swait.ge [sflag:s20], $0x80  }
0x83: {  	[sflag:s20] =	ssyncset.done $0x0  }
0x84: {  	s12 =	sshll.u32 s12, $0x7;
	[sflag:s20] =	ssyncadd.s32 $0xFFFFFF80  }
0x85: {  	[tilespmem:s29], [sflag:$0x5] =	stream.indirect.gather [hbm4b:s4+s28], $0x80, s12, s28, $0xb8;
	[tilespmem:$0x19C00] =	vst v63  }
0x86: {  	_ =	swait.ge [sflag:s23], $0x2800  }
0x87: {  	p1 =	sgt.u32 s10, $0x3B;
	[sflag:s23] =	ssyncset.done $0x0  }
.Ltmp6:
0x88: {  	s11 =	sadd.s32 $0x280, s11;
	[sflag:s23] =	ssyncadd.s32 $0xFFFFD800;
	(pc) =	sbr.rel @!p1 .LBB2_7-.Ltmp6, $4  }
0x89: {  	[spmem:s1] =	stream.indirect.scatter.add.f32 [tilespmem:s31], [sflag:$0x7], $0x80, s11, s28, $0xb8;
	[tilespmem:$0x19C00] =	vst v63  }
0x8a: {  	_ =	swait.ge [sflag:s22], $0x2800  }
0x8b: {  	[sflag:s22] =	ssyncset.done $0x0  }
0x8c: {  	[sflag:s22] =	ssyncadd.s32 $0xFFFFD800  }
.Ltmp7:
0x8d: {  	(pc) =	sbr.rel @!p0 .LBB2_9-.Ltmp7, $4  }
.Ltmp8:
0x8e: {  	(pc) =	sbr.rel @p0 .LBB2_10-.Ltmp8, $4  }
0x8f: {  	_ = 	snop  }
0x90: {  	_ = 	snop  }
0x91: {  	_ = 	snop  }
0x92: {  	_ = 	snop  }
.LBB2_11:
0x93: {  	_ =	sfence.sel $0x180000  }
0x94: {  	[bflag:$0x0] =	sbarrier.arrive $0xFFFF  }
0x95: {  	_ =	strace $0x9000004D  }
0x96: {  	s0 =	stileid.u32;
	[bflag:$0x2] =	sbarrier.arrive $0xFFFF  }
0x97: {  	p0 =	sne.s32 s0, $0x0;
	s0 =	rddreg [dreg:$0x2]  }
0x98: {  	s0 =	sadd.s32 @!p0 $0x100000, s0  }
0x99: {  	[sflag:s0] =	ssyncadd.tile.s32 @!p0 $0x1;
	_ =	shalt  }
.Lfunc_end2:
_tile_overlayer_lowered:
.L_overlay_start_2:
0x9a: {  	(tag) =	ssettag $0x2  }
0x9b: {  	s0 =	rddreg [dreg:$0x0];
	s2 =	stileid.u32  }
0x9c: {  	s1 =	rddreg [dreg:$0x1];
	p0 =	sne.s32 s2, $0x0  }
0x9d: {  	s3 =	rddreg [dreg:$0x2];
	[bflag:$0x3] =	sbarrier.arrive $0xFFFF;
	s2 =	simm.s32 @!p0 $0x1C08  }
0x9e: {  	[timem:s3], [sflag:s2] =	dma.local @!p0 [hbm:s0], s1  }
0x9f: {  	s0 =	simm.s32 @!p0 $0x8  }
0xa0: {  	_ =	swait.ge @!p0 [sflag:s0], s1  }
0xa1: {  	s1 =	ssub.s32 @!p0 $0x0, s1;
	[sflag:s0] =	ssyncset.done @!p0 $0x0  }
0xa2: {  	[sflag:s0] =	ssyncadd.s32 @!p0 s1  }
0xa3: {  	[bflag:$0x3] =	sbarrier.arrive $0xFFFF  }
0xa4: {  	_ =	shalt  }

// kernel: kernel.19.cloned.1.call-start
scs
__scs_entry_jumppad:
0x0: {  	(pc) =	sbr.rel $0x88, $3  }
0x1: {  	(tag) =	ssettag $0x0;
	lr =	simm.s32 $0x1  }
0x2: {  	[smem:$0x3F99] =	sst lr;
	_ =	strace $0xD0000000  }
0x3: {  	_ = 	snop  }
0x4: {  	_ = 	snop  }
0x5: {  	_ = 	snop  }
0x6: {  	_ = 	snop  }
0x7: {  	_ = 	snop  }
__scs_overlays_trampoline_lowered:
0x8: {  	[smem:$0x3FA8] =	sst s0  }
0x9: {  	[smem:$0x3FA9] =	sst s1  }
0xa: {  	[smem:$0x3FAA] =	sst s2  }
0xb: {  	[smem:$0x3FAB] =	sst s3  }
0xc: {  	[smem:$0x3FAC] =	sst s4  }
0xd: {  	[smem:$0x3FAD] =	sst s5  }
0xe: {  	[smem:$0x3FAE] =	sst s6  }
0xf: {  	[smem:$0x3FAF] =	sst s7  }
0x10: {  	[smem:$0x3FB0] =	sst s8  }
0x11: {  	[smem:$0x3FB1] =	sst s9;
	s0 =	simm.s32 @!p0 $0x0  }
0x12: {  	s1 =	sld [smem:$0x3F97];
	s0 =	simm.s32 @p0 $0x1  }
0x13: {  	[smem:$0x3FB2] =	sst s0;
	s0 =	simm.s32 @!p1 $0x0  }
0x14: {  	s2 =	sld [smem:$0x3F96];
	s0 =	simm.s32 @p1 $0x1  }
0x15: {  	[smem:$0x3FB3] =	sst s0;
	s0 =	simm.s32 @!p2 $0x0  }
0x16: {  	s3 =	sld [smem:$0x3FDB];
	s0 =	simm.s32 @p2 $0x1  }
0x17: {  	s4 =	simm.s32 $0x1BF5;
	[smem:$0x3FB5] =	sst s0  }
0x18: {  	s0 =	sld [smem:$0x3F98];
	_ =	swait.ge [sflag:s4], $0x0  }
0x19: {  	s7 =	sld [smem:$0x3F99]  }
0x1a: {  	s8 =	sadd.s32 $0xFFFFE003, lr  }
0x1b: {  	s9 =	sadd.s32 $0xFFFFFEF7, lr;
	s5 =	simm.s32 $0xFFFFFFFF;
	p2 =	slt.u32 s8, $0xFFFFF086  }
0x1c: {  	p1 =	slt.u32 s9, $0xF7A;
	s5 =	simm.s32 @!p2 $0x0  }
0x1d: {  	s5 =	simm.s32 @p1 $0x1;
	p0 =	seq.s32 s7, s2  }
0x1e: {  	s7 =	smul.u32 @!p0 $0xF7A, s2;
	p2 =	seq.s32 @!p0 s5, $0x0  }
0x1f: {  	s9 =	smul.u32 $0xF7A, s1;
	s8 =	simm.s32 @!p0 $0x1BF5;
	p2 =	por !p2, p0  }
0x20: {  	[sflag:s8] =	ssyncset.s32 @!p0 $0xFFFFF086;
	s6 =	sadd.s32 @!p0 s3, s7;
	s7 =	simm.s32 @!p0 $0x108  }
0x21: {  	s3 =	sadd.s32 s3, s9;
	s6 =	sadd.s32 @!p0 $0x88, s6;
	s7 =	simm.s32 @p2 $0x1082  }
0x22: {  	[simem:s7], [sflag:s8] =	dma.local @!p0 [hbm:s6], $0xF7A  }
0x23: {  	s9 =	sor.u32 $0xD0000000, s2;
	s6 =	simm.s32 $0x108;
	_ =	swait.ge @!p0 [sflag:s8], $0x0  }
0x24: {  	s3 =	sadd.s32 $0x88, s3;
	s6 =	simm.s32 @!p1 $0x1082;
	[sflag:s4] =	ssyncset.s32 $0xFFFFF086  }
0x25: {  	[simem:s6], [sflag:s4] =	dma.local [hbm:s3], $0xF7A  }
0x26: {  	[smem:$0x3F99] =	sst s1;
	(tag) =	ssettag s2;
	_ =	strace s9  }
0x27: {  	s1 =	sld [smem:$0x3FA9]  }
0x28: {  	s2 =	sld [smem:$0x3FAA]  }
0x29: {  	s4 =	sld [smem:$0x3FAC]  }
0x2a: {  	p0 =	seq.s32 s5, $0x0;
	s5 =	sld [smem:$0x3FAD]  }
0x2b: {  	s6 =	sld [smem:$0x3FAE]  }
0x2c: {  	s7 =	sld [smem:$0x3FAF]  }
0x2d: {  	s3 =	simm.s32 $0x108;
	s8 =	sld [smem:$0x3FB0]  }
0x2e: {  	s3 =	simm.s32 @!p0 $0x1082;
	s9 =	sld [smem:$0x3FB1]  }
0x2f: {  	lr =	sadd.s32 s0, s3;
	s0 =	sld [smem:$0x3FA8]  }
0x30: {  	s3 =	sld [smem:$0x3FAB]  }
0x31: {  	[smem:$0x3FB4] =	sst s10  }
0x32: {  	s10 =	sld [smem:$0x3FB2];
	_ =	sdelay $0x3  }
0x33: {  	p0 =	seq.s32 s10, $0x1;
	s10 =	sld [smem:$0x3FB4];
	_ =	sdelay $0x3  }
0x34: {  	[smem:$0x3FB4] =	sst s10  }
0x35: {  	s10 =	sld [smem:$0x3FB3];
	_ =	sdelay $0x3  }
0x36: {  	p1 =	seq.s32 s10, $0x1;
	s10 =	sld [smem:$0x3FB4];
	_ =	sdelay $0x3  }
0x37: {  	[smem:$0x3FB4] =	sst s10  }
0x38: {  	s10 =	sld [smem:$0x3FB5]  }
0x39: {  	_ = 	snop;
	(pc) =	sbr.ind lr, $3  }
0x3a: {  	_ = 	snop  }
0x3b: {  	_ = 	snop  }
0x3c: {  	p2 =	seq.s32 s10, $0x1;
	s10 =	sld [smem:$0x3FB4]  }
0x3d: {  	_ =	shalt  }
0x3e: {  	_ =	shalt  }
0x3f: {  	_ =	shalt  }
0x40: {  	_ =	shalt  }
0x41: {  	_ =	shalt  }
0x42: {  	_ =	shalt  }
0x43: {  	_ =	shalt  }
0x44: {  	_ =	shalt  }
0x45: {  	_ =	shalt  }
0x46: {  	_ =	shalt  }
0x47: {  	_ =	shalt  }
0x48: {  	_ =	shalt  }
0x49: {  	_ =	shalt  }
0x4a: {  	_ =	shalt  }
0x4b: {  	_ =	shalt  }
0x4c: {  	_ =	shalt  }
0x4d: {  	_ =	shalt  }
0x4e: {  	_ =	shalt  }
0x4f: {  	_ =	shalt  }
0x50: {  	_ =	shalt  }
0x51: {  	_ =	shalt  }
0x52: {  	_ =	shalt  }
0x53: {  	_ =	shalt  }
0x54: {  	_ =	shalt  }
0x55: {  	_ =	shalt  }
0x56: {  	_ =	shalt  }
0x57: {  	_ =	shalt  }
0x58: {  	_ =	shalt  }
0x59: {  	_ =	shalt  }
0x5a: {  	_ =	shalt  }
0x5b: {  	_ =	shalt  }
0x5c: {  	_ =	shalt  }
0x5d: {  	_ =	shalt  }
0x5e: {  	_ =	shalt  }
0x5f: {  	_ =	shalt  }
0x60: {  	_ =	shalt  }
0x61: {  	_ =	shalt  }
0x62: {  	_ =	shalt  }
0x63: {  	_ =	shalt  }
0x64: {  	_ =	shalt  }
0x65: {  	_ =	shalt  }
0x66: {  	_ =	shalt  }
0x67: {  	_ =	shalt  }
0x68: {  	_ =	shalt  }
0x69: {  	_ =	shalt  }
0x6a: {  	_ =	shalt  }
0x6b: {  	_ =	shalt  }
0x6c: {  	_ =	shalt  }
0x6d: {  	_ =	shalt  }
0x6e: {  	_ =	shalt  }
0x6f: {  	_ =	shalt  }
0x70: {  	_ =	shalt  }
0x71: {  	_ =	shalt  }
0x72: {  	_ =	shalt  }
0x73: {  	_ =	shalt  }
0x74: {  	_ =	shalt  }
0x75: {  	_ =	shalt  }
0x76: {  	_ =	shalt  }
0x77: {  	_ =	shalt  }
0x78: {  	_ =	shalt  }
0x79: {  	_ =	shalt  }
0x7a: {  	_ =	shalt  }
0x7b: {  	_ =	shalt  }
0x7c: {  	_ =	shalt  }
0x7d: {  	_ =	shalt  }
0x7e: {  	_ =	shalt  }
0x7f: {  	_ =	shalt  }
0x80: {  	_ =	shalt  }
0x81: {  	_ =	shalt  }
0x82: {  	_ =	shalt  }
0x83: {  	_ =	shalt  }
0x84: {  	_ =	shalt  }
0x85: {  	_ =	shalt  }
0x86: {  	_ =	shalt  }
0x87: {  	_ =	shalt  }
.Lfunc_end0:
.L_simem_size_0:
called_computation.3_lowered:
.L_overlay_start_0:
0x88: {  	s2 =	sld [smem:$0x3FD9]  }
0x89: {  	s3 =	sld [smem:$0x3FFE];
	_ =	sdelay $0x1  }
0x8a: {  	s1 =	srdreg.scid  }
0x8b: {  	s0 =	sand.u32 $0x1, s1  }
0x8c: {  	s16 =	sshll.u32 s0, $0xA;
	s2 =	sadd.s32 s3, s2  }
0x8d: {  	s2 =	sadd.s32 s2, s16  }
0x8e: {  	[smem:$0x3FC0] =	sst s2  }
0x8f: {  	_ = 	snop  }
0x90: {  	(tm) =	ssettm $0x1  }
0x91: {  	s17 =	sld [smem:$0x3FFB];
	_ =	sdelay $0x3  }
0x92: {  	_ =	strace s17  }
0x93: {  	s2 =	sld [smem:$0x3FFC];
	_ =	sdelay $0x3  }
0x94: {  	_ =	strace s2  }
0x95: {  	s2 =	sld [smem:$0x3FFD];
	_ =	sdelay $0x3  }
0x96: {  	_ =	strace s2  }
0x97: {  	_ =	strace $0x8FFFFFFF  }
0x98: {  	s18 =	sld [smem:$0x3FDB];
	_ =	sdelay $0x1  }
0x99: {  	s19 =	simm.s32 $_scs_section_size  }
0x9a: {  	s4 =	simm.s32 $_size__tile_overlayer_lowered;
	s5 =	simm.s32 $_tile_overlayer_lowered  }
0x9b: {  	s22 =	simm.s32 $0x1BFF;
	s21 =	sshll.u32 s5, $0x1;
	s2 =	sadd.s32 s19, s18  }
0x9c: {  	s6 =	simm.s32 $0x0;
	s20 =	sshll.u32 s4, $0x1;
	s4 =	sadd.s32 s21, s2  }
0x9d: {  	[timem:s6], [sflag:s22] =	dma.local [hbm:s4], s20  }
0x9e: {  	_ =	swait.ge [sflag:s22], s20  }
0x9f: {  	s3 =	ssub.s32 $0x0, s20;
	[sflag:s22] =	ssyncset.done $0x0  }
0xa0: {  	[sflag:s22] =	ssyncadd.s32 s3;
	_ =	sdelay $0x1  }
0xa1: {  	s23 =	simm.s32 $0x1B8B  }
0xa2: {  	_ =	swait.ge [sflag:s23], $0x1  }
0xa3: {  	[sflag:s23] =	ssyncset.done $0x0  }
0xa4: {  	s25 =	simm.s32 $0x1B8E;
	s24 =	sld [smem:$0x3FFE];
	[sflag:s23] =	ssyncadd.s32 $0xFFFFFFFF  }
0xa5: {  	s26 =	simm.s32 $execute0_lowered;
	[smem:$0x3FD2] =	sst s25  }
0xa6: {  	s4 =	sshll.u32 s26, $0x1;
	_ =	strace $0x8000004F;
	[dreg:$0x1] =	wrdreg $0xFFFFFFFF  }
0xa7: {  	s28 =	simm.s32 $_size_execute0_lowered;
	s2 =	sadd.s32 s2, s4;
	[dreg:$0x0] =	wrdreg $0x0  }
0xa8: {  	s4 =	sshll.u32 s28, $0x1;
	[dreg:$0x2] =	wrdreg s2  }
0xa9: {  	[dreg:$0x3] =	wrdreg s4  }
0xaa: {  	[dreg:$0x4] =	wrdreg $0xC0  }
0xab: {  	_ =	task [dreg:s6], $0x5FFFF  }
0xac: {  	[dreg:$0x1] =	wrdreg $0xFFFFFFFF  }
0xad: {  	[dreg:$0x0] =	wrdreg $0x60  }
0xae: {  	[dreg:$0x2] =	wrdreg s24  }
0xaf: {  	[dreg:$0x3] =	wrdreg $0x5C000  }
0xb0: {  	[dreg:$0x4] =	wrdreg $0x9  }
0xb1: {  	_ =	task.clear_ibuf [dreg:s6], $0x5FFFF;
	_ =	strace $0x9000004F  }
0xb2: {  	s29 =	simm.s32 $0x9;
	_ =	strace $0x80000051  }
0xb3: {  	_ =	swait.ge [sflag:s29], $0x1  }
0xb4: {  	[sflag:s29] =	ssyncadd.s32 $0xFFFFFFFF  }
0xb5: {  	_ =	strace $0x90000051  }
0xb6: {  	_ =	sfence  }
0xb7: {  	s30 =	sld [smem:$0x0];
	_ =	sdelay $0x2  }
0xb8: {  	s31 =	sshll.u32 s1, $0xD;
	s1 =	sshrl.u32 s1, $0x2  }
0xb9: {  	s3 =	sand.u32 $0x4000, s31;
	s1 =	sadd.s32 s1, s30  }
0xba: {  	s0 =	sor.u32 s3, s0;
	s1 =	sshll.u32 s1, $0x11  }
0xbb: {  	s0 =	sor.u32 s1, s0  }
0xbc: {  	s0 =	sadd.s32 $0x8F2B, s0  }
0xbd: {  	[sflag:s0] =	ssyncadd.remote.s32 $0x1  }
0xbe: {  	_ =	sfence.sel $0xFFFF  }
0xbf: {  	[dreg:$0x0] =	wrdreg $0xFFFFFFFF;
	(pc) =	sbr.abs _section_cstart, $3  }
0xc0: {  	[dreg:$0x1] =	wrdreg $0xFFFFFFFF  }
0xc1: {  	_ =	task.clear_ibuf [dreg:s6], $0x2FFFF;
	_ =	strace $0x9FFFFFFF  }
0xc2: {  	(tm) =	ssettm $0x7FFFFFFF  }
0xc3: {  	_ =	shalt  }
tec
execute0_lowered:
.L_overlay_start_1:
0x0: {  	(tag) =	ssettag $0x1  }
0x1: {  	s0 =	rddreg [dreg:$0x0]  }
0x2: {  	s1 =	rddreg [dreg:$0x1];
	s2 =	simm.s32 $0x0  }
0x3: {  	s3 =	srdreg.scid;
	s11 =	stileid.u32;
	s28 =	simm.s32 $0x50  }
0x4: {  	s29 =	simm.s32 $0x400;
	s30 =	simm.s32 $0x2;
	s31 =	simm.s32 $0x2C00  }
0x5: {  	[smem:$0x7FF] =	sst s2;
	s3 =	sand.u32 $0x1, s3;
	s4 =	sadd.s32 $0x23800, s0  }
0x6: {  	s5 =	sadd.s32 $0x13800, s0;
	s8 =	smul.u32 $0x14000, s11;
	s6 =	sadd.s32 $0x3800, s0  }
0x7: {  	s10 =	sshll.u32 s11, $0xE;
	s23 =	smul.u32 $0x50000, s11;
	_ =	strace $0x80000050  }
0x8: {  	s7 =	smul.u32 $0x140000, s3;
	s9 =	sshll.u32 s3, $0x12;
	s3 =	ssub.s32 $0x2, s3  }
0x9: {  	s17 =	sshrl.u32 s3, $0x1;
	s26 =	sshrl.u32 s23, $0x2;
	s23 =	simm.s32 $0x6  }
0xa: {  	s8 =	sadd.s32 s8, s7;
	s7 =	sor.u32 s10, s9;
	s3 =	ssub.s32 s3, s17  }
0xb: {  	s16 =	sadd.s32 s26, s1;
	s8 =	sshrl.u32 s8, $0x3;
	s10 =	sshrl.u32 s7, $0x3  }
0xc: {  	s26 =	simm.s32 $0x1;
	s0 =	sadd.s32 s8, s0;
	s19 =	sadd.s32 s5, s10  }
0xd: {  	s18 =	sor.u32 $0x10, s10;
	s20 =	sadd.s32 s6, s10;
	[dreg:$0x3] =	wrdreg s19  }
0xe: {  	s22 =	sor.u32 $0x20, s10;
	s25 =	sor.u32 $0x30, s10;
	[dreg:$0x4] =	wrdreg s20  }
0xf: {  	s21 =	sadd.s32 s5, s18;
	s8 =	sadd.s32 s6, s18;
	s24 =	sadd.s32 s5, s22  }
0x10: {  	s10 =	sadd.s32 s5, s25;
	s17 =	sadd.s32 $0x4B800, s0;
	[dreg:$0x5] =	wrdreg s21  }
.Ltmp0:
0x11: {  	s18 =	smax.u32 s3, $0x1;
	[dreg:$0x6] =	wrdreg s8;
	(pc) =	sbr.rel .LBB2_1-.Ltmp0, $4  }
0x12: {  	s0 =	simm.s32 $0x5400;
	s3 =	simm.s32 $0x8;
	[dreg:$0x7] =	wrdreg s24  }
0x13: {  	s8 =	sadd.s32 s6, s22;
	[dreg:$0x9] =	wrdreg s10;
	s10 =	simm.s32 $0x200  }
0x14: {  	s21 =	simm.s32 $0x5;
	[dreg:$0x8] =	wrdreg s8;
	s8 =	sadd.s32 s6, s25  }
0x15: {  	v0 =	vimm.f32 $0.0e+00;
	s22 =	simm.s32 $0x7;
	s24 =	simm.s32 $0x0;
	[dreg:$0xa] =	wrdreg s8  }
.LBB2_10:
0x16: {  	_ =	swait.ge [sflag:s21], $0x2800  }
0x17: {  	[sflag:s21] =	ssyncset.done $0x0  }
0x18: {  	s10 =	simm.s32 $0x200;
	[sflag:s21] =	ssyncadd.s32 $0xFFFFD800  }
0x19: {  	[spmem:s1] =	stream.indirect.scatter.add.f32 [tilespmem:s29], [sflag:$0x7], $0x80, s10, s28, $0xb8;
	[tilespmem:$0x19C00] =	vst v63  }
0x1a: {  	s8 =	stileid.u32;
	_ =	swait.ge [sflag:s22], $0x2800  }
0x1b: {  	s9 =	sshrl.u32 s16, $0x3;
	s24 =	sadd.s32 $0x1, s24;
	[sflag:s22] =	ssyncset.done $0x0  }
0x1c: {  	s8 =	sshll.u32 s8, $0x6;
	p0 =	sne.s32 s24, s18;
	[sflag:s22] =	ssyncadd.s32 $0xFFFFD800  }
.Ltmp1:
0x1d: {  	s8 =	sor.u32 $0x1C08, s8;
	[bflag:$0x0] =	sbarrier.arrive $0xFFFF;
	(pc) =	sbr.rel @!p0 .LBB2_11-.Ltmp1, $4  }
0x1e: {  	[hbm:s17], [sflag:s8] =	dma.local [spmem:s9], $0x2800  }
0x1f: {  	_ =	swait.ge [sflag:s3], $0x2800  }
0x20: {  	[sflag:s3] =	ssyncset.done $0x0  }
0x21: {  	[sflag:s3] =	ssyncadd.s32 $0xFFFFD800  }
.LBB2_1:
0x22: {  	s8 =	rddreg [dreg:$0x3]  }
0x23: {  	[tilespmem:s2], [sflag:$0x1] =	stream.linear.gather [hbm4b:s8+s2], $0x80, $0x38;
	[tilespmem:$0x19C00] =	vst v63  }
0x24: {  	s15 =	rddreg [dreg:$0x4]  }
0x25: {  	[tilespmem:s10], [sflag:$0x1] =	stream.linear.gather [hbm4b:s15+s2], $0x80, $0x38;
	[tilespmem:$0x19C00] =	vst v63  }
0x26: {  	s19 =	rddreg [dreg:$0x5];
	s9 =	simm.s32 $0x80  }
0x27: {  	[tilespmem:s9], [sflag:$0x2] =	stream.linear.gather [hbm4b:s19+s2], $0x80, $0x38;
	[tilespmem:$0x19C00] =	vst v63  }
0x28: {  	s20 =	rddreg [dreg:$0x6];
	s25 =	simm.s32 $0x280  }
0x29: {  	[tilespmem:s25], [sflag:$0x2] =	stream.linear.gather [hbm4b:s20+s2], $0x80, $0x38;
	[tilespmem:$0x19C00] =	vst v63  }
0x2a: {  	s11 =	rddreg [dreg:$0x7];
	s12 =	simm.s32 $0x100  }
0x2b: {  	[tilespmem:s12], [sflag:$0x3] =	stream.linear.gather [hbm4b:s11+s2], $0x80, $0x38;
	[tilespmem:$0x19C00] =	vst v63  }
0x2c: {  	s13 =	rddreg [dreg:$0x8];
	s14 =	simm.s32 $0x300  }
0x2d: {  	[tilespmem:s14], [sflag:$0x3] =	stream.linear.gather [hbm4b:s13+s2], $0x80, $0x38;
	[tilespmem:$0x19C00] =	vst v63  }
0x2e: {  	s15 =	rddreg [dreg:$0x9];
	s19 =	simm.s32 $0x180  }
0x2f: {  	[tilespmem:s19], [sflag:$0x4] =	stream.linear.gather [hbm4b:s15+s2], $0x80, $0x38;
	[tilespmem:$0x19C00] =	vst v63  }
0x30: {  	s20 =	rddreg [dreg:$0xa];
	s25 =	simm.s32 $0x380  }
0x31: {  	[tilespmem:s25], [sflag:$0x4] =	stream.linear.gather [hbm4b:s20+s2], $0x80, $0x38;
	[tilespmem:$0x19C00] =	vst v63  }
0x32: {  	_ =	swait.ge [sflag:s26], $0x80  }
0x33: {  	[sflag:s26] =	ssyncset.done $0x0  }
0x34: {  	[sflag:s26] =	ssyncadd.s32 $0xFFFFFF80  }
0x35: {  	_ =	swait.ge [sflag:s26], $0x80  }
0x36: {  	[sflag:s26] =	ssyncset.done $0x0  }
0x37: {  	[sflag:s26] =	ssyncadd.s32 $0xFFFFFF80  }
0x38: {  	[tilespmem:s29], [sflag:$0x5] =	stream.indirect.gather [hbm4b:s4+s28], $0x80, s2, s28, $0xb8;
	[tilespmem:$0x19C00] =	vst v63  }
0x39: {  	_ =	swait.ge [sflag:s30], $0x80  }
0x3a: {  	[sflag:s30] =	ssyncset.done $0x0  }
0x3b: {  	[sflag:s30] =	ssyncadd.s32 $0xFFFFFF80  }
0x3c: {  	_ =	swait.ge [sflag:s30], $0x80  }
0x3d: {  	[sflag:s30] =	ssyncset.done $0x0  }
0x3e: {  	[sflag:s30] =	ssyncadd.s32 $0xFFFFFF80  }
0x3f: {  	[tilespmem:s31], [sflag:$0x6] =	stream.indirect.gather [hbm4b:s4+s28], $0x80, s9, s28, $0xb8;
	[tilespmem:$0x19C00] =	vst v63  }
0x40: {  	s8 =	simm.s32 $0x0;
	s9 =	simm.s32 $0x200  }
.LBB2_2:
0x41: {  	p0 =	seq.s32 s9, $0x1E00;
	[tilespmem:s8+$0x5470] =	vst v0  }
0x42: {  	[tilespmem:s8+$0x5400] =	vst v0  }
0x43: {  	[tilespmem:s8+$0x5410] =	vst v0  }
.Ltmp2:
0x44: {  	[tilespmem:s8+$0x5420] =	vst v0;
	(pc) =	sbr.rel @!p0 .LBB2_2-.Ltmp2, $4  }
0x45: {  	[tilespmem:s8+$0x5430] =	vst v0  }
0x46: {  	[tilespmem:s8+$0x5440] =	vst v0  }
0x47: {  	[tilespmem:s8+$0x5450] =	vst v0  }
0x48: {  	[tilespmem:s8+$0x5460] =	vst v0;
	s8 =	sshra.s32 s9, $0x2;
	s9 =	sadd.s32 $0x200, s9  }
0x49: {  	[tilespmem:s8+$0x5470] =	vst v0  }
0x4a: {  	[tilespmem:s8+$0x5400] =	vst v0  }
0x4b: {  	[tilespmem:s8+$0x5410] =	vst v0  }
0x4c: {  	[tilespmem:s8+$0x5420] =	vst v0  }
0x4d: {  	[tilespmem:s8+$0x5430] =	vst v0  }
0x4e: {  	[tilespmem:s8+$0x5440] =	vst v0  }
0x4f: {  	[tilespmem:s8+$0x5450] =	vst v0  }
0x50: {  	[tilespmem:s8+$0x5460] =	vst v0;
	s25 =	sadd.s32 $0x0, s16  }
0x51: {  	[spmem:s25] =	stream.linear.scatter [tilespmem:s0], [sflag:$0x8], $0x800, $0x38;
	[tilespmem:$0x19C00] =	vst v63  }
0x52: {  	s8 =	simm.s32 $0x2000;
	_ =	swait.ge [sflag:s3], $0x800  }
.LBB2_4:
0x53: {  	s9 =	sshra.s32 s8, $0x2;
	[sflag:s3] =	ssyncset.done $0x0;
	p0 =	sne.s32 s8, $0x4E000  }
.Ltmp3:
0x54: {  	s9 =	sadd.s32 s9, s16;
	[sflag:s3] =	ssyncadd.s32 $0xFFFFF800;
	(pc) =	sbr.rel @p0 .LBB2_4-.Ltmp3, $3  }
0x55: {  	[spmem:s9] =	stream.linear.scatter [tilespmem:s0], [sflag:$0x8], $0x800, $0x38;
	[tilespmem:$0x19C00] =	vst v63  }
0x56: {  	s8 =	sadd.s32 $0x2000, s8;
	_ =	sdelay $0x1  }
0x57: {  	_ =	swait.ge [sflag:s3], $0x800  }
.Ltmp4:
0x58: {  	(pc) =	sbr.rel .LBB2_6-.Ltmp4, $4  }
0x59: {  	[sflag:s3] =	ssyncset.done $0x0  }
0x5a: {  	[sflag:s3] =	ssyncadd.s32 $0xFFFFF800  }
0x5b: {  	s25 =	simm.s32 $0x280;
	[bflag:$0x0] =	sbarrier.arrive $0xFFFF  }
0x5c: {  	s8 =	simm.s32 $0x0;
	s9 =	simm.s32 $0x0;
	s10 =	simm.s32 $0x0  }
.LBB2_7:
0x5d: {  	s11 =	sand.u32 $0x7C00, s25  }
0x5e: {  	s12 =	sand.u32 $0x380, s25;
	s11 =	sadd.s32 s7, s11  }
0x5f: {  	s13 =	sadd.s32 $0x5, s9;
	s11 =	sor.u32 s12, s11  }
0x60: {  	s20 =	sand.u32 $0x3, s13;
	s11 =	sshrl.u32 s11, $0x3  }
0x61: {  	s13 =	sadd.s32 $0x1, s20;
	s12 =	sshll.u32 s20, $0x7;
	s14 =	sadd.s32 s5, s11  }
0x62: {  	[tilespmem:s12], [sflag:s13] =	stream.linear.gather [hbm4b:s14+s2], $0x80, $0x38;
	[tilespmem:$0x19C00] =	vst v63  }
0x63: {  	s11 =	sadd.s32 s6, s11;
	s12 =	sor.u32 $0x200, s12  }
0x64: {  	[tilespmem:s12], [sflag:s13] =	stream.linear.gather [hbm4b:s11+s2], $0x80, $0x38;
	[tilespmem:$0x19C00] =	vst v63  }
.LBB2_9:
0x65: {  	s11 =	sadd.s32 $0xFFFFFFFF, s9  }
0x66: {  	s11 =	sand.u32 $0x3, s11  }
0x67: {  	s12 =	sadd.s32 $0x1, s11  }
0x68: {  	s9 =	sadd.s32 $0x2, s9;
	_ =	swait.ge [sflag:s12], $0x80  }
0x69: {  	p0 =	sne.s32 s9, $0x7C;
	[sflag:s12] =	ssyncset.done $0x0  }
.Ltmp5:
0x6a: {  	[sflag:s12] =	ssyncadd.s32 $0xFFFFFF80;
	(pc) =	sbr.rel @!p0 .LBB2_10-.Ltmp5, $4  }
0x6b: {  	_ =	swait.ge [sflag:s12], $0x80  }
0x6c: {  	s10 =	sadd.s32 $0x1, s10;
	s25 =	sadd.s32 $0x100, s25;
	[sflag:s12] =	ssyncset.done $0x0  }
0x6d: {  	s8 =	sadd.s32 $0x400, s8;
	s11 =	sshll.u32 s11, $0x7;
	[sflag:s12] =	ssyncadd.s32 $0xFFFFFF80  }
0x6e: {  	[tilespmem:s31], [sflag:$0x6] =	stream.indirect.gather [hbm4b:s4+s28], $0x80, s11, s28, $0xb8;
	[tilespmem:$0x19C00] =	vst v63  }
.LBB2_6:
0x6f: {  	_ =	swait.ge [sflag:s21], $0x2800;
	s11 =	sshrl.u32 s8, $0x2  }
0x70: {  	[sflag:s21] =	ssyncset.done $0x0;
	s11 =	sand.u32 $0x100, s11  }
0x71: {  	p0 =	seq.s32 s9, $0x7A;
	[sflag:s21] =	ssyncadd.s32 $0xFFFFD800;
	s12 =	sor.u32 $0x200, s11  }
0x72: {  	[spmem:s1] =	stream.indirect.scatter.add.f32 [tilespmem:s29], [sflag:$0x7], $0x80, s12, s28, $0xb8;
	[tilespmem:$0x19C00] =	vst v63  }
0x73: {  	s12 =	sadd.s32 @!p0 $0xFFFFFF80, s25  }
0x74: {  	s13 =	sand.u32 @!p0 $0x7C00, s12  }
0x75: {  	s14 =	sand.u32 @!p0 $0x2, s9;
	s12 =	sand.u32 @!p0 $0x300, s12;
	s13 =	sadd.s32 @!p0 s7, s13  }
0x76: {  	s20 =	simm.s32 @!p0 $0x0;
	_ =	swait.ge [sflag:s22], $0x2800;
	s12 =	sor.u32 @!p0 s12, s13  }
0x77: {  	s15 =	sshll.u32 @!p0 s14, $0x7;
	[sflag:s22] =	ssyncset.done $0x0;
	s12 =	sshrl.u32 @!p0 s12, $0x3  }
0x78: {  	[sflag:s22] =	ssyncadd.s32 $0xFFFFD800;
	s13 =	sor.u32 @!p0 $0x1, s14;
	s19 =	sadd.s32 @!p0 s5, s12  }
0x79: {  	[tilespmem:s15], [sflag:s13] =	stream.linear.gather @!p0 [hbm4b:s19+s20], $0x80, $0x38;
	[tilespmem:$0x19C00] =	vst v63  }
0x7a: {  	s12 =	sadd.s32 @!p0 s6, s12;
	s15 =	sor.u32 @!p0 $0x200, s15  }
0x7b: {  	[tilespmem:s15], [sflag:s13] =	stream.linear.gather @!p0 [hbm4b:s12+s20], $0x80, $0x38;
	[tilespmem:$0x19C00] =	vst v63  }
0x7c: {  	s12 =	sxor.u32 @!p0 $0x2, s14  }
0x7d: {  	s12 =	simm.s32 @p0 $0x0  }
0x7e: {  	s20 =	sadd.s32 $0x1, s12  }
0x7f: {  	_ =	swait.ge [sflag:s20], $0x80  }
0x80: {  	[sflag:s20] =	ssyncset.done $0x0  }
0x81: {  	[sflag:s20] =	ssyncadd.s32 $0xFFFFFF80  }
0x82: {  	_ =	swait.ge [sflag:s20], $0x80  }
0x83: {  	[sflag:s20] =	ssyncset.done $0x0  }
0x84: {  	s12 =	sshll.u32 s12, $0x7;
	[sflag:s20] =	ssyncadd.s32 $0xFFFFFF80  }
0x85: {  	[tilespmem:s29], [sflag:$0x5] =	stream.indirect.gather [hbm4b:s4+s28], $0x80, s12, s28, $0xb8;
	[tilespmem:$0x19C00] =	vst v63  }
0x86: {  	_ =	swait.ge [sflag:s23], $0x2800  }
0x87: {  	p1 =	sgt.u32 s10, $0x3B;
	[sflag:s23] =	ssyncset.done $0x0  }
.Ltmp6:
0x88: {  	s11 =	sadd.s32 $0x280, s11;
	[sflag:s23] =	ssyncadd.s32 $0xFFFFD800;
	(pc) =	sbr.rel @!p1 .LBB2_7-.Ltmp6, $4  }
0x89: {  	[spmem:s1] =	stream.indirect.scatter.add.f32 [tilespmem:s31], [sflag:$0x7], $0x80, s11, s28, $0xb8;
	[tilespmem:$0x19C00] =	vst v63  }
0x8a: {  	_ =	swait.ge [sflag:s22], $0x2800  }
0x8b: {  	[sflag:s22] =	ssyncset.done $0x0  }
0x8c: {  	[sflag:s22] =	ssyncadd.s32 $0xFFFFD800  }
.Ltmp7:
0x8d: {  	(pc) =	sbr.rel @!p0 .LBB2_9-.Ltmp7, $4  }
.Ltmp8:
0x8e: {  	(pc) =	sbr.rel @p0 .LBB2_10-.Ltmp8, $4  }
0x8f: {  	_ = 	snop  }
0x90: {  	_ = 	snop  }
0x91: {  	_ = 	snop  }
0x92: {  	_ = 	snop  }
.LBB2_11:
0x93: {  	_ =	sfence.sel $0x180000  }
0x94: {  	[bflag:$0x0] =	sbarrier.arrive $0xFFFF  }
0x95: {  	_ =	strace $0x90000050  }
0x96: {  	s0 =	stileid.u32;
	[bflag:$0x2] =	sbarrier.arrive $0xFFFF  }
0x97: {  	p0 =	sne.s32 s0, $0x0;
	s0 =	rddreg [dreg:$0x2]  }
0x98: {  	s0 =	sadd.s32 @!p0 $0x100000, s0  }
0x99: {  	[sflag:s0] =	ssyncadd.tile.s32 @!p0 $0x1;
	_ =	shalt  }
.Lfunc_end2:
_tile_overlayer_lowered:
.L_overlay_start_2:
0x9a: {  	(tag) =	ssettag $0x2  }
0x9b: {  	s0 =	rddreg [dreg:$0x0];
	s2 =	stileid.u32  }
0x9c: {  	s1 =	rddreg [dreg:$0x1];
	p0 =	sne.s32 s2, $0x0  }
0x9d: {  	s3 =	rddreg [dreg:$0x2];
	[bflag:$0x3] =	sbarrier.arrive $0xFFFF;
	s2 =	simm.s32 @!p0 $0x1C08  }
0x9e: {  	[timem:s3], [sflag:s2] =	dma.local @!p0 [hbm:s0], s1  }
0x9f: {  	s0 =	simm.s32 @!p0 $0x8  }
0xa0: {  	_ =	swait.ge @!p0 [sflag:s0], s1  }
0xa1: {  	s1 =	ssub.s32 @!p0 $0x0, s1;
	[sflag:s0] =	ssyncset.done @!p0 $0x0  }
0xa2: {  	[sflag:s0] =	ssyncadd.s32 @!p0 s1  }
0xa3: {  	[bflag:$0x3] =	sbarrier.arrive $0xFFFF  }
0xa4: {  	_ =	shalt  }

</sc_bundles>
